<compile_context>
chip_gen: v7x
topology: tpu7x:2x2x1
jax: 0.10.2.dev20260603
libtpu: 0.0.44.dev20260713+nightly
codegen_flags: <defaults>
</compile_context>

<pallas_src>
import functools

import jax
import jax.numpy as jnp
from jax import lax
from jax.experimental import pallas as pl
from jax.experimental.pallas import tpu as pltpu
from jax.experimental.pallas import tpu_sc as plsc

_B, _C, _N, _K, _O = 8, 64, 2048, 16, 64
_BN = _B * _N
_RB = 256
_NEG = float("-inf")

_NC, _NS = 2, 16
_NW = _NC * _NS
_PPW = _BN // _NW
_G = 32
_NGATHER = _G * _K // 128
_NCH = _PPW // _G



def _knn_body(xfull_ref, xrows_ref, w_ref, idx_ref, z12_ref):
    b = pl.program_id(0)
    rb = pl.program_id(1)
    xfull = xfull_ref[0]
    xrows = xrows_ref[0]
    w = w_ref[...]
    w1 = w[:, :_C]
    w2 = w[:, _C:]

    zz1 = lax.dot_general(xrows, w1, (((0,), (1,)), ((), ())),
                          preferred_element_type=jnp.float32)
    zz2 = lax.dot_general(xrows, w2 - w1, (((0,), (1,)), ((), ())),
                          preferred_element_type=jnp.float32)
    z12_ref[0] = jnp.concatenate([zz1, zz2], axis=1)

    inner = lax.dot_general(xrows, xfull, (((0,), (0,)), ((), ())),
                            preferred_element_type=jnp.float32)
    sq_full = jnp.sum(xfull * xfull, axis=0, keepdims=True)
    sq_rows = jnp.sum(xrows * xrows, axis=0, keepdims=True)
    dist = (-sq_rows.T - sq_full) + 2.0 * inner

    col = lax.broadcasted_iota(jnp.int32, (_RB, _N), 1)
    row_g = rb * _RB + lax.broadcasted_iota(jnp.int32, (_RB, _N), 0)
    vals = jnp.where(col == row_g, _NEG, dist)

    colf = col.astype(jnp.float32)
    lane = lax.broadcasted_iota(jnp.int32, (_RB, _K), 1)
    idsf = jnp.zeros((_RB, _K), jnp.float32)
    for t in range(_K):
        m = jnp.max(vals, axis=1, keepdims=True)
        cand = jnp.where(vals == m, colf, jnp.float32(_N))
        a = jnp.min(cand, axis=1, keepdims=True)
        idsf = jnp.where(lane == t, a, idsf)
        vals = jnp.where(colf == a, _NEG, vals)
    idx_ref[0] = idsf.astype(jnp.int32) + b * _N


def _knn_call(x, w):
    nb = x.shape[0]
    return pl.pallas_call(
        _knn_body,
        grid=(nb, _N // _RB),
        compiler_params=pltpu.CompilerParams(
            dimension_semantics=("parallel", "parallel")),
        in_specs=[
            pl.BlockSpec((1, _C, _N), lambda b, r: (b, 0, 0)),
            pl.BlockSpec((1, _C, _RB), lambda b, r: (b, 0, r)),
            pl.BlockSpec((_O, 2 * _C), lambda b, r: (0, 0)),
        ],
        out_specs=[
            pl.BlockSpec((1, _RB, _K), lambda b, r: (b, r, 0)),
            pl.BlockSpec((1, _RB, 2 * _O), lambda b, r: (b, r, 0)),
        ],
        out_shape=[
            jax.ShapeDtypeStruct((nb, _N, _K), jnp.int32),
            jax.ShapeDtypeStruct((nb, _N, 2 * _O), jnp.float32),
        ],
    )(x, x, w)



def _sc_body(ppw, nch, z12_hbm, idx_hbm, ymax_hbm, ymin_hbm, part_hbm,
             idx_v, rows_v, cent_v, ymax_v, ymin_v, sums_v, out_v, sem):
    cid = lax.axis_index("c")
    sid = lax.axis_index("s")
    wid = sid * _NC + cid
    base = wid * ppw

    zeros = jnp.zeros((16,), jnp.float32)
    for r in range(8):
        sums_v[r] = zeros

    @pl.loop(0, nch)
    def _chunk(ci):
        p0 = base + ci * _G
        for q in range(_NGATHER):
            pltpu.sync_copy(
                idx_hbm.at[pl.ds(p0 * _K + q * 128, 128)], idx_v.at[q])
        descs = [
            pltpu.async_copy(z12_hbm.at[idx_v.at[q]],
                             rows_v.at[pl.ds(q * 128, 128)], sem)
            for q in range(_NGATHER)
        ]
        pltpu.sync_copy(z12_hbm.at[pl.ds(p0, _G)], cent_v)
        for d in descs:
            d.wait()

        @pl.loop(0, _G)
        def _pt(p):
            r0 = p * _K
            for c in range(4):
                sl = pl.ds(c * 16, 16)
                v = rows_v[r0, sl]
                mx = v
                mn = v
                sm = v
                sq = v * v
                for j in range(1, _K):
                    v = rows_v[r0 + j, sl]
                    mx = jnp.maximum(mx, v)
                    mn = jnp.minimum(mn, v)
                    sm = sm + v
                    sq = sq + v * v
                z2c = cent_v[p, pl.ds(_O + c * 16, 16)]
                ymax_v[p, sl] = mx + z2c
                ymin_v[p, sl] = mn + z2c
                sums_v[c] = sums_v[c] + sm + 16.0 * z2c
                sums_v[4 + c] = (sums_v[4 + c] + sq
                                 + 2.0 * z2c * sm + 16.0 * z2c * z2c)

        pltpu.sync_copy(ymax_v, ymax_hbm.at[pl.ds(p0, _G)])
        pltpu.sync_copy(ymin_v, ymin_hbm.at[pl.ds(p0, _G)])

    for c in range(4):
        out_v[0, pl.ds(c * 16, 16)] = sums_v[c]
        out_v[0, pl.ds(_O + c * 16, 16)] = sums_v[4 + c]
    pltpu.sync_copy(out_v, part_hbm.at[pl.ds(8 * wid, 1)])


def _sc_call(z12f, idxf):
    bn = z12f.shape[0]
    ppw = bn // _NW
    nch = ppw // _G
    mesh = plsc.VectorSubcoreMesh(
        core_axis_name="c", subcore_axis_name="s",
        num_cores=_NC, num_subcores=_NS)
    f = pl.kernel(
        functools.partial(_sc_body, ppw, nch),
        out_type=[
            jax.ShapeDtypeStruct((bn, _O), jnp.float32),
            jax.ShapeDtypeStruct((bn, _O), jnp.float32),
            jax.ShapeDtypeStruct((_NW * 8, 2 * _O), jnp.float32),
        ],
        mesh=mesh,
        scratch_types=[
            pltpu.VMEM((_NGATHER, 128), jnp.int32),
            pltpu.VMEM((_G * _K, 2 * _O), jnp.float32),
            pltpu.VMEM((_G, 2 * _O), jnp.float32),
            pltpu.VMEM((_G, _O), jnp.float32),
            pltpu.VMEM((_G, _O), jnp.float32),
            pltpu.VMEM((8, 16), jnp.float32),
            pltpu.VMEM((1, 2 * _O), jnp.float32),
            pltpu.SemaphoreType.DMA,
        ],
    )
    return f(z12f, idxf)



_HB = _B // 2


def _final_body(ya_ref, yb_ref, ia_ref, ib_ref, pa_ref, pb_ref,
                gamma_ref, beta_ref, out_ref):
    pa = pa_ref[...].reshape(_NW, 8, 2 * _O)[:, 0, :]
    pb = pb_ref[...].reshape(_NW, 8, 2 * _O)[:, 0, :]
    cnt = jnp.float32(_BN * _K)
    s_a = (jnp.sum(pa[:, :_O], axis=0, keepdims=True)
           + jnp.sum(pb[:, :_O], axis=0, keepdims=True))
    s_b = (jnp.sum(pa[:, _O:], axis=0, keepdims=True)
           + jnp.sum(pb[:, _O:], axis=0, keepdims=True))
    mean = s_a / cnt
    var = s_b / cnt - mean * mean
    inv = 1.0 / jnp.sqrt(var + 1e-5)
    slope = gamma_ref[...] * inv
    intercept = beta_ref[...] - mean * slope

    first = pl.program_id(0) < _HB
    ymax = jnp.where(first, ya_ref[0], yb_ref[0])
    ymin = jnp.where(first, ia_ref[0], ib_ref[0])
    ext = jnp.where(slope >= 0.0, ymax, ymin)
    yn = ext * slope + intercept
    act = jnp.where(yn >= 0.0, yn, 0.2 * yn)

    eye = (lax.broadcasted_iota(jnp.int32, (_O, _O), 0)
           == lax.broadcasted_iota(jnp.int32, (_O, _O), 1)
           ).astype(jnp.float32)
    out_ref[0] = lax.dot_general(eye, act, (((1,), (1,)), ((), ())),
                                 preferred_element_type=jnp.float32)


def _final_call(ymax_a, ymax_b, ymin_a, ymin_b, part_a, part_b, gamma, beta):
    half_a = lambda b: (jnp.minimum(b, _HB - 1), 0, 0)
    half_b = lambda b: (jnp.maximum(b - _HB, 0), 0, 0)
    return pl.pallas_call(
        _final_body,
        grid=(_B,),
        in_specs=[
            pl.BlockSpec((1, _N, _O), half_a),
            pl.BlockSpec((1, _N, _O), half_b),
            pl.BlockSpec((1, _N, _O), half_a),
            pl.BlockSpec((1, _N, _O), half_b),
            pl.BlockSpec((_NW * 8, 2 * _O), lambda b: (0, 0)),
            pl.BlockSpec((_NW * 8, 2 * _O), lambda b: (0, 0)),
            pl.BlockSpec((1, _O), lambda b: (0, 0)),
            pl.BlockSpec((1, _O), lambda b: (0, 0)),
        ],
        out_specs=pl.BlockSpec((1, _O, _N), lambda b: (b, 0, 0)),
        out_shape=jax.ShapeDtypeStruct((_B, _O, _N), jnp.float32),
    )(ymax_a, ymax_b, ymin_a, ymin_b, part_a, part_b, gamma, beta)


def kernel(x, W, gamma, beta):
    bnh = _HB * _N
    idx_a, z12_a = _knn_call(x[:_HB], W)
    ymax_a, ymin_a, part_a = _sc_call(
        z12_a.reshape(bnh, 2 * _O), idx_a.reshape(bnh * _K))
    idx_b, z12_b = _knn_call(x[_HB:], W)
    ymax_b, ymin_b, part_b = _sc_call(
        z12_b.reshape(bnh, 2 * _O), idx_b.reshape(bnh * _K))
    return _final_call(
        ymax_a.reshape(_HB, _N, _O), ymax_b.reshape(_HB, _N, _O),
        ymin_a.reshape(_HB, _N, _O), ymin_b.reshape(_HB, _N, _O),
        part_a, part_b, gamma.reshape(1, _O), beta.reshape(1, _O))

# --- scband reference (transcript-rebuilt; emitter-appended) ---
"""Pipeline reference for scband-gradient-diff-unit-68676527063200 (READ-ONLY COPY).

The authoritative reference and input builder live on the scoring server;
editing this copy changes nothing except your own understanding.
"""

import jax, jax.numpy as jnp
import numpy as np

B, C, N, K, O = 8, 64, 2048, 16, 64

def setup_inputs(seed: int = 0) -> dict:
    key = jax.random.key(seed)
    k1, k2 = jax.random.split(key)
    x = jax.random.normal(k1, (B, C, N), dtype=jnp.float32)
    W = jax.random.normal(k2, (O, 2 * C), dtype=jnp.float32) * 0.05
    gamma = jnp.ones((O,), dtype=jnp.float32)
    beta = jnp.zeros((O,), dtype=jnp.float32)
    return {"x": x, "W": W, "gamma": gamma, "beta": beta}


def _knn_idx(x, k):
    # x: [B, C, N] -> idx: [B, N, k] (self excluded)
    xt = jnp.transpose(x, (0, 2, 1))  # [B, N, C]
    sq = jnp.sum(xt ** 2, axis=-1)    # [B, N]
    inner = jnp.einsum('bnc,bmc->bnm', xt, xt)
    dist = -sq[:, :, None] - sq[:, None, :] + 2.0 * inner
    n = x.shape[2]
    eye = jnp.eye(n, dtype=bool)
    dist = jnp.where(eye[None, :, :], -jnp.inf, dist)
    _, idx = jax.lax.top_k(dist, k)
    return idx


def _forward(x, W, gamma, beta):
    b, c, n = x.shape
    k = max(1, min(K, n - 1))
    idx = _knn_idx(x, k)                      # [B, N, k]
    xt = jnp.transpose(x, (0, 2, 1))          # [B, N, C]
    # gather neighbor features
    feature = jax.vmap(lambda xb, ib: xb[ib])(xt, idx)   # [B, N, k, C]
    xc = jnp.broadcast_to(xt[:, :, None, :], (b, n, k, c))
    feat = jnp.concatenate([feature - xc, xc], axis=3)   # [B, N, k, 2C]
    feat = jnp.transpose(feat, (0, 3, 1, 2))             # [B, 2C, N, k]
    # 1x1 conv (no bias)
    y = jnp.einsum('oc,bcnk->bonk', W, feat)             # [B, O, N, k]
    # BatchNorm2d in training mode (batch statistics, biased var)
    mean = jnp.mean(y, axis=(0, 2, 3), keepdims=True)
    var = jnp.mean((y - mean) ** 2, axis=(0, 2, 3), keepdims=True)
    yn = (y - mean) / jnp.sqrt(var + 1e-5)
    yn = yn * gamma[None, :, None, None] + beta[None, :, None, None]
    # LeakyReLU(0.2)
    act = jnp.where(yn >= 0, yn, 0.2 * yn)
    # max over neighbors
    out = jnp.max(act, axis=-1)                          # [B, O, N]
    return out


def reference(x, W, gamma, beta):
    return _forward(x, W, gamma, beta)

if __name__ == "__main__":
    import jax
    _d = setup_inputs()
    print(jax.jit(kernel)(*tuple(_d.values())))

</pallas_src>

<mosaic_0001>
#map = affine_map<(d0, d1) -> (0, 0)>
#map1 = affine_map<(d0, d1) -> (0)>
module attributes {stable_mosaic.version = 14 : i64} {
  func.func @_sc_body(%arg0: i32, %arg1: i32, %arg2: memref<8192x128xf32, #tpu.memory_space<hbm>>, %arg3: memref<131072xi32, #tpu.memory_space<hbm>>, %arg4: memref<8192x64xf32, #tpu.memory_space<hbm>>, %arg5: memref<8192x64xf32, #tpu.memory_space<hbm>>, %arg6: memref<256x128xf32, #tpu.memory_space<hbm>>, %arg7: memref<4x128xi32, #tpu.memory_space<vmem>>, %arg8: memref<512x128xf32, #tpu.memory_space<vmem>>, %arg9: memref<32x128xf32, #tpu.memory_space<vmem>>, %arg10: memref<32x64xf32, #tpu.memory_space<vmem>>, %arg11: memref<32x64xf32, #tpu.memory_space<vmem>>, %arg12: memref<8x16xf32, #tpu.memory_space<vmem>>, %arg13: memref<1x128xf32, #tpu.memory_space<vmem>>, %arg14: memref<!tpu.dma_semaphore, #tpu.memory_space<semaphore_mem>>) attributes {dimension_semantics = [#tpu.dimension_semantics<core_parallel>, #tpu.dimension_semantics<subcore_parallel>], iteration_bounds = array<i64: 2, 16>, scalar_prefetch = 0 : i64, scratch_operands = 8 : i64, tpu.core_type = #tpu.core_type<sc_vector_subcore>, window_params = [{transform_indices = #map}, {transform_indices = #map1}, {transform_indices = #map}, {transform_indices = #map}, {transform_indices = #map}]} {
    %mul3A = arith.constant 2 : i32
    %mul3A_0 = arith.muli %arg1, %mul3A : i32
    %add3A = arith.addi %mul3A_0, %arg0 : i32
    %mul3A_1 = arith.constant 256 : i32
    %mul3A_2 = arith.muli %add3A, %mul3A_1 : i32
    %broadcast_in_dim3A = arith.constant 0.000000e+00 : f32
    %broadcast_in_dim3A_3 = vector.broadcast %broadcast_in_dim3A : f32 to vector<16xf32>
    %swap3A = arith.constant 0 : i32
    %swap3A_4 = arith.index_cast %swap3A : i32 to index
    %swap3A_5 = arith.constant 0 : index
    %swap3A_6 = tpu.vector_load %arg12[%swap3A_4, %swap3A_5] {strides = array<i32>} : memref<8x16xf32, #tpu.memory_space<vmem>>, vector<1x16xf32>,
    %swap3A_7 = vector.shape_cast %swap3A_6 : vector<1x16xf32> to vector<16xf32>
    %swap3A_8 = vector.shape_cast %broadcast_in_dim3A_3 : vector<16xf32> to vector<1x16xf32>
    tpu.vector_store %arg12[%swap3A_4, %swap3A_5], %swap3A_8 {strides = array<i32>} : memref<8x16xf32, #tpu.memory_space<vmem>>, vector<1x16xf32>,
    %swap3A_9 = arith.constant 1 : i32
    %swap3A_10 = arith.index_cast %swap3A_9 : i32 to index
    %swap3A_11 = arith.constant 0 : index
    %swap3A_12 = tpu.vector_load %arg12[%swap3A_10, %swap3A_11] {strides = array<i32>} : memref<8x16xf32, #tpu.memory_space<vmem>>, vector<1x16xf32>,
    %swap3A_13 = vector.shape_cast %swap3A_12 : vector<1x16xf32> to vector<16xf32>
    %swap3A_14 = vector.shape_cast %broadcast_in_dim3A_3 : vector<16xf32> to vector<1x16xf32>
    tpu.vector_store %arg12[%swap3A_10, %swap3A_11], %swap3A_14 {strides = array<i32>} : memref<8x16xf32, #tpu.memory_space<vmem>>, vector<1x16xf32>,
    %swap3A_15 = arith.constant 2 : i32
    %swap3A_16 = arith.index_cast %swap3A_15 : i32 to index
    %swap3A_17 = arith.constant 0 : index
    %swap3A_18 = tpu.vector_load %arg12[%swap3A_16, %swap3A_17] {strides = array<i32>} : memref<8x16xf32, #tpu.memory_space<vmem>>, vector<1x16xf32>,
    %swap3A_19 = vector.shape_cast %swap3A_18 : vector<1x16xf32> to vector<16xf32>
    %swap3A_20 = vector.shape_cast %broadcast_in_dim3A_3 : vector<16xf32> to vector<1x16xf32>
    tpu.vector_store %arg12[%swap3A_16, %swap3A_17], %swap3A_20 {strides = array<i32>} : memref<8x16xf32, #tpu.memory_space<vmem>>, vector<1x16xf32>,
    %swap3A_21 = arith.constant 3 : i32
    %swap3A_22 = arith.index_cast %swap3A_21 : i32 to index
    %swap3A_23 = arith.constant 0 : index
    %swap3A_24 = tpu.vector_load %arg12[%swap3A_22, %swap3A_23] {strides = array<i32>} : memref<8x16xf32, #tpu.memory_space<vmem>>, vector<1x16xf32>,
    %swap3A_25 = vector.shape_cast %swap3A_24 : vector<1x16xf32> to vector<16xf32>
    %swap3A_26 = vector.shape_cast %broadcast_in_dim3A_3 : vector<16xf32> to vector<1x16xf32>
    tpu.vector_store %arg12[%swap3A_22, %swap3A_23], %swap3A_26 {strides = array<i32>} : memref<8x16xf32, #tpu.memory_space<vmem>>, vector<1x16xf32>,
    %swap3A_27 = arith.constant 4 : i32
    %swap3A_28 = arith.index_cast %swap3A_27 : i32 to index
    %swap3A_29 = arith.constant 0 : index
    %swap3A_30 = tpu.vector_load %arg12[%swap3A_28, %swap3A_29] {strides = array<i32>} : memref<8x16xf32, #tpu.memory_space<vmem>>, vector<1x16xf32>,
    %swap3A_31 = vector.shape_cast %swap3A_30 : vector<1x16xf32> to vector<16xf32>
    %swap3A_32 = vector.shape_cast %broadcast_in_dim3A_3 : vector<16xf32> to vector<1x16xf32>
    tpu.vector_store %arg12[%swap3A_28, %swap3A_29], %swap3A_32 {strides = array<i32>} : memref<8x16xf32, #tpu.memory_space<vmem>>, vector<1x16xf32>,
    %swap3A_33 = arith.constant 5 : i32
    %swap3A_34 = arith.index_cast %swap3A_33 : i32 to index
    %swap3A_35 = arith.constant 0 : index
    %swap3A_36 = tpu.vector_load %arg12[%swap3A_34, %swap3A_35] {strides = array<i32>} : memref<8x16xf32, #tpu.memory_space<vmem>>, vector<1x16xf32>,
    %swap3A_37 = vector.shape_cast %swap3A_36 : vector<1x16xf32> to vector<16xf32>
    %swap3A_38 = vector.shape_cast %broadcast_in_dim3A_3 : vector<16xf32> to vector<1x16xf32>
    tpu.vector_store %arg12[%swap3A_34, %swap3A_35], %swap3A_38 {strides = array<i32>} : memref<8x16xf32, #tpu.memory_space<vmem>>, vector<1x16xf32>,
    %swap3A_39 = arith.constant 6 : i32
    %swap3A_40 = arith.index_cast %swap3A_39 : i32 to index
    %swap3A_41 = arith.constant 0 : index
    %swap3A_42 = tpu.vector_load %arg12[%swap3A_40, %swap3A_41] {strides = array<i32>} : memref<8x16xf32, #tpu.memory_space<vmem>>, vector<1x16xf32>,
    %swap3A_43 = vector.shape_cast %swap3A_42 : vector<1x16xf32> to vector<16xf32>
    %swap3A_44 = vector.shape_cast %broadcast_in_dim3A_3 : vector<16xf32> to vector<1x16xf32>
    tpu.vector_store %arg12[%swap3A_40, %swap3A_41], %swap3A_44 {strides = array<i32>} : memref<8x16xf32, #tpu.memory_space<vmem>>, vector<1x16xf32>,
    %swap3A_45 = arith.constant 7 : i32
    %swap3A_46 = arith.index_cast %swap3A_45 : i32 to index
    %swap3A_47 = arith.constant 0 : index
    %swap3A_48 = tpu.vector_load %arg12[%swap3A_46, %swap3A_47] {strides = array<i32>} : memref<8x16xf32, #tpu.memory_space<vmem>>, vector<1x16xf32>,
    %swap3A_49 = vector.shape_cast %swap3A_48 : vector<1x16xf32> to vector<16xf32>
    %swap3A_50 = vector.shape_cast %broadcast_in_dim3A_3 : vector<16xf32> to vector<1x16xf32>
    tpu.vector_store %arg12[%swap3A_46, %swap3A_47], %swap3A_50 {strides = array<i32>} : memref<8x16xf32, #tpu.memory_space<vmem>>, vector<1x16xf32>,
    %scan3A = arith.constant 0 : i32
    %scan3A_51 = arith.constant 8 : i32
    %scan3A_52 = arith.addi %scan3A, %scan3A_51 : i32
    %scan3A_53 = arith.constant 1 : i32
    scf.for %scan3A_144 = %scan3A to %scan3A_52 step %scan3A_53  : i32 {
      %mul3A_145 = arith.constant 1 : i32
      %mul3A_146 = arith.muli %scan3A_144, %mul3A_145 : i32
      %add3A_147 = arith.constant 0 : i32
      %add3A_148 = arith.addi %add3A_147, %mul3A_146 : i32
      %mul3A_149 = arith.constant 32 : i32
      %mul3A_150 = arith.muli %add3A_148, %mul3A_149 : i32
      %add3A_151 = arith.addi %mul3A_2, %mul3A_150 : i32
      %mul3A_152 = arith.constant 16 : i32
      %mul3A_153 = arith.muli %add3A_151, %mul3A_152 : i32
      %add3A_154 = arith.constant 0 : i32
      %add3A_155 = arith.addi %mul3A_153, %add3A_154 : i32
      %run_scoped3A = arith.constant 0 : i32
      "tpu.region"() ({
        %run_scoped3A_254 = tpu.sem_alloc : memref<!tpu.dma_semaphore, #tpu.memory_space<semaphore_mem>>
        %dma_start3A_255 = arith.constant 0 : i32
        %dma_start3A_256 = tpu.memref_slice %arg7[%run_scoped3A, %dma_start3A_255] : memref<4x128xi32, #tpu.memory_space<vmem>> -> memref<1x128xi32, #tpu.memory_space<vmem>>
        %dma_start3A_257 = tpu.memref_squeeze %dma_start3A_256 : memref<1x128xi32, #tpu.memory_space<vmem>> -> memref<128xi32, #tpu.memory_space<vmem>>
        %dma_start3A_258 = tpu.memref_slice %arg3[%add3A_155] : memref<131072xi32, #tpu.memory_space<hbm>> -> memref<128xi32, #tpu.memory_space<hbm>>
        %dma_start3A_259 = arith.constant 0 : i32
        %dma_start3A_260 = tpu.memref_slice %arg7[%run_scoped3A, %dma_start3A_259] : memref<4x128xi32, #tpu.memory_space<vmem>> -> memref<1x128xi32, #tpu.memory_space<vmem>>
        %dma_start3A_261 = tpu.memref_squeeze %dma_start3A_260 : memref<1x128xi32, #tpu.memory_space<vmem>> -> memref<128xi32, #tpu.memory_space<vmem>>
        %dma_start3A_262 = tpu.memref_slice %arg3[%add3A_155] : memref<131072xi32, #tpu.memory_space<hbm>> -> memref<128xi32, #tpu.memory_space<hbm>>
        tpu.enqueue_dma source(%dma_start3A_262 : memref<128xi32, #tpu.memory_space<hbm>>) target(%dma_start3A_261 : memref<128xi32, #tpu.memory_space<vmem>>) target_semaphore(%run_scoped3A_254 : memref<!tpu.dma_semaphore, #tpu.memory_space<semaphore_mem>>)
        %dma_wait3A_263 = arith.constant 0 : i32
        %dma_wait3A_264 = tpu.memref_slice %arg7[%run_scoped3A, %dma_wait3A_263] : memref<4x128xi32, #tpu.memory_space<vmem>> -> memref<1x128xi32, #tpu.memory_space<vmem>>
        %dma_wait3A_265 = tpu.memref_squeeze %dma_wait3A_264 : memref<1x128xi32, #tpu.memory_space<vmem>> -> memref<128xi32, #tpu.memory_space<vmem>>
        %dma_wait3A_266 = tpu.memref_slice %arg3[%add3A_155] : memref<131072xi32, #tpu.memory_space<hbm>> -> memref<128xi32, #tpu.memory_space<hbm>>
        %dma_wait3A_267 = arith.constant 0 : i32
        %dma_wait3A_268 = tpu.memref_slice %arg7[%run_scoped3A, %dma_wait3A_267] : memref<4x128xi32, #tpu.memory_space<vmem>> -> memref<1x128xi32, #tpu.memory_space<vmem>>
        %dma_wait3A_269 = tpu.memref_squeeze %dma_wait3A_268 : memref<1x128xi32, #tpu.memory_space<vmem>> -> memref<128xi32, #tpu.memory_space<vmem>>
        %dma_wait3A_270 = tpu.memref_slice %arg3[%add3A_155] : memref<131072xi32, #tpu.memory_space<hbm>> -> memref<128xi32, #tpu.memory_space<hbm>>
        tpu.wait_dma2 semaphore(%run_scoped3A_254 : memref<!tpu.dma_semaphore, #tpu.memory_space<semaphore_mem>>) src(%dma_wait3A_270 : memref<128xi32, #tpu.memory_space<hbm>>) dst(%dma_wait3A_269 : memref<128xi32, #tpu.memory_space<vmem>>)
        tpu.yield
      }) : () -> ()
      %mul3A_156 = arith.constant 16 : i32
      %mul3A_157 = arith.muli %add3A_151, %mul3A_156 : i32
      %add3A_158 = arith.constant 128 : i32
      %add3A_159 = arith.addi %mul3A_157, %add3A_158 : i32
      %run_scoped3A_160 = arith.constant 1 : i32
      "tpu.region"() ({
        %run_scoped3A_254 = tpu.sem_alloc : memref<!tpu.dma_semaphore, #tpu.memory_space<semaphore_mem>>
        %dma_start3A_255 = arith.constant 0 : i32
        %dma_start3A_256 = tpu.memref_slice %arg7[%run_scoped3A_160, %dma_start3A_255] : memref<4x128xi32, #tpu.memory_space<vmem>> -> memref<1x128xi32, #tpu.memory_space<vmem>>
        %dma_start3A_257 = tpu.memref_squeeze %dma_start3A_256 : memref<1x128xi32, #tpu.memory_space<vmem>> -> memref<128xi32, #tpu.memory_space<vmem>>
        %dma_start3A_258 = tpu.memref_slice %arg3[%add3A_159] : memref<131072xi32, #tpu.memory_space<hbm>> -> memref<128xi32, #tpu.memory_space<hbm>>
        %dma_start3A_259 = arith.constant 0 : i32
        %dma_start3A_260 = tpu.memref_slice %arg7[%run_scoped3A_160, %dma_start3A_259] : memref<4x128xi32, #tpu.memory_space<vmem>> -> memref<1x128xi32, #tpu.memory_space<vmem>>
        %dma_start3A_261 = tpu.memref_squeeze %dma_start3A_260 : memref<1x128xi32, #tpu.memory_space<vmem>> -> memref<128xi32, #tpu.memory_space<vmem>>
        %dma_start3A_262 = tpu.memref_slice %arg3[%add3A_159] : memref<131072xi32, #tpu.memory_space<hbm>> -> memref<128xi32, #tpu.memory_space<hbm>>
        tpu.enqueue_dma source(%dma_start3A_262 : memref<128xi32, #tpu.memory_space<hbm>>) target(%dma_start3A_261 : memref<128xi32, #tpu.memory_space<vmem>>) target_semaphore(%run_scoped3A_254 : memref<!tpu.dma_semaphore, #tpu.memory_space<semaphore_mem>>)
        %dma_wait3A_263 = arith.constant 0 : i32
        %dma_wait3A_264 = tpu.memref_slice %arg7[%run_scoped3A_160, %dma_wait3A_263] : memref<4x128xi32, #tpu.memory_space<vmem>> -> memref<1x128xi32, #tpu.memory_space<vmem>>
        %dma_wait3A_265 = tpu.memref_squeeze %dma_wait3A_264 : memref<1x128xi32, #tpu.memory_space<vmem>> -> memref<128xi32, #tpu.memory_space<vmem>>
        %dma_wait3A_266 = tpu.memref_slice %arg3[%add3A_159] : memref<131072xi32, #tpu.memory_space<hbm>> -> memref<128xi32, #tpu.memory_space<hbm>>
        %dma_wait3A_267 = arith.constant 0 : i32
        %dma_wait3A_268 = tpu.memref_slice %arg7[%run_scoped3A_160, %dma_wait3A_267] : memref<4x128xi32, #tpu.memory_space<vmem>> -> memref<1x128xi32, #tpu.memory_space<vmem>>
        %dma_wait3A_269 = tpu.memref_squeeze %dma_wait3A_268 : memref<1x128xi32, #tpu.memory_space<vmem>> -> memref<128xi32, #tpu.memory_space<vmem>>
        %dma_wait3A_270 = tpu.memref_slice %arg3[%add3A_159] : memref<131072xi32, #tpu.memory_space<hbm>> -> memref<128xi32, #tpu.memory_space<hbm>>
        tpu.wait_dma2 semaphore(%run_scoped3A_254 : memref<!tpu.dma_semaphore, #tpu.memory_space<semaphore_mem>>) src(%dma_wait3A_270 : memref<128xi32, #tpu.memory_space<hbm>>) dst(%dma_wait3A_269 : memref<128xi32, #tpu.memory_space<vmem>>)
        tpu.yield
      }) : () -> ()
      %mul3A_161 = arith.constant 16 : i32
      %mul3A_162 = arith.muli %add3A_151, %mul3A_161 : i32
      %add3A_163 = arith.constant 256 : i32
      %add3A_164 = arith.addi %mul3A_162, %add3A_163 : i32
      %run_scoped3A_165 = arith.constant 2 : i32
      "tpu.region"() ({
        %run_scoped3A_254 = tpu.sem_alloc : memref<!tpu.dma_semaphore, #tpu.memory_space<semaphore_mem>>
        %dma_start3A_255 = arith.constant 0 : i32
        %dma_start3A_256 = tpu.memref_slice %arg7[%run_scoped3A_165, %dma_start3A_255] : memref<4x128xi32, #tpu.memory_space<vmem>> -> memref<1x128xi32, #tpu.memory_space<vmem>>
        %dma_start3A_257 = tpu.memref_squeeze %dma_start3A_256 : memref<1x128xi32, #tpu.memory_space<vmem>> -> memref<128xi32, #tpu.memory_space<vmem>>
        %dma_start3A_258 = tpu.memref_slice %arg3[%add3A_164] : memref<131072xi32, #tpu.memory_space<hbm>> -> memref<128xi32, #tpu.memory_space<hbm>>
        %dma_start3A_259 = arith.constant 0 : i32
        %dma_start3A_260 = tpu.memref_slice %arg7[%run_scoped3A_165, %dma_start3A_259] : memref<4x128xi32, #tpu.memory_space<vmem>> -> memref<1x128xi32, #tpu.memory_space<vmem>>
        %dma_start3A_261 = tpu.memref_squeeze %dma_start3A_260 : memref<1x128xi32, #tpu.memory_space<vmem>> -> memref<128xi32, #tpu.memory_space<vmem>>
        %dma_start3A_262 = tpu.memref_slice %arg3[%add3A_164] : memref<131072xi32, #tpu.memory_space<hbm>> -> memref<128xi32, #tpu.memory_space<hbm>>
        tpu.enqueue_dma source(%dma_start3A_262 : memref<128xi32, #tpu.memory_space<hbm>>) target(%dma_start3A_261 : memref<128xi32, #tpu.memory_space<vmem>>) target_semaphore(%run_scoped3A_254 : memref<!tpu.dma_semaphore, #tpu.memory_space<semaphore_mem>>)
        %dma_wait3A_263 = arith.constant 0 : i32
        %dma_wait3A_264 = tpu.memref_slice %arg7[%run_scoped3A_165, %dma_wait3A_263] : memref<4x128xi32, #tpu.memory_space<vmem>> -> memref<1x128xi32, #tpu.memory_space<vmem>>
        %dma_wait3A_265 = tpu.memref_squeeze %dma_wait3A_264 : memref<1x128xi32, #tpu.memory_space<vmem>> -> memref<128xi32, #tpu.memory_space<vmem>>
        %dma_wait3A_266 = tpu.memref_slice %arg3[%add3A_164] : memref<131072xi32, #tpu.memory_space<hbm>> -> memref<128xi32, #tpu.memory_space<hbm>>
        %dma_wait3A_267 = arith.constant 0 : i32
        %dma_wait3A_268 = tpu.memref_slice %arg7[%run_scoped3A_165, %dma_wait3A_267] : memref<4x128xi32, #tpu.memory_space<vmem>> -> memref<1x128xi32, #tpu.memory_space<vmem>>
        %dma_wait3A_269 = tpu.memref_squeeze %dma_wait3A_268 : memref<1x128xi32, #tpu.memory_space<vmem>> -> memref<128xi32, #tpu.memory_space<vmem>>
        %dma_wait3A_270 = tpu.memref_slice %arg3[%add3A_164] : memref<131072xi32, #tpu.memory_space<hbm>> -> memref<128xi32, #tpu.memory_space<hbm>>
        tpu.wait_dma2 semaphore(%run_scoped3A_254 : memref<!tpu.dma_semaphore, #tpu.memory_space<semaphore_mem>>) src(%dma_wait3A_270 : memref<128xi32, #tpu.memory_space<hbm>>) dst(%dma_wait3A_269 : memref<128xi32, #tpu.memory_space<vmem>>)
        tpu.yield
      }) : () -> ()
      %mul3A_166 = arith.constant 16 : i32
      %mul3A_167 = arith.muli %add3A_151, %mul3A_166 : i32
      %add3A_168 = arith.constant 384 : i32
      %add3A_169 = arith.addi %mul3A_167, %add3A_168 : i32
      %run_scoped3A_170 = arith.constant 3 : i32
      "tpu.region"() ({
        %run_scoped3A_254 = tpu.sem_alloc : memref<!tpu.dma_semaphore, #tpu.memory_space<semaphore_mem>>
        %dma_start3A_255 = arith.constant 0 : i32
        %dma_start3A_256 = tpu.memref_slice %arg7[%run_scoped3A_170, %dma_start3A_255] : memref<4x128xi32, #tpu.memory_space<vmem>> -> memref<1x128xi32, #tpu.memory_space<vmem>>
        %dma_start3A_257 = tpu.memref_squeeze %dma_start3A_256 : memref<1x128xi32, #tpu.memory_space<vmem>> -> memref<128xi32, #tpu.memory_space<vmem>>
        %dma_start3A_258 = tpu.memref_slice %arg3[%add3A_169] : memref<131072xi32, #tpu.memory_space<hbm>> -> memref<128xi32, #tpu.memory_space<hbm>>
        %dma_start3A_259 = arith.constant 0 : i32
        %dma_start3A_260 = tpu.memref_slice %arg7[%run_scoped3A_170, %dma_start3A_259] : memref<4x128xi32, #tpu.memory_space<vmem>> -> memref<1x128xi32, #tpu.memory_space<vmem>>
        %dma_start3A_261 = tpu.memref_squeeze %dma_start3A_260 : memref<1x128xi32, #tpu.memory_space<vmem>> -> memref<128xi32, #tpu.memory_space<vmem>>
        %dma_start3A_262 = tpu.memref_slice %arg3[%add3A_169] : memref<131072xi32, #tpu.memory_space<hbm>> -> memref<128xi32, #tpu.memory_space<hbm>>
        tpu.enqueue_dma source(%dma_start3A_262 : memref<128xi32, #tpu.memory_space<hbm>>) target(%dma_start3A_261 : memref<128xi32, #tpu.memory_space<vmem>>) target_semaphore(%run_scoped3A_254 : memref<!tpu.dma_semaphore, #tpu.memory_space<semaphore_mem>>)
        %dma_wait3A_263 = arith.constant 0 : i32
        %dma_wait3A_264 = tpu.memref_slice %arg7[%run_scoped3A_170, %dma_wait3A_263] : memref<4x128xi32, #tpu.memory_space<vmem>> -> memref<1x128xi32, #tpu.memory_space<vmem>>
        %dma_wait3A_265 = tpu.memref_squeeze %dma_wait3A_264 : memref<1x128xi32, #tpu.memory_space<vmem>> -> memref<128xi32, #tpu.memory_space<vmem>>
        %dma_wait3A_266 = tpu.memref_slice %arg3[%add3A_169] : memref<131072xi32, #tpu.memory_space<hbm>> -> memref<128xi32, #tpu.memory_space<hbm>>
        %dma_wait3A_267 = arith.constant 0 : i32
        %dma_wait3A_268 = tpu.memref_slice %arg7[%run_scoped3A_170, %dma_wait3A_267] : memref<4x128xi32, #tpu.memory_space<vmem>> -> memref<1x128xi32, #tpu.memory_space<vmem>>
        %dma_wait3A_269 = tpu.memref_squeeze %dma_wait3A_268 : memref<1x128xi32, #tpu.memory_space<vmem>> -> memref<128xi32, #tpu.memory_space<vmem>>
        %dma_wait3A_270 = tpu.memref_slice %arg3[%add3A_169] : memref<131072xi32, #tpu.memory_space<hbm>> -> memref<128xi32, #tpu.memory_space<hbm>>
        tpu.wait_dma2 semaphore(%run_scoped3A_254 : memref<!tpu.dma_semaphore, #tpu.memory_space<semaphore_mem>>) src(%dma_wait3A_270 : memref<128xi32, #tpu.memory_space<hbm>>) dst(%dma_wait3A_269 : memref<128xi32, #tpu.memory_space<vmem>>)
        tpu.yield
      }) : () -> ()
      %dma_start3A = arith.constant 0 : i32
      %dma_start3A_171 = arith.constant 0 : i32
      %dma_start3A_172 = arith.constant 0 : i32
      %dma_start3A_173 = tpu.memref_slice %arg8[%dma_start3A_171, %dma_start3A_172] : memref<512x128xf32, #tpu.memory_space<vmem>> -> memref<128x128xf32, #tpu.memory_space<vmem>>
      %dma_start3A_174 = arith.constant 0 : i32
      %dma_start3A_175 = tpu.memref_slice %arg7[%dma_start3A, %dma_start3A_174] : memref<4x128xi32, #tpu.memory_space<vmem>> -> memref<1x128xi32, #tpu.memory_space<vmem>>
      %dma_start3A_176 = tpu.memref_squeeze %dma_start3A_175 : memref<1x128xi32, #tpu.memory_space<vmem>> -> memref<128xi32, #tpu.memory_space<vmem>>
      %dma_start3A_177 = arith.constant 0 : i32
      %dma_start3A_178 = arith.constant 0 : i32
      %dma_start3A_179 = tpu.memref_slice %arg2[%dma_start3A_177, %dma_start3A_178] : memref<8192x128xf32, #tpu.memory_space<hbm>> -> memref<8192x128xf32, #tpu.memory_space<hbm>>
      tpu.enqueue_indirect_dma source(%dma_start3A_179 : memref<8192x128xf32, #tpu.memory_space<hbm>>) target(%dma_start3A_173 : memref<128x128xf32, #tpu.memory_space<vmem>>) offsets(%dma_start3A_176 : memref<128xi32, #tpu.memory_space<vmem>>) semaphore(%arg14 : memref<!tpu.dma_semaphore, #tpu.memory_space<semaphore_mem>>)
      %dma_start3A_180 = arith.constant 1 : i32
      %dma_start3A_181 = arith.constant 128 : i32
      %dma_start3A_182 = arith.constant 0 : i32
      %dma_start3A_183 = tpu.memref_slice %arg8[%dma_start3A_181, %dma_start3A_182] : memref<512x128xf32, #tpu.memory_space<vmem>> -> memref<128x128xf32, #tpu.memory_space<vmem>>
      %dma_start3A_184 = arith.constant 0 : i32
      %dma_start3A_185 = tpu.memref_slice %arg7[%dma_start3A_180, %dma_start3A_184] : memref<4x128xi32, #tpu.memory_space<vmem>> -> memref<1x128xi32, #tpu.memory_space<vmem>>
      %dma_start3A_186 = tpu.memref_squeeze %dma_start3A_185 : memref<1x128xi32, #tpu.memory_space<vmem>> -> memref<128xi32, #tpu.memory_space<vmem>>
      %dma_start3A_187 = arith.constant 0 : i32
      %dma_start3A_188 = arith.constant 0 : i32
      %dma_start3A_189 = tpu.memref_slice %arg2[%dma_start3A_187, %dma_start3A_188] : memref<8192x128xf32, #tpu.memory_space<hbm>> -> memref<8192x128xf32, #tpu.memory_space<hbm>>
      tpu.enqueue_indirect_dma source(%dma_start3A_189 : memref<8192x128xf32, #tpu.memory_space<hbm>>) target(%dma_start3A_183 : memref<128x128xf32, #tpu.memory_space<vmem>>) offsets(%dma_start3A_186 : memref<128xi32, #tpu.memory_space<vmem>>) semaphore(%arg14 : memref<!tpu.dma_semaphore, #tpu.memory_space<semaphore_mem>>)
      %dma_start3A_190 = arith.constant 2 : i32
      %dma_start3A_191 = arith.constant 256 : i32
      %dma_start3A_192 = arith.constant 0 : i32
      %dma_start3A_193 = tpu.memref_slice %arg8[%dma_start3A_191, %dma_start3A_192] : memref<512x128xf32, #tpu.memory_space<vmem>> -> memref<128x128xf32, #tpu.memory_space<vmem>>
      %dma_start3A_194 = arith.constant 0 : i32
      %dma_start3A_195 = tpu.memref_slice %arg7[%dma_start3A_190, %dma_start3A_194] : memref<4x128xi32, #tpu.memory_space<vmem>> -> memref<1x128xi32, #tpu.memory_space<vmem>>
      %dma_start3A_196 = tpu.memref_squeeze %dma_start3A_195 : memref<1x128xi32, #tpu.memory_space<vmem>> -> memref<128xi32, #tpu.memory_space<vmem>>
      %dma_start3A_197 = arith.constant 0 : i32
      %dma_start3A_198 = arith.constant 0 : i32
      %dma_start3A_199 = tpu.memref_slice %arg2[%dma_start3A_197, %dma_start3A_198] : memref<8192x128xf32, #tpu.memory_space<hbm>> -> memref<8192x128xf32, #tpu.memory_space<hbm>>
      tpu.enqueue_indirect_dma source(%dma_start3A_199 : memref<8192x128xf32, #tpu.memory_space<hbm>>) target(%dma_start3A_193 : memref<128x128xf32, #tpu.memory_space<vmem>>) offsets(%dma_start3A_196 : memref<128xi32, #tpu.memory_space<vmem>>) semaphore(%arg14 : memref<!tpu.dma_semaphore, #tpu.memory_space<semaphore_mem>>)
      %dma_start3A_200 = arith.constant 3 : i32
      %dma_start3A_201 = arith.constant 384 : i32
      %dma_start3A_202 = arith.constant 0 : i32
      %dma_start3A_203 = tpu.memref_slice %arg8[%dma_start3A_201, %dma_start3A_202] : memref<512x128xf32, #tpu.memory_space<vmem>> -> memref<128x128xf32, #tpu.memory_space<vmem>>
      %dma_start3A_204 = arith.constant 0 : i32
      %dma_start3A_205 = tpu.memref_slice %arg7[%dma_start3A_200, %dma_start3A_204] : memref<4x128xi32, #tpu.memory_space<vmem>> -> memref<1x128xi32, #tpu.memory_space<vmem>>
      %dma_start3A_206 = tpu.memref_squeeze %dma_start3A_205 : memref<1x128xi32, #tpu.memory_space<vmem>> -> memref<128xi32, #tpu.memory_space<vmem>>
      %dma_start3A_207 = arith.constant 0 : i32
      %dma_start3A_208 = arith.constant 0 : i32
      %dma_start3A_209 = tpu.memref_slice %arg2[%dma_start3A_207, %dma_start3A_208] : memref<8192x128xf32, #tpu.memory_space<hbm>> -> memref<8192x128xf32, #tpu.memory_space<hbm>>
      tpu.enqueue_indirect_dma source(%dma_start3A_209 : memref<8192x128xf32, #tpu.memory_space<hbm>>) target(%dma_start3A_203 : memref<128x128xf32, #tpu.memory_space<vmem>>) offsets(%dma_start3A_206 : memref<128xi32, #tpu.memory_space<vmem>>) semaphore(%arg14 : memref<!tpu.dma_semaphore, #tpu.memory_space<semaphore_mem>>)
      "tpu.region"() ({
        %run_scoped3A_254 = tpu.sem_alloc : memref<!tpu.dma_semaphore, #tpu.memory_space<semaphore_mem>>
        %dma_start3A_255 = arith.constant 0 : i32
        %dma_start3A_256 = tpu.memref_slice %arg2[%add3A_151, %dma_start3A_255] : memref<8192x128xf32, #tpu.memory_space<hbm>> -> memref<32x128xf32, #tpu.memory_space<hbm>>
        %dma_start3A_257 = arith.constant 0 : i32
        %dma_start3A_258 = tpu.memref_slice %arg2[%add3A_151, %dma_start3A_257] : memref<8192x128xf32, #tpu.memory_space<hbm>> -> memref<32x128xf32, #tpu.memory_space<hbm>>
        tpu.enqueue_dma source(%dma_start3A_258 : memref<32x128xf32, #tpu.memory_space<hbm>>) target(%arg9 : memref<32x128xf32, #tpu.memory_space<vmem>>) target_semaphore(%run_scoped3A_254 : memref<!tpu.dma_semaphore, #tpu.memory_space<semaphore_mem>>)
        %dma_wait3A_259 = arith.constant 0 : i32
        %dma_wait3A_260 = tpu.memref_slice %arg2[%add3A_151, %dma_wait3A_259] : memref<8192x128xf32, #tpu.memory_space<hbm>> -> memref<32x128xf32, #tpu.memory_space<hbm>>
        %dma_wait3A_261 = arith.constant 0 : i32
        %dma_wait3A_262 = tpu.memref_slice %arg2[%add3A_151, %dma_wait3A_261] : memref<8192x128xf32, #tpu.memory_space<hbm>> -> memref<32x128xf32, #tpu.memory_space<hbm>>
        tpu.wait_dma2 semaphore(%run_scoped3A_254 : memref<!tpu.dma_semaphore, #tpu.memory_space<semaphore_mem>>) src(%dma_wait3A_262 : memref<32x128xf32, #tpu.memory_space<hbm>>) dst(%arg9 : memref<32x128xf32, #tpu.memory_space<vmem>>)
        tpu.yield
      }) : () -> ()
      %dma_wait3A = arith.constant 0 : i32
      %dma_wait3A_210 = arith.constant 0 : i32
      %dma_wait3A_211 = arith.constant 0 : i32
      %dma_wait3A_212 = tpu.memref_slice %arg8[%dma_wait3A_210, %dma_wait3A_211] : memref<512x128xf32, #tpu.memory_space<vmem>> -> memref<128x128xf32, #tpu.memory_space<vmem>>
      %dma_wait3A_213 = arith.constant 0 : i32
      %dma_wait3A_214 = tpu.memref_slice %arg7[%dma_wait3A, %dma_wait3A_213] : memref<4x128xi32, #tpu.memory_space<vmem>> -> memref<1x128xi32, #tpu.memory_space<vmem>>
      %dma_wait3A_215 = tpu.memref_squeeze %dma_wait3A_214 : memref<1x128xi32, #tpu.memory_space<vmem>> -> memref<128xi32, #tpu.memory_space<vmem>>
      %dma_wait3A_216 = arith.constant 0 : i32
      %dma_wait3A_217 = arith.constant 0 : i32
      %dma_wait3A_218 = tpu.memref_slice %arg2[%dma_wait3A_216, %dma_wait3A_217] : memref<8192x128xf32, #tpu.memory_space<hbm>> -> memref<8192x128xf32, #tpu.memory_space<hbm>>
      tpu.wait_indirect_dma semaphore(%arg14 : memref<!tpu.dma_semaphore, #tpu.memory_space<semaphore_mem>>) src(%dma_wait3A_218 : memref<8192x128xf32, #tpu.memory_space<hbm>>) dst(%dma_wait3A_212 : memref<128x128xf32, #tpu.memory_space<vmem>>)
      %dma_wait3A_219 = arith.constant 1 : i32
      %dma_wait3A_220 = arith.constant 128 : i32
      %dma_wait3A_221 = arith.constant 0 : i32
      %dma_wait3A_222 = tpu.memref_slice %arg8[%dma_wait3A_220, %dma_wait3A_221] : memref<512x128xf32, #tpu.memory_space<vmem>> -> memref<128x128xf32, #tpu.memory_space<vmem>>
      %dma_wait3A_223 = arith.constant 0 : i32
      %dma_wait3A_224 = tpu.memref_slice %arg7[%dma_wait3A_219, %dma_wait3A_223] : memref<4x128xi32, #tpu.memory_space<vmem>> -> memref<1x128xi32, #tpu.memory_space<vmem>>
      %dma_wait3A_225 = tpu.memref_squeeze %dma_wait3A_224 : memref<1x128xi32, #tpu.memory_space<vmem>> -> memref<128xi32, #tpu.memory_space<vmem>>
      %dma_wait3A_226 = arith.constant 0 : i32
      %dma_wait3A_227 = arith.constant 0 : i32
      %dma_wait3A_228 = tpu.memref_slice %arg2[%dma_wait3A_226, %dma_wait3A_227] : memref<8192x128xf32, #tpu.memory_space<hbm>> -> memref<8192x128xf32, #tpu.memory_space<hbm>>
      tpu.wait_indirect_dma semaphore(%arg14 : memref<!tpu.dma_semaphore, #tpu.memory_space<semaphore_mem>>) src(%dma_wait3A_228 : memref<8192x128xf32, #tpu.memory_space<hbm>>) dst(%dma_wait3A_222 : memref<128x128xf32, #tpu.memory_space<vmem>>)
      %dma_wait3A_229 = arith.constant 2 : i32
      %dma_wait3A_230 = arith.constant 256 : i32
      %dma_wait3A_231 = arith.constant 0 : i32
      %dma_wait3A_232 = tpu.memref_slice %arg8[%dma_wait3A_230, %dma_wait3A_231] : memref<512x128xf32, #tpu.memory_space<vmem>> -> memref<128x128xf32, #tpu.memory_space<vmem>>
      %dma_wait3A_233 = arith.constant 0 : i32
      %dma_wait3A_234 = tpu.memref_slice %arg7[%dma_wait3A_229, %dma_wait3A_233] : memref<4x128xi32, #tpu.memory_space<vmem>> -> memref<1x128xi32, #tpu.memory_space<vmem>>
      %dma_wait3A_235 = tpu.memref_squeeze %dma_wait3A_234 : memref<1x128xi32, #tpu.memory_space<vmem>> -> memref<128xi32, #tpu.memory_space<vmem>>
      %dma_wait3A_236 = arith.constant 0 : i32
      %dma_wait3A_237 = arith.constant 0 : i32
      %dma_wait3A_238 = tpu.memref_slice %arg2[%dma_wait3A_236, %dma_wait3A_237] : memref<8192x128xf32, #tpu.memory_space<hbm>> -> memref<8192x128xf32, #tpu.memory_space<hbm>>
      tpu.wait_indirect_dma semaphore(%arg14 : memref<!tpu.dma_semaphore, #tpu.memory_space<semaphore_mem>>) src(%dma_wait3A_238 : memref<8192x128xf32, #tpu.memory_space<hbm>>) dst(%dma_wait3A_232 : memref<128x128xf32, #tpu.memory_space<vmem>>)
      %dma_wait3A_239 = arith.constant 3 : i32
      %dma_wait3A_240 = arith.constant 384 : i32
      %dma_wait3A_241 = arith.constant 0 : i32
      %dma_wait3A_242 = tpu.memref_slice %arg8[%dma_wait3A_240, %dma_wait3A_241] : memref<512x128xf32, #tpu.memory_space<vmem>> -> memref<128x128xf32, #tpu.memory_space<vmem>>
      %dma_wait3A_243 = arith.constant 0 : i32
      %dma_wait3A_244 = tpu.memref_slice %arg7[%dma_wait3A_239, %dma_wait3A_243] : memref<4x128xi32, #tpu.memory_space<vmem>> -> memref<1x128xi32, #tpu.memory_space<vmem>>
      %dma_wait3A_245 = tpu.memref_squeeze %dma_wait3A_244 : memref<1x128xi32, #tpu.memory_space<vmem>> -> memref<128xi32, #tpu.memory_space<vmem>>
      %dma_wait3A_246 = arith.constant 0 : i32
      %dma_wait3A_247 = arith.constant 0 : i32
      %dma_wait3A_248 = tpu.memref_slice %arg2[%dma_wait3A_246, %dma_wait3A_247] : memref<8192x128xf32, #tpu.memory_space<hbm>> -> memref<8192x128xf32, #tpu.memory_space<hbm>>
      tpu.wait_indirect_dma semaphore(%arg14 : memref<!tpu.dma_semaphore, #tpu.memory_space<semaphore_mem>>) src(%dma_wait3A_248 : memref<8192x128xf32, #tpu.memory_space<hbm>>) dst(%dma_wait3A_242 : memref<128x128xf32, #tpu.memory_space<vmem>>)
      %scan3A_249 = arith.constant 0 : i32
      %scan3A_250 = arith.constant 32 : i32
      %scan3A_251 = arith.addi %scan3A_249, %scan3A_250 : i32
      %scan3A_252 = arith.constant 1 : i32
      scf.for %scan3A_254 = %scan3A_249 to %scan3A_251 step %scan3A_252  : i32 {
        %mul3A_255 = arith.constant 1 : i32
        %mul3A_256 = arith.muli %scan3A_254, %mul3A_255 : i32
        %add3A_257 = arith.constant 0 : i32
        %add3A_258 = arith.addi %add3A_257, %mul3A_256 : i32
        %mul3A_259 = arith.constant 16 : i32
        %mul3A_260 = arith.muli %add3A_258, %mul3A_259 : i32
        %get3A_261 = arith.index_cast %mul3A_260 : i32 to index
        %get3A_262 = arith.constant 0 : index
        %get3A_263 = tpu.vector_load %arg8[%get3A_261, %get3A_262] {strides = array<i32>} : memref<512x128xf32, #tpu.memory_space<vmem>>, vector<1x16xf32>,
        %get3A_264 = vector.shape_cast %get3A_263 : vector<1x16xf32> to vector<16xf32>
        %mul3A_265 = arith.mulf %get3A_264, %get3A_264 : vector<16xf32>
        %add3A_266 = arith.constant 1 : i32
        %add3A_267 = arith.addi %mul3A_260, %add3A_266 : i32
        %get3A_268 = arith.index_cast %add3A_267 : i32 to index
        %get3A_269 = arith.constant 0 : index
        %get3A_270 = tpu.vector_load %arg8[%get3A_268, %get3A_269] {strides = array<i32>} : memref<512x128xf32, #tpu.memory_space<vmem>>, vector<1x16xf32>,
        %get3A_271 = vector.shape_cast %get3A_270 : vector<1x16xf32> to vector<16xf32>
        %max3A = arith.maximumf %get3A_264, %get3A_271 : vector<16xf32>
        %min3A = arith.minimumf %get3A_264, %get3A_271 : vector<16xf32>
        %add3A_272 = arith.addf %get3A_264, %get3A_271 : vector<16xf32>
        %mul3A_273 = arith.mulf %get3A_271, %get3A_271 : vector<16xf32>
        %add3A_274 = arith.addf %mul3A_265, %mul3A_273 : vector<16xf32>
        %add3A_275 = arith.constant 2 : i32
        %add3A_276 = arith.addi %mul3A_260, %add3A_275 : i32
        %get3A_277 = arith.index_cast %add3A_276 : i32 to index
        %get3A_278 = arith.constant 0 : index
        %get3A_279 = tpu.vector_load %arg8[%get3A_277, %get3A_278] {strides = array<i32>} : memref<512x128xf32, #tpu.memory_space<vmem>>, vector<1x16xf32>,
        %get3A_280 = vector.shape_cast %get3A_279 : vector<1x16xf32> to vector<16xf32>
        %max3A_281 = arith.maximumf %max3A, %get3A_280 : vector<16xf32>
        %min3A_282 = arith.minimumf %min3A, %get3A_280 : vector<16xf32>
        %add3A_283 = arith.addf %add3A_272, %get3A_280 : vector<16xf32>
        %mul3A_284 = arith.mulf %get3A_280, %get3A_280 : vector<16xf32>
        %add3A_285 = arith.addf %add3A_274, %mul3A_284 : vector<16xf32>
        %add3A_286 = arith.constant 3 : i32
        %add3A_287 = arith.addi %mul3A_260, %add3A_286 : i32
        %get3A_288 = arith.index_cast %add3A_287 : i32 to index
        %get3A_289 = arith.constant 0 : index
        %get3A_290 = tpu.vector_load %arg8[%get3A_288, %get3A_289] {strides = array<i32>} : memref<512x128xf32, #tpu.memory_space<vmem>>, vector<1x16xf32>,
        %get3A_291 = vector.shape_cast %get3A_290 : vector<1x16xf32> to vector<16xf32>
        %max3A_292 = arith.maximumf %max3A_281, %get3A_291 : vector<16xf32>
        %min3A_293 = arith.minimumf %min3A_282, %get3A_291 : vector<16xf32>
        %add3A_294 = arith.addf %add3A_283, %get3A_291 : vector<16xf32>
        %mul3A_295 = arith.mulf %get3A_291, %get3A_291 : vector<16xf32>
        %add3A_296 = arith.addf %add3A_285, %mul3A_295 : vector<16xf32>
        %add3A_297 = arith.constant 4 : i32
        %add3A_298 = arith.addi %mul3A_260, %add3A_297 : i32
        %get3A_299 = arith.index_cast %add3A_298 : i32 to index
        %get3A_300 = arith.constant 0 : index
        %get3A_301 = tpu.vector_load %arg8[%get3A_299, %get3A_300] {strides = array<i32>} : memref<512x128xf32, #tpu.memory_space<vmem>>, vector<1x16xf32>,
        %get3A_302 = vector.shape_cast %get3A_301 : vector<1x16xf32> to vector<16xf32>
        %max3A_303 = arith.maximumf %max3A_292, %get3A_302 : vector<16xf32>
        %min3A_304 = arith.minimumf %min3A_293, %get3A_302 : vector<16xf32>
        %add3A_305 = arith.addf %add3A_294, %get3A_302 : vector<16xf32>
        %mul3A_306 = arith.mulf %get3A_302, %get3A_302 : vector<16xf32>
        %add3A_307 = arith.addf %add3A_296, %mul3A_306 : vector<16xf32>
        %add3A_308 = arith.constant 5 : i32
        %add3A_309 = arith.addi %mul3A_260, %add3A_308 : i32
        %get3A_310 = arith.index_cast %add3A_309 : i32 to index
        %get3A_311 = arith.constant 0 : index
        %get3A_312 = tpu.vector_load %arg8[%get3A_310, %get3A_311] {strides = array<i32>} : memref<512x128xf32, #tpu.memory_space<vmem>>, vector<1x16xf32>,
        %get3A_313 = vector.shape_cast %get3A_312 : vector<1x16xf32> to vector<16xf32>
        %max3A_314 = arith.maximumf %max3A_303, %get3A_313 : vector<16xf32>
        %min3A_315 = arith.minimumf %min3A_304, %get3A_313 : vector<16xf32>
        %add3A_316 = arith.addf %add3A_305, %get3A_313 : vector<16xf32>
        %mul3A_317 = arith.mulf %get3A_313, %get3A_313 : vector<16xf32>
        %add3A_318 = arith.addf %add3A_307, %mul3A_317 : vector<16xf32>
        %add3A_319 = arith.constant 6 : i32
        %add3A_320 = arith.addi %mul3A_260, %add3A_319 : i32
        %get3A_321 = arith.index_cast %add3A_320 : i32 to index
        %get3A_322 = arith.constant 0 : index
        %get3A_323 = tpu.vector_load %arg8[%get3A_321, %get3A_322] {strides = array<i32>} : memref<512x128xf32, #tpu.memory_space<vmem>>, vector<1x16xf32>,
        %get3A_324 = vector.shape_cast %get3A_323 : vector<1x16xf32> to vector<16xf32>
        %max3A_325 = arith.maximumf %max3A_314, %get3A_324 : vector<16xf32>
        %min3A_326 = arith.minimumf %min3A_315, %get3A_324 : vector<16xf32>
        %add3A_327 = arith.addf %add3A_316, %get3A_324 : vector<16xf32>
        %mul3A_328 = arith.mulf %get3A_324, %get3A_324 : vector<16xf32>
        %add3A_329 = arith.addf %add3A_318, %mul3A_328 : vector<16xf32>
        %add3A_330 = arith.constant 7 : i32
        %add3A_331 = arith.addi %mul3A_260, %add3A_330 : i32
        %get3A_332 = arith.index_cast %add3A_331 : i32 to index
        %get3A_333 = arith.constant 0 : index
        %get3A_334 = tpu.vector_load %arg8[%get3A_332, %get3A_333] {strides = array<i32>} : memref<512x128xf32, #tpu.memory_space<vmem>>, vector<1x16xf32>,
        %get3A_335 = vector.shape_cast %get3A_334 : vector<1x16xf32> to vector<16xf32>
        %max3A_336 = arith.maximumf %max3A_325, %get3A_335 : vector<16xf32>
        %min3A_337 = arith.minimumf %min3A_326, %get3A_335 : vector<16xf32>
        %add3A_338 = arith.addf %add3A_327, %get3A_335 : vector<16xf32>
        %mul3A_339 = arith.mulf %get3A_335, %get3A_335 : vector<16xf32>
        %add3A_340 = arith.addf %add3A_329, %mul3A_339 : vector<16xf32>
        %add3A_341 = arith.constant 8 : i32
        %add3A_342 = arith.addi %mul3A_260, %add3A_341 : i32
        %get3A_343 = arith.index_cast %add3A_342 : i32 to index
        %get3A_344 = arith.constant 0 : index
        %get3A_345 = tpu.vector_load %arg8[%get3A_343, %get3A_344] {strides = array<i32>} : memref<512x128xf32, #tpu.memory_space<vmem>>, vector<1x16xf32>,
        %get3A_346 = vector.shape_cast %get3A_345 : vector<1x16xf32> to vector<16xf32>
        %max3A_347 = arith.maximumf %max3A_336, %get3A_346 : vector<16xf32>
        %min3A_348 = arith.minimumf %min3A_337, %get3A_346 : vector<16xf32>
        %add3A_349 = arith.addf %add3A_338, %get3A_346 : vector<16xf32>
        %mul3A_350 = arith.mulf %get3A_346, %get3A_346 : vector<16xf32>
        %add3A_351 = arith.addf %add3A_340, %mul3A_350 : vector<16xf32>
        %add3A_352 = arith.constant 9 : i32
        %add3A_353 = arith.addi %mul3A_260, %add3A_352 : i32
        %get3A_354 = arith.index_cast %add3A_353 : i32 to index
        %get3A_355 = arith.constant 0 : index
        %get3A_356 = tpu.vector_load %arg8[%get3A_354, %get3A_355] {strides = array<i32>} : memref<512x128xf32, #tpu.memory_space<vmem>>, vector<1x16xf32>,
        %get3A_357 = vector.shape_cast %get3A_356 : vector<1x16xf32> to vector<16xf32>
        %max3A_358 = arith.maximumf %max3A_347, %get3A_357 : vector<16xf32>
        %min3A_359 = arith.minimumf %min3A_348, %get3A_357 : vector<16xf32>
        %add3A_360 = arith.addf %add3A_349, %get3A_357 : vector<16xf32>
        %mul3A_361 = arith.mulf %get3A_357, %get3A_357 : vector<16xf32>
        %add3A_362 = arith.addf %add3A_351, %mul3A_361 : vector<16xf32>
        %add3A_363 = arith.constant 10 : i32
        %add3A_364 = arith.addi %mul3A_260, %add3A_363 : i32
        %get3A_365 = arith.index_cast %add3A_364 : i32 to index
        %get3A_366 = arith.constant 0 : index
        %get3A_367 = tpu.vector_load %arg8[%get3A_365, %get3A_366] {strides = array<i32>} : memref<512x128xf32, #tpu.memory_space<vmem>>, vector<1x16xf32>,
        %get3A_368 = vector.shape_cast %get3A_367 : vector<1x16xf32> to vector<16xf32>
        %max3A_369 = arith.maximumf %max3A_358, %get3A_368 : vector<16xf32>
        %min3A_370 = arith.minimumf %min3A_359, %get3A_368 : vector<16xf32>
        %add3A_371 = arith.addf %add3A_360, %get3A_368 : vector<16xf32>
        %mul3A_372 = arith.mulf %get3A_368, %get3A_368 : vector<16xf32>
        %add3A_373 = arith.addf %add3A_362, %mul3A_372 : vector<16xf32>
        %add3A_374 = arith.constant 11 : i32
        %add3A_375 = arith.addi %mul3A_260, %add3A_374 : i32
        %get3A_376 = arith.index_cast %add3A_375 : i32 to index
        %get3A_377 = arith.constant 0 : index
        %get3A_378 = tpu.vector_load %arg8[%get3A_376, %get3A_377] {strides = array<i32>} : memref<512x128xf32, #tpu.memory_space<vmem>>, vector<1x16xf32>,
        %get3A_379 = vector.shape_cast %get3A_378 : vector<1x16xf32> to vector<16xf32>
        %max3A_380 = arith.maximumf %max3A_369, %get3A_379 : vector<16xf32>
        %min3A_381 = arith.minimumf %min3A_370, %get3A_379 : vector<16xf32>
        %add3A_382 = arith.addf %add3A_371, %get3A_379 : vector<16xf32>
        %mul3A_383 = arith.mulf %get3A_379, %get3A_379 : vector<16xf32>
        %add3A_384 = arith.addf %add3A_373, %mul3A_383 : vector<16xf32>
        %add3A_385 = arith.constant 12 : i32
        %add3A_386 = arith.addi %mul3A_260, %add3A_385 : i32
        %get3A_387 = arith.index_cast %add3A_386 : i32 to index
        %get3A_388 = arith.constant 0 : index
        %get3A_389 = tpu.vector_load %arg8[%get3A_387, %get3A_388] {strides = array<i32>} : memref<512x128xf32, #tpu.memory_space<vmem>>, vector<1x16xf32>,
        %get3A_390 = vector.shape_cast %get3A_389 : vector<1x16xf32> to vector<16xf32>
        %max3A_391 = arith.maximumf %max3A_380, %get3A_390 : vector<16xf32>
        %min3A_392 = arith.minimumf %min3A_381, %get3A_390 : vector<16xf32>
        %add3A_393 = arith.addf %add3A_382, %get3A_390 : vector<16xf32>
        %mul3A_394 = arith.mulf %get3A_390, %get3A_390 : vector<16xf32>
        %add3A_395 = arith.addf %add3A_384, %mul3A_394 : vector<16xf32>
        %add3A_396 = arith.constant 13 : i32
        %add3A_397 = arith.addi %mul3A_260, %add3A_396 : i32
        %get3A_398 = arith.index_cast %add3A_397 : i32 to index
        %get3A_399 = arith.constant 0 : index
        %get3A_400 = tpu.vector_load %arg8[%get3A_398, %get3A_399] {strides = array<i32>} : memref<512x128xf32, #tpu.memory_space<vmem>>, vector<1x16xf32>,
        %get3A_401 = vector.shape_cast %get3A_400 : vector<1x16xf32> to vector<16xf32>
        %max3A_402 = arith.maximumf %max3A_391, %get3A_401 : vector<16xf32>
        %min3A_403 = arith.minimumf %min3A_392, %get3A_401 : vector<16xf32>
        %add3A_404 = arith.addf %add3A_393, %get3A_401 : vector<16xf32>
        %mul3A_405 = arith.mulf %get3A_401, %get3A_401 : vector<16xf32>
        %add3A_406 = arith.addf %add3A_395, %mul3A_405 : vector<16xf32>
        %add3A_407 = arith.constant 14 : i32
        %add3A_408 = arith.addi %mul3A_260, %add3A_407 : i32
        %get3A_409 = arith.index_cast %add3A_408 : i32 to index
        %get3A_410 = arith.constant 0 : index
        %get3A_411 = tpu.vector_load %arg8[%get3A_409, %get3A_410] {strides = array<i32>} : memref<512x128xf32, #tpu.memory_space<vmem>>, vector<1x16xf32>,
        %get3A_412 = vector.shape_cast %get3A_411 : vector<1x16xf32> to vector<16xf32>
        %max3A_413 = arith.maximumf %max3A_402, %get3A_412 : vector<16xf32>
        %min3A_414 = arith.minimumf %min3A_403, %get3A_412 : vector<16xf32>
        %add3A_415 = arith.addf %add3A_404, %get3A_412 : vector<16xf32>
        %mul3A_416 = arith.mulf %get3A_412, %get3A_412 : vector<16xf32>
        %add3A_417 = arith.addf %add3A_406, %mul3A_416 : vector<16xf32>
        %add3A_418 = arith.constant 15 : i32
        %add3A_419 = arith.addi %mul3A_260, %add3A_418 : i32
        %get3A_420 = arith.index_cast %add3A_419 : i32 to index
        %get3A_421 = arith.constant 0 : index
        %get3A_422 = tpu.vector_load %arg8[%get3A_420, %get3A_421] {strides = array<i32>} : memref<512x128xf32, #tpu.memory_space<vmem>>, vector<1x16xf32>,
        %get3A_423 = vector.shape_cast %get3A_422 : vector<1x16xf32> to vector<16xf32>
        %max3A_424 = arith.maximumf %max3A_413, %get3A_423 : vector<16xf32>
        %min3A_425 = arith.minimumf %min3A_414, %get3A_423 : vector<16xf32>
        %add3A_426 = arith.addf %add3A_415, %get3A_423 : vector<16xf32>
        %mul3A_427 = arith.mulf %get3A_423, %get3A_423 : vector<16xf32>
        %add3A_428 = arith.addf %add3A_417, %mul3A_427 : vector<16xf32>
        %get3A_429 = arith.index_cast %add3A_258 : i32 to index
        %get3A_430 = arith.constant 64 : index
        %get3A_431 = tpu.vector_load %arg9[%get3A_429, %get3A_430] {strides = array<i32>} : memref<32x128xf32, #tpu.memory_space<vmem>>, vector<1x16xf32>,
        %get3A_432 = vector.shape_cast %get3A_431 : vector<1x16xf32> to vector<16xf32>
        %add3A_433 = arith.addf %max3A_424, %get3A_432 : vector<16xf32>
        %swap3A_434 = arith.index_cast %add3A_258 : i32 to index
        %swap3A_435 = arith.constant 0 : index
        %swap3A_436 = tpu.vector_load %arg10[%swap3A_434, %swap3A_435] {strides = array<i32>} : memref<32x64xf32, #tpu.memory_space<vmem>>, vector<1x16xf32>,
        %swap3A_437 = vector.shape_cast %swap3A_436 : vector<1x16xf32> to vector<16xf32>
        %swap3A_438 = vector.shape_cast %add3A_433 : vector<16xf32> to vector<1x16xf32>
        tpu.vector_store %arg10[%swap3A_434, %swap3A_435], %swap3A_438 {strides = array<i32>} : memref<32x64xf32, #tpu.memory_space<vmem>>, vector<1x16xf32>,
        %add3A_439 = arith.addf %min3A_425, %get3A_432 : vector<16xf32>
        %swap3A_440 = arith.index_cast %add3A_258 : i32 to index
        %swap3A_441 = arith.constant 0 : index
        %swap3A_442 = tpu.vector_load %arg11[%swap3A_440, %swap3A_441] {strides = array<i32>} : memref<32x64xf32, #tpu.memory_space<vmem>>, vector<1x16xf32>,
        %swap3A_443 = vector.shape_cast %swap3A_442 : vector<1x16xf32> to vector<16xf32>
        %swap3A_444 = vector.shape_cast %add3A_439 : vector<16xf32> to vector<1x16xf32>
        tpu.vector_store %arg11[%swap3A_440, %swap3A_441], %swap3A_444 {strides = array<i32>} : memref<32x64xf32, #tpu.memory_space<vmem>>, vector<1x16xf32>,
        %get3A_445 = arith.constant 0 : i32
        %get3A_446 = arith.index_cast %get3A_445 : i32 to index
        %get3A_447 = arith.constant 0 : index
        %get3A_448 = tpu.vector_load %arg12[%get3A_446, %get3A_447] {strides = array<i32>} : memref<8x16xf32, #tpu.memory_space<vmem>>, vector<1x16xf32>,
        %get3A_449 = vector.shape_cast %get3A_448 : vector<1x16xf32> to vector<16xf32>
        %add3A_450 = arith.addf %get3A_449, %add3A_426 : vector<16xf32>
        %mul3A_451 = arith.constant 1.600000e+01 : f32
        %mul3A_452 = vector.broadcast %mul3A_451 : f32 to vector<16xf32>
        %mul3A_453 = arith.mulf %mul3A_452, %get3A_432 : vector<16xf32>
        %add3A_454 = arith.addf %add3A_450, %mul3A_453 : vector<16xf32>
        %swap3A_455 = arith.constant 0 : i32
        %swap3A_456 = arith.index_cast %swap3A_455 : i32 to index
        %swap3A_457 = arith.constant 0 : index
        %swap3A_458 = tpu.vector_load %arg12[%swap3A_456, %swap3A_457] {strides = array<i32>} : memref<8x16xf32, #tpu.memory_space<vmem>>, vector<1x16xf32>,
        %swap3A_459 = vector.shape_cast %swap3A_458 : vector<1x16xf32> to vector<16xf32>
        %swap3A_460 = vector.shape_cast %add3A_454 : vector<16xf32> to vector<1x16xf32>
        tpu.vector_store %arg12[%swap3A_456, %swap3A_457], %swap3A_460 {strides = array<i32>} : memref<8x16xf32, #tpu.memory_space<vmem>>, vector<1x16xf32>,
        %get3A_461 = arith.constant 4 : i32
        %get3A_462 = arith.index_cast %get3A_461 : i32 to index
        %get3A_463 = arith.constant 0 : index
        %get3A_464 = tpu.vector_load %arg12[%get3A_462, %get3A_463] {strides = array<i32>} : memref<8x16xf32, #tpu.memory_space<vmem>>, vector<1x16xf32>,
        %get3A_465 = vector.shape_cast %get3A_464 : vector<1x16xf32> to vector<16xf32>
        %add3A_466 = arith.addf %get3A_465, %add3A_428 : vector<16xf32>
        %mul3A_467 = arith.constant 2.000000e+00 : f32
        %mul3A_468 = vector.broadcast %mul3A_467 : f32 to vector<16xf32>
        %mul3A_469 = arith.mulf %mul3A_468, %get3A_432 : vector<16xf32>
        %mul3A_470 = arith.mulf %mul3A_469, %add3A_426 : vector<16xf32>
        %add3A_471 = arith.addf %add3A_466, %mul3A_470 : vector<16xf32>
        %mul3A_472 = arith.constant 1.600000e+01 : f32
        %mul3A_473 = vector.broadcast %mul3A_472 : f32 to vector<16xf32>
        %mul3A_474 = arith.mulf %mul3A_473, %get3A_432 : vector<16xf32>
        %mul3A_475 = arith.mulf %mul3A_474, %get3A_432 : vector<16xf32>
        %add3A_476 = arith.addf %add3A_471, %mul3A_475 : vector<16xf32>
        %swap3A_477 = arith.constant 4 : i32
        %swap3A_478 = arith.index_cast %swap3A_477 : i32 to index
        %swap3A_479 = arith.constant 0 : index
        %swap3A_480 = tpu.vector_load %arg12[%swap3A_478, %swap3A_479] {strides = array<i32>} : memref<8x16xf32, #tpu.memory_space<vmem>>, vector<1x16xf32>,
        %swap3A_481 = vector.shape_cast %swap3A_480 : vector<1x16xf32> to vector<16xf32>
        %swap3A_482 = vector.shape_cast %add3A_476 : vector<16xf32> to vector<1x16xf32>
        tpu.vector_store %arg12[%swap3A_478, %swap3A_479], %swap3A_482 {strides = array<i32>} : memref<8x16xf32, #tpu.memory_space<vmem>>, vector<1x16xf32>,
        %get3A_483 = arith.index_cast %mul3A_260 : i32 to index
        %get3A_484 = arith.constant 16 : index
        %get3A_485 = tpu.vector_load %arg8[%get3A_483, %get3A_484] {strides = array<i32>} : memref<512x128xf32, #tpu.memory_space<vmem>>, vector<1x16xf32>,
        %get3A_486 = vector.shape_cast %get3A_485 : vector<1x16xf32> to vector<16xf32>
        %mul3A_487 = arith.mulf %get3A_486, %get3A_486 : vector<16xf32>
        %add3A_488 = arith.constant 1 : i32
        %add3A_489 = arith.addi %mul3A_260, %add3A_488 : i32
        %get3A_490 = arith.index_cast %add3A_489 : i32 to index
        %get3A_491 = arith.constant 16 : index
        %get3A_492 = tpu.vector_load %arg8[%get3A_490, %get3A_491] {strides = array<i32>} : memref<512x128xf32, #tpu.memory_space<vmem>>, vector<1x16xf32>,
        %get3A_493 = vector.shape_cast %get3A_492 : vector<1x16xf32> to vector<16xf32>
        %max3A_494 = arith.maximumf %get3A_486, %get3A_493 : vector<16xf32>
        %min3A_495 = arith.minimumf %get3A_486, %get3A_493 : vector<16xf32>
        %add3A_496 = arith.addf %get3A_486, %get3A_493 : vector<16xf32>
        %mul3A_497 = arith.mulf %get3A_493, %get3A_493 : vector<16xf32>
        %add3A_498 = arith.addf %mul3A_487, %mul3A_497 : vector<16xf32>
        %add3A_499 = arith.constant 2 : i32
        %add3A_500 = arith.addi %mul3A_260, %add3A_499 : i32
        %get3A_501 = arith.index_cast %add3A_500 : i32 to index
        %get3A_502 = arith.constant 16 : index
        %get3A_503 = tpu.vector_load %arg8[%get3A_501, %get3A_502] {strides = array<i32>} : memref<512x128xf32, #tpu.memory_space<vmem>>, vector<1x16xf32>,
        %get3A_504 = vector.shape_cast %get3A_503 : vector<1x16xf32> to vector<16xf32>
        %max3A_505 = arith.maximumf %max3A_494, %get3A_504 : vector<16xf32>
        %min3A_506 = arith.minimumf %min3A_495, %get3A_504 : vector<16xf32>
        %add3A_507 = arith.addf %add3A_496, %get3A_504 : vector<16xf32>
        %mul3A_508 = arith.mulf %get3A_504, %get3A_504 : vector<16xf32>
        %add3A_509 = arith.addf %add3A_498, %mul3A_508 : vector<16xf32>
        %add3A_510 = arith.constant 3 : i32
        %add3A_511 = arith.addi %mul3A_260, %add3A_510 : i32
        %get3A_512 = arith.index_cast %add3A_511 : i32 to index
        %get3A_513 = arith.constant 16 : index
        %get3A_514 = tpu.vector_load %arg8[%get3A_512, %get3A_513] {strides = array<i32>} : memref<512x128xf32, #tpu.memory_space<vmem>>, vector<1x16xf32>,
        %get3A_515 = vector.shape_cast %get3A_514 : vector<1x16xf32> to vector<16xf32>
        %max3A_516 = arith.maximumf %max3A_505, %get3A_515 : vector<16xf32>
        %min3A_517 = arith.minimumf %min3A_506, %get3A_515 : vector<16xf32>
        %add3A_518 = arith.addf %add3A_507, %get3A_515 : vector<16xf32>
        %mul3A_519 = arith.mulf %get3A_515, %get3A_515 : vector<16xf32>
        %add3A_520 = arith.addf %add3A_509, %mul3A_519 : vector<16xf32>
        %add3A_521 = arith.constant 4 : i32
        %add3A_522 = arith.addi %mul3A_260, %add3A_521 : i32
        %get3A_523 = arith.index_cast %add3A_522 : i32 to index
        %get3A_524 = arith.constant 16 : index
        %get3A_525 = tpu.vector_load %arg8[%get3A_523, %get3A_524] {strides = array<i32>} : memref<512x128xf32, #tpu.memory_space<vmem>>, vector<1x16xf32>,
        %get3A_526 = vector.shape_cast %get3A_525 : vector<1x16xf32> to vector<16xf32>
        %max3A_527 = arith.maximumf %max3A_516, %get3A_526 : vector<16xf32>
        %min3A_528 = arith.minimumf %min3A_517, %get3A_526 : vector<16xf32>
        %add3A_529 = arith.addf %add3A_518, %get3A_526 : vector<16xf32>
        %mul3A_530 = arith.mulf %get3A_526, %get3A_526 : vector<16xf32>
        %add3A_531 = arith.addf %add3A_520, %mul3A_530 : vector<16xf32>
        %add3A_532 = arith.constant 5 : i32
        %add3A_533 = arith.addi %mul3A_260, %add3A_532 : i32
        %get3A_534 = arith.index_cast %add3A_533 : i32 to index
        %get3A_535 = arith.constant 16 : index
        %get3A_536 = tpu.vector_load %arg8[%get3A_534, %get3A_535] {strides = array<i32>} : memref<512x128xf32, #tpu.memory_space<vmem>>, vector<1x16xf32>,
        %get3A_537 = vector.shape_cast %get3A_536 : vector<1x16xf32> to vector<16xf32>
        %max3A_538 = arith.maximumf %max3A_527, %get3A_537 : vector<16xf32>
        %min3A_539 = arith.minimumf %min3A_528, %get3A_537 : vector<16xf32>
        %add3A_540 = arith.addf %add3A_529, %get3A_537 : vector<16xf32>
        %mul3A_541 = arith.mulf %get3A_537, %get3A_537 : vector<16xf32>
        %add3A_542 = arith.addf %add3A_531, %mul3A_541 : vector<16xf32>
        %add3A_543 = arith.constant 6 : i32
        %add3A_544 = arith.addi %mul3A_260, %add3A_543 : i32
        %get3A_545 = arith.index_cast %add3A_544 : i32 to index
        %get3A_546 = arith.constant 16 : index
        %get3A_547 = tpu.vector_load %arg8[%get3A_545, %get3A_546] {strides = array<i32>} : memref<512x128xf32, #tpu.memory_space<vmem>>, vector<1x16xf32>,
        %get3A_548 = vector.shape_cast %get3A_547 : vector<1x16xf32> to vector<16xf32>
        %max3A_549 = arith.maximumf %max3A_538, %get3A_548 : vector<16xf32>
        %min3A_550 = arith.minimumf %min3A_539, %get3A_548 : vector<16xf32>
        %add3A_551 = arith.addf %add3A_540, %get3A_548 : vector<16xf32>
        %mul3A_552 = arith.mulf %get3A_548, %get3A_548 : vector<16xf32>
        %add3A_553 = arith.addf %add3A_542, %mul3A_552 : vector<16xf32>
        %add3A_554 = arith.constant 7 : i32
        %add3A_555 = arith.addi %mul3A_260, %add3A_554 : i32
        %get3A_556 = arith.index_cast %add3A_555 : i32 to index
        %get3A_557 = arith.constant 16 : index
        %get3A_558 = tpu.vector_load %arg8[%get3A_556, %get3A_557] {strides = array<i32>} : memref<512x128xf32, #tpu.memory_space<vmem>>, vector<1x16xf32>,
        %get3A_559 = vector.shape_cast %get3A_558 : vector<1x16xf32> to vector<16xf32>
        %max3A_560 = arith.maximumf %max3A_549, %get3A_559 : vector<16xf32>
        %min3A_561 = arith.minimumf %min3A_550, %get3A_559 : vector<16xf32>
        %add3A_562 = arith.addf %add3A_551, %get3A_559 : vector<16xf32>
        %mul3A_563 = arith.mulf %get3A_559, %get3A_559 : vector<16xf32>
        %add3A_564 = arith.addf %add3A_553, %mul3A_563 : vector<16xf32>
        %add3A_565 = arith.constant 8 : i32
        %add3A_566 = arith.addi %mul3A_260, %add3A_565 : i32
        %get3A_567 = arith.index_cast %add3A_566 : i32 to index
        %get3A_568 = arith.constant 16 : index
        %get3A_569 = tpu.vector_load %arg8[%get3A_567, %get3A_568] {strides = array<i32>} : memref<512x128xf32, #tpu.memory_space<vmem>>, vector<1x16xf32>,
        %get3A_570 = vector.shape_cast %get3A_569 : vector<1x16xf32> to vector<16xf32>
        %max3A_571 = arith.maximumf %max3A_560, %get3A_570 : vector<16xf32>
        %min3A_572 = arith.minimumf %min3A_561, %get3A_570 : vector<16xf32>
        %add3A_573 = arith.addf %add3A_562, %get3A_570 : vector<16xf32>
        %mul3A_574 = arith.mulf %get3A_570, %get3A_570 : vector<16xf32>
        %add3A_575 = arith.addf %add3A_564, %mul3A_574 : vector<16xf32>
        %add3A_576 = arith.constant 9 : i32
        %add3A_577 = arith.addi %mul3A_260, %add3A_576 : i32
        %get3A_578 = arith.index_cast %add3A_577 : i32 to index
        %get3A_579 = arith.constant 16 : index
        %get3A_580 = tpu.vector_load %arg8[%get3A_578, %get3A_579] {strides = array<i32>} : memref<512x128xf32, #tpu.memory_space<vmem>>, vector<1x16xf32>,
        %get3A_581 = vector.shape_cast %get3A_580 : vector<1x16xf32> to vector<16xf32>
        %max3A_582 = arith.maximumf %max3A_571, %get3A_581 : vector<16xf32>
        %min3A_583 = arith.minimumf %min3A_572, %get3A_581 : vector<16xf32>
        %add3A_584 = arith.addf %add3A_573, %get3A_581 : vector<16xf32>
        %mul3A_585 = arith.mulf %get3A_581, %get3A_581 : vector<16xf32>
        %add3A_586 = arith.addf %add3A_575, %mul3A_585 : vector<16xf32>
        %add3A_587 = arith.constant 10 : i32
        %add3A_588 = arith.addi %mul3A_260, %add3A_587 : i32
        %get3A_589 = arith.index_cast %add3A_588 : i32 to index
        %get3A_590 = arith.constant 16 : index
        %get3A_591 = tpu.vector_load %arg8[%get3A_589, %get3A_590] {strides = array<i32>} : memref<512x128xf32, #tpu.memory_space<vmem>>, vector<1x16xf32>,
        %get3A_592 = vector.shape_cast %get3A_591 : vector<1x16xf32> to vector<16xf32>
        %max3A_593 = arith.maximumf %max3A_582, %get3A_592 : vector<16xf32>
        %min3A_594 = arith.minimumf %min3A_583, %get3A_592 : vector<16xf32>
        %add3A_595 = arith.addf %add3A_584, %get3A_592 : vector<16xf32>
        %mul3A_596 = arith.mulf %get3A_592, %get3A_592 : vector<16xf32>
        %add3A_597 = arith.addf %add3A_586, %mul3A_596 : vector<16xf32>
        %add3A_598 = arith.constant 11 : i32
        %add3A_599 = arith.addi %mul3A_260, %add3A_598 : i32
        %get3A_600 = arith.index_cast %add3A_599 : i32 to index
        %get3A_601 = arith.constant 16 : index
        %get3A_602 = tpu.vector_load %arg8[%get3A_600, %get3A_601] {strides = array<i32>} : memref<512x128xf32, #tpu.memory_space<vmem>>, vector<1x16xf32>,
        %get3A_603 = vector.shape_cast %get3A_602 : vector<1x16xf32> to vector<16xf32>
        %max3A_604 = arith.maximumf %max3A_593, %get3A_603 : vector<16xf32>
        %min3A_605 = arith.minimumf %min3A_594, %get3A_603 : vector<16xf32>
        %add3A_606 = arith.addf %add3A_595, %get3A_603 : vector<16xf32>
        %mul3A_607 = arith.mulf %get3A_603, %get3A_603 : vector<16xf32>
        %add3A_608 = arith.addf %add3A_597, %mul3A_607 : vector<16xf32>
        %add3A_609 = arith.constant 12 : i32
        %add3A_610 = arith.addi %mul3A_260, %add3A_609 : i32
        %get3A_611 = arith.index_cast %add3A_610 : i32 to index
        %get3A_612 = arith.constant 16 : index
        %get3A_613 = tpu.vector_load %arg8[%get3A_611, %get3A_612] {strides = array<i32>} : memref<512x128xf32, #tpu.memory_space<vmem>>, vector<1x16xf32>,
        %get3A_614 = vector.shape_cast %get3A_613 : vector<1x16xf32> to vector<16xf32>
        %max3A_615 = arith.maximumf %max3A_604, %get3A_614 : vector<16xf32>
        %min3A_616 = arith.minimumf %min3A_605, %get3A_614 : vector<16xf32>
        %add3A_617 = arith.addf %add3A_606, %get3A_614 : vector<16xf32>
        %mul3A_618 = arith.mulf %get3A_614, %get3A_614 : vector<16xf32>
        %add3A_619 = arith.addf %add3A_608, %mul3A_618 : vector<16xf32>
        %add3A_620 = arith.constant 13 : i32
        %add3A_621 = arith.addi %mul3A_260, %add3A_620 : i32
        %get3A_622 = arith.index_cast %add3A_621 : i32 to index
        %get3A_623 = arith.constant 16 : index
        %get3A_624 = tpu.vector_load %arg8[%get3A_622, %get3A_623] {strides = array<i32>} : memref<512x128xf32, #tpu.memory_space<vmem>>, vector<1x16xf32>,
        %get3A_625 = vector.shape_cast %get3A_624 : vector<1x16xf32> to vector<16xf32>
        %max3A_626 = arith.maximumf %max3A_615, %get3A_625 : vector<16xf32>
        %min3A_627 = arith.minimumf %min3A_616, %get3A_625 : vector<16xf32>
        %add3A_628 = arith.addf %add3A_617, %get3A_625 : vector<16xf32>
        %mul3A_629 = arith.mulf %get3A_625, %get3A_625 : vector<16xf32>
        %add3A_630 = arith.addf %add3A_619, %mul3A_629 : vector<16xf32>
        %add3A_631 = arith.constant 14 : i32
        %add3A_632 = arith.addi %mul3A_260, %add3A_631 : i32
        %get3A_633 = arith.index_cast %add3A_632 : i32 to index
        %get3A_634 = arith.constant 16 : index
        %get3A_635 = tpu.vector_load %arg8[%get3A_633, %get3A_634] {strides = array<i32>} : memref<512x128xf32, #tpu.memory_space<vmem>>, vector<1x16xf32>,
        %get3A_636 = vector.shape_cast %get3A_635 : vector<1x16xf32> to vector<16xf32>
        %max3A_637 = arith.maximumf %max3A_626, %get3A_636 : vector<16xf32>
        %min3A_638 = arith.minimumf %min3A_627, %get3A_636 : vector<16xf32>
        %add3A_639 = arith.addf %add3A_628, %get3A_636 : vector<16xf32>
        %mul3A_640 = arith.mulf %get3A_636, %get3A_636 : vector<16xf32>
        %add3A_641 = arith.addf %add3A_630, %mul3A_640 : vector<16xf32>
        %add3A_642 = arith.constant 15 : i32
        %add3A_643 = arith.addi %mul3A_260, %add3A_642 : i32
        %get3A_644 = arith.index_cast %add3A_643 : i32 to index
        %get3A_645 = arith.constant 16 : index
        %get3A_646 = tpu.vector_load %arg8[%get3A_644, %get3A_645] {strides = array<i32>} : memref<512x128xf32, #tpu.memory_space<vmem>>, vector<1x16xf32>,
        %get3A_647 = vector.shape_cast %get3A_646 : vector<1x16xf32> to vector<16xf32>
        %max3A_648 = arith.maximumf %max3A_637, %get3A_647 : vector<16xf32>
        %min3A_649 = arith.minimumf %min3A_638, %get3A_647 : vector<16xf32>
        %add3A_650 = arith.addf %add3A_639, %get3A_647 : vector<16xf32>
        %mul3A_651 = arith.mulf %get3A_647, %get3A_647 : vector<16xf32>
        %add3A_652 = arith.addf %add3A_641, %mul3A_651 : vector<16xf32>
        %get3A_653 = arith.index_cast %add3A_258 : i32 to index
        %get3A_654 = arith.constant 80 : index
        %get3A_655 = tpu.vector_load %arg9[%get3A_653, %get3A_654] {strides = array<i32>} : memref<32x128xf32, #tpu.memory_space<vmem>>, vector<1x16xf32>,
        %get3A_656 = vector.shape_cast %get3A_655 : vector<1x16xf32> to vector<16xf32>
        %add3A_657 = arith.addf %max3A_648, %get3A_656 : vector<16xf32>
        %swap3A_658 = arith.index_cast %add3A_258 : i32 to index
        %swap3A_659 = arith.constant 16 : index
        %swap3A_660 = tpu.vector_load %arg10[%swap3A_658, %swap3A_659] {strides = array<i32>} : memref<32x64xf32, #tpu.memory_space<vmem>>, vector<1x16xf32>,
        %swap3A_661 = vector.shape_cast %swap3A_660 : vector<1x16xf32> to vector<16xf32>
        %swap3A_662 = vector.shape_cast %add3A_657 : vector<16xf32> to vector<1x16xf32>
        tpu.vector_store %arg10[%swap3A_658, %swap3A_659], %swap3A_662 {strides = array<i32>} : memref<32x64xf32, #tpu.memory_space<vmem>>, vector<1x16xf32>,
        %add3A_663 = arith.addf %min3A_649, %get3A_656 : vector<16xf32>
        %swap3A_664 = arith.index_cast %add3A_258 : i32 to index
        %swap3A_665 = arith.constant 16 : index
        %swap3A_666 = tpu.vector_load %arg11[%swap3A_664, %swap3A_665] {strides = array<i32>} : memref<32x64xf32, #tpu.memory_space<vmem>>, vector<1x16xf32>,
        %swap3A_667 = vector.shape_cast %swap3A_666 : vector<1x16xf32> to vector<16xf32>
        %swap3A_668 = vector.shape_cast %add3A_663 : vector<16xf32> to vector<1x16xf32>
        tpu.vector_store %arg11[%swap3A_664, %swap3A_665], %swap3A_668 {strides = array<i32>} : memref<32x64xf32, #tpu.memory_space<vmem>>, vector<1x16xf32>,
        %get3A_669 = arith.constant 1 : i32
        %get3A_670 = arith.index_cast %get3A_669 : i32 to index
        %get3A_671 = arith.constant 0 : index
        %get3A_672 = tpu.vector_load %arg12[%get3A_670, %get3A_671] {strides = array<i32>} : memref<8x16xf32, #tpu.memory_space<vmem>>, vector<1x16xf32>,
        %get3A_673 = vector.shape_cast %get3A_672 : vector<1x16xf32> to vector<16xf32>
        %add3A_674 = arith.addf %get3A_673, %add3A_650 : vector<16xf32>
        %mul3A_675 = arith.constant 1.600000e+01 : f32
        %mul3A_676 = vector.broadcast %mul3A_675 : f32 to vector<16xf32>
        %mul3A_677 = arith.mulf %mul3A_676, %get3A_656 : vector<16xf32>
        %add3A_678 = arith.addf %add3A_674, %mul3A_677 : vector<16xf32>
        %swap3A_679 = arith.constant 1 : i32
        %swap3A_680 = arith.index_cast %swap3A_679 : i32 to index
        %swap3A_681 = arith.constant 0 : index
        %swap3A_682 = tpu.vector_load %arg12[%swap3A_680, %swap3A_681] {strides = array<i32>} : memref<8x16xf32, #tpu.memory_space<vmem>>, vector<1x16xf32>,
        %swap3A_683 = vector.shape_cast %swap3A_682 : vector<1x16xf32> to vector<16xf32>
        %swap3A_684 = vector.shape_cast %add3A_678 : vector<16xf32> to vector<1x16xf32>
        tpu.vector_store %arg12[%swap3A_680, %swap3A_681], %swap3A_684 {strides = array<i32>} : memref<8x16xf32, #tpu.memory_space<vmem>>, vector<1x16xf32>,
        %get3A_685 = arith.constant 5 : i32
        %get3A_686 = arith.index_cast %get3A_685 : i32 to index
        %get3A_687 = arith.constant 0 : index
        %get3A_688 = tpu.vector_load %arg12[%get3A_686, %get3A_687] {strides = array<i32>} : memref<8x16xf32, #tpu.memory_space<vmem>>, vector<1x16xf32>,
        %get3A_689 = vector.shape_cast %get3A_688 : vector<1x16xf32> to vector<16xf32>
        %add3A_690 = arith.addf %get3A_689, %add3A_652 : vector<16xf32>
        %mul3A_691 = arith.constant 2.000000e+00 : f32
        %mul3A_692 = vector.broadcast %mul3A_691 : f32 to vector<16xf32>
        %mul3A_693 = arith.mulf %mul3A_692, %get3A_656 : vector<16xf32>
        %mul3A_694 = arith.mulf %mul3A_693, %add3A_650 : vector<16xf32>
        %add3A_695 = arith.addf %add3A_690, %mul3A_694 : vector<16xf32>
        %mul3A_696 = arith.constant 1.600000e+01 : f32
        %mul3A_697 = vector.broadcast %mul3A_696 : f32 to vector<16xf32>
        %mul3A_698 = arith.mulf %mul3A_697, %get3A_656 : vector<16xf32>
        %mul3A_699 = arith.mulf %mul3A_698, %get3A_656 : vector<16xf32>
        %add3A_700 = arith.addf %add3A_695, %mul3A_699 : vector<16xf32>
        %swap3A_701 = arith.constant 5 : i32
        %swap3A_702 = arith.index_cast %swap3A_701 : i32 to index
        %swap3A_703 = arith.constant 0 : index
        %swap3A_704 = tpu.vector_load %arg12[%swap3A_702, %swap3A_703] {strides = array<i32>} : memref<8x16xf32, #tpu.memory_space<vmem>>, vector<1x16xf32>,
        %swap3A_705 = vector.shape_cast %swap3A_704 : vector<1x16xf32> to vector<16xf32>
        %swap3A_706 = vector.shape_cast %add3A_700 : vector<16xf32> to vector<1x16xf32>
        tpu.vector_store %arg12[%swap3A_702, %swap3A_703], %swap3A_706 {strides = array<i32>} : memref<8x16xf32, #tpu.memory_space<vmem>>, vector<1x16xf32>,
        %get3A_707 = arith.index_cast %mul3A_260 : i32 to index
        %get3A_708 = arith.constant 32 : index
        %get3A_709 = tpu.vector_load %arg8[%get3A_707, %get3A_708] {strides = array<i32>} : memref<512x128xf32, #tpu.memory_space<vmem>>, vector<1x16xf32>,
        %get3A_710 = vector.shape_cast %get3A_709 : vector<1x16xf32> to vector<16xf32>
        %mul3A_711 = arith.mulf %get3A_710, %get3A_710 : vector<16xf32>
        %add3A_712 = arith.constant 1 : i32
        %add3A_713 = arith.addi %mul3A_260, %add3A_712 : i32
        %get3A_714 = arith.index_cast %add3A_713 : i32 to index
        %get3A_715 = arith.constant 32 : index
        %get3A_716 = tpu.vector_load %arg8[%get3A_714, %get3A_715] {strides = array<i32>} : memref<512x128xf32, #tpu.memory_space<vmem>>, vector<1x16xf32>,
        %get3A_717 = vector.shape_cast %get3A_716 : vector<1x16xf32> to vector<16xf32>
        %max3A_718 = arith.maximumf %get3A_710, %get3A_717 : vector<16xf32>
        %min3A_719 = arith.minimumf %get3A_710, %get3A_717 : vector<16xf32>
        %add3A_720 = arith.addf %get3A_710, %get3A_717 : vector<16xf32>
        %mul3A_721 = arith.mulf %get3A_717, %get3A_717 : vector<16xf32>
        %add3A_722 = arith.addf %mul3A_711, %mul3A_721 : vector<16xf32>
        %add3A_723 = arith.constant 2 : i32
        %add3A_724 = arith.addi %mul3A_260, %add3A_723 : i32
        %get3A_725 = arith.index_cast %add3A_724 : i32 to index
        %get3A_726 = arith.constant 32 : index
        %get3A_727 = tpu.vector_load %arg8[%get3A_725, %get3A_726] {strides = array<i32>} : memref<512x128xf32, #tpu.memory_space<vmem>>, vector<1x16xf32>,
        %get3A_728 = vector.shape_cast %get3A_727 : vector<1x16xf32> to vector<16xf32>
        %max3A_729 = arith.maximumf %max3A_718, %get3A_728 : vector<16xf32>
        %min3A_730 = arith.minimumf %min3A_719, %get3A_728 : vector<16xf32>
        %add3A_731 = arith.addf %add3A_720, %get3A_728 : vector<16xf32>
        %mul3A_732 = arith.mulf %get3A_728, %get3A_728 : vector<16xf32>
        %add3A_733 = arith.addf %add3A_722, %mul3A_732 : vector<16xf32>
        %add3A_734 = arith.constant 3 : i32
        %add3A_735 = arith.addi %mul3A_260, %add3A_734 : i32
        %get3A_736 = arith.index_cast %add3A_735 : i32 to index
        %get3A_737 = arith.constant 32 : index
        %get3A_738 = tpu.vector_load %arg8[%get3A_736, %get3A_737] {strides = array<i32>} : memref<512x128xf32, #tpu.memory_space<vmem>>, vector<1x16xf32>,
        %get3A_739 = vector.shape_cast %get3A_738 : vector<1x16xf32> to vector<16xf32>
        %max3A_740 = arith.maximumf %max3A_729, %get3A_739 : vector<16xf32>
        %min3A_741 = arith.minimumf %min3A_730, %get3A_739 : vector<16xf32>
        %add3A_742 = arith.addf %add3A_731, %get3A_739 : vector<16xf32>
        %mul3A_743 = arith.mulf %get3A_739, %get3A_739 : vector<16xf32>
        %add3A_744 = arith.addf %add3A_733, %mul3A_743 : vector<16xf32>
        %add3A_745 = arith.constant 4 : i32
        %add3A_746 = arith.addi %mul3A_260, %add3A_745 : i32
        %get3A_747 = arith.index_cast %add3A_746 : i32 to index
        %get3A_748 = arith.constant 32 : index
        %get3A_749 = tpu.vector_load %arg8[%get3A_747, %get3A_748] {strides = array<i32>} : memref<512x128xf32, #tpu.memory_space<vmem>>, vector<1x16xf32>,
        %get3A_750 = vector.shape_cast %get3A_749 : vector<1x16xf32> to vector<16xf32>
        %max3A_751 = arith.maximumf %max3A_740, %get3A_750 : vector<16xf32>
        %min3A_752 = arith.minimumf %min3A_741, %get3A_750 : vector<16xf32>
        %add3A_753 = arith.addf %add3A_742, %get3A_750 : vector<16xf32>
        %mul3A_754 = arith.mulf %get3A_750, %get3A_750 : vector<16xf32>
        %add3A_755 = arith.addf %add3A_744, %mul3A_754 : vector<16xf32>
        %add3A_756 = arith.constant 5 : i32
        %add3A_757 = arith.addi %mul3A_260, %add3A_756 : i32
        %get3A_758 = arith.index_cast %add3A_757 : i32 to index
        %get3A_759 = arith.constant 32 : index
        %get3A_760 = tpu.vector_load %arg8[%get3A_758, %get3A_759] {strides = array<i32>} : memref<512x128xf32, #tpu.memory_space<vmem>>, vector<1x16xf32>,
        %get3A_761 = vector.shape_cast %get3A_760 : vector<1x16xf32> to vector<16xf32>
        %max3A_762 = arith.maximumf %max3A_751, %get3A_761 : vector<16xf32>
        %min3A_763 = arith.minimumf %min3A_752, %get3A_761 : vector<16xf32>
        %add3A_764 = arith.addf %add3A_753, %get3A_761 : vector<16xf32>
        %mul3A_765 = arith.mulf %get3A_761, %get3A_761 : vector<16xf32>
        %add3A_766 = arith.addf %add3A_755, %mul3A_765 : vector<16xf32>
        %add3A_767 = arith.constant 6 : i32
        %add3A_768 = arith.addi %mul3A_260, %add3A_767 : i32
        %get3A_769 = arith.index_cast %add3A_768 : i32 to index
        %get3A_770 = arith.constant 32 : index
        %get3A_771 = tpu.vector_load %arg8[%get3A_769, %get3A_770] {strides = array<i32>} : memref<512x128xf32, #tpu.memory_space<vmem>>, vector<1x16xf32>,
        %get3A_772 = vector.shape_cast %get3A_771 : vector<1x16xf32> to vector<16xf32>
        %max3A_773 = arith.maximumf %max3A_762, %get3A_772 : vector<16xf32>
        %min3A_774 = arith.minimumf %min3A_763, %get3A_772 : vector<16xf32>
        %add3A_775 = arith.addf %add3A_764, %get3A_772 : vector<16xf32>
        %mul3A_776 = arith.mulf %get3A_772, %get3A_772 : vector<16xf32>
        %add3A_777 = arith.addf %add3A_766, %mul3A_776 : vector<16xf32>
        %add3A_778 = arith.constant 7 : i32
        %add3A_779 = arith.addi %mul3A_260, %add3A_778 : i32
        %get3A_780 = arith.index_cast %add3A_779 : i32 to index
        %get3A_781 = arith.constant 32 : index
        %get3A_782 = tpu.vector_load %arg8[%get3A_780, %get3A_781] {strides = array<i32>} : memref<512x128xf32, #tpu.memory_space<vmem>>, vector<1x16xf32>,
        %get3A_783 = vector.shape_cast %get3A_782 : vector<1x16xf32> to vector<16xf32>
        %max3A_784 = arith.maximumf %max3A_773, %get3A_783 : vector<16xf32>
        %min3A_785 = arith.minimumf %min3A_774, %get3A_783 : vector<16xf32>
        %add3A_786 = arith.addf %add3A_775, %get3A_783 : vector<16xf32>
        %mul3A_787 = arith.mulf %get3A_783, %get3A_783 : vector<16xf32>
        %add3A_788 = arith.addf %add3A_777, %mul3A_787 : vector<16xf32>
        %add3A_789 = arith.constant 8 : i32
        %add3A_790 = arith.addi %mul3A_260, %add3A_789 : i32
        %get3A_791 = arith.index_cast %add3A_790 : i32 to index
        %get3A_792 = arith.constant 32 : index
        %get3A_793 = tpu.vector_load %arg8[%get3A_791, %get3A_792] {strides = array<i32>} : memref<512x128xf32, #tpu.memory_space<vmem>>, vector<1x16xf32>,
        %get3A_794 = vector.shape_cast %get3A_793 : vector<1x16xf32> to vector<16xf32>
        %max3A_795 = arith.maximumf %max3A_784, %get3A_794 : vector<16xf32>
        %min3A_796 = arith.minimumf %min3A_785, %get3A_794 : vector<16xf32>
        %add3A_797 = arith.addf %add3A_786, %get3A_794 : vector<16xf32>
        %mul3A_798 = arith.mulf %get3A_794, %get3A_794 : vector<16xf32>
        %add3A_799 = arith.addf %add3A_788, %mul3A_798 : vector<16xf32>
        %add3A_800 = arith.constant 9 : i32
        %add3A_801 = arith.addi %mul3A_260, %add3A_800 : i32
        %get3A_802 = arith.index_cast %add3A_801 : i32 to index
        %get3A_803 = arith.constant 32 : index
        %get3A_804 = tpu.vector_load %arg8[%get3A_802, %get3A_803] {strides = array<i32>} : memref<512x128xf32, #tpu.memory_space<vmem>>, vector<1x16xf32>,
        %get3A_805 = vector.shape_cast %get3A_804 : vector<1x16xf32> to vector<16xf32>
        %max3A_806 = arith.maximumf %max3A_795, %get3A_805 : vector<16xf32>
        %min3A_807 = arith.minimumf %min3A_796, %get3A_805 : vector<16xf32>
        %add3A_808 = arith.addf %add3A_797, %get3A_805 : vector<16xf32>
        %mul3A_809 = arith.mulf %get3A_805, %get3A_805 : vector<16xf32>
        %add3A_810 = arith.addf %add3A_799, %mul3A_809 : vector<16xf32>
        %add3A_811 = arith.constant 10 : i32
        %add3A_812 = arith.addi %mul3A_260, %add3A_811 : i32
        %get3A_813 = arith.index_cast %add3A_812 : i32 to index
        %get3A_814 = arith.constant 32 : index
        %get3A_815 = tpu.vector_load %arg8[%get3A_813, %get3A_814] {strides = array<i32>} : memref<512x128xf32, #tpu.memory_space<vmem>>, vector<1x16xf32>,
        %get3A_816 = vector.shape_cast %get3A_815 : vector<1x16xf32> to vector<16xf32>
        %max3A_817 = arith.maximumf %max3A_806, %get3A_816 : vector<16xf32>
        %min3A_818 = arith.minimumf %min3A_807, %get3A_816 : vector<16xf32>
        %add3A_819 = arith.addf %add3A_808, %get3A_816 : vector<16xf32>
        %mul3A_820 = arith.mulf %get3A_816, %get3A_816 : vector<16xf32>
        %add3A_821 = arith.addf %add3A_810, %mul3A_820 : vector<16xf32>
        %add3A_822 = arith.constant 11 : i32
        %add3A_823 = arith.addi %mul3A_260, %add3A_822 : i32
        %get3A_824 = arith.index_cast %add3A_823 : i32 to index
        %get3A_825 = arith.constant 32 : index
        %get3A_826 = tpu.vector_load %arg8[%get3A_824, %get3A_825] {strides = array<i32>} : memref<512x128xf32, #tpu.memory_space<vmem>>, vector<1x16xf32>,
        %get3A_827 = vector.shape_cast %get3A_826 : vector<1x16xf32> to vector<16xf32>
        %max3A_828 = arith.maximumf %max3A_817, %get3A_827 : vector<16xf32>
        %min3A_829 = arith.minimumf %min3A_818, %get3A_827 : vector<16xf32>
        %add3A_830 = arith.addf %add3A_819, %get3A_827 : vector<16xf32>
        %mul3A_831 = arith.mulf %get3A_827, %get3A_827 : vector<16xf32>
        %add3A_832 = arith.addf %add3A_821, %mul3A_831 : vector<16xf32>
        %add3A_833 = arith.constant 12 : i32
        %add3A_834 = arith.addi %mul3A_260, %add3A_833 : i32
        %get3A_835 = arith.index_cast %add3A_834 : i32 to index
        %get3A_836 = arith.constant 32 : index
        %get3A_837 = tpu.vector_load %arg8[%get3A_835, %get3A_836] {strides = array<i32>} : memref<512x128xf32, #tpu.memory_space<vmem>>, vector<1x16xf32>,
        %get3A_838 = vector.shape_cast %get3A_837 : vector<1x16xf32> to vector<16xf32>
        %max3A_839 = arith.maximumf %max3A_828, %get3A_838 : vector<16xf32>
        %min3A_840 = arith.minimumf %min3A_829, %get3A_838 : vector<16xf32>
        %add3A_841 = arith.addf %add3A_830, %get3A_838 : vector<16xf32>
        %mul3A_842 = arith.mulf %get3A_838, %get3A_838 : vector<16xf32>
        %add3A_843 = arith.addf %add3A_832, %mul3A_842 : vector<16xf32>
        %add3A_844 = arith.constant 13 : i32
        %add3A_845 = arith.addi %mul3A_260, %add3A_844 : i32
        %get3A_846 = arith.index_cast %add3A_845 : i32 to index
        %get3A_847 = arith.constant 32 : index
        %get3A_848 = tpu.vector_load %arg8[%get3A_846, %get3A_847] {strides = array<i32>} : memref<512x128xf32, #tpu.memory_space<vmem>>, vector<1x16xf32>,
        %get3A_849 = vector.shape_cast %get3A_848 : vector<1x16xf32> to vector<16xf32>
        %max3A_850 = arith.maximumf %max3A_839, %get3A_849 : vector<16xf32>
        %min3A_851 = arith.minimumf %min3A_840, %get3A_849 : vector<16xf32>
        %add3A_852 = arith.addf %add3A_841, %get3A_849 : vector<16xf32>
        %mul3A_853 = arith.mulf %get3A_849, %get3A_849 : vector<16xf32>
        %add3A_854 = arith.addf %add3A_843, %mul3A_853 : vector<16xf32>
        %add3A_855 = arith.constant 14 : i32
        %add3A_856 = arith.addi %mul3A_260, %add3A_855 : i32
        %get3A_857 = arith.index_cast %add3A_856 : i32 to index
        %get3A_858 = arith.constant 32 : index
        %get3A_859 = tpu.vector_load %arg8[%get3A_857, %get3A_858] {strides = array<i32>} : memref<512x128xf32, #tpu.memory_space<vmem>>, vector<1x16xf32>,
        %get3A_860 = vector.shape_cast %get3A_859 : vector<1x16xf32> to vector<16xf32>
        %max3A_861 = arith.maximumf %max3A_850, %get3A_860 : vector<16xf32>
        %min3A_862 = arith.minimumf %min3A_851, %get3A_860 : vector<16xf32>
        %add3A_863 = arith.addf %add3A_852, %get3A_860 : vector<16xf32>
        %mul3A_864 = arith.mulf %get3A_860, %get3A_860 : vector<16xf32>
        %add3A_865 = arith.addf %add3A_854, %mul3A_864 : vector<16xf32>
        %add3A_866 = arith.constant 15 : i32
        %add3A_867 = arith.addi %mul3A_260, %add3A_866 : i32
        %get3A_868 = arith.index_cast %add3A_867 : i32 to index
        %get3A_869 = arith.constant 32 : index
        %get3A_870 = tpu.vector_load %arg8[%get3A_868, %get3A_869] {strides = array<i32>} : memref<512x128xf32, #tpu.memory_space<vmem>>, vector<1x16xf32>,
        %get3A_871 = vector.shape_cast %get3A_870 : vector<1x16xf32> to vector<16xf32>
        %max3A_872 = arith.maximumf %max3A_861, %get3A_871 : vector<16xf32>
        %min3A_873 = arith.minimumf %min3A_862, %get3A_871 : vector<16xf32>
        %add3A_874 = arith.addf %add3A_863, %get3A_871 : vector<16xf32>
        %mul3A_875 = arith.mulf %get3A_871, %get3A_871 : vector<16xf32>
        %add3A_876 = arith.addf %add3A_865, %mul3A_875 : vector<16xf32>
        %get3A_877 = arith.index_cast %add3A_258 : i32 to index
        %get3A_878 = arith.constant 96 : index
        %get3A_879 = tpu.vector_load %arg9[%get3A_877, %get3A_878] {strides = array<i32>} : memref<32x128xf32, #tpu.memory_space<vmem>>, vector<1x16xf32>,
        %get3A_880 = vector.shape_cast %get3A_879 : vector<1x16xf32> to vector<16xf32>
        %add3A_881 = arith.addf %max3A_872, %get3A_880 : vector<16xf32>
        %swap3A_882 = arith.index_cast %add3A_258 : i32 to index
        %swap3A_883 = arith.constant 32 : index
        %swap3A_884 = tpu.vector_load %arg10[%swap3A_882, %swap3A_883] {strides = array<i32>} : memref<32x64xf32, #tpu.memory_space<vmem>>, vector<1x16xf32>,
        %swap3A_885 = vector.shape_cast %swap3A_884 : vector<1x16xf32> to vector<16xf32>
        %swap3A_886 = vector.shape_cast %add3A_881 : vector<16xf32> to vector<1x16xf32>
        tpu.vector_store %arg10[%swap3A_882, %swap3A_883], %swap3A_886 {strides = array<i32>} : memref<32x64xf32, #tpu.memory_space<vmem>>, vector<1x16xf32>,
        %add3A_887 = arith.addf %min3A_873, %get3A_880 : vector<16xf32>
        %swap3A_888 = arith.index_cast %add3A_258 : i32 to index
        %swap3A_889 = arith.constant 32 : index
        %swap3A_890 = tpu.vector_load %arg11[%swap3A_888, %swap3A_889] {strides = array<i32>} : memref<32x64xf32, #tpu.memory_space<vmem>>, vector<1x16xf32>,
        %swap3A_891 = vector.shape_cast %swap3A_890 : vector<1x16xf32> to vector<16xf32>
        %swap3A_892 = vector.shape_cast %add3A_887 : vector<16xf32> to vector<1x16xf32>
        tpu.vector_store %arg11[%swap3A_888, %swap3A_889], %swap3A_892 {strides = array<i32>} : memref<32x64xf32, #tpu.memory_space<vmem>>, vector<1x16xf32>,
        %get3A_893 = arith.constant 2 : i32
        %get3A_894 = arith.index_cast %get3A_893 : i32 to index
        %get3A_895 = arith.constant 0 : index
        %get3A_896 = tpu.vector_load %arg12[%get3A_894, %get3A_895] {strides = array<i32>} : memref<8x16xf32, #tpu.memory_space<vmem>>, vector<1x16xf32>,
        %get3A_897 = vector.shape_cast %get3A_896 : vector<1x16xf32> to vector<16xf32>
        %add3A_898 = arith.addf %get3A_897, %add3A_874 : vector<16xf32>
        %mul3A_899 = arith.constant 1.600000e+01 : f32
        %mul3A_900 = vector.broadcast %mul3A_899 : f32 to vector<16xf32>
        %mul3A_901 = arith.mulf %mul3A_900, %get3A_880 : vector<16xf32>
        %add3A_902 = arith.addf %add3A_898, %mul3A_901 : vector<16xf32>
        %swap3A_903 = arith.constant 2 : i32
        %swap3A_904 = arith.index_cast %swap3A_903 : i32 to index
        %swap3A_905 = arith.constant 0 : index
        %swap3A_906 = tpu.vector_load %arg12[%swap3A_904, %swap3A_905] {strides = array<i32>} : memref<8x16xf32, #tpu.memory_space<vmem>>, vector<1x16xf32>,
        %swap3A_907 = vector.shape_cast %swap3A_906 : vector<1x16xf32> to vector<16xf32>
        %swap3A_908 = vector.shape_cast %add3A_902 : vector<16xf32> to vector<1x16xf32>
        tpu.vector_store %arg12[%swap3A_904, %swap3A_905], %swap3A_908 {strides = array<i32>} : memref<8x16xf32, #tpu.memory_space<vmem>>, vector<1x16xf32>,
        %get3A_909 = arith.constant 6 : i32
        %get3A_910 = arith.index_cast %get3A_909 : i32 to index
        %get3A_911 = arith.constant 0 : index
        %get3A_912 = tpu.vector_load %arg12[%get3A_910, %get3A_911] {strides = array<i32>} : memref<8x16xf32, #tpu.memory_space<vmem>>, vector<1x16xf32>,
        %get3A_913 = vector.shape_cast %get3A_912 : vector<1x16xf32> to vector<16xf32>
        %add3A_914 = arith.addf %get3A_913, %add3A_876 : vector<16xf32>
        %mul3A_915 = arith.constant 2.000000e+00 : f32
        %mul3A_916 = vector.broadcast %mul3A_915 : f32 to vector<16xf32>
        %mul3A_917 = arith.mulf %mul3A_916, %get3A_880 : vector<16xf32>
        %mul3A_918 = arith.mulf %mul3A_917, %add3A_874 : vector<16xf32>
        %add3A_919 = arith.addf %add3A_914, %mul3A_918 : vector<16xf32>
        %mul3A_920 = arith.constant 1.600000e+01 : f32
        %mul3A_921 = vector.broadcast %mul3A_920 : f32 to vector<16xf32>
        %mul3A_922 = arith.mulf %mul3A_921, %get3A_880 : vector<16xf32>
        %mul3A_923 = arith.mulf %mul3A_922, %get3A_880 : vector<16xf32>
        %add3A_924 = arith.addf %add3A_919, %mul3A_923 : vector<16xf32>
        %swap3A_925 = arith.constant 6 : i32
        %swap3A_926 = arith.index_cast %swap3A_925 : i32 to index
        %swap3A_927 = arith.constant 0 : index
        %swap3A_928 = tpu.vector_load %arg12[%swap3A_926, %swap3A_927] {strides = array<i32>} : memref<8x16xf32, #tpu.memory_space<vmem>>, vector<1x16xf32>,
        %swap3A_929 = vector.shape_cast %swap3A_928 : vector<1x16xf32> to vector<16xf32>
        %swap3A_930 = vector.shape_cast %add3A_924 : vector<16xf32> to vector<1x16xf32>
        tpu.vector_store %arg12[%swap3A_926, %swap3A_927], %swap3A_930 {strides = array<i32>} : memref<8x16xf32, #tpu.memory_space<vmem>>, vector<1x16xf32>,
        %get3A_931 = arith.index_cast %mul3A_260 : i32 to index
        %get3A_932 = arith.constant 48 : index
        %get3A_933 = tpu.vector_load %arg8[%get3A_931, %get3A_932] {strides = array<i32>} : memref<512x128xf32, #tpu.memory_space<vmem>>, vector<1x16xf32>,
        %get3A_934 = vector.shape_cast %get3A_933 : vector<1x16xf32> to vector<16xf32>
        %mul3A_935 = arith.mulf %get3A_934, %get3A_934 : vector<16xf32>
        %add3A_936 = arith.constant 1 : i32
        %add3A_937 = arith.addi %mul3A_260, %add3A_936 : i32
        %get3A_938 = arith.index_cast %add3A_937 : i32 to index
        %get3A_939 = arith.constant 48 : index
        %get3A_940 = tpu.vector_load %arg8[%get3A_938, %get3A_939] {strides = array<i32>} : memref<512x128xf32, #tpu.memory_space<vmem>>, vector<1x16xf32>,
        %get3A_941 = vector.shape_cast %get3A_940 : vector<1x16xf32> to vector<16xf32>
        %max3A_942 = arith.maximumf %get3A_934, %get3A_941 : vector<16xf32>
        %min3A_943 = arith.minimumf %get3A_934, %get3A_941 : vector<16xf32>
        %add3A_944 = arith.addf %get3A_934, %get3A_941 : vector<16xf32>
        %mul3A_945 = arith.mulf %get3A_941, %get3A_941 : vector<16xf32>
        %add3A_946 = arith.addf %mul3A_935, %mul3A_945 : vector<16xf32>
        %add3A_947 = arith.constant 2 : i32
        %add3A_948 = arith.addi %mul3A_260, %add3A_947 : i32
        %get3A_949 = arith.index_cast %add3A_948 : i32 to index
        %get3A_950 = arith.constant 48 : index
        %get3A_951 = tpu.vector_load %arg8[%get3A_949, %get3A_950] {strides = array<i32>} : memref<512x128xf32, #tpu.memory_space<vmem>>, vector<1x16xf32>,
        %get3A_952 = vector.shape_cast %get3A_951 : vector<1x16xf32> to vector<16xf32>
        %max3A_953 = arith.maximumf %max3A_942, %get3A_952 : vector<16xf32>
        %min3A_954 = arith.minimumf %min3A_943, %get3A_952 : vector<16xf32>
        %add3A_955 = arith.addf %add3A_944, %get3A_952 : vector<16xf32>
        %mul3A_956 = arith.mulf %get3A_952, %get3A_952 : vector<16xf32>
        %add3A_957 = arith.addf %add3A_946, %mul3A_956 : vector<16xf32>
        %add3A_958 = arith.constant 3 : i32
        %add3A_959 = arith.addi %mul3A_260, %add3A_958 : i32
        %get3A_960 = arith.index_cast %add3A_959 : i32 to index
        %get3A_961 = arith.constant 48 : index
        %get3A_962 = tpu.vector_load %arg8[%get3A_960, %get3A_961] {strides = array<i32>} : memref<512x128xf32, #tpu.memory_space<vmem>>, vector<1x16xf32>,
        %get3A_963 = vector.shape_cast %get3A_962 : vector<1x16xf32> to vector<16xf32>
        %max3A_964 = arith.maximumf %max3A_953, %get3A_963 : vector<16xf32>
        %min3A_965 = arith.minimumf %min3A_954, %get3A_963 : vector<16xf32>
        %add3A_966 = arith.addf %add3A_955, %get3A_963 : vector<16xf32>
        %mul3A_967 = arith.mulf %get3A_963, %get3A_963 : vector<16xf32>
        %add3A_968 = arith.addf %add3A_957, %mul3A_967 : vector<16xf32>
        %add3A_969 = arith.constant 4 : i32
        %add3A_970 = arith.addi %mul3A_260, %add3A_969 : i32
        %get3A_971 = arith.index_cast %add3A_970 : i32 to index
        %get3A_972 = arith.constant 48 : index
        %get3A_973 = tpu.vector_load %arg8[%get3A_971, %get3A_972] {strides = array<i32>} : memref<512x128xf32, #tpu.memory_space<vmem>>, vector<1x16xf32>,
        %get3A_974 = vector.shape_cast %get3A_973 : vector<1x16xf32> to vector<16xf32>
        %max3A_975 = arith.maximumf %max3A_964, %get3A_974 : vector<16xf32>
        %min3A_976 = arith.minimumf %min3A_965, %get3A_974 : vector<16xf32>
        %add3A_977 = arith.addf %add3A_966, %get3A_974 : vector<16xf32>
        %mul3A_978 = arith.mulf %get3A_974, %get3A_974 : vector<16xf32>
        %add3A_979 = arith.addf %add3A_968, %mul3A_978 : vector<16xf32>
        %add3A_980 = arith.constant 5 : i32
        %add3A_981 = arith.addi %mul3A_260, %add3A_980 : i32
        %get3A_982 = arith.index_cast %add3A_981 : i32 to index
        %get3A_983 = arith.constant 48 : index
        %get3A_984 = tpu.vector_load %arg8[%get3A_982, %get3A_983] {strides = array<i32>} : memref<512x128xf32, #tpu.memory_space<vmem>>, vector<1x16xf32>,
        %get3A_985 = vector.shape_cast %get3A_984 : vector<1x16xf32> to vector<16xf32>
        %max3A_986 = arith.maximumf %max3A_975, %get3A_985 : vector<16xf32>
        %min3A_987 = arith.minimumf %min3A_976, %get3A_985 : vector<16xf32>
        %add3A_988 = arith.addf %add3A_977, %get3A_985 : vector<16xf32>
        %mul3A_989 = arith.mulf %get3A_985, %get3A_985 : vector<16xf32>
        %add3A_990 = arith.addf %add3A_979, %mul3A_989 : vector<16xf32>
        %add3A_991 = arith.constant 6 : i32
        %add3A_992 = arith.addi %mul3A_260, %add3A_991 : i32
        %get3A_993 = arith.index_cast %add3A_992 : i32 to index
        %get3A_994 = arith.constant 48 : index
        %get3A_995 = tpu.vector_load %arg8[%get3A_993, %get3A_994] {strides = array<i32>} : memref<512x128xf32, #tpu.memory_space<vmem>>, vector<1x16xf32>,
        %get3A_996 = vector.shape_cast %get3A_995 : vector<1x16xf32> to vector<16xf32>
        %max3A_997 = arith.maximumf %max3A_986, %get3A_996 : vector<16xf32>
        %min3A_998 = arith.minimumf %min3A_987, %get3A_996 : vector<16xf32>
        %add3A_999 = arith.addf %add3A_988, %get3A_996 : vector<16xf32>
        %mul3A_1000 = arith.mulf %get3A_996, %get3A_996 : vector<16xf32>
        %add3A_1001 = arith.addf %add3A_990, %mul3A_1000 : vector<16xf32>
        %add3A_1002 = arith.constant 7 : i32
        %add3A_1003 = arith.addi %mul3A_260, %add3A_1002 : i32
        %get3A_1004 = arith.index_cast %add3A_1003 : i32 to index
        %get3A_1005 = arith.constant 48 : index
        %get3A_1006 = tpu.vector_load %arg8[%get3A_1004, %get3A_1005] {strides = array<i32>} : memref<512x128xf32, #tpu.memory_space<vmem>>, vector<1x16xf32>,
        %get3A_1007 = vector.shape_cast %get3A_1006 : vector<1x16xf32> to vector<16xf32>
        %max3A_1008 = arith.maximumf %max3A_997, %get3A_1007 : vector<16xf32>
        %min3A_1009 = arith.minimumf %min3A_998, %get3A_1007 : vector<16xf32>
        %add3A_1010 = arith.addf %add3A_999, %get3A_1007 : vector<16xf32>
        %mul3A_1011 = arith.mulf %get3A_1007, %get3A_1007 : vector<16xf32>
        %add3A_1012 = arith.addf %add3A_1001, %mul3A_1011 : vector<16xf32>
        %add3A_1013 = arith.constant 8 : i32
        %add3A_1014 = arith.addi %mul3A_260, %add3A_1013 : i32
        %get3A_1015 = arith.index_cast %add3A_1014 : i32 to index
        %get3A_1016 = arith.constant 48 : index
        %get3A_1017 = tpu.vector_load %arg8[%get3A_1015, %get3A_1016] {strides = array<i32>} : memref<512x128xf32, #tpu.memory_space<vmem>>, vector<1x16xf32>,
        %get3A_1018 = vector.shape_cast %get3A_1017 : vector<1x16xf32> to vector<16xf32>
        %max3A_1019 = arith.maximumf %max3A_1008, %get3A_1018 : vector<16xf32>
        %min3A_1020 = arith.minimumf %min3A_1009, %get3A_1018 : vector<16xf32>
        %add3A_1021 = arith.addf %add3A_1010, %get3A_1018 : vector<16xf32>
        %mul3A_1022 = arith.mulf %get3A_1018, %get3A_1018 : vector<16xf32>
        %add3A_1023 = arith.addf %add3A_1012, %mul3A_1022 : vector<16xf32>
        %add3A_1024 = arith.constant 9 : i32
        %add3A_1025 = arith.addi %mul3A_260, %add3A_1024 : i32
        %get3A_1026 = arith.index_cast %add3A_1025 : i32 to index
        %get3A_1027 = arith.constant 48 : index
        %get3A_1028 = tpu.vector_load %arg8[%get3A_1026, %get3A_1027] {strides = array<i32>} : memref<512x128xf32, #tpu.memory_space<vmem>>, vector<1x16xf32>,
        %get3A_1029 = vector.shape_cast %get3A_1028 : vector<1x16xf32> to vector<16xf32>
        %max3A_1030 = arith.maximumf %max3A_1019, %get3A_1029 : vector<16xf32>
        %min3A_1031 = arith.minimumf %min3A_1020, %get3A_1029 : vector<16xf32>
        %add3A_1032 = arith.addf %add3A_1021, %get3A_1029 : vector<16xf32>
        %mul3A_1033 = arith.mulf %get3A_1029, %get3A_1029 : vector<16xf32>
        %add3A_1034 = arith.addf %add3A_1023, %mul3A_1033 : vector<16xf32>
        %add3A_1035 = arith.constant 10 : i32
        %add3A_1036 = arith.addi %mul3A_260, %add3A_1035 : i32
        %get3A_1037 = arith.index_cast %add3A_1036 : i32 to index
        %get3A_1038 = arith.constant 48 : index
        %get3A_1039 = tpu.vector_load %arg8[%get3A_1037, %get3A_1038] {strides = array<i32>} : memref<512x128xf32, #tpu.memory_space<vmem>>, vector<1x16xf32>,
        %get3A_1040 = vector.shape_cast %get3A_1039 : vector<1x16xf32> to vector<16xf32>
        %max3A_1041 = arith.maximumf %max3A_1030, %get3A_1040 : vector<16xf32>
        %min3A_1042 = arith.minimumf %min3A_1031, %get3A_1040 : vector<16xf32>
        %add3A_1043 = arith.addf %add3A_1032, %get3A_1040 : vector<16xf32>
        %mul3A_1044 = arith.mulf %get3A_1040, %get3A_1040 : vector<16xf32>
        %add3A_1045 = arith.addf %add3A_1034, %mul3A_1044 : vector<16xf32>
        %add3A_1046 = arith.constant 11 : i32
        %add3A_1047 = arith.addi %mul3A_260, %add3A_1046 : i32
        %get3A_1048 = arith.index_cast %add3A_1047 : i32 to index
        %get3A_1049 = arith.constant 48 : index
        %get3A_1050 = tpu.vector_load %arg8[%get3A_1048, %get3A_1049] {strides = array<i32>} : memref<512x128xf32, #tpu.memory_space<vmem>>, vector<1x16xf32>,
        %get3A_1051 = vector.shape_cast %get3A_1050 : vector<1x16xf32> to vector<16xf32>
        %max3A_1052 = arith.maximumf %max3A_1041, %get3A_1051 : vector<16xf32>
        %min3A_1053 = arith.minimumf %min3A_1042, %get3A_1051 : vector<16xf32>
        %add3A_1054 = arith.addf %add3A_1043, %get3A_1051 : vector<16xf32>
        %mul3A_1055 = arith.mulf %get3A_1051, %get3A_1051 : vector<16xf32>
        %add3A_1056 = arith.addf %add3A_1045, %mul3A_1055 : vector<16xf32>
        %add3A_1057 = arith.constant 12 : i32
        %add3A_1058 = arith.addi %mul3A_260, %add3A_1057 : i32
        %get3A_1059 = arith.index_cast %add3A_1058 : i32 to index
        %get3A_1060 = arith.constant 48 : index
        %get3A_1061 = tpu.vector_load %arg8[%get3A_1059, %get3A_1060] {strides = array<i32>} : memref<512x128xf32, #tpu.memory_space<vmem>>, vector<1x16xf32>,
        %get3A_1062 = vector.shape_cast %get3A_1061 : vector<1x16xf32> to vector<16xf32>
        %max3A_1063 = arith.maximumf %max3A_1052, %get3A_1062 : vector<16xf32>
        %min3A_1064 = arith.minimumf %min3A_1053, %get3A_1062 : vector<16xf32>
        %add3A_1065 = arith.addf %add3A_1054, %get3A_1062 : vector<16xf32>
        %mul3A_1066 = arith.mulf %get3A_1062, %get3A_1062 : vector<16xf32>
        %add3A_1067 = arith.addf %add3A_1056, %mul3A_1066 : vector<16xf32>
        %add3A_1068 = arith.constant 13 : i32
        %add3A_1069 = arith.addi %mul3A_260, %add3A_1068 : i32
        %get3A_1070 = arith.index_cast %add3A_1069 : i32 to index
        %get3A_1071 = arith.constant 48 : index
        %get3A_1072 = tpu.vector_load %arg8[%get3A_1070, %get3A_1071] {strides = array<i32>} : memref<512x128xf32, #tpu.memory_space<vmem>>, vector<1x16xf32>,
        %get3A_1073 = vector.shape_cast %get3A_1072 : vector<1x16xf32> to vector<16xf32>
        %max3A_1074 = arith.maximumf %max3A_1063, %get3A_1073 : vector<16xf32>
        %min3A_1075 = arith.minimumf %min3A_1064, %get3A_1073 : vector<16xf32>
        %add3A_1076 = arith.addf %add3A_1065, %get3A_1073 : vector<16xf32>
        %mul3A_1077 = arith.mulf %get3A_1073, %get3A_1073 : vector<16xf32>
        %add3A_1078 = arith.addf %add3A_1067, %mul3A_1077 : vector<16xf32>
        %add3A_1079 = arith.constant 14 : i32
        %add3A_1080 = arith.addi %mul3A_260, %add3A_1079 : i32
        %get3A_1081 = arith.index_cast %add3A_1080 : i32 to index
        %get3A_1082 = arith.constant 48 : index
        %get3A_1083 = tpu.vector_load %arg8[%get3A_1081, %get3A_1082] {strides = array<i32>} : memref<512x128xf32, #tpu.memory_space<vmem>>, vector<1x16xf32>,
        %get3A_1084 = vector.shape_cast %get3A_1083 : vector<1x16xf32> to vector<16xf32>
        %max3A_1085 = arith.maximumf %max3A_1074, %get3A_1084 : vector<16xf32>
        %min3A_1086 = arith.minimumf %min3A_1075, %get3A_1084 : vector<16xf32>
        %add3A_1087 = arith.addf %add3A_1076, %get3A_1084 : vector<16xf32>
        %mul3A_1088 = arith.mulf %get3A_1084, %get3A_1084 : vector<16xf32>
        %add3A_1089 = arith.addf %add3A_1078, %mul3A_1088 : vector<16xf32>
        %add3A_1090 = arith.constant 15 : i32
        %add3A_1091 = arith.addi %mul3A_260, %add3A_1090 : i32
        %get3A_1092 = arith.index_cast %add3A_1091 : i32 to index
        %get3A_1093 = arith.constant 48 : index
        %get3A_1094 = tpu.vector_load %arg8[%get3A_1092, %get3A_1093] {strides = array<i32>} : memref<512x128xf32, #tpu.memory_space<vmem>>, vector<1x16xf32>,
        %get3A_1095 = vector.shape_cast %get3A_1094 : vector<1x16xf32> to vector<16xf32>
        %max3A_1096 = arith.maximumf %max3A_1085, %get3A_1095 : vector<16xf32>
        %min3A_1097 = arith.minimumf %min3A_1086, %get3A_1095 : vector<16xf32>
        %add3A_1098 = arith.addf %add3A_1087, %get3A_1095 : vector<16xf32>
        %mul3A_1099 = arith.mulf %get3A_1095, %get3A_1095 : vector<16xf32>
        %add3A_1100 = arith.addf %add3A_1089, %mul3A_1099 : vector<16xf32>
        %get3A_1101 = arith.index_cast %add3A_258 : i32 to index
        %get3A_1102 = arith.constant 112 : index
        %get3A_1103 = tpu.vector_load %arg9[%get3A_1101, %get3A_1102] {strides = array<i32>} : memref<32x128xf32, #tpu.memory_space<vmem>>, vector<1x16xf32>,
        %get3A_1104 = vector.shape_cast %get3A_1103 : vector<1x16xf32> to vector<16xf32>
        %add3A_1105 = arith.addf %max3A_1096, %get3A_1104 : vector<16xf32>
        %swap3A_1106 = arith.index_cast %add3A_258 : i32 to index
        %swap3A_1107 = arith.constant 48 : index
        %swap3A_1108 = tpu.vector_load %arg10[%swap3A_1106, %swap3A_1107] {strides = array<i32>} : memref<32x64xf32, #tpu.memory_space<vmem>>, vector<1x16xf32>,
        %swap3A_1109 = vector.shape_cast %swap3A_1108 : vector<1x16xf32> to vector<16xf32>
        %swap3A_1110 = vector.shape_cast %add3A_1105 : vector<16xf32> to vector<1x16xf32>
        tpu.vector_store %arg10[%swap3A_1106, %swap3A_1107], %swap3A_1110 {strides = array<i32>} : memref<32x64xf32, #tpu.memory_space<vmem>>, vector<1x16xf32>,
        %add3A_1111 = arith.addf %min3A_1097, %get3A_1104 : vector<16xf32>
        %swap3A_1112 = arith.index_cast %add3A_258 : i32 to index
        %swap3A_1113 = arith.constant 48 : index
        %swap3A_1114 = tpu.vector_load %arg11[%swap3A_1112, %swap3A_1113] {strides = array<i32>} : memref<32x64xf32, #tpu.memory_space<vmem>>, vector<1x16xf32>,
        %swap3A_1115 = vector.shape_cast %swap3A_1114 : vector<1x16xf32> to vector<16xf32>
        %swap3A_1116 = vector.shape_cast %add3A_1111 : vector<16xf32> to vector<1x16xf32>
        tpu.vector_store %arg11[%swap3A_1112, %swap3A_1113], %swap3A_1116 {strides = array<i32>} : memref<32x64xf32, #tpu.memory_space<vmem>>, vector<1x16xf32>,
        %get3A_1117 = arith.constant 3 : i32
        %get3A_1118 = arith.index_cast %get3A_1117 : i32 to index
        %get3A_1119 = arith.constant 0 : index
        %get3A_1120 = tpu.vector_load %arg12[%get3A_1118, %get3A_1119] {strides = array<i32>} : memref<8x16xf32, #tpu.memory_space<vmem>>, vector<1x16xf32>,
        %get3A_1121 = vector.shape_cast %get3A_1120 : vector<1x16xf32> to vector<16xf32>
        %add3A_1122 = arith.addf %get3A_1121, %add3A_1098 : vector<16xf32>
        %mul3A_1123 = arith.constant 1.600000e+01 : f32
        %mul3A_1124 = vector.broadcast %mul3A_1123 : f32 to vector<16xf32>
        %mul3A_1125 = arith.mulf %mul3A_1124, %get3A_1104 : vector<16xf32>
        %add3A_1126 = arith.addf %add3A_1122, %mul3A_1125 : vector<16xf32>
        %swap3A_1127 = arith.constant 3 : i32
        %swap3A_1128 = arith.index_cast %swap3A_1127 : i32 to index
        %swap3A_1129 = arith.constant 0 : index
        %swap3A_1130 = tpu.vector_load %arg12[%swap3A_1128, %swap3A_1129] {strides = array<i32>} : memref<8x16xf32, #tpu.memory_space<vmem>>, vector<1x16xf32>,
        %swap3A_1131 = vector.shape_cast %swap3A_1130 : vector<1x16xf32> to vector<16xf32>
        %swap3A_1132 = vector.shape_cast %add3A_1126 : vector<16xf32> to vector<1x16xf32>
        tpu.vector_store %arg12[%swap3A_1128, %swap3A_1129], %swap3A_1132 {strides = array<i32>} : memref<8x16xf32, #tpu.memory_space<vmem>>, vector<1x16xf32>,
        %get3A_1133 = arith.constant 7 : i32
        %get3A_1134 = arith.index_cast %get3A_1133 : i32 to index
        %get3A_1135 = arith.constant 0 : index
        %get3A_1136 = tpu.vector_load %arg12[%get3A_1134, %get3A_1135] {strides = array<i32>} : memref<8x16xf32, #tpu.memory_space<vmem>>, vector<1x16xf32>,
        %get3A_1137 = vector.shape_cast %get3A_1136 : vector<1x16xf32> to vector<16xf32>
        %add3A_1138 = arith.addf %get3A_1137, %add3A_1100 : vector<16xf32>
        %mul3A_1139 = arith.constant 2.000000e+00 : f32
        %mul3A_1140 = vector.broadcast %mul3A_1139 : f32 to vector<16xf32>
        %mul3A_1141 = arith.mulf %mul3A_1140, %get3A_1104 : vector<16xf32>
        %mul3A_1142 = arith.mulf %mul3A_1141, %add3A_1098 : vector<16xf32>
        %add3A_1143 = arith.addf %add3A_1138, %mul3A_1142 : vector<16xf32>
        %mul3A_1144 = arith.constant 1.600000e+01 : f32
        %mul3A_1145 = vector.broadcast %mul3A_1144 : f32 to vector<16xf32>
        %mul3A_1146 = arith.mulf %mul3A_1145, %get3A_1104 : vector<16xf32>
        %mul3A_1147 = arith.mulf %mul3A_1146, %get3A_1104 : vector<16xf32>
        %add3A_1148 = arith.addf %add3A_1143, %mul3A_1147 : vector<16xf32>
        %swap3A_1149 = arith.constant 7 : i32
        %swap3A_1150 = arith.index_cast %swap3A_1149 : i32 to index
        %swap3A_1151 = arith.constant 0 : index
        %swap3A_1152 = tpu.vector_load %arg12[%swap3A_1150, %swap3A_1151] {strides = array<i32>} : memref<8x16xf32, #tpu.memory_space<vmem>>, vector<1x16xf32>,
        %swap3A_1153 = vector.shape_cast %swap3A_1152 : vector<1x16xf32> to vector<16xf32>
        %swap3A_1154 = vector.shape_cast %add3A_1148 : vector<16xf32> to vector<1x16xf32>
        tpu.vector_store %arg12[%swap3A_1150, %swap3A_1151], %swap3A_1154 {strides = array<i32>} : memref<8x16xf32, #tpu.memory_space<vmem>>, vector<1x16xf32>,
      }
      %scan3A_253 = arith.constant 32 : i32
      "tpu.region"() ({
        %run_scoped3A_254 = tpu.sem_alloc : memref<!tpu.dma_semaphore, #tpu.memory_space<semaphore_mem>>
        %dma_start3A_255 = arith.constant 0 : i32
        %dma_start3A_256 = tpu.memref_slice %arg4[%add3A_151, %dma_start3A_255] : memref<8192x64xf32, #tpu.memory_space<hbm>> -> memref<32x64xf32, #tpu.memory_space<hbm>>
        %dma_start3A_257 = arith.constant 0 : i32
        %dma_start3A_258 = tpu.memref_slice %arg4[%add3A_151, %dma_start3A_257] : memref<8192x64xf32, #tpu.memory_space<hbm>> -> memref<32x64xf32, #tpu.memory_space<hbm>>
        tpu.enqueue_dma source(%arg10 : memref<32x64xf32, #tpu.memory_space<vmem>>) target(%dma_start3A_258 : memref<32x64xf32, #tpu.memory_space<hbm>>) target_semaphore(%run_scoped3A_254 : memref<!tpu.dma_semaphore, #tpu.memory_space<semaphore_mem>>)
        %dma_wait3A_259 = arith.constant 0 : i32
        %dma_wait3A_260 = tpu.memref_slice %arg4[%add3A_151, %dma_wait3A_259] : memref<8192x64xf32, #tpu.memory_space<hbm>> -> memref<32x64xf32, #tpu.memory_space<hbm>>
        %dma_wait3A_261 = arith.constant 0 : i32
        %dma_wait3A_262 = tpu.memref_slice %arg4[%add3A_151, %dma_wait3A_261] : memref<8192x64xf32, #tpu.memory_space<hbm>> -> memref<32x64xf32, #tpu.memory_space<hbm>>
        tpu.wait_dma2 semaphore(%run_scoped3A_254 : memref<!tpu.dma_semaphore, #tpu.memory_space<semaphore_mem>>) src(%arg10 : memref<32x64xf32, #tpu.memory_space<vmem>>) dst(%dma_wait3A_262 : memref<32x64xf32, #tpu.memory_space<hbm>>)
        tpu.yield
      }) : () -> ()
      "tpu.region"() ({
        %run_scoped3A_254 = tpu.sem_alloc : memref<!tpu.dma_semaphore, #tpu.memory_space<semaphore_mem>>
        %dma_start3A_255 = arith.constant 0 : i32
        %dma_start3A_256 = tpu.memref_slice %arg5[%add3A_151, %dma_start3A_255] : memref<8192x64xf32, #tpu.memory_space<hbm>> -> memref<32x64xf32, #tpu.memory_space<hbm>>
        %dma_start3A_257 = arith.constant 0 : i32
        %dma_start3A_258 = tpu.memref_slice %arg5[%add3A_151, %dma_start3A_257] : memref<8192x64xf32, #tpu.memory_space<hbm>> -> memref<32x64xf32, #tpu.memory_space<hbm>>
        tpu.enqueue_dma source(%arg11 : memref<32x64xf32, #tpu.memory_space<vmem>>) target(%dma_start3A_258 : memref<32x64xf32, #tpu.memory_space<hbm>>) target_semaphore(%run_scoped3A_254 : memref<!tpu.dma_semaphore, #tpu.memory_space<semaphore_mem>>)
        %dma_wait3A_259 = arith.constant 0 : i32
        %dma_wait3A_260 = tpu.memref_slice %arg5[%add3A_151, %dma_wait3A_259] : memref<8192x64xf32, #tpu.memory_space<hbm>> -> memref<32x64xf32, #tpu.memory_space<hbm>>
        %dma_wait3A_261 = arith.constant 0 : i32
        %dma_wait3A_262 = tpu.memref_slice %arg5[%add3A_151, %dma_wait3A_261] : memref<8192x64xf32, #tpu.memory_space<hbm>> -> memref<32x64xf32, #tpu.memory_space<hbm>>
        tpu.wait_dma2 semaphore(%run_scoped3A_254 : memref<!tpu.dma_semaphore, #tpu.memory_space<semaphore_mem>>) src(%arg11 : memref<32x64xf32, #tpu.memory_space<vmem>>) dst(%dma_wait3A_262 : memref<32x64xf32, #tpu.memory_space<hbm>>)
        tpu.yield
      }) : () -> ()
    }
    %scan3A_54 = arith.constant 8 : i32
    %get3A = arith.constant 0 : i32
    %get3A_55 = arith.index_cast %get3A : i32 to index
    %get3A_56 = arith.constant 0 : index
    %get3A_57 = tpu.vector_load %arg12[%get3A_55, %get3A_56] {strides = array<i32>} : memref<8x16xf32, #tpu.memory_space<vmem>>, vector<1x16xf32>,
    %get3A_58 = vector.shape_cast %get3A_57 : vector<1x16xf32> to vector<16xf32>
    %swap3A_59 = arith.constant 0 : i32
    %swap3A_60 = arith.index_cast %swap3A_59 : i32 to index
    %swap3A_61 = arith.constant 0 : index
    %swap3A_62 = tpu.vector_load %arg13[%swap3A_60, %swap3A_61] {strides = array<i32>} : memref<1x128xf32, #tpu.memory_space<vmem>>, vector<1x16xf32>,
    %swap3A_63 = vector.shape_cast %swap3A_62 : vector<1x16xf32> to vector<16xf32>
    %swap3A_64 = vector.shape_cast %get3A_58 : vector<16xf32> to vector<1x16xf32>
    tpu.vector_store %arg13[%swap3A_60, %swap3A_61], %swap3A_64 {strides = array<i32>} : memref<1x128xf32, #tpu.memory_space<vmem>>, vector<1x16xf32>,
    %get3A_65 = arith.constant 4 : i32
    %get3A_66 = arith.index_cast %get3A_65 : i32 to index
    %get3A_67 = arith.constant 0 : index
    %get3A_68 = tpu.vector_load %arg12[%get3A_66, %get3A_67] {strides = array<i32>} : memref<8x16xf32, #tpu.memory_space<vmem>>, vector<1x16xf32>,
    %get3A_69 = vector.shape_cast %get3A_68 : vector<1x16xf32> to vector<16xf32>
    %swap3A_70 = arith.constant 0 : i32
    %swap3A_71 = arith.index_cast %swap3A_70 : i32 to index
    %swap3A_72 = arith.constant 64 : index
    %swap3A_73 = tpu.vector_load %arg13[%swap3A_71, %swap3A_72] {strides = array<i32>} : memref<1x128xf32, #tpu.memory_space<vmem>>, vector<1x16xf32>,
    %swap3A_74 = vector.shape_cast %swap3A_73 : vector<1x16xf32> to vector<16xf32>
    %swap3A_75 = vector.shape_cast %get3A_69 : vector<16xf32> to vector<1x16xf32>
    tpu.vector_store %arg13[%swap3A_71, %swap3A_72], %swap3A_75 {strides = array<i32>} : memref<1x128xf32, #tpu.memory_space<vmem>>, vector<1x16xf32>,
    %get3A_76 = arith.constant 1 : i32
    %get3A_77 = arith.index_cast %get3A_76 : i32 to index
    %get3A_78 = arith.constant 0 : index
    %get3A_79 = tpu.vector_load %arg12[%get3A_77, %get3A_78] {strides = array<i32>} : memref<8x16xf32, #tpu.memory_space<vmem>>, vector<1x16xf32>,
    %get3A_80 = vector.shape_cast %get3A_79 : vector<1x16xf32> to vector<16xf32>
    %swap3A_81 = arith.constant 0 : i32
    %swap3A_82 = arith.index_cast %swap3A_81 : i32 to index
    %swap3A_83 = arith.constant 16 : index
    %swap3A_84 = tpu.vector_load %arg13[%swap3A_82, %swap3A_83] {strides = array<i32>} : memref<1x128xf32, #tpu.memory_space<vmem>>, vector<1x16xf32>,
    %swap3A_85 = vector.shape_cast %swap3A_84 : vector<1x16xf32> to vector<16xf32>
    %swap3A_86 = vector.shape_cast %get3A_80 : vector<16xf32> to vector<1x16xf32>
    tpu.vector_store %arg13[%swap3A_82, %swap3A_83], %swap3A_86 {strides = array<i32>} : memref<1x128xf32, #tpu.memory_space<vmem>>, vector<1x16xf32>,
    %get3A_87 = arith.constant 5 : i32
    %get3A_88 = arith.index_cast %get3A_87 : i32 to index
    %get3A_89 = arith.constant 0 : index
    %get3A_90 = tpu.vector_load %arg12[%get3A_88, %get3A_89] {strides = array<i32>} : memref<8x16xf32, #tpu.memory_space<vmem>>, vector<1x16xf32>,
    %get3A_91 = vector.shape_cast %get3A_90 : vector<1x16xf32> to vector<16xf32>
    %swap3A_92 = arith.constant 0 : i32
    %swap3A_93 = arith.index_cast %swap3A_92 : i32 to index
    %swap3A_94 = arith.constant 80 : index
    %swap3A_95 = tpu.vector_load %arg13[%swap3A_93, %swap3A_94] {strides = array<i32>} : memref<1x128xf32, #tpu.memory_space<vmem>>, vector<1x16xf32>,
    %swap3A_96 = vector.shape_cast %swap3A_95 : vector<1x16xf32> to vector<16xf32>
    %swap3A_97 = vector.shape_cast %get3A_91 : vector<16xf32> to vector<1x16xf32>
    tpu.vector_store %arg13[%swap3A_93, %swap3A_94], %swap3A_97 {strides = array<i32>} : memref<1x128xf32, #tpu.memory_space<vmem>>, vector<1x16xf32>,
    %get3A_98 = arith.constant 2 : i32
    %get3A_99 = arith.index_cast %get3A_98 : i32 to index
    %get3A_100 = arith.constant 0 : index
    %get3A_101 = tpu.vector_load %arg12[%get3A_99, %get3A_100] {strides = array<i32>} : memref<8x16xf32, #tpu.memory_space<vmem>>, vector<1x16xf32>,
    %get3A_102 = vector.shape_cast %get3A_101 : vector<1x16xf32> to vector<16xf32>
    %swap3A_103 = arith.constant 0 : i32
    %swap3A_104 = arith.index_cast %swap3A_103 : i32 to index
    %swap3A_105 = arith.constant 32 : index
    %swap3A_106 = tpu.vector_load %arg13[%swap3A_104, %swap3A_105] {strides = array<i32>} : memref<1x128xf32, #tpu.memory_space<vmem>>, vector<1x16xf32>,
    %swap3A_107 = vector.shape_cast %swap3A_106 : vector<1x16xf32> to vector<16xf32>
    %swap3A_108 = vector.shape_cast %get3A_102 : vector<16xf32> to vector<1x16xf32>
    tpu.vector_store %arg13[%swap3A_104, %swap3A_105], %swap3A_108 {strides = array<i32>} : memref<1x128xf32, #tpu.memory_space<vmem>>, vector<1x16xf32>,
    %get3A_109 = arith.constant 6 : i32
    %get3A_110 = arith.index_cast %get3A_109 : i32 to index
    %get3A_111 = arith.constant 0 : index
    %get3A_112 = tpu.vector_load %arg12[%get3A_110, %get3A_111] {strides = array<i32>} : memref<8x16xf32, #tpu.memory_space<vmem>>, vector<1x16xf32>,
    %get3A_113 = vector.shape_cast %get3A_112 : vector<1x16xf32> to vector<16xf32>
    %swap3A_114 = arith.constant 0 : i32
    %swap3A_115 = arith.index_cast %swap3A_114 : i32 to index
    %swap3A_116 = arith.constant 96 : index
    %swap3A_117 = tpu.vector_load %arg13[%swap3A_115, %swap3A_116] {strides = array<i32>} : memref<1x128xf32, #tpu.memory_space<vmem>>, vector<1x16xf32>,
    %swap3A_118 = vector.shape_cast %swap3A_117 : vector<1x16xf32> to vector<16xf32>
    %swap3A_119 = vector.shape_cast %get3A_113 : vector<16xf32> to vector<1x16xf32>
    tpu.vector_store %arg13[%swap3A_115, %swap3A_116], %swap3A_119 {strides = array<i32>} : memref<1x128xf32, #tpu.memory_space<vmem>>, vector<1x16xf32>,
    %get3A_120 = arith.constant 3 : i32
    %get3A_121 = arith.index_cast %get3A_120 : i32 to index
    %get3A_122 = arith.constant 0 : index
    %get3A_123 = tpu.vector_load %arg12[%get3A_121, %get3A_122] {strides = array<i32>} : memref<8x16xf32, #tpu.memory_space<vmem>>, vector<1x16xf32>,
    %get3A_124 = vector.shape_cast %get3A_123 : vector<1x16xf32> to vector<16xf32>
    %swap3A_125 = arith.constant 0 : i32
    %swap3A_126 = arith.index_cast %swap3A_125 : i32 to index
    %swap3A_127 = arith.constant 48 : index
    %swap3A_128 = tpu.vector_load %arg13[%swap3A_126, %swap3A_127] {strides = array<i32>} : memref<1x128xf32, #tpu.memory_space<vmem>>, vector<1x16xf32>,
    %swap3A_129 = vector.shape_cast %swap3A_128 : vector<1x16xf32> to vector<16xf32>
    %swap3A_130 = vector.shape_cast %get3A_124 : vector<16xf32> to vector<1x16xf32>
    tpu.vector_store %arg13[%swap3A_126, %swap3A_127], %swap3A_130 {strides = array<i32>} : memref<1x128xf32, #tpu.memory_space<vmem>>, vector<1x16xf32>,
    %get3A_131 = arith.constant 7 : i32
    %get3A_132 = arith.index_cast %get3A_131 : i32 to index
    %get3A_133 = arith.constant 0 : index
    %get3A_134 = tpu.vector_load %arg12[%get3A_132, %get3A_133] {strides = array<i32>} : memref<8x16xf32, #tpu.memory_space<vmem>>, vector<1x16xf32>,
    %get3A_135 = vector.shape_cast %get3A_134 : vector<1x16xf32> to vector<16xf32>
    %swap3A_136 = arith.constant 0 : i32
    %swap3A_137 = arith.index_cast %swap3A_136 : i32 to index
    %swap3A_138 = arith.constant 112 : index
    %swap3A_139 = tpu.vector_load %arg13[%swap3A_137, %swap3A_138] {strides = array<i32>} : memref<1x128xf32, #tpu.memory_space<vmem>>, vector<1x16xf32>,
    %swap3A_140 = vector.shape_cast %swap3A_139 : vector<1x16xf32> to vector<16xf32>
    %swap3A_141 = vector.shape_cast %get3A_135 : vector<16xf32> to vector<1x16xf32>
    tpu.vector_store %arg13[%swap3A_137, %swap3A_138], %swap3A_141 {strides = array<i32>} : memref<1x128xf32, #tpu.memory_space<vmem>>, vector<1x16xf32>,
    %mul3A_142 = arith.constant 8 : i32
    %mul3A_143 = arith.muli %mul3A_142, %add3A : i32
    "tpu.region"() ({
      %run_scoped3A = tpu.sem_alloc : memref<!tpu.dma_semaphore, #tpu.memory_space<semaphore_mem>>
      %dma_start3A = arith.constant 0 : i32
      %dma_start3A_144 = tpu.memref_slice %arg6[%mul3A_143, %dma_start3A] : memref<256x128xf32, #tpu.memory_space<hbm>> -> memref<1x128xf32, #tpu.memory_space<hbm>>
      %dma_start3A_145 = arith.constant 0 : i32
      %dma_start3A_146 = tpu.memref_slice %arg6[%mul3A_143, %dma_start3A_145] : memref<256x128xf32, #tpu.memory_space<hbm>> -> memref<1x128xf32, #tpu.memory_space<hbm>>
      tpu.enqueue_dma source(%arg13 : memref<1x128xf32, #tpu.memory_space<vmem>>) target(%dma_start3A_146 : memref<1x128xf32, #tpu.memory_space<hbm>>) target_semaphore(%run_scoped3A : memref<!tpu.dma_semaphore, #tpu.memory_space<semaphore_mem>>)
      %dma_wait3A = arith.constant 0 : i32
      %dma_wait3A_147 = tpu.memref_slice %arg6[%mul3A_143, %dma_wait3A] : memref<256x128xf32, #tpu.memory_space<hbm>> -> memref<1x128xf32, #tpu.memory_space<hbm>>
      %dma_wait3A_148 = arith.constant 0 : i32
      %dma_wait3A_149 = tpu.memref_slice %arg6[%mul3A_143, %dma_wait3A_148] : memref<256x128xf32, #tpu.memory_space<hbm>> -> memref<1x128xf32, #tpu.memory_space<hbm>>
      tpu.wait_dma2 semaphore(%run_scoped3A : memref<!tpu.dma_semaphore, #tpu.memory_space<semaphore_mem>>) src(%arg13 : memref<1x128xf32, #tpu.memory_space<vmem>>) dst(%dma_wait3A_149 : memref<1x128xf32, #tpu.memory_space<hbm>>)
      tpu.yield
    }) : () -> ()
    return
  }
}

#map = affine_map<(d0, d1) -> (0, 0)>
#map1 = affine_map<(d0, d1) -> (0)>
module attributes {stable_mosaic.version = 14 : i64} {
  func.func @_sc_body(%arg0: i32, %arg1: i32, %arg2: memref<8192x128xf32, #tpu.memory_space<hbm>>, %arg3: memref<131072xi32, #tpu.memory_space<hbm>>, %arg4: memref<8192x64xf32, #tpu.memory_space<hbm>>, %arg5: memref<8192x64xf32, #tpu.memory_space<hbm>>, %arg6: memref<256x128xf32, #tpu.memory_space<hbm>>, %arg7: memref<4x128xi32, #tpu.memory_space<vmem>>, %arg8: memref<512x128xf32, #tpu.memory_space<vmem>>, %arg9: memref<32x128xf32, #tpu.memory_space<vmem>>, %arg10: memref<32x64xf32, #tpu.memory_space<vmem>>, %arg11: memref<32x64xf32, #tpu.memory_space<vmem>>, %arg12: memref<8x16xf32, #tpu.memory_space<vmem>>, %arg13: memref<1x128xf32, #tpu.memory_space<vmem>>, %arg14: memref<!tpu.dma_semaphore, #tpu.memory_space<semaphore_mem>>) attributes {dimension_semantics = [#tpu.dimension_semantics<core_parallel>, #tpu.dimension_semantics<subcore_parallel>], iteration_bounds = array<i64: 2, 16>, scalar_prefetch = 0 : i64, scratch_operands = 8 : i64, tpu.core_type = #tpu.core_type<sc_vector_subcore>, window_params = [{transform_indices = #map}, {transform_indices = #map1}, {transform_indices = #map}, {transform_indices = #map}, {transform_indices = #map}]} {
    %mul3A = arith.constant 2 : i32
    %mul3A_0 = arith.muli %arg1, %mul3A : i32
    %add3A = arith.addi %mul3A_0, %arg0 : i32
    %mul3A_1 = arith.constant 256 : i32
    %mul3A_2 = arith.muli %add3A, %mul3A_1 : i32
    %broadcast_in_dim3A = arith.constant 0.000000e+00 : f32
    %broadcast_in_dim3A_3 = vector.broadcast %broadcast_in_dim3A : f32 to vector<16xf32>
    %swap3A = arith.constant 0 : i32
    %swap3A_4 = arith.index_cast %swap3A : i32 to index
    %swap3A_5 = arith.constant 0 : index
    %swap3A_6 = tpu.vector_load %arg12[%swap3A_4, %swap3A_5] {strides = array<i32>} : memref<8x16xf32, #tpu.memory_space<vmem>>, vector<1x16xf32>,
    %swap3A_7 = vector.shape_cast %swap3A_6 : vector<1x16xf32> to vector<16xf32>
    %swap3A_8 = vector.shape_cast %broadcast_in_dim3A_3 : vector<16xf32> to vector<1x16xf32>
    tpu.vector_store %arg12[%swap3A_4, %swap3A_5], %swap3A_8 {strides = array<i32>} : memref<8x16xf32, #tpu.memory_space<vmem>>, vector<1x16xf32>,
    %swap3A_9 = arith.constant 1 : i32
    %swap3A_10 = arith.index_cast %swap3A_9 : i32 to index
    %swap3A_11 = arith.constant 0 : index
    %swap3A_12 = tpu.vector_load %arg12[%swap3A_10, %swap3A_11] {strides = array<i32>} : memref<8x16xf32, #tpu.memory_space<vmem>>, vector<1x16xf32>,
    %swap3A_13 = vector.shape_cast %swap3A_12 : vector<1x16xf32> to vector<16xf32>
    %swap3A_14 = vector.shape_cast %broadcast_in_dim3A_3 : vector<16xf32> to vector<1x16xf32>
    tpu.vector_store %arg12[%swap3A_10, %swap3A_11], %swap3A_14 {strides = array<i32>} : memref<8x16xf32, #tpu.memory_space<vmem>>, vector<1x16xf32>,
    %swap3A_15 = arith.constant 2 : i32
    %swap3A_16 = arith.index_cast %swap3A_15 : i32 to index
    %swap3A_17 = arith.constant 0 : index
    %swap3A_18 = tpu.vector_load %arg12[%swap3A_16, %swap3A_17] {strides = array<i32>} : memref<8x16xf32, #tpu.memory_space<vmem>>, vector<1x16xf32>,
    %swap3A_19 = vector.shape_cast %swap3A_18 : vector<1x16xf32> to vector<16xf32>
    %swap3A_20 = vector.shape_cast %broadcast_in_dim3A_3 : vector<16xf32> to vector<1x16xf32>
    tpu.vector_store %arg12[%swap3A_16, %swap3A_17], %swap3A_20 {strides = array<i32>} : memref<8x16xf32, #tpu.memory_space<vmem>>, vector<1x16xf32>,
    %swap3A_21 = arith.constant 3 : i32
    %swap3A_22 = arith.index_cast %swap3A_21 : i32 to index
    %swap3A_23 = arith.constant 0 : index
    %swap3A_24 = tpu.vector_load %arg12[%swap3A_22, %swap3A_23] {strides = array<i32>} : memref<8x16xf32, #tpu.memory_space<vmem>>, vector<1x16xf32>,
    %swap3A_25 = vector.shape_cast %swap3A_24 : vector<1x16xf32> to vector<16xf32>
    %swap3A_26 = vector.shape_cast %broadcast_in_dim3A_3 : vector<16xf32> to vector<1x16xf32>
    tpu.vector_store %arg12[%swap3A_22, %swap3A_23], %swap3A_26 {strides = array<i32>} : memref<8x16xf32, #tpu.memory_space<vmem>>, vector<1x16xf32>,
    %swap3A_27 = arith.constant 4 : i32
    %swap3A_28 = arith.index_cast %swap3A_27 : i32 to index
    %swap3A_29 = arith.constant 0 : index
    %swap3A_30 = tpu.vector_load %arg12[%swap3A_28, %swap3A_29] {strides = array<i32>} : memref<8x16xf32, #tpu.memory_space<vmem>>, vector<1x16xf32>,
    %swap3A_31 = vector.shape_cast %swap3A_30 : vector<1x16xf32> to vector<16xf32>
    %swap3A_32 = vector.shape_cast %broadcast_in_dim3A_3 : vector<16xf32> to vector<1x16xf32>
    tpu.vector_store %arg12[%swap3A_28, %swap3A_29], %swap3A_32 {strides = array<i32>} : memref<8x16xf32, #tpu.memory_space<vmem>>, vector<1x16xf32>,
    %swap3A_33 = arith.constant 5 : i32
    %swap3A_34 = arith.index_cast %swap3A_33 : i32 to index
    %swap3A_35 = arith.constant 0 : index
    %swap3A_36 = tpu.vector_load %arg12[%swap3A_34, %swap3A_35] {strides = array<i32>} : memref<8x16xf32, #tpu.memory_space<vmem>>, vector<1x16xf32>,
    %swap3A_37 = vector.shape_cast %swap3A_36 : vector<1x16xf32> to vector<16xf32>
    %swap3A_38 = vector.shape_cast %broadcast_in_dim3A_3 : vector<16xf32> to vector<1x16xf32>
    tpu.vector_store %arg12[%swap3A_34, %swap3A_35], %swap3A_38 {strides = array<i32>} : memref<8x16xf32, #tpu.memory_space<vmem>>, vector<1x16xf32>,
    %swap3A_39 = arith.constant 6 : i32
    %swap3A_40 = arith.index_cast %swap3A_39 : i32 to index
    %swap3A_41 = arith.constant 0 : index
    %swap3A_42 = tpu.vector_load %arg12[%swap3A_40, %swap3A_41] {strides = array<i32>} : memref<8x16xf32, #tpu.memory_space<vmem>>, vector<1x16xf32>,
    %swap3A_43 = vector.shape_cast %swap3A_42 : vector<1x16xf32> to vector<16xf32>
    %swap3A_44 = vector.shape_cast %broadcast_in_dim3A_3 : vector<16xf32> to vector<1x16xf32>
    tpu.vector_store %arg12[%swap3A_40, %swap3A_41], %swap3A_44 {strides = array<i32>} : memref<8x16xf32, #tpu.memory_space<vmem>>, vector<1x16xf32>,
    %swap3A_45 = arith.constant 7 : i32
    %swap3A_46 = arith.index_cast %swap3A_45 : i32 to index
    %swap3A_47 = arith.constant 0 : index
    %swap3A_48 = tpu.vector_load %arg12[%swap3A_46, %swap3A_47] {strides = array<i32>} : memref<8x16xf32, #tpu.memory_space<vmem>>, vector<1x16xf32>,
    %swap3A_49 = vector.shape_cast %swap3A_48 : vector<1x16xf32> to vector<16xf32>
    %swap3A_50 = vector.shape_cast %broadcast_in_dim3A_3 : vector<16xf32> to vector<1x16xf32>
    tpu.vector_store %arg12[%swap3A_46, %swap3A_47], %swap3A_50 {strides = array<i32>} : memref<8x16xf32, #tpu.memory_space<vmem>>, vector<1x16xf32>,
    %scan3A = arith.constant 0 : i32
    %scan3A_51 = arith.constant 8 : i32
    %scan3A_52 = arith.addi %scan3A, %scan3A_51 : i32
    %scan3A_53 = arith.constant 1 : i32
    scf.for %scan3A_144 = %scan3A to %scan3A_52 step %scan3A_53  : i32 {
      %mul3A_145 = arith.constant 1 : i32
      %mul3A_146 = arith.muli %scan3A_144, %mul3A_145 : i32
      %add3A_147 = arith.constant 0 : i32
      %add3A_148 = arith.addi %add3A_147, %mul3A_146 : i32
      %mul3A_149 = arith.constant 32 : i32
      %mul3A_150 = arith.muli %add3A_148, %mul3A_149 : i32
      %add3A_151 = arith.addi %mul3A_2, %mul3A_150 : i32
      %mul3A_152 = arith.constant 16 : i32
      %mul3A_153 = arith.muli %add3A_151, %mul3A_152 : i32
      %add3A_154 = arith.constant 0 : i32
      %add3A_155 = arith.addi %mul3A_153, %add3A_154 : i32
      %run_scoped3A = arith.constant 0 : i32
      "tpu.region"() ({
        %run_scoped3A_254 = tpu.sem_alloc : memref<!tpu.dma_semaphore, #tpu.memory_space<semaphore_mem>>
        %dma_start3A_255 = arith.constant 0 : i32
        %dma_start3A_256 = tpu.memref_slice %arg7[%run_scoped3A, %dma_start3A_255] : memref<4x128xi32, #tpu.memory_space<vmem>> -> memref<1x128xi32, #tpu.memory_space<vmem>>
        %dma_start3A_257 = tpu.memref_squeeze %dma_start3A_256 : memref<1x128xi32, #tpu.memory_space<vmem>> -> memref<128xi32, #tpu.memory_space<vmem>>
        %dma_start3A_258 = tpu.memref_slice %arg3[%add3A_155] : memref<131072xi32, #tpu.memory_space<hbm>> -> memref<128xi32, #tpu.memory_space<hbm>>
        %dma_start3A_259 = arith.constant 0 : i32
        %dma_start3A_260 = tpu.memref_slice %arg7[%run_scoped3A, %dma_start3A_259] : memref<4x128xi32, #tpu.memory_space<vmem>> -> memref<1x128xi32, #tpu.memory_space<vmem>>
        %dma_start3A_261 = tpu.memref_squeeze %dma_start3A_260 : memref<1x128xi32, #tpu.memory_space<vmem>> -> memref<128xi32, #tpu.memory_space<vmem>>
        %dma_start3A_262 = tpu.memref_slice %arg3[%add3A_155] : memref<131072xi32, #tpu.memory_space<hbm>> -> memref<128xi32, #tpu.memory_space<hbm>>
        tpu.enqueue_dma source(%dma_start3A_262 : memref<128xi32, #tpu.memory_space<hbm>>) target(%dma_start3A_261 : memref<128xi32, #tpu.memory_space<vmem>>) target_semaphore(%run_scoped3A_254 : memref<!tpu.dma_semaphore, #tpu.memory_space<semaphore_mem>>)
        %dma_wait3A_263 = arith.constant 0 : i32
        %dma_wait3A_264 = tpu.memref_slice %arg7[%run_scoped3A, %dma_wait3A_263] : memref<4x128xi32, #tpu.memory_space<vmem>> -> memref<1x128xi32, #tpu.memory_space<vmem>>
        %dma_wait3A_265 = tpu.memref_squeeze %dma_wait3A_264 : memref<1x128xi32, #tpu.memory_space<vmem>> -> memref<128xi32, #tpu.memory_space<vmem>>
        %dma_wait3A_266 = tpu.memref_slice %arg3[%add3A_155] : memref<131072xi32, #tpu.memory_space<hbm>> -> memref<128xi32, #tpu.memory_space<hbm>>
        %dma_wait3A_267 = arith.constant 0 : i32
        %dma_wait3A_268 = tpu.memref_slice %arg7[%run_scoped3A, %dma_wait3A_267] : memref<4x128xi32, #tpu.memory_space<vmem>> -> memref<1x128xi32, #tpu.memory_space<vmem>>
        %dma_wait3A_269 = tpu.memref_squeeze %dma_wait3A_268 : memref<1x128xi32, #tpu.memory_space<vmem>> -> memref<128xi32, #tpu.memory_space<vmem>>
        %dma_wait3A_270 = tpu.memref_slice %arg3[%add3A_155] : memref<131072xi32, #tpu.memory_space<hbm>> -> memref<128xi32, #tpu.memory_space<hbm>>
        tpu.wait_dma2 semaphore(%run_scoped3A_254 : memref<!tpu.dma_semaphore, #tpu.memory_space<semaphore_mem>>) src(%dma_wait3A_270 : memref<128xi32, #tpu.memory_space<hbm>>) dst(%dma_wait3A_269 : memref<128xi32, #tpu.memory_space<vmem>>)
        tpu.yield
      }) : () -> ()
      %mul3A_156 = arith.constant 16 : i32
      %mul3A_157 = arith.muli %add3A_151, %mul3A_156 : i32
      %add3A_158 = arith.constant 128 : i32
      %add3A_159 = arith.addi %mul3A_157, %add3A_158 : i32
      %run_scoped3A_160 = arith.constant 1 : i32
      "tpu.region"() ({
        %run_scoped3A_254 = tpu.sem_alloc : memref<!tpu.dma_semaphore, #tpu.memory_space<semaphore_mem>>
        %dma_start3A_255 = arith.constant 0 : i32
        %dma_start3A_256 = tpu.memref_slice %arg7[%run_scoped3A_160, %dma_start3A_255] : memref<4x128xi32, #tpu.memory_space<vmem>> -> memref<1x128xi32, #tpu.memory_space<vmem>>
        %dma_start3A_257 = tpu.memref_squeeze %dma_start3A_256 : memref<1x128xi32, #tpu.memory_space<vmem>> -> memref<128xi32, #tpu.memory_space<vmem>>
        %dma_start3A_258 = tpu.memref_slice %arg3[%add3A_159] : memref<131072xi32, #tpu.memory_space<hbm>> -> memref<128xi32, #tpu.memory_space<hbm>>
        %dma_start3A_259 = arith.constant 0 : i32
        %dma_start3A_260 = tpu.memref_slice %arg7[%run_scoped3A_160, %dma_start3A_259] : memref<4x128xi32, #tpu.memory_space<vmem>> -> memref<1x128xi32, #tpu.memory_space<vmem>>
        %dma_start3A_261 = tpu.memref_squeeze %dma_start3A_260 : memref<1x128xi32, #tpu.memory_space<vmem>> -> memref<128xi32, #tpu.memory_space<vmem>>
        %dma_start3A_262 = tpu.memref_slice %arg3[%add3A_159] : memref<131072xi32, #tpu.memory_space<hbm>> -> memref<128xi32, #tpu.memory_space<hbm>>
        tpu.enqueue_dma source(%dma_start3A_262 : memref<128xi32, #tpu.memory_space<hbm>>) target(%dma_start3A_261 : memref<128xi32, #tpu.memory_space<vmem>>) target_semaphore(%run_scoped3A_254 : memref<!tpu.dma_semaphore, #tpu.memory_space<semaphore_mem>>)
        %dma_wait3A_263 = arith.constant 0 : i32
        %dma_wait3A_264 = tpu.memref_slice %arg7[%run_scoped3A_160, %dma_wait3A_263] : memref<4x128xi32, #tpu.memory_space<vmem>> -> memref<1x128xi32, #tpu.memory_space<vmem>>
        %dma_wait3A_265 = tpu.memref_squeeze %dma_wait3A_264 : memref<1x128xi32, #tpu.memory_space<vmem>> -> memref<128xi32, #tpu.memory_space<vmem>>
        %dma_wait3A_266 = tpu.memref_slice %arg3[%add3A_159] : memref<131072xi32, #tpu.memory_space<hbm>> -> memref<128xi32, #tpu.memory_space<hbm>>
        %dma_wait3A_267 = arith.constant 0 : i32
        %dma_wait3A_268 = tpu.memref_slice %arg7[%run_scoped3A_160, %dma_wait3A_267] : memref<4x128xi32, #tpu.memory_space<vmem>> -> memref<1x128xi32, #tpu.memory_space<vmem>>
        %dma_wait3A_269 = tpu.memref_squeeze %dma_wait3A_268 : memref<1x128xi32, #tpu.memory_space<vmem>> -> memref<128xi32, #tpu.memory_space<vmem>>
        %dma_wait3A_270 = tpu.memref_slice %arg3[%add3A_159] : memref<131072xi32, #tpu.memory_space<hbm>> -> memref<128xi32, #tpu.memory_space<hbm>>
        tpu.wait_dma2 semaphore(%run_scoped3A_254 : memref<!tpu.dma_semaphore, #tpu.memory_space<semaphore_mem>>) src(%dma_wait3A_270 : memref<128xi32, #tpu.memory_space<hbm>>) dst(%dma_wait3A_269 : memref<128xi32, #tpu.memory_space<vmem>>)
        tpu.yield
      }) : () -> ()
      %mul3A_161 = arith.constant 16 : i32
      %mul3A_162 = arith.muli %add3A_151, %mul3A_161 : i32
      %add3A_163 = arith.constant 256 : i32
      %add3A_164 = arith.addi %mul3A_162, %add3A_163 : i32
      %run_scoped3A_165 = arith.constant 2 : i32
      "tpu.region"() ({
        %run_scoped3A_254 = tpu.sem_alloc : memref<!tpu.dma_semaphore, #tpu.memory_space<semaphore_mem>>
        %dma_start3A_255 = arith.constant 0 : i32
        %dma_start3A_256 = tpu.memref_slice %arg7[%run_scoped3A_165, %dma_start3A_255] : memref<4x128xi32, #tpu.memory_space<vmem>> -> memref<1x128xi32, #tpu.memory_space<vmem>>
        %dma_start3A_257 = tpu.memref_squeeze %dma_start3A_256 : memref<1x128xi32, #tpu.memory_space<vmem>> -> memref<128xi32, #tpu.memory_space<vmem>>
        %dma_start3A_258 = tpu.memref_slice %arg3[%add3A_164] : memref<131072xi32, #tpu.memory_space<hbm>> -> memref<128xi32, #tpu.memory_space<hbm>>
        %dma_start3A_259 = arith.constant 0 : i32
        %dma_start3A_260 = tpu.memref_slice %arg7[%run_scoped3A_165, %dma_start3A_259] : memref<4x128xi32, #tpu.memory_space<vmem>> -> memref<1x128xi32, #tpu.memory_space<vmem>>
        %dma_start3A_261 = tpu.memref_squeeze %dma_start3A_260 : memref<1x128xi32, #tpu.memory_space<vmem>> -> memref<128xi32, #tpu.memory_space<vmem>>
        %dma_start3A_262 = tpu.memref_slice %arg3[%add3A_164] : memref<131072xi32, #tpu.memory_space<hbm>> -> memref<128xi32, #tpu.memory_space<hbm>>
        tpu.enqueue_dma source(%dma_start3A_262 : memref<128xi32, #tpu.memory_space<hbm>>) target(%dma_start3A_261 : memref<128xi32, #tpu.memory_space<vmem>>) target_semaphore(%run_scoped3A_254 : memref<!tpu.dma_semaphore, #tpu.memory_space<semaphore_mem>>)
        %dma_wait3A_263 = arith.constant 0 : i32
        %dma_wait3A_264 = tpu.memref_slice %arg7[%run_scoped3A_165, %dma_wait3A_263] : memref<4x128xi32, #tpu.memory_space<vmem>> -> memref<1x128xi32, #tpu.memory_space<vmem>>
        %dma_wait3A_265 = tpu.memref_squeeze %dma_wait3A_264 : memref<1x128xi32, #tpu.memory_space<vmem>> -> memref<128xi32, #tpu.memory_space<vmem>>
        %dma_wait3A_266 = tpu.memref_slice %arg3[%add3A_164] : memref<131072xi32, #tpu.memory_space<hbm>> -> memref<128xi32, #tpu.memory_space<hbm>>
        %dma_wait3A_267 = arith.constant 0 : i32
        %dma_wait3A_268 = tpu.memref_slice %arg7[%run_scoped3A_165, %dma_wait3A_267] : memref<4x128xi32, #tpu.memory_space<vmem>> -> memref<1x128xi32, #tpu.memory_space<vmem>>
        %dma_wait3A_269 = tpu.memref_squeeze %dma_wait3A_268 : memref<1x128xi32, #tpu.memory_space<vmem>> -> memref<128xi32, #tpu.memory_space<vmem>>
        %dma_wait3A_270 = tpu.memref_slice %arg3[%add3A_164] : memref<131072xi32, #tpu.memory_space<hbm>> -> memref<128xi32, #tpu.memory_space<hbm>>
        tpu.wait_dma2 semaphore(%run_scoped3A_254 : memref<!tpu.dma_semaphore, #tpu.memory_space<semaphore_mem>>) src(%dma_wait3A_270 : memref<128xi32, #tpu.memory_space<hbm>>) dst(%dma_wait3A_269 : memref<128xi32, #tpu.memory_space<vmem>>)
        tpu.yield
      }) : () -> ()
      %mul3A_166 = arith.constant 16 : i32
      %mul3A_167 = arith.muli %add3A_151, %mul3A_166 : i32
      %add3A_168 = arith.constant 384 : i32
      %add3A_169 = arith.addi %mul3A_167, %add3A_168 : i32
      %run_scoped3A_170 = arith.constant 3 : i32
      "tpu.region"() ({
        %run_scoped3A_254 = tpu.sem_alloc : memref<!tpu.dma_semaphore, #tpu.memory_space<semaphore_mem>>
        %dma_start3A_255 = arith.constant 0 : i32
        %dma_start3A_256 = tpu.memref_slice %arg7[%run_scoped3A_170, %dma_start3A_255] : memref<4x128xi32, #tpu.memory_space<vmem>> -> memref<1x128xi32, #tpu.memory_space<vmem>>
        %dma_start3A_257 = tpu.memref_squeeze %dma_start3A_256 : memref<1x128xi32, #tpu.memory_space<vmem>> -> memref<128xi32, #tpu.memory_space<vmem>>
        %dma_start3A_258 = tpu.memref_slice %arg3[%add3A_169] : memref<131072xi32, #tpu.memory_space<hbm>> -> memref<128xi32, #tpu.memory_space<hbm>>
        %dma_start3A_259 = arith.constant 0 : i32
        %dma_start3A_260 = tpu.memref_slice %arg7[%run_scoped3A_170, %dma_start3A_259] : memref<4x128xi32, #tpu.memory_space<vmem>> -> memref<1x128xi32, #tpu.memory_space<vmem>>
        %dma_start3A_261 = tpu.memref_squeeze %dma_start3A_260 : memref<1x128xi32, #tpu.memory_space<vmem>> -> memref<128xi32, #tpu.memory_space<vmem>>
        %dma_start3A_262 = tpu.memref_slice %arg3[%add3A_169] : memref<131072xi32, #tpu.memory_space<hbm>> -> memref<128xi32, #tpu.memory_space<hbm>>
        tpu.enqueue_dma source(%dma_start3A_262 : memref<128xi32, #tpu.memory_space<hbm>>) target(%dma_start3A_261 : memref<128xi32, #tpu.memory_space<vmem>>) target_semaphore(%run_scoped3A_254 : memref<!tpu.dma_semaphore, #tpu.memory_space<semaphore_mem>>)
        %dma_wait3A_263 = arith.constant 0 : i32
        %dma_wait3A_264 = tpu.memref_slice %arg7[%run_scoped3A_170, %dma_wait3A_263] : memref<4x128xi32, #tpu.memory_space<vmem>> -> memref<1x128xi32, #tpu.memory_space<vmem>>
        %dma_wait3A_265 = tpu.memref_squeeze %dma_wait3A_264 : memref<1x128xi32, #tpu.memory_space<vmem>> -> memref<128xi32, #tpu.memory_space<vmem>>
        %dma_wait3A_266 = tpu.memref_slice %arg3[%add3A_169] : memref<131072xi32, #tpu.memory_space<hbm>> -> memref<128xi32, #tpu.memory_space<hbm>>
        %dma_wait3A_267 = arith.constant 0 : i32
        %dma_wait3A_268 = tpu.memref_slice %arg7[%run_scoped3A_170, %dma_wait3A_267] : memref<4x128xi32, #tpu.memory_space<vmem>> -> memref<1x128xi32, #tpu.memory_space<vmem>>
        %dma_wait3A_269 = tpu.memref_squeeze %dma_wait3A_268 : memref<1x128xi32, #tpu.memory_space<vmem>> -> memref<128xi32, #tpu.memory_space<vmem>>
        %dma_wait3A_270 = tpu.memref_slice %arg3[%add3A_169] : memref<131072xi32, #tpu.memory_space<hbm>> -> memref<128xi32, #tpu.memory_space<hbm>>
        tpu.wait_dma2 semaphore(%run_scoped3A_254 : memref<!tpu.dma_semaphore, #tpu.memory_space<semaphore_mem>>) src(%dma_wait3A_270 : memref<128xi32, #tpu.memory_space<hbm>>) dst(%dma_wait3A_269 : memref<128xi32, #tpu.memory_space<vmem>>)
        tpu.yield
      }) : () -> ()
      %dma_start3A = arith.constant 0 : i32
      %dma_start3A_171 = arith.constant 0 : i32
      %dma_start3A_172 = arith.constant 0 : i32
      %dma_start3A_173 = tpu.memref_slice %arg8[%dma_start3A_171, %dma_start3A_172] : memref<512x128xf32, #tpu.memory_space<vmem>> -> memref<128x128xf32, #tpu.memory_space<vmem>>
      %dma_start3A_174 = arith.constant 0 : i32
      %dma_start3A_175 = tpu.memref_slice %arg7[%dma_start3A, %dma_start3A_174] : memref<4x128xi32, #tpu.memory_space<vmem>> -> memref<1x128xi32, #tpu.memory_space<vmem>>
      %dma_start3A_176 = tpu.memref_squeeze %dma_start3A_175 : memref<1x128xi32, #tpu.memory_space<vmem>> -> memref<128xi32, #tpu.memory_space<vmem>>
      %dma_start3A_177 = arith.constant 0 : i32
      %dma_start3A_178 = arith.constant 0 : i32
      %dma_start3A_179 = tpu.memref_slice %arg2[%dma_start3A_177, %dma_start3A_178] : memref<8192x128xf32, #tpu.memory_space<hbm>> -> memref<8192x128xf32, #tpu.memory_space<hbm>>
      tpu.enqueue_indirect_dma source(%dma_start3A_179 : memref<8192x128xf32, #tpu.memory_space<hbm>>) target(%dma_start3A_173 : memref<128x128xf32, #tpu.memory_space<vmem>>) offsets(%dma_start3A_176 : memref<128xi32, #tpu.memory_space<vmem>>) semaphore(%arg14 : memref<!tpu.dma_semaphore, #tpu.memory_space<semaphore_mem>>)
      %dma_start3A_180 = arith.constant 1 : i32
      %dma_start3A_181 = arith.constant 128 : i32
      %dma_start3A_182 = arith.constant 0 : i32
      %dma_start3A_183 = tpu.memref_slice %arg8[%dma_start3A_181, %dma_start3A_182] : memref<512x128xf32, #tpu.memory_space<vmem>> -> memref<128x128xf32, #tpu.memory_space<vmem>>
      %dma_start3A_184 = arith.constant 0 : i32
      %dma_start3A_185 = tpu.memref_slice %arg7[%dma_start3A_180, %dma_start3A_184] : memref<4x128xi32, #tpu.memory_space<vmem>> -> memref<1x128xi32, #tpu.memory_space<vmem>>
      %dma_start3A_186 = tpu.memref_squeeze %dma_start3A_185 : memref<1x128xi32, #tpu.memory_space<vmem>> -> memref<128xi32, #tpu.memory_space<vmem>>
      %dma_start3A_187 = arith.constant 0 : i32
      %dma_start3A_188 = arith.constant 0 : i32
      %dma_start3A_189 = tpu.memref_slice %arg2[%dma_start3A_187, %dma_start3A_188] : memref<8192x128xf32, #tpu.memory_space<hbm>> -> memref<8192x128xf32, #tpu.memory_space<hbm>>
      tpu.enqueue_indirect_dma source(%dma_start3A_189 : memref<8192x128xf32, #tpu.memory_space<hbm>>) target(%dma_start3A_183 : memref<128x128xf32, #tpu.memory_space<vmem>>) offsets(%dma_start3A_186 : memref<128xi32, #tpu.memory_space<vmem>>) semaphore(%arg14 : memref<!tpu.dma_semaphore, #tpu.memory_space<semaphore_mem>>)
      %dma_start3A_190 = arith.constant 2 : i32
      %dma_start3A_191 = arith.constant 256 : i32
      %dma_start3A_192 = arith.constant 0 : i32
      %dma_start3A_193 = tpu.memref_slice %arg8[%dma_start3A_191, %dma_start3A_192] : memref<512x128xf32, #tpu.memory_space<vmem>> -> memref<128x128xf32, #tpu.memory_space<vmem>>
      %dma_start3A_194 = arith.constant 0 : i32
      %dma_start3A_195 = tpu.memref_slice %arg7[%dma_start3A_190, %dma_start3A_194] : memref<4x128xi32, #tpu.memory_space<vmem>> -> memref<1x128xi32, #tpu.memory_space<vmem>>
      %dma_start3A_196 = tpu.memref_squeeze %dma_start3A_195 : memref<1x128xi32, #tpu.memory_space<vmem>> -> memref<128xi32, #tpu.memory_space<vmem>>
      %dma_start3A_197 = arith.constant 0 : i32
      %dma_start3A_198 = arith.constant 0 : i32
      %dma_start3A_199 = tpu.memref_slice %arg2[%dma_start3A_197, %dma_start3A_198] : memref<8192x128xf32, #tpu.memory_space<hbm>> -> memref<8192x128xf32, #tpu.memory_space<hbm>>
      tpu.enqueue_indirect_dma source(%dma_start3A_199 : memref<8192x128xf32, #tpu.memory_space<hbm>>) target(%dma_start3A_193 : memref<128x128xf32, #tpu.memory_space<vmem>>) offsets(%dma_start3A_196 : memref<128xi32, #tpu.memory_space<vmem>>) semaphore(%arg14 : memref<!tpu.dma_semaphore, #tpu.memory_space<semaphore_mem>>)
      %dma_start3A_200 = arith.constant 3 : i32
      %dma_start3A_201 = arith.constant 384 : i32
      %dma_start3A_202 = arith.constant 0 : i32
      %dma_start3A_203 = tpu.memref_slice %arg8[%dma_start3A_201, %dma_start3A_202] : memref<512x128xf32, #tpu.memory_space<vmem>> -> memref<128x128xf32, #tpu.memory_space<vmem>>
      %dma_start3A_204 = arith.constant 0 : i32
      %dma_start3A_205 = tpu.memref_slice %arg7[%dma_start3A_200, %dma_start3A_204] : memref<4x128xi32, #tpu.memory_space<vmem>> -> memref<1x128xi32, #tpu.memory_space<vmem>>
      %dma_start3A_206 = tpu.memref_squeeze %dma_start3A_205 : memref<1x128xi32, #tpu.memory_space<vmem>> -> memref<128xi32, #tpu.memory_space<vmem>>
      %dma_start3A_207 = arith.constant 0 : i32
      %dma_start3A_208 = arith.constant 0 : i32
      %dma_start3A_209 = tpu.memref_slice %arg2[%dma_start3A_207, %dma_start3A_208] : memref<8192x128xf32, #tpu.memory_space<hbm>> -> memref<8192x128xf32, #tpu.memory_space<hbm>>
      tpu.enqueue_indirect_dma source(%dma_start3A_209 : memref<8192x128xf32, #tpu.memory_space<hbm>>) target(%dma_start3A_203 : memref<128x128xf32, #tpu.memory_space<vmem>>) offsets(%dma_start3A_206 : memref<128xi32, #tpu.memory_space<vmem>>) semaphore(%arg14 : memref<!tpu.dma_semaphore, #tpu.memory_space<semaphore_mem>>)
      "tpu.region"() ({
        %run_scoped3A_254 = tpu.sem_alloc : memref<!tpu.dma_semaphore, #tpu.memory_space<semaphore_mem>>
        %dma_start3A_255 = arith.constant 0 : i32
        %dma_start3A_256 = tpu.memref_slice %arg2[%add3A_151, %dma_start3A_255] : memref<8192x128xf32, #tpu.memory_space<hbm>> -> memref<32x128xf32, #tpu.memory_space<hbm>>
        %dma_start3A_257 = arith.constant 0 : i32
        %dma_start3A_258 = tpu.memref_slice %arg2[%add3A_151, %dma_start3A_257] : memref<8192x128xf32, #tpu.memory_space<hbm>> -> memref<32x128xf32, #tpu.memory_space<hbm>>
        tpu.enqueue_dma source(%dma_start3A_258 : memref<32x128xf32, #tpu.memory_space<hbm>>) target(%arg9 : memref<32x128xf32, #tpu.memory_space<vmem>>) target_semaphore(%run_scoped3A_254 : memref<!tpu.dma_semaphore, #tpu.memory_space<semaphore_mem>>)
        %dma_wait3A_259 = arith.constant 0 : i32
        %dma_wait3A_260 = tpu.memref_slice %arg2[%add3A_151, %dma_wait3A_259] : memref<8192x128xf32, #tpu.memory_space<hbm>> -> memref<32x128xf32, #tpu.memory_space<hbm>>
        %dma_wait3A_261 = arith.constant 0 : i32
        %dma_wait3A_262 = tpu.memref_slice %arg2[%add3A_151, %dma_wait3A_261] : memref<8192x128xf32, #tpu.memory_space<hbm>> -> memref<32x128xf32, #tpu.memory_space<hbm>>
        tpu.wait_dma2 semaphore(%run_scoped3A_254 : memref<!tpu.dma_semaphore, #tpu.memory_space<semaphore_mem>>) src(%dma_wait3A_262 : memref<32x128xf32, #tpu.memory_space<hbm>>) dst(%arg9 : memref<32x128xf32, #tpu.memory_space<vmem>>)
        tpu.yield
      }) : () -> ()
      %dma_wait3A = arith.constant 0 : i32
      %dma_wait3A_210 = arith.constant 0 : i32
      %dma_wait3A_211 = arith.constant 0 : i32
      %dma_wait3A_212 = tpu.memref_slice %arg8[%dma_wait3A_210, %dma_wait3A_211] : memref<512x128xf32, #tpu.memory_space<vmem>> -> memref<128x128xf32, #tpu.memory_space<vmem>>
      %dma_wait3A_213 = arith.constant 0 : i32
      %dma_wait3A_214 = tpu.memref_slice %arg7[%dma_wait3A, %dma_wait3A_213] : memref<4x128xi32, #tpu.memory_space<vmem>> -> memref<1x128xi32, #tpu.memory_space<vmem>>
      %dma_wait3A_215 = tpu.memref_squeeze %dma_wait3A_214 : memref<1x128xi32, #tpu.memory_space<vmem>> -> memref<128xi32, #tpu.memory_space<vmem>>
      %dma_wait3A_216 = arith.constant 0 : i32
      %dma_wait3A_217 = arith.constant 0 : i32
      %dma_wait3A_218 = tpu.memref_slice %arg2[%dma_wait3A_216, %dma_wait3A_217] : memref<8192x128xf32, #tpu.memory_space<hbm>> -> memref<8192x128xf32, #tpu.memory_space<hbm>>
      tpu.wait_indirect_dma semaphore(%arg14 : memref<!tpu.dma_semaphore, #tpu.memory_space<semaphore_mem>>) src(%dma_wait3A_218 : memref<8192x128xf32, #tpu.memory_space<hbm>>) dst(%dma_wait3A_212 : memref<128x128xf32, #tpu.memory_space<vmem>>)
      %dma_wait3A_219 = arith.constant 1 : i32
      %dma_wait3A_220 = arith.constant 128 : i32
      %dma_wait3A_221 = arith.constant 0 : i32
      %dma_wait3A_222 = tpu.memref_slice %arg8[%dma_wait3A_220, %dma_wait3A_221] : memref<512x128xf32, #tpu.memory_space<vmem>> -> memref<128x128xf32, #tpu.memory_space<vmem>>
      %dma_wait3A_223 = arith.constant 0 : i32
      %dma_wait3A_224 = tpu.memref_slice %arg7[%dma_wait3A_219, %dma_wait3A_223] : memref<4x128xi32, #tpu.memory_space<vmem>> -> memref<1x128xi32, #tpu.memory_space<vmem>>
      %dma_wait3A_225 = tpu.memref_squeeze %dma_wait3A_224 : memref<1x128xi32, #tpu.memory_space<vmem>> -> memref<128xi32, #tpu.memory_space<vmem>>
      %dma_wait3A_226 = arith.constant 0 : i32
      %dma_wait3A_227 = arith.constant 0 : i32
      %dma_wait3A_228 = tpu.memref_slice %arg2[%dma_wait3A_226, %dma_wait3A_227] : memref<8192x128xf32, #tpu.memory_space<hbm>> -> memref<8192x128xf32, #tpu.memory_space<hbm>>
      tpu.wait_indirect_dma semaphore(%arg14 : memref<!tpu.dma_semaphore, #tpu.memory_space<semaphore_mem>>) src(%dma_wait3A_228 : memref<8192x128xf32, #tpu.memory_space<hbm>>) dst(%dma_wait3A_222 : memref<128x128xf32, #tpu.memory_space<vmem>>)
      %dma_wait3A_229 = arith.constant 2 : i32
      %dma_wait3A_230 = arith.constant 256 : i32
      %dma_wait3A_231 = arith.constant 0 : i32
      %dma_wait3A_232 = tpu.memref_slice %arg8[%dma_wait3A_230, %dma_wait3A_231] : memref<512x128xf32, #tpu.memory_space<vmem>> -> memref<128x128xf32, #tpu.memory_space<vmem>>
      %dma_wait3A_233 = arith.constant 0 : i32
      %dma_wait3A_234 = tpu.memref_slice %arg7[%dma_wait3A_229, %dma_wait3A_233] : memref<4x128xi32, #tpu.memory_space<vmem>> -> memref<1x128xi32, #tpu.memory_space<vmem>>
      %dma_wait3A_235 = tpu.memref_squeeze %dma_wait3A_234 : memref<1x128xi32, #tpu.memory_space<vmem>> -> memref<128xi32, #tpu.memory_space<vmem>>
      %dma_wait3A_236 = arith.constant 0 : i32
      %dma_wait3A_237 = arith.constant 0 : i32
      %dma_wait3A_238 = tpu.memref_slice %arg2[%dma_wait3A_236, %dma_wait3A_237] : memref<8192x128xf32, #tpu.memory_space<hbm>> -> memref<8192x128xf32, #tpu.memory_space<hbm>>
      tpu.wait_indirect_dma semaphore(%arg14 : memref<!tpu.dma_semaphore, #tpu.memory_space<semaphore_mem>>) src(%dma_wait3A_238 : memref<8192x128xf32, #tpu.memory_space<hbm>>) dst(%dma_wait3A_232 : memref<128x128xf32, #tpu.memory_space<vmem>>)
      %dma_wait3A_239 = arith.constant 3 : i32
      %dma_wait3A_240 = arith.constant 384 : i32
      %dma_wait3A_241 = arith.constant 0 : i32
      %dma_wait3A_242 = tpu.memref_slice %arg8[%dma_wait3A_240, %dma_wait3A_241] : memref<512x128xf32, #tpu.memory_space<vmem>> -> memref<128x128xf32, #tpu.memory_space<vmem>>
      %dma_wait3A_243 = arith.constant 0 : i32
      %dma_wait3A_244 = tpu.memref_slice %arg7[%dma_wait3A_239, %dma_wait3A_243] : memref<4x128xi32, #tpu.memory_space<vmem>> -> memref<1x128xi32, #tpu.memory_space<vmem>>
      %dma_wait3A_245 = tpu.memref_squeeze %dma_wait3A_244 : memref<1x128xi32, #tpu.memory_space<vmem>> -> memref<128xi32, #tpu.memory_space<vmem>>
      %dma_wait3A_246 = arith.constant 0 : i32
      %dma_wait3A_247 = arith.constant 0 : i32
      %dma_wait3A_248 = tpu.memref_slice %arg2[%dma_wait3A_246, %dma_wait3A_247] : memref<8192x128xf32, #tpu.memory_space<hbm>> -> memref<8192x128xf32, #tpu.memory_space<hbm>>
      tpu.wait_indirect_dma semaphore(%arg14 : memref<!tpu.dma_semaphore, #tpu.memory_space<semaphore_mem>>) src(%dma_wait3A_248 : memref<8192x128xf32, #tpu.memory_space<hbm>>) dst(%dma_wait3A_242 : memref<128x128xf32, #tpu.memory_space<vmem>>)
      %scan3A_249 = arith.constant 0 : i32
      %scan3A_250 = arith.constant 32 : i32
      %scan3A_251 = arith.addi %scan3A_249, %scan3A_250 : i32
      %scan3A_252 = arith.constant 1 : i32
      scf.for %scan3A_254 = %scan3A_249 to %scan3A_251 step %scan3A_252  : i32 {
        %mul3A_255 = arith.constant 1 : i32
        %mul3A_256 = arith.muli %scan3A_254, %mul3A_255 : i32
        %add3A_257 = arith.constant 0 : i32
        %add3A_258 = arith.addi %add3A_257, %mul3A_256 : i32
        %mul3A_259 = arith.constant 16 : i32
        %mul3A_260 = arith.muli %add3A_258, %mul3A_259 : i32
        %get3A_261 = arith.index_cast %mul3A_260 : i32 to index
        %get3A_262 = arith.constant 0 : index
        %get3A_263 = tpu.vector_load %arg8[%get3A_261, %get3A_262] {strides = array<i32>} : memref<512x128xf32, #tpu.memory_space<vmem>>, vector<1x16xf32>,
        %get3A_264 = vector.shape_cast %get3A_263 : vector<1x16xf32> to vector<16xf32>
        %mul3A_265 = arith.mulf %get3A_264, %get3A_264 : vector<16xf32>
        %add3A_266 = arith.constant 1 : i32
        %add3A_267 = arith.addi %mul3A_260, %add3A_266 : i32
        %get3A_268 = arith.index_cast %add3A_267 : i32 to index
        %get3A_269 = arith.constant 0 : index
        %get3A_270 = tpu.vector_load %arg8[%get3A_268, %get3A_269] {strides = array<i32>} : memref<512x128xf32, #tpu.memory_space<vmem>>, vector<1x16xf32>,
        %get3A_271 = vector.shape_cast %get3A_270 : vector<1x16xf32> to vector<16xf32>
        %max3A = arith.maximumf %get3A_264, %get3A_271 : vector<16xf32>
        %min3A = arith.minimumf %get3A_264, %get3A_271 : vector<16xf32>
        %add3A_272 = arith.addf %get3A_264, %get3A_271 : vector<16xf32>
        %mul3A_273 = arith.mulf %get3A_271, %get3A_271 : vector<16xf32>
        %add3A_274 = arith.addf %mul3A_265, %mul3A_273 : vector<16xf32>
        %add3A_275 = arith.constant 2 : i32
        %add3A_276 = arith.addi %mul3A_260, %add3A_275 : i32
        %get3A_277 = arith.index_cast %add3A_276 : i32 to index
        %get3A_278 = arith.constant 0 : index
        %get3A_279 = tpu.vector_load %arg8[%get3A_277, %get3A_278] {strides = array<i32>} : memref<512x128xf32, #tpu.memory_space<vmem>>, vector<1x16xf32>,
        %get3A_280 = vector.shape_cast %get3A_279 : vector<1x16xf32> to vector<16xf32>
        %max3A_281 = arith.maximumf %max3A, %get3A_280 : vector<16xf32>
        %min3A_282 = arith.minimumf %min3A, %get3A_280 : vector<16xf32>
        %add3A_283 = arith.addf %add3A_272, %get3A_280 : vector<16xf32>
        %mul3A_284 = arith.mulf %get3A_280, %get3A_280 : vector<16xf32>
        %add3A_285 = arith.addf %add3A_274, %mul3A_284 : vector<16xf32>
        %add3A_286 = arith.constant 3 : i32
        %add3A_287 = arith.addi %mul3A_260, %add3A_286 : i32
        %get3A_288 = arith.index_cast %add3A_287 : i32 to index
        %get3A_289 = arith.constant 0 : index
        %get3A_290 = tpu.vector_load %arg8[%get3A_288, %get3A_289] {strides = array<i32>} : memref<512x128xf32, #tpu.memory_space<vmem>>, vector<1x16xf32>,
        %get3A_291 = vector.shape_cast %get3A_290 : vector<1x16xf32> to vector<16xf32>
        %max3A_292 = arith.maximumf %max3A_281, %get3A_291 : vector<16xf32>
        %min3A_293 = arith.minimumf %min3A_282, %get3A_291 : vector<16xf32>
        %add3A_294 = arith.addf %add3A_283, %get3A_291 : vector<16xf32>
        %mul3A_295 = arith.mulf %get3A_291, %get3A_291 : vector<16xf32>
        %add3A_296 = arith.addf %add3A_285, %mul3A_295 : vector<16xf32>
        %add3A_297 = arith.constant 4 : i32
        %add3A_298 = arith.addi %mul3A_260, %add3A_297 : i32
        %get3A_299 = arith.index_cast %add3A_298 : i32 to index
        %get3A_300 = arith.constant 0 : index
        %get3A_301 = tpu.vector_load %arg8[%get3A_299, %get3A_300] {strides = array<i32>} : memref<512x128xf32, #tpu.memory_space<vmem>>, vector<1x16xf32>,
        %get3A_302 = vector.shape_cast %get3A_301 : vector<1x16xf32> to vector<16xf32>
        %max3A_303 = arith.maximumf %max3A_292, %get3A_302 : vector<16xf32>
        %min3A_304 = arith.minimumf %min3A_293, %get3A_302 : vector<16xf32>
        %add3A_305 = arith.addf %add3A_294, %get3A_302 : vector<16xf32>
        %mul3A_306 = arith.mulf %get3A_302, %get3A_302 : vector<16xf32>
        %add3A_307 = arith.addf %add3A_296, %mul3A_306 : vector<16xf32>
        %add3A_308 = arith.constant 5 : i32
        %add3A_309 = arith.addi %mul3A_260, %add3A_308 : i32
        %get3A_310 = arith.index_cast %add3A_309 : i32 to index
        %get3A_311 = arith.constant 0 : index
        %get3A_312 = tpu.vector_load %arg8[%get3A_310, %get3A_311] {strides = array<i32>} : memref<512x128xf32, #tpu.memory_space<vmem>>, vector<1x16xf32>,
        %get3A_313 = vector.shape_cast %get3A_312 : vector<1x16xf32> to vector<16xf32>
        %max3A_314 = arith.maximumf %max3A_303, %get3A_313 : vector<16xf32>
        %min3A_315 = arith.minimumf %min3A_304, %get3A_313 : vector<16xf32>
        %add3A_316 = arith.addf %add3A_305, %get3A_313 : vector<16xf32>
        %mul3A_317 = arith.mulf %get3A_313, %get3A_313 : vector<16xf32>
        %add3A_318 = arith.addf %add3A_307, %mul3A_317 : vector<16xf32>
        %add3A_319 = arith.constant 6 : i32
        %add3A_320 = arith.addi %mul3A_260, %add3A_319 : i32
        %get3A_321 = arith.index_cast %add3A_320 : i32 to index
        %get3A_322 = arith.constant 0 : index
        %get3A_323 = tpu.vector_load %arg8[%get3A_321, %get3A_322] {strides = array<i32>} : memref<512x128xf32, #tpu.memory_space<vmem>>, vector<1x16xf32>,
        %get3A_324 = vector.shape_cast %get3A_323 : vector<1x16xf32> to vector<16xf32>
        %max3A_325 = arith.maximumf %max3A_314, %get3A_324 : vector<16xf32>
        %min3A_326 = arith.minimumf %min3A_315, %get3A_324 : vector<16xf32>
        %add3A_327 = arith.addf %add3A_316, %get3A_324 : vector<16xf32>
        %mul3A_328 = arith.mulf %get3A_324, %get3A_324 : vector<16xf32>
        %add3A_329 = arith.addf %add3A_318, %mul3A_328 : vector<16xf32>
        %add3A_330 = arith.constant 7 : i32
        %add3A_331 = arith.addi %mul3A_260, %add3A_330 : i32
        %get3A_332 = arith.index_cast %add3A_331 : i32 to index
        %get3A_333 = arith.constant 0 : index
        %get3A_334 = tpu.vector_load %arg8[%get3A_332, %get3A_333] {strides = array<i32>} : memref<512x128xf32, #tpu.memory_space<vmem>>, vector<1x16xf32>,
        %get3A_335 = vector.shape_cast %get3A_334 : vector<1x16xf32> to vector<16xf32>
        %max3A_336 = arith.maximumf %max3A_325, %get3A_335 : vector<16xf32>
        %min3A_337 = arith.minimumf %min3A_326, %get3A_335 : vector<16xf32>
        %add3A_338 = arith.addf %add3A_327, %get3A_335 : vector<16xf32>
        %mul3A_339 = arith.mulf %get3A_335, %get3A_335 : vector<16xf32>
        %add3A_340 = arith.addf %add3A_329, %mul3A_339 : vector<16xf32>
        %add3A_341 = arith.constant 8 : i32
        %add3A_342 = arith.addi %mul3A_260, %add3A_341 : i32
        %get3A_343 = arith.index_cast %add3A_342 : i32 to index
        %get3A_344 = arith.constant 0 : index
        %get3A_345 = tpu.vector_load %arg8[%get3A_343, %get3A_344] {strides = array<i32>} : memref<512x128xf32, #tpu.memory_space<vmem>>, vector<1x16xf32>,
        %get3A_346 = vector.shape_cast %get3A_345 : vector<1x16xf32> to vector<16xf32>
        %max3A_347 = arith.maximumf %max3A_336, %get3A_346 : vector<16xf32>
        %min3A_348 = arith.minimumf %min3A_337, %get3A_346 : vector<16xf32>
        %add3A_349 = arith.addf %add3A_338, %get3A_346 : vector<16xf32>
        %mul3A_350 = arith.mulf %get3A_346, %get3A_346 : vector<16xf32>
        %add3A_351 = arith.addf %add3A_340, %mul3A_350 : vector<16xf32>
        %add3A_352 = arith.constant 9 : i32
        %add3A_353 = arith.addi %mul3A_260, %add3A_352 : i32
        %get3A_354 = arith.index_cast %add3A_353 : i32 to index
        %get3A_355 = arith.constant 0 : index
        %get3A_356 = tpu.vector_load %arg8[%get3A_354, %get3A_355] {strides = array<i32>} : memref<512x128xf32, #tpu.memory_space<vmem>>, vector<1x16xf32>,
        %get3A_357 = vector.shape_cast %get3A_356 : vector<1x16xf32> to vector<16xf32>
        %max3A_358 = arith.maximumf %max3A_347, %get3A_357 : vector<16xf32>
        %min3A_359 = arith.minimumf %min3A_348, %get3A_357 : vector<16xf32>
        %add3A_360 = arith.addf %add3A_349, %get3A_357 : vector<16xf32>
        %mul3A_361 = arith.mulf %get3A_357, %get3A_357 : vector<16xf32>
        %add3A_362 = arith.addf %add3A_351, %mul3A_361 : vector<16xf32>
        %add3A_363 = arith.constant 10 : i32
        %add3A_364 = arith.addi %mul3A_260, %add3A_363 : i32
        %get3A_365 = arith.index_cast %add3A_364 : i32 to index
        %get3A_366 = arith.constant 0 : index
        %get3A_367 = tpu.vector_load %arg8[%get3A_365, %get3A_366] {strides = array<i32>} : memref<512x128xf32, #tpu.memory_space<vmem>>, vector<1x16xf32>,
        %get3A_368 = vector.shape_cast %get3A_367 : vector<1x16xf32> to vector<16xf32>
        %max3A_369 = arith.maximumf %max3A_358, %get3A_368 : vector<16xf32>
        %min3A_370 = arith.minimumf %min3A_359, %get3A_368 : vector<16xf32>
        %add3A_371 = arith.addf %add3A_360, %get3A_368 : vector<16xf32>
        %mul3A_372 = arith.mulf %get3A_368, %get3A_368 : vector<16xf32>
        %add3A_373 = arith.addf %add3A_362, %mul3A_372 : vector<16xf32>
        %add3A_374 = arith.constant 11 : i32
        %add3A_375 = arith.addi %mul3A_260, %add3A_374 : i32
        %get3A_376 = arith.index_cast %add3A_375 : i32 to index
        %get3A_377 = arith.constant 0 : index
        %get3A_378 = tpu.vector_load %arg8[%get3A_376, %get3A_377] {strides = array<i32>} : memref<512x128xf32, #tpu.memory_space<vmem>>, vector<1x16xf32>,
        %get3A_379 = vector.shape_cast %get3A_378 : vector<1x16xf32> to vector<16xf32>
        %max3A_380 = arith.maximumf %max3A_369, %get3A_379 : vector<16xf32>
        %min3A_381 = arith.minimumf %min3A_370, %get3A_379 : vector<16xf32>
        %add3A_382 = arith.addf %add3A_371, %get3A_379 : vector<16xf32>
        %mul3A_383 = arith.mulf %get3A_379, %get3A_379 : vector<16xf32>
        %add3A_384 = arith.addf %add3A_373, %mul3A_383 : vector<16xf32>
        %add3A_385 = arith.constant 12 : i32
        %add3A_386 = arith.addi %mul3A_260, %add3A_385 : i32
        %get3A_387 = arith.index_cast %add3A_386 : i32 to index
        %get3A_388 = arith.constant 0 : index
        %get3A_389 = tpu.vector_load %arg8[%get3A_387, %get3A_388] {strides = array<i32>} : memref<512x128xf32, #tpu.memory_space<vmem>>, vector<1x16xf32>,
        %get3A_390 = vector.shape_cast %get3A_389 : vector<1x16xf32> to vector<16xf32>
        %max3A_391 = arith.maximumf %max3A_380, %get3A_390 : vector<16xf32>
        %min3A_392 = arith.minimumf %min3A_381, %get3A_390 : vector<16xf32>
        %add3A_393 = arith.addf %add3A_382, %get3A_390 : vector<16xf32>
        %mul3A_394 = arith.mulf %get3A_390, %get3A_390 : vector<16xf32>
        %add3A_395 = arith.addf %add3A_384, %mul3A_394 : vector<16xf32>
        %add3A_396 = arith.constant 13 : i32
        %add3A_397 = arith.addi %mul3A_260, %add3A_396 : i32
        %get3A_398 = arith.index_cast %add3A_397 : i32 to index
        %get3A_399 = arith.constant 0 : index
        %get3A_400 = tpu.vector_load %arg8[%get3A_398, %get3A_399] {strides = array<i32>} : memref<512x128xf32, #tpu.memory_space<vmem>>, vector<1x16xf32>,
        %get3A_401 = vector.shape_cast %get3A_400 : vector<1x16xf32> to vector<16xf32>
        %max3A_402 = arith.maximumf %max3A_391, %get3A_401 : vector<16xf32>
        %min3A_403 = arith.minimumf %min3A_392, %get3A_401 : vector<16xf32>
        %add3A_404 = arith.addf %add3A_393, %get3A_401 : vector<16xf32>
        %mul3A_405 = arith.mulf %get3A_401, %get3A_401 : vector<16xf32>
        %add3A_406 = arith.addf %add3A_395, %mul3A_405 : vector<16xf32>
        %add3A_407 = arith.constant 14 : i32
        %add3A_408 = arith.addi %mul3A_260, %add3A_407 : i32
        %get3A_409 = arith.index_cast %add3A_408 : i32 to index
        %get3A_410 = arith.constant 0 : index
        %get3A_411 = tpu.vector_load %arg8[%get3A_409, %get3A_410] {strides = array<i32>} : memref<512x128xf32, #tpu.memory_space<vmem>>, vector<1x16xf32>,
        %get3A_412 = vector.shape_cast %get3A_411 : vector<1x16xf32> to vector<16xf32>
        %max3A_413 = arith.maximumf %max3A_402, %get3A_412 : vector<16xf32>
        %min3A_414 = arith.minimumf %min3A_403, %get3A_412 : vector<16xf32>
        %add3A_415 = arith.addf %add3A_404, %get3A_412 : vector<16xf32>
        %mul3A_416 = arith.mulf %get3A_412, %get3A_412 : vector<16xf32>
        %add3A_417 = arith.addf %add3A_406, %mul3A_416 : vector<16xf32>
        %add3A_418 = arith.constant 15 : i32
        %add3A_419 = arith.addi %mul3A_260, %add3A_418 : i32
        %get3A_420 = arith.index_cast %add3A_419 : i32 to index
        %get3A_421 = arith.constant 0 : index
        %get3A_422 = tpu.vector_load %arg8[%get3A_420, %get3A_421] {strides = array<i32>} : memref<512x128xf32, #tpu.memory_space<vmem>>, vector<1x16xf32>,
        %get3A_423 = vector.shape_cast %get3A_422 : vector<1x16xf32> to vector<16xf32>
        %max3A_424 = arith.maximumf %max3A_413, %get3A_423 : vector<16xf32>
        %min3A_425 = arith.minimumf %min3A_414, %get3A_423 : vector<16xf32>
        %add3A_426 = arith.addf %add3A_415, %get3A_423 : vector<16xf32>
        %mul3A_427 = arith.mulf %get3A_423, %get3A_423 : vector<16xf32>
        %add3A_428 = arith.addf %add3A_417, %mul3A_427 : vector<16xf32>
        %get3A_429 = arith.index_cast %add3A_258 : i32 to index
        %get3A_430 = arith.constant 64 : index
        %get3A_431 = tpu.vector_load %arg9[%get3A_429, %get3A_430] {strides = array<i32>} : memref<32x128xf32, #tpu.memory_space<vmem>>, vector<1x16xf32>,
        %get3A_432 = vector.shape_cast %get3A_431 : vector<1x16xf32> to vector<16xf32>
        %add3A_433 = arith.addf %max3A_424, %get3A_432 : vector<16xf32>
        %swap3A_434 = arith.index_cast %add3A_258 : i32 to index
        %swap3A_435 = arith.constant 0 : index
        %swap3A_436 = tpu.vector_load %arg10[%swap3A_434, %swap3A_435] {strides = array<i32>} : memref<32x64xf32, #tpu.memory_space<vmem>>, vector<1x16xf32>,
        %swap3A_437 = vector.shape_cast %swap3A_436 : vector<1x16xf32> to vector<16xf32>
        %swap3A_438 = vector.shape_cast %add3A_433 : vector<16xf32> to vector<1x16xf32>
        tpu.vector_store %arg10[%swap3A_434, %swap3A_435], %swap3A_438 {strides = array<i32>} : memref<32x64xf32, #tpu.memory_space<vmem>>, vector<1x16xf32>,
        %add3A_439 = arith.addf %min3A_425, %get3A_432 : vector<16xf32>
        %swap3A_440 = arith.index_cast %add3A_258 : i32 to index
        %swap3A_441 = arith.constant 0 : index
        %swap3A_442 = tpu.vector_load %arg11[%swap3A_440, %swap3A_441] {strides = array<i32>} : memref<32x64xf32, #tpu.memory_space<vmem>>, vector<1x16xf32>,
        %swap3A_443 = vector.shape_cast %swap3A_442 : vector<1x16xf32> to vector<16xf32>
        %swap3A_444 = vector.shape_cast %add3A_439 : vector<16xf32> to vector<1x16xf32>
        tpu.vector_store %arg11[%swap3A_440, %swap3A_441], %swap3A_444 {strides = array<i32>} : memref<32x64xf32, #tpu.memory_space<vmem>>, vector<1x16xf32>,
        %get3A_445 = arith.constant 0 : i32
        %get3A_446 = arith.index_cast %get3A_445 : i32 to index
        %get3A_447 = arith.constant 0 : index
        %get3A_448 = tpu.vector_load %arg12[%get3A_446, %get3A_447] {strides = array<i32>} : memref<8x16xf32, #tpu.memory_space<vmem>>, vector<1x16xf32>,
        %get3A_449 = vector.shape_cast %get3A_448 : vector<1x16xf32> to vector<16xf32>
        %add3A_450 = arith.addf %get3A_449, %add3A_426 : vector<16xf32>
        %mul3A_451 = arith.constant 1.600000e+01 : f32
        %mul3A_452 = vector.broadcast %mul3A_451 : f32 to vector<16xf32>
        %mul3A_453 = arith.mulf %mul3A_452, %get3A_432 : vector<16xf32>
        %add3A_454 = arith.addf %add3A_450, %mul3A_453 : vector<16xf32>
        %swap3A_455 = arith.constant 0 : i32
        %swap3A_456 = arith.index_cast %swap3A_455 : i32 to index
        %swap3A_457 = arith.constant 0 : index
        %swap3A_458 = tpu.vector_load %arg12[%swap3A_456, %swap3A_457] {strides = array<i32>} : memref<8x16xf32, #tpu.memory_space<vmem>>, vector<1x16xf32>,
        %swap3A_459 = vector.shape_cast %swap3A_458 : vector<1x16xf32> to vector<16xf32>
        %swap3A_460 = vector.shape_cast %add3A_454 : vector<16xf32> to vector<1x16xf32>
        tpu.vector_store %arg12[%swap3A_456, %swap3A_457], %swap3A_460 {strides = array<i32>} : memref<8x16xf32, #tpu.memory_space<vmem>>, vector<1x16xf32>,
        %get3A_461 = arith.constant 4 : i32
        %get3A_462 = arith.index_cast %get3A_461 : i32 to index
        %get3A_463 = arith.constant 0 : index
        %get3A_464 = tpu.vector_load %arg12[%get3A_462, %get3A_463] {strides = array<i32>} : memref<8x16xf32, #tpu.memory_space<vmem>>, vector<1x16xf32>,
        %get3A_465 = vector.shape_cast %get3A_464 : vector<1x16xf32> to vector<16xf32>
        %add3A_466 = arith.addf %get3A_465, %add3A_428 : vector<16xf32>
        %mul3A_467 = arith.constant 2.000000e+00 : f32
        %mul3A_468 = vector.broadcast %mul3A_467 : f32 to vector<16xf32>
        %mul3A_469 = arith.mulf %mul3A_468, %get3A_432 : vector<16xf32>
        %mul3A_470 = arith.mulf %mul3A_469, %add3A_426 : vector<16xf32>
        %add3A_471 = arith.addf %add3A_466, %mul3A_470 : vector<16xf32>
        %mul3A_472 = arith.constant 1.600000e+01 : f32
        %mul3A_473 = vector.broadcast %mul3A_472 : f32 to vector<16xf32>
        %mul3A_474 = arith.mulf %mul3A_473, %get3A_432 : vector<16xf32>
        %mul3A_475 = arith.mulf %mul3A_474, %get3A_432 : vector<16xf32>
        %add3A_476 = arith.addf %add3A_471, %mul3A_475 : vector<16xf32>
        %swap3A_477 = arith.constant 4 : i32
        %swap3A_478 = arith.index_cast %swap3A_477 : i32 to index
        %swap3A_479 = arith.constant 0 : index
        %swap3A_480 = tpu.vector_load %arg12[%swap3A_478, %swap3A_479] {strides = array<i32>} : memref<8x16xf32, #tpu.memory_space<vmem>>, vector<1x16xf32>,
        %swap3A_481 = vector.shape_cast %swap3A_480 : vector<1x16xf32> to vector<16xf32>
        %swap3A_482 = vector.shape_cast %add3A_476 : vector<16xf32> to vector<1x16xf32>
        tpu.vector_store %arg12[%swap3A_478, %swap3A_479], %swap3A_482 {strides = array<i32>} : memref<8x16xf32, #tpu.memory_space<vmem>>, vector<1x16xf32>,
        %get3A_483 = arith.index_cast %mul3A_260 : i32 to index
        %get3A_484 = arith.constant 16 : index
        %get3A_485 = tpu.vector_load %arg8[%get3A_483, %get3A_484] {strides = array<i32>} : memref<512x128xf32, #tpu.memory_space<vmem>>, vector<1x16xf32>,
        %get3A_486 = vector.shape_cast %get3A_485 : vector<1x16xf32> to vector<16xf32>
        %mul3A_487 = arith.mulf %get3A_486, %get3A_486 : vector<16xf32>
        %add3A_488 = arith.constant 1 : i32
        %add3A_489 = arith.addi %mul3A_260, %add3A_488 : i32
        %get3A_490 = arith.index_cast %add3A_489 : i32 to index
        %get3A_491 = arith.constant 16 : index
        %get3A_492 = tpu.vector_load %arg8[%get3A_490, %get3A_491] {strides = array<i32>} : memref<512x128xf32, #tpu.memory_space<vmem>>, vector<1x16xf32>,
        %get3A_493 = vector.shape_cast %get3A_492 : vector<1x16xf32> to vector<16xf32>
        %max3A_494 = arith.maximumf %get3A_486, %get3A_493 : vector<16xf32>
        %min3A_495 = arith.minimumf %get3A_486, %get3A_493 : vector<16xf32>
        %add3A_496 = arith.addf %get3A_486, %get3A_493 : vector<16xf32>
        %mul3A_497 = arith.mulf %get3A_493, %get3A_493 : vector<16xf32>
        %add3A_498 = arith.addf %mul3A_487, %mul3A_497 : vector<16xf32>
        %add3A_499 = arith.constant 2 : i32
        %add3A_500 = arith.addi %mul3A_260, %add3A_499 : i32
        %get3A_501 = arith.index_cast %add3A_500 : i32 to index
        %get3A_502 = arith.constant 16 : index
        %get3A_503 = tpu.vector_load %arg8[%get3A_501, %get3A_502] {strides = array<i32>} : memref<512x128xf32, #tpu.memory_space<vmem>>, vector<1x16xf32>,
        %get3A_504 = vector.shape_cast %get3A_503 : vector<1x16xf32> to vector<16xf32>
        %max3A_505 = arith.maximumf %max3A_494, %get3A_504 : vector<16xf32>
        %min3A_506 = arith.minimumf %min3A_495, %get3A_504 : vector<16xf32>
        %add3A_507 = arith.addf %add3A_496, %get3A_504 : vector<16xf32>
        %mul3A_508 = arith.mulf %get3A_504, %get3A_504 : vector<16xf32>
        %add3A_509 = arith.addf %add3A_498, %mul3A_508 : vector<16xf32>
        %add3A_510 = arith.constant 3 : i32
        %add3A_511 = arith.addi %mul3A_260, %add3A_510 : i32
        %get3A_512 = arith.index_cast %add3A_511 : i32 to index
        %get3A_513 = arith.constant 16 : index
        %get3A_514 = tpu.vector_load %arg8[%get3A_512, %get3A_513] {strides = array<i32>} : memref<512x128xf32, #tpu.memory_space<vmem>>, vector<1x16xf32>,
        %get3A_515 = vector.shape_cast %get3A_514 : vector<1x16xf32> to vector<16xf32>
        %max3A_516 = arith.maximumf %max3A_505, %get3A_515 : vector<16xf32>
        %min3A_517 = arith.minimumf %min3A_506, %get3A_515 : vector<16xf32>
        %add3A_518 = arith.addf %add3A_507, %get3A_515 : vector<16xf32>
        %mul3A_519 = arith.mulf %get3A_515, %get3A_515 : vector<16xf32>
        %add3A_520 = arith.addf %add3A_509, %mul3A_519 : vector<16xf32>
        %add3A_521 = arith.constant 4 : i32
        %add3A_522 = arith.addi %mul3A_260, %add3A_521 : i32
        %get3A_523 = arith.index_cast %add3A_522 : i32 to index
        %get3A_524 = arith.constant 16 : index
        %get3A_525 = tpu.vector_load %arg8[%get3A_523, %get3A_524] {strides = array<i32>} : memref<512x128xf32, #tpu.memory_space<vmem>>, vector<1x16xf32>,
        %get3A_526 = vector.shape_cast %get3A_525 : vector<1x16xf32> to vector<16xf32>
        %max3A_527 = arith.maximumf %max3A_516, %get3A_526 : vector<16xf32>
        %min3A_528 = arith.minimumf %min3A_517, %get3A_526 : vector<16xf32>
        %add3A_529 = arith.addf %add3A_518, %get3A_526 : vector<16xf32>
        %mul3A_530 = arith.mulf %get3A_526, %get3A_526 : vector<16xf32>
        %add3A_531 = arith.addf %add3A_520, %mul3A_530 : vector<16xf32>
        %add3A_532 = arith.constant 5 : i32
        %add3A_533 = arith.addi %mul3A_260, %add3A_532 : i32
        %get3A_534 = arith.index_cast %add3A_533 : i32 to index
        %get3A_535 = arith.constant 16 : index
        %get3A_536 = tpu.vector_load %arg8[%get3A_534, %get3A_535] {strides = array<i32>} : memref<512x128xf32, #tpu.memory_space<vmem>>, vector<1x16xf32>,
        %get3A_537 = vector.shape_cast %get3A_536 : vector<1x16xf32> to vector<16xf32>
        %max3A_538 = arith.maximumf %max3A_527, %get3A_537 : vector<16xf32>
        %min3A_539 = arith.minimumf %min3A_528, %get3A_537 : vector<16xf32>
        %add3A_540 = arith.addf %add3A_529, %get3A_537 : vector<16xf32>
        %mul3A_541 = arith.mulf %get3A_537, %get3A_537 : vector<16xf32>
        %add3A_542 = arith.addf %add3A_531, %mul3A_541 : vector<16xf32>
        %add3A_543 = arith.constant 6 : i32
        %add3A_544 = arith.addi %mul3A_260, %add3A_543 : i32
        %get3A_545 = arith.index_cast %add3A_544 : i32 to index
        %get3A_546 = arith.constant 16 : index
        %get3A_547 = tpu.vector_load %arg8[%get3A_545, %get3A_546] {strides = array<i32>} : memref<512x128xf32, #tpu.memory_space<vmem>>, vector<1x16xf32>,
        %get3A_548 = vector.shape_cast %get3A_547 : vector<1x16xf32> to vector<16xf32>
        %max3A_549 = arith.maximumf %max3A_538, %get3A_548 : vector<16xf32>
        %min3A_550 = arith.minimumf %min3A_539, %get3A_548 : vector<16xf32>
        %add3A_551 = arith.addf %add3A_540, %get3A_548 : vector<16xf32>
        %mul3A_552 = arith.mulf %get3A_548, %get3A_548 : vector<16xf32>
        %add3A_553 = arith.addf %add3A_542, %mul3A_552 : vector<16xf32>
        %add3A_554 = arith.constant 7 : i32
        %add3A_555 = arith.addi %mul3A_260, %add3A_554 : i32
        %get3A_556 = arith.index_cast %add3A_555 : i32 to index
        %get3A_557 = arith.constant 16 : index
        %get3A_558 = tpu.vector_load %arg8[%get3A_556, %get3A_557] {strides = array<i32>} : memref<512x128xf32, #tpu.memory_space<vmem>>, vector<1x16xf32>,
        %get3A_559 = vector.shape_cast %get3A_558 : vector<1x16xf32> to vector<16xf32>
        %max3A_560 = arith.maximumf %max3A_549, %get3A_559 : vector<16xf32>
        %min3A_561 = arith.minimumf %min3A_550, %get3A_559 : vector<16xf32>
        %add3A_562 = arith.addf %add3A_551, %get3A_559 : vector<16xf32>
        %mul3A_563 = arith.mulf %get3A_559, %get3A_559 : vector<16xf32>
        %add3A_564 = arith.addf %add3A_553, %mul3A_563 : vector<16xf32>
        %add3A_565 = arith.constant 8 : i32
        %add3A_566 = arith.addi %mul3A_260, %add3A_565 : i32
        %get3A_567 = arith.index_cast %add3A_566 : i32 to index
        %get3A_568 = arith.constant 16 : index
        %get3A_569 = tpu.vector_load %arg8[%get3A_567, %get3A_568] {strides = array<i32>} : memref<512x128xf32, #tpu.memory_space<vmem>>, vector<1x16xf32>,
        %get3A_570 = vector.shape_cast %get3A_569 : vector<1x16xf32> to vector<16xf32>
        %max3A_571 = arith.maximumf %max3A_560, %get3A_570 : vector<16xf32>
        %min3A_572 = arith.minimumf %min3A_561, %get3A_570 : vector<16xf32>
        %add3A_573 = arith.addf %add3A_562, %get3A_570 : vector<16xf32>
        %mul3A_574 = arith.mulf %get3A_570, %get3A_570 : vector<16xf32>
        %add3A_575 = arith.addf %add3A_564, %mul3A_574 : vector<16xf32>
        %add3A_576 = arith.constant 9 : i32
        %add3A_577 = arith.addi %mul3A_260, %add3A_576 : i32
        %get3A_578 = arith.index_cast %add3A_577 : i32 to index
        %get3A_579 = arith.constant 16 : index
        %get3A_580 = tpu.vector_load %arg8[%get3A_578, %get3A_579] {strides = array<i32>} : memref<512x128xf32, #tpu.memory_space<vmem>>, vector<1x16xf32>,
        %get3A_581 = vector.shape_cast %get3A_580 : vector<1x16xf32> to vector<16xf32>
        %max3A_582 = arith.maximumf %max3A_571, %get3A_581 : vector<16xf32>
        %min3A_583 = arith.minimumf %min3A_572, %get3A_581 : vector<16xf32>
        %add3A_584 = arith.addf %add3A_573, %get3A_581 : vector<16xf32>
        %mul3A_585 = arith.mulf %get3A_581, %get3A_581 : vector<16xf32>
        %add3A_586 = arith.addf %add3A_575, %mul3A_585 : vector<16xf32>
        %add3A_587 = arith.constant 10 : i32
        %add3A_588 = arith.addi %mul3A_260, %add3A_587 : i32
        %get3A_589 = arith.index_cast %add3A_588 : i32 to index
        %get3A_590 = arith.constant 16 : index
        %get3A_591 = tpu.vector_load %arg8[%get3A_589, %get3A_590] {strides = array<i32>} : memref<512x128xf32, #tpu.memory_space<vmem>>, vector<1x16xf32>,
        %get3A_592 = vector.shape_cast %get3A_591 : vector<1x16xf32> to vector<16xf32>
        %max3A_593 = arith.maximumf %max3A_582, %get3A_592 : vector<16xf32>
        %min3A_594 = arith.minimumf %min3A_583, %get3A_592 : vector<16xf32>
        %add3A_595 = arith.addf %add3A_584, %get3A_592 : vector<16xf32>
        %mul3A_596 = arith.mulf %get3A_592, %get3A_592 : vector<16xf32>
        %add3A_597 = arith.addf %add3A_586, %mul3A_596 : vector<16xf32>
        %add3A_598 = arith.constant 11 : i32
        %add3A_599 = arith.addi %mul3A_260, %add3A_598 : i32
        %get3A_600 = arith.index_cast %add3A_599 : i32 to index
        %get3A_601 = arith.constant 16 : index
        %get3A_602 = tpu.vector_load %arg8[%get3A_600, %get3A_601] {strides = array<i32>} : memref<512x128xf32, #tpu.memory_space<vmem>>, vector<1x16xf32>,
        %get3A_603 = vector.shape_cast %get3A_602 : vector<1x16xf32> to vector<16xf32>
        %max3A_604 = arith.maximumf %max3A_593, %get3A_603 : vector<16xf32>
        %min3A_605 = arith.minimumf %min3A_594, %get3A_603 : vector<16xf32>
        %add3A_606 = arith.addf %add3A_595, %get3A_603 : vector<16xf32>
        %mul3A_607 = arith.mulf %get3A_603, %get3A_603 : vector<16xf32>
        %add3A_608 = arith.addf %add3A_597, %mul3A_607 : vector<16xf32>
        %add3A_609 = arith.constant 12 : i32
        %add3A_610 = arith.addi %mul3A_260, %add3A_609 : i32
        %get3A_611 = arith.index_cast %add3A_610 : i32 to index
        %get3A_612 = arith.constant 16 : index
        %get3A_613 = tpu.vector_load %arg8[%get3A_611, %get3A_612] {strides = array<i32>} : memref<512x128xf32, #tpu.memory_space<vmem>>, vector<1x16xf32>,
        %get3A_614 = vector.shape_cast %get3A_613 : vector<1x16xf32> to vector<16xf32>
        %max3A_615 = arith.maximumf %max3A_604, %get3A_614 : vector<16xf32>
        %min3A_616 = arith.minimumf %min3A_605, %get3A_614 : vector<16xf32>
        %add3A_617 = arith.addf %add3A_606, %get3A_614 : vector<16xf32>
        %mul3A_618 = arith.mulf %get3A_614, %get3A_614 : vector<16xf32>
        %add3A_619 = arith.addf %add3A_608, %mul3A_618 : vector<16xf32>
        %add3A_620 = arith.constant 13 : i32
        %add3A_621 = arith.addi %mul3A_260, %add3A_620 : i32
        %get3A_622 = arith.index_cast %add3A_621 : i32 to index
        %get3A_623 = arith.constant 16 : index
        %get3A_624 = tpu.vector_load %arg8[%get3A_622, %get3A_623] {strides = array<i32>} : memref<512x128xf32, #tpu.memory_space<vmem>>, vector<1x16xf32>,
        %get3A_625 = vector.shape_cast %get3A_624 : vector<1x16xf32> to vector<16xf32>
        %max3A_626 = arith.maximumf %max3A_615, %get3A_625 : vector<16xf32>
        %min3A_627 = arith.minimumf %min3A_616, %get3A_625 : vector<16xf32>
        %add3A_628 = arith.addf %add3A_617, %get3A_625 : vector<16xf32>
        %mul3A_629 = arith.mulf %get3A_625, %get3A_625 : vector<16xf32>
        %add3A_630 = arith.addf %add3A_619, %mul3A_629 : vector<16xf32>
        %add3A_631 = arith.constant 14 : i32
        %add3A_632 = arith.addi %mul3A_260, %add3A_631 : i32
        %get3A_633 = arith.index_cast %add3A_632 : i32 to index
        %get3A_634 = arith.constant 16 : index
        %get3A_635 = tpu.vector_load %arg8[%get3A_633, %get3A_634] {strides = array<i32>} : memref<512x128xf32, #tpu.memory_space<vmem>>, vector<1x16xf32>,
        %get3A_636 = vector.shape_cast %get3A_635 : vector<1x16xf32> to vector<16xf32>
        %max3A_637 = arith.maximumf %max3A_626, %get3A_636 : vector<16xf32>
        %min3A_638 = arith.minimumf %min3A_627, %get3A_636 : vector<16xf32>
        %add3A_639 = arith.addf %add3A_628, %get3A_636 : vector<16xf32>
        %mul3A_640 = arith.mulf %get3A_636, %get3A_636 : vector<16xf32>
        %add3A_641 = arith.addf %add3A_630, %mul3A_640 : vector<16xf32>
        %add3A_642 = arith.constant 15 : i32
        %add3A_643 = arith.addi %mul3A_260, %add3A_642 : i32
        %get3A_644 = arith.index_cast %add3A_643 : i32 to index
        %get3A_645 = arith.constant 16 : index
        %get3A_646 = tpu.vector_load %arg8[%get3A_644, %get3A_645] {strides = array<i32>} : memref<512x128xf32, #tpu.memory_space<vmem>>, vector<1x16xf32>,
        %get3A_647 = vector.shape_cast %get3A_646 : vector<1x16xf32> to vector<16xf32>
        %max3A_648 = arith.maximumf %max3A_637, %get3A_647 : vector<16xf32>
        %min3A_649 = arith.minimumf %min3A_638, %get3A_647 : vector<16xf32>
        %add3A_650 = arith.addf %add3A_639, %get3A_647 : vector<16xf32>
        %mul3A_651 = arith.mulf %get3A_647, %get3A_647 : vector<16xf32>
        %add3A_652 = arith.addf %add3A_641, %mul3A_651 : vector<16xf32>
        %get3A_653 = arith.index_cast %add3A_258 : i32 to index
        %get3A_654 = arith.constant 80 : index
        %get3A_655 = tpu.vector_load %arg9[%get3A_653, %get3A_654] {strides = array<i32>} : memref<32x128xf32, #tpu.memory_space<vmem>>, vector<1x16xf32>,
        %get3A_656 = vector.shape_cast %get3A_655 : vector<1x16xf32> to vector<16xf32>
        %add3A_657 = arith.addf %max3A_648, %get3A_656 : vector<16xf32>
        %swap3A_658 = arith.index_cast %add3A_258 : i32 to index
        %swap3A_659 = arith.constant 16 : index
        %swap3A_660 = tpu.vector_load %arg10[%swap3A_658, %swap3A_659] {strides = array<i32>} : memref<32x64xf32, #tpu.memory_space<vmem>>, vector<1x16xf32>,
        %swap3A_661 = vector.shape_cast %swap3A_660 : vector<1x16xf32> to vector<16xf32>
        %swap3A_662 = vector.shape_cast %add3A_657 : vector<16xf32> to vector<1x16xf32>
        tpu.vector_store %arg10[%swap3A_658, %swap3A_659], %swap3A_662 {strides = array<i32>} : memref<32x64xf32, #tpu.memory_space<vmem>>, vector<1x16xf32>,
        %add3A_663 = arith.addf %min3A_649, %get3A_656 : vector<16xf32>
        %swap3A_664 = arith.index_cast %add3A_258 : i32 to index
        %swap3A_665 = arith.constant 16 : index
        %swap3A_666 = tpu.vector_load %arg11[%swap3A_664, %swap3A_665] {strides = array<i32>} : memref<32x64xf32, #tpu.memory_space<vmem>>, vector<1x16xf32>,
        %swap3A_667 = vector.shape_cast %swap3A_666 : vector<1x16xf32> to vector<16xf32>
        %swap3A_668 = vector.shape_cast %add3A_663 : vector<16xf32> to vector<1x16xf32>
        tpu.vector_store %arg11[%swap3A_664, %swap3A_665], %swap3A_668 {strides = array<i32>} : memref<32x64xf32, #tpu.memory_space<vmem>>, vector<1x16xf32>,
        %get3A_669 = arith.constant 1 : i32
        %get3A_670 = arith.index_cast %get3A_669 : i32 to index
        %get3A_671 = arith.constant 0 : index
        %get3A_672 = tpu.vector_load %arg12[%get3A_670, %get3A_671] {strides = array<i32>} : memref<8x16xf32, #tpu.memory_space<vmem>>, vector<1x16xf32>,
        %get3A_673 = vector.shape_cast %get3A_672 : vector<1x16xf32> to vector<16xf32>
        %add3A_674 = arith.addf %get3A_673, %add3A_650 : vector<16xf32>
        %mul3A_675 = arith.constant 1.600000e+01 : f32
        %mul3A_676 = vector.broadcast %mul3A_675 : f32 to vector<16xf32>
        %mul3A_677 = arith.mulf %mul3A_676, %get3A_656 : vector<16xf32>
        %add3A_678 = arith.addf %add3A_674, %mul3A_677 : vector<16xf32>
        %swap3A_679 = arith.constant 1 : i32
        %swap3A_680 = arith.index_cast %swap3A_679 : i32 to index
        %swap3A_681 = arith.constant 0 : index
        %swap3A_682 = tpu.vector_load %arg12[%swap3A_680, %swap3A_681] {strides = array<i32>} : memref<8x16xf32, #tpu.memory_space<vmem>>, vector<1x16xf32>,
        %swap3A_683 = vector.shape_cast %swap3A_682 : vector<1x16xf32> to vector<16xf32>
        %swap3A_684 = vector.shape_cast %add3A_678 : vector<16xf32> to vector<1x16xf32>
        tpu.vector_store %arg12[%swap3A_680, %swap3A_681], %swap3A_684 {strides = array<i32>} : memref<8x16xf32, #tpu.memory_space<vmem>>, vector<1x16xf32>,
        %get3A_685 = arith.constant 5 : i32
        %get3A_686 = arith.index_cast %get3A_685 : i32 to index
        %get3A_687 = arith.constant 0 : index
        %get3A_688 = tpu.vector_load %arg12[%get3A_686, %get3A_687] {strides = array<i32>} : memref<8x16xf32, #tpu.memory_space<vmem>>, vector<1x16xf32>,
        %get3A_689 = vector.shape_cast %get3A_688 : vector<1x16xf32> to vector<16xf32>
        %add3A_690 = arith.addf %get3A_689, %add3A_652 : vector<16xf32>
        %mul3A_691 = arith.constant 2.000000e+00 : f32
        %mul3A_692 = vector.broadcast %mul3A_691 : f32 to vector<16xf32>
        %mul3A_693 = arith.mulf %mul3A_692, %get3A_656 : vector<16xf32>
        %mul3A_694 = arith.mulf %mul3A_693, %add3A_650 : vector<16xf32>
        %add3A_695 = arith.addf %add3A_690, %mul3A_694 : vector<16xf32>
        %mul3A_696 = arith.constant 1.600000e+01 : f32
        %mul3A_697 = vector.broadcast %mul3A_696 : f32 to vector<16xf32>
        %mul3A_698 = arith.mulf %mul3A_697, %get3A_656 : vector<16xf32>
        %mul3A_699 = arith.mulf %mul3A_698, %get3A_656 : vector<16xf32>
        %add3A_700 = arith.addf %add3A_695, %mul3A_699 : vector<16xf32>
        %swap3A_701 = arith.constant 5 : i32
        %swap3A_702 = arith.index_cast %swap3A_701 : i32 to index
        %swap3A_703 = arith.constant 0 : index
        %swap3A_704 = tpu.vector_load %arg12[%swap3A_702, %swap3A_703] {strides = array<i32>} : memref<8x16xf32, #tpu.memory_space<vmem>>, vector<1x16xf32>,
        %swap3A_705 = vector.shape_cast %swap3A_704 : vector<1x16xf32> to vector<16xf32>
        %swap3A_706 = vector.shape_cast %add3A_700 : vector<16xf32> to vector<1x16xf32>
        tpu.vector_store %arg12[%swap3A_702, %swap3A_703], %swap3A_706 {strides = array<i32>} : memref<8x16xf32, #tpu.memory_space<vmem>>, vector<1x16xf32>,
        %get3A_707 = arith.index_cast %mul3A_260 : i32 to index
        %get3A_708 = arith.constant 32 : index
        %get3A_709 = tpu.vector_load %arg8[%get3A_707, %get3A_708] {strides = array<i32>} : memref<512x128xf32, #tpu.memory_space<vmem>>, vector<1x16xf32>,
        %get3A_710 = vector.shape_cast %get3A_709 : vector<1x16xf32> to vector<16xf32>
        %mul3A_711 = arith.mulf %get3A_710, %get3A_710 : vector<16xf32>
        %add3A_712 = arith.constant 1 : i32
        %add3A_713 = arith.addi %mul3A_260, %add3A_712 : i32
        %get3A_714 = arith.index_cast %add3A_713 : i32 to index
        %get3A_715 = arith.constant 32 : index
        %get3A_716 = tpu.vector_load %arg8[%get3A_714, %get3A_715] {strides = array<i32>} : memref<512x128xf32, #tpu.memory_space<vmem>>, vector<1x16xf32>,
        %get3A_717 = vector.shape_cast %get3A_716 : vector<1x16xf32> to vector<16xf32>
        %max3A_718 = arith.maximumf %get3A_710, %get3A_717 : vector<16xf32>
        %min3A_719 = arith.minimumf %get3A_710, %get3A_717 : vector<16xf32>
        %add3A_720 = arith.addf %get3A_710, %get3A_717 : vector<16xf32>
        %mul3A_721 = arith.mulf %get3A_717, %get3A_717 : vector<16xf32>
        %add3A_722 = arith.addf %mul3A_711, %mul3A_721 : vector<16xf32>
        %add3A_723 = arith.constant 2 : i32
        %add3A_724 = arith.addi %mul3A_260, %add3A_723 : i32
        %get3A_725 = arith.index_cast %add3A_724 : i32 to index
        %get3A_726 = arith.constant 32 : index
        %get3A_727 = tpu.vector_load %arg8[%get3A_725, %get3A_726] {strides = array<i32>} : memref<512x128xf32, #tpu.memory_space<vmem>>, vector<1x16xf32>,
        %get3A_728 = vector.shape_cast %get3A_727 : vector<1x16xf32> to vector<16xf32>
        %max3A_729 = arith.maximumf %max3A_718, %get3A_728 : vector<16xf32>
        %min3A_730 = arith.minimumf %min3A_719, %get3A_728 : vector<16xf32>
        %add3A_731 = arith.addf %add3A_720, %get3A_728 : vector<16xf32>
        %mul3A_732 = arith.mulf %get3A_728, %get3A_728 : vector<16xf32>
        %add3A_733 = arith.addf %add3A_722, %mul3A_732 : vector<16xf32>
        %add3A_734 = arith.constant 3 : i32
        %add3A_735 = arith.addi %mul3A_260, %add3A_734 : i32
        %get3A_736 = arith.index_cast %add3A_735 : i32 to index
        %get3A_737 = arith.constant 32 : index
        %get3A_738 = tpu.vector_load %arg8[%get3A_736, %get3A_737] {strides = array<i32>} : memref<512x128xf32, #tpu.memory_space<vmem>>, vector<1x16xf32>,
        %get3A_739 = vector.shape_cast %get3A_738 : vector<1x16xf32> to vector<16xf32>
        %max3A_740 = arith.maximumf %max3A_729, %get3A_739 : vector<16xf32>
        %min3A_741 = arith.minimumf %min3A_730, %get3A_739 : vector<16xf32>
        %add3A_742 = arith.addf %add3A_731, %get3A_739 : vector<16xf32>
        %mul3A_743 = arith.mulf %get3A_739, %get3A_739 : vector<16xf32>
        %add3A_744 = arith.addf %add3A_733, %mul3A_743 : vector<16xf32>
        %add3A_745 = arith.constant 4 : i32
        %add3A_746 = arith.addi %mul3A_260, %add3A_745 : i32
        %get3A_747 = arith.index_cast %add3A_746 : i32 to index
        %get3A_748 = arith.constant 32 : index
        %get3A_749 = tpu.vector_load %arg8[%get3A_747, %get3A_748] {strides = array<i32>} : memref<512x128xf32, #tpu.memory_space<vmem>>, vector<1x16xf32>,
        %get3A_750 = vector.shape_cast %get3A_749 : vector<1x16xf32> to vector<16xf32>
        %max3A_751 = arith.maximumf %max3A_740, %get3A_750 : vector<16xf32>
        %min3A_752 = arith.minimumf %min3A_741, %get3A_750 : vector<16xf32>
        %add3A_753 = arith.addf %add3A_742, %get3A_750 : vector<16xf32>
        %mul3A_754 = arith.mulf %get3A_750, %get3A_750 : vector<16xf32>
        %add3A_755 = arith.addf %add3A_744, %mul3A_754 : vector<16xf32>
        %add3A_756 = arith.constant 5 : i32
        %add3A_757 = arith.addi %mul3A_260, %add3A_756 : i32
        %get3A_758 = arith.index_cast %add3A_757 : i32 to index
        %get3A_759 = arith.constant 32 : index
        %get3A_760 = tpu.vector_load %arg8[%get3A_758, %get3A_759] {strides = array<i32>} : memref<512x128xf32, #tpu.memory_space<vmem>>, vector<1x16xf32>,
        %get3A_761 = vector.shape_cast %get3A_760 : vector<1x16xf32> to vector<16xf32>
        %max3A_762 = arith.maximumf %max3A_751, %get3A_761 : vector<16xf32>
        %min3A_763 = arith.minimumf %min3A_752, %get3A_761 : vector<16xf32>
        %add3A_764 = arith.addf %add3A_753, %get3A_761 : vector<16xf32>
        %mul3A_765 = arith.mulf %get3A_761, %get3A_761 : vector<16xf32>
        %add3A_766 = arith.addf %add3A_755, %mul3A_765 : vector<16xf32>
        %add3A_767 = arith.constant 6 : i32
        %add3A_768 = arith.addi %mul3A_260, %add3A_767 : i32
        %get3A_769 = arith.index_cast %add3A_768 : i32 to index
        %get3A_770 = arith.constant 32 : index
        %get3A_771 = tpu.vector_load %arg8[%get3A_769, %get3A_770] {strides = array<i32>} : memref<512x128xf32, #tpu.memory_space<vmem>>, vector<1x16xf32>,
        %get3A_772 = vector.shape_cast %get3A_771 : vector<1x16xf32> to vector<16xf32>
        %max3A_773 = arith.maximumf %max3A_762, %get3A_772 : vector<16xf32>
        %min3A_774 = arith.minimumf %min3A_763, %get3A_772 : vector<16xf32>
        %add3A_775 = arith.addf %add3A_764, %get3A_772 : vector<16xf32>
        %mul3A_776 = arith.mulf %get3A_772, %get3A_772 : vector<16xf32>
        %add3A_777 = arith.addf %add3A_766, %mul3A_776 : vector<16xf32>
        %add3A_778 = arith.constant 7 : i32
        %add3A_779 = arith.addi %mul3A_260, %add3A_778 : i32
        %get3A_780 = arith.index_cast %add3A_779 : i32 to index
        %get3A_781 = arith.constant 32 : index
        %get3A_782 = tpu.vector_load %arg8[%get3A_780, %get3A_781] {strides = array<i32>} : memref<512x128xf32, #tpu.memory_space<vmem>>, vector<1x16xf32>,
        %get3A_783 = vector.shape_cast %get3A_782 : vector<1x16xf32> to vector<16xf32>
        %max3A_784 = arith.maximumf %max3A_773, %get3A_783 : vector<16xf32>
        %min3A_785 = arith.minimumf %min3A_774, %get3A_783 : vector<16xf32>
        %add3A_786 = arith.addf %add3A_775, %get3A_783 : vector<16xf32>
        %mul3A_787 = arith.mulf %get3A_783, %get3A_783 : vector<16xf32>
        %add3A_788 = arith.addf %add3A_777, %mul3A_787 : vector<16xf32>
        %add3A_789 = arith.constant 8 : i32
        %add3A_790 = arith.addi %mul3A_260, %add3A_789 : i32
        %get3A_791 = arith.index_cast %add3A_790 : i32 to index
        %get3A_792 = arith.constant 32 : index
        %get3A_793 = tpu.vector_load %arg8[%get3A_791, %get3A_792] {strides = array<i32>} : memref<512x128xf32, #tpu.memory_space<vmem>>, vector<1x16xf32>,
        %get3A_794 = vector.shape_cast %get3A_793 : vector<1x16xf32> to vector<16xf32>
        %max3A_795 = arith.maximumf %max3A_784, %get3A_794 : vector<16xf32>
        %min3A_796 = arith.minimumf %min3A_785, %get3A_794 : vector<16xf32>
        %add3A_797 = arith.addf %add3A_786, %get3A_794 : vector<16xf32>
        %mul3A_798 = arith.mulf %get3A_794, %get3A_794 : vector<16xf32>
        %add3A_799 = arith.addf %add3A_788, %mul3A_798 : vector<16xf32>
        %add3A_800 = arith.constant 9 : i32
        %add3A_801 = arith.addi %mul3A_260, %add3A_800 : i32
        %get3A_802 = arith.index_cast %add3A_801 : i32 to index
        %get3A_803 = arith.constant 32 : index
        %get3A_804 = tpu.vector_load %arg8[%get3A_802, %get3A_803] {strides = array<i32>} : memref<512x128xf32, #tpu.memory_space<vmem>>, vector<1x16xf32>,
        %get3A_805 = vector.shape_cast %get3A_804 : vector<1x16xf32> to vector<16xf32>
        %max3A_806 = arith.maximumf %max3A_795, %get3A_805 : vector<16xf32>
        %min3A_807 = arith.minimumf %min3A_796, %get3A_805 : vector<16xf32>
        %add3A_808 = arith.addf %add3A_797, %get3A_805 : vector<16xf32>
        %mul3A_809 = arith.mulf %get3A_805, %get3A_805 : vector<16xf32>
        %add3A_810 = arith.addf %add3A_799, %mul3A_809 : vector<16xf32>
        %add3A_811 = arith.constant 10 : i32
        %add3A_812 = arith.addi %mul3A_260, %add3A_811 : i32
        %get3A_813 = arith.index_cast %add3A_812 : i32 to index
        %get3A_814 = arith.constant 32 : index
        %get3A_815 = tpu.vector_load %arg8[%get3A_813, %get3A_814] {strides = array<i32>} : memref<512x128xf32, #tpu.memory_space<vmem>>, vector<1x16xf32>,
        %get3A_816 = vector.shape_cast %get3A_815 : vector<1x16xf32> to vector<16xf32>
        %max3A_817 = arith.maximumf %max3A_806, %get3A_816 : vector<16xf32>
        %min3A_818 = arith.minimumf %min3A_807, %get3A_816 : vector<16xf32>
        %add3A_819 = arith.addf %add3A_808, %get3A_816 : vector<16xf32>
        %mul3A_820 = arith.mulf %get3A_816, %get3A_816 : vector<16xf32>
        %add3A_821 = arith.addf %add3A_810, %mul3A_820 : vector<16xf32>
        %add3A_822 = arith.constant 11 : i32
        %add3A_823 = arith.addi %mul3A_260, %add3A_822 : i32
        %get3A_824 = arith.index_cast %add3A_823 : i32 to index
        %get3A_825 = arith.constant 32 : index
        %get3A_826 = tpu.vector_load %arg8[%get3A_824, %get3A_825] {strides = array<i32>} : memref<512x128xf32, #tpu.memory_space<vmem>>, vector<1x16xf32>,
        %get3A_827 = vector.shape_cast %get3A_826 : vector<1x16xf32> to vector<16xf32>
        %max3A_828 = arith.maximumf %max3A_817, %get3A_827 : vector<16xf32>
        %min3A_829 = arith.minimumf %min3A_818, %get3A_827 : vector<16xf32>
        %add3A_830 = arith.addf %add3A_819, %get3A_827 : vector<16xf32>
        %mul3A_831 = arith.mulf %get3A_827, %get3A_827 : vector<16xf32>
        %add3A_832 = arith.addf %add3A_821, %mul3A_831 : vector<16xf32>
        %add3A_833 = arith.constant 12 : i32
        %add3A_834 = arith.addi %mul3A_260, %add3A_833 : i32
        %get3A_835 = arith.index_cast %add3A_834 : i32 to index
        %get3A_836 = arith.constant 32 : index
        %get3A_837 = tpu.vector_load %arg8[%get3A_835, %get3A_836] {strides = array<i32>} : memref<512x128xf32, #tpu.memory_space<vmem>>, vector<1x16xf32>,
        %get3A_838 = vector.shape_cast %get3A_837 : vector<1x16xf32> to vector<16xf32>
        %max3A_839 = arith.maximumf %max3A_828, %get3A_838 : vector<16xf32>
        %min3A_840 = arith.minimumf %min3A_829, %get3A_838 : vector<16xf32>
        %add3A_841 = arith.addf %add3A_830, %get3A_838 : vector<16xf32>
        %mul3A_842 = arith.mulf %get3A_838, %get3A_838 : vector<16xf32>
        %add3A_843 = arith.addf %add3A_832, %mul3A_842 : vector<16xf32>
        %add3A_844 = arith.constant 13 : i32
        %add3A_845 = arith.addi %mul3A_260, %add3A_844 : i32
        %get3A_846 = arith.index_cast %add3A_845 : i32 to index
        %get3A_847 = arith.constant 32 : index
        %get3A_848 = tpu.vector_load %arg8[%get3A_846, %get3A_847] {strides = array<i32>} : memref<512x128xf32, #tpu.memory_space<vmem>>, vector<1x16xf32>,
        %get3A_849 = vector.shape_cast %get3A_848 : vector<1x16xf32> to vector<16xf32>
        %max3A_850 = arith.maximumf %max3A_839, %get3A_849 : vector<16xf32>
        %min3A_851 = arith.minimumf %min3A_840, %get3A_849 : vector<16xf32>
        %add3A_852 = arith.addf %add3A_841, %get3A_849 : vector<16xf32>
        %mul3A_853 = arith.mulf %get3A_849, %get3A_849 : vector<16xf32>
        %add3A_854 = arith.addf %add3A_843, %mul3A_853 : vector<16xf32>
        %add3A_855 = arith.constant 14 : i32
        %add3A_856 = arith.addi %mul3A_260, %add3A_855 : i32
        %get3A_857 = arith.index_cast %add3A_856 : i32 to index
        %get3A_858 = arith.constant 32 : index
        %get3A_859 = tpu.vector_load %arg8[%get3A_857, %get3A_858] {strides = array<i32>} : memref<512x128xf32, #tpu.memory_space<vmem>>, vector<1x16xf32>,
        %get3A_860 = vector.shape_cast %get3A_859 : vector<1x16xf32> to vector<16xf32>
        %max3A_861 = arith.maximumf %max3A_850, %get3A_860 : vector<16xf32>
        %min3A_862 = arith.minimumf %min3A_851, %get3A_860 : vector<16xf32>
        %add3A_863 = arith.addf %add3A_852, %get3A_860 : vector<16xf32>
        %mul3A_864 = arith.mulf %get3A_860, %get3A_860 : vector<16xf32>
        %add3A_865 = arith.addf %add3A_854, %mul3A_864 : vector<16xf32>
        %add3A_866 = arith.constant 15 : i32
        %add3A_867 = arith.addi %mul3A_260, %add3A_866 : i32
        %get3A_868 = arith.index_cast %add3A_867 : i32 to index
        %get3A_869 = arith.constant 32 : index
        %get3A_870 = tpu.vector_load %arg8[%get3A_868, %get3A_869] {strides = array<i32>} : memref<512x128xf32, #tpu.memory_space<vmem>>, vector<1x16xf32>,
        %get3A_871 = vector.shape_cast %get3A_870 : vector<1x16xf32> to vector<16xf32>
        %max3A_872 = arith.maximumf %max3A_861, %get3A_871 : vector<16xf32>
        %min3A_873 = arith.minimumf %min3A_862, %get3A_871 : vector<16xf32>
        %add3A_874 = arith.addf %add3A_863, %get3A_871 : vector<16xf32>
        %mul3A_875 = arith.mulf %get3A_871, %get3A_871 : vector<16xf32>
        %add3A_876 = arith.addf %add3A_865, %mul3A_875 : vector<16xf32>
        %get3A_877 = arith.index_cast %add3A_258 : i32 to index
        %get3A_878 = arith.constant 96 : index
        %get3A_879 = tpu.vector_load %arg9[%get3A_877, %get3A_878] {strides = array<i32>} : memref<32x128xf32, #tpu.memory_space<vmem>>, vector<1x16xf32>,
        %get3A_880 = vector.shape_cast %get3A_879 : vector<1x16xf32> to vector<16xf32>
        %add3A_881 = arith.addf %max3A_872, %get3A_880 : vector<16xf32>
        %swap3A_882 = arith.index_cast %add3A_258 : i32 to index
        %swap3A_883 = arith.constant 32 : index
        %swap3A_884 = tpu.vector_load %arg10[%swap3A_882, %swap3A_883] {strides = array<i32>} : memref<32x64xf32, #tpu.memory_space<vmem>>, vector<1x16xf32>,
        %swap3A_885 = vector.shape_cast %swap3A_884 : vector<1x16xf32> to vector<16xf32>
        %swap3A_886 = vector.shape_cast %add3A_881 : vector<16xf32> to vector<1x16xf32>
        tpu.vector_store %arg10[%swap3A_882, %swap3A_883], %swap3A_886 {strides = array<i32>} : memref<32x64xf32, #tpu.memory_space<vmem>>, vector<1x16xf32>,
        %add3A_887 = arith.addf %min3A_873, %get3A_880 : vector<16xf32>
        %swap3A_888 = arith.index_cast %add3A_258 : i32 to index
        %swap3A_889 = arith.constant 32 : index
        %swap3A_890 = tpu.vector_load %arg11[%swap3A_888, %swap3A_889] {strides = array<i32>} : memref<32x64xf32, #tpu.memory_space<vmem>>, vector<1x16xf32>,
        %swap3A_891 = vector.shape_cast %swap3A_890 : vector<1x16xf32> to vector<16xf32>
        %swap3A_892 = vector.shape_cast %add3A_887 : vector<16xf32> to vector<1x16xf32>
        tpu.vector_store %arg11[%swap3A_888, %swap3A_889], %swap3A_892 {strides = array<i32>} : memref<32x64xf32, #tpu.memory_space<vmem>>, vector<1x16xf32>,
        %get3A_893 = arith.constant 2 : i32
        %get3A_894 = arith.index_cast %get3A_893 : i32 to index
        %get3A_895 = arith.constant 0 : index
        %get3A_896 = tpu.vector_load %arg12[%get3A_894, %get3A_895] {strides = array<i32>} : memref<8x16xf32, #tpu.memory_space<vmem>>, vector<1x16xf32>,
        %get3A_897 = vector.shape_cast %get3A_896 : vector<1x16xf32> to vector<16xf32>
        %add3A_898 = arith.addf %get3A_897, %add3A_874 : vector<16xf32>
        %mul3A_899 = arith.constant 1.600000e+01 : f32
        %mul3A_900 = vector.broadcast %mul3A_899 : f32 to vector<16xf32>
        %mul3A_901 = arith.mulf %mul3A_900, %get3A_880 : vector<16xf32>
        %add3A_902 = arith.addf %add3A_898, %mul3A_901 : vector<16xf32>
        %swap3A_903 = arith.constant 2 : i32
        %swap3A_904 = arith.index_cast %swap3A_903 : i32 to index
        %swap3A_905 = arith.constant 0 : index
        %swap3A_906 = tpu.vector_load %arg12[%swap3A_904, %swap3A_905] {strides = array<i32>} : memref<8x16xf32, #tpu.memory_space<vmem>>, vector<1x16xf32>,
        %swap3A_907 = vector.shape_cast %swap3A_906 : vector<1x16xf32> to vector<16xf32>
        %swap3A_908 = vector.shape_cast %add3A_902 : vector<16xf32> to vector<1x16xf32>
        tpu.vector_store %arg12[%swap3A_904, %swap3A_905], %swap3A_908 {strides = array<i32>} : memref<8x16xf32, #tpu.memory_space<vmem>>, vector<1x16xf32>,
        %get3A_909 = arith.constant 6 : i32
        %get3A_910 = arith.index_cast %get3A_909 : i32 to index
        %get3A_911 = arith.constant 0 : index
        %get3A_912 = tpu.vector_load %arg12[%get3A_910, %get3A_911] {strides = array<i32>} : memref<8x16xf32, #tpu.memory_space<vmem>>, vector<1x16xf32>,
        %get3A_913 = vector.shape_cast %get3A_912 : vector<1x16xf32> to vector<16xf32>
        %add3A_914 = arith.addf %get3A_913, %add3A_876 : vector<16xf32>
        %mul3A_915 = arith.constant 2.000000e+00 : f32
        %mul3A_916 = vector.broadcast %mul3A_915 : f32 to vector<16xf32>
        %mul3A_917 = arith.mulf %mul3A_916, %get3A_880 : vector<16xf32>
        %mul3A_918 = arith.mulf %mul3A_917, %add3A_874 : vector<16xf32>
        %add3A_919 = arith.addf %add3A_914, %mul3A_918 : vector<16xf32>
        %mul3A_920 = arith.constant 1.600000e+01 : f32
        %mul3A_921 = vector.broadcast %mul3A_920 : f32 to vector<16xf32>
        %mul3A_922 = arith.mulf %mul3A_921, %get3A_880 : vector<16xf32>
        %mul3A_923 = arith.mulf %mul3A_922, %get3A_880 : vector<16xf32>
        %add3A_924 = arith.addf %add3A_919, %mul3A_923 : vector<16xf32>
        %swap3A_925 = arith.constant 6 : i32
        %swap3A_926 = arith.index_cast %swap3A_925 : i32 to index
        %swap3A_927 = arith.constant 0 : index
        %swap3A_928 = tpu.vector_load %arg12[%swap3A_926, %swap3A_927] {strides = array<i32>} : memref<8x16xf32, #tpu.memory_space<vmem>>, vector<1x16xf32>,
        %swap3A_929 = vector.shape_cast %swap3A_928 : vector<1x16xf32> to vector<16xf32>
        %swap3A_930 = vector.shape_cast %add3A_924 : vector<16xf32> to vector<1x16xf32>
        tpu.vector_store %arg12[%swap3A_926, %swap3A_927], %swap3A_930 {strides = array<i32>} : memref<8x16xf32, #tpu.memory_space<vmem>>, vector<1x16xf32>,
        %get3A_931 = arith.index_cast %mul3A_260 : i32 to index
        %get3A_932 = arith.constant 48 : index
        %get3A_933 = tpu.vector_load %arg8[%get3A_931, %get3A_932] {strides = array<i32>} : memref<512x128xf32, #tpu.memory_space<vmem>>, vector<1x16xf32>,
        %get3A_934 = vector.shape_cast %get3A_933 : vector<1x16xf32> to vector<16xf32>
        %mul3A_935 = arith.mulf %get3A_934, %get3A_934 : vector<16xf32>
        %add3A_936 = arith.constant 1 : i32
        %add3A_937 = arith.addi %mul3A_260, %add3A_936 : i32
        %get3A_938 = arith.index_cast %add3A_937 : i32 to index
        %get3A_939 = arith.constant 48 : index
        %get3A_940 = tpu.vector_load %arg8[%get3A_938, %get3A_939] {strides = array<i32>} : memref<512x128xf32, #tpu.memory_space<vmem>>, vector<1x16xf32>,
        %get3A_941 = vector.shape_cast %get3A_940 : vector<1x16xf32> to vector<16xf32>
        %max3A_942 = arith.maximumf %get3A_934, %get3A_941 : vector<16xf32>
        %min3A_943 = arith.minimumf %get3A_934, %get3A_941 : vector<16xf32>
        %add3A_944 = arith.addf %get3A_934, %get3A_941 : vector<16xf32>
        %mul3A_945 = arith.mulf %get3A_941, %get3A_941 : vector<16xf32>
        %add3A_946 = arith.addf %mul3A_935, %mul3A_945 : vector<16xf32>
        %add3A_947 = arith.constant 2 : i32
        %add3A_948 = arith.addi %mul3A_260, %add3A_947 : i32
        %get3A_949 = arith.index_cast %add3A_948 : i32 to index
        %get3A_950 = arith.constant 48 : index
        %get3A_951 = tpu.vector_load %arg8[%get3A_949, %get3A_950] {strides = array<i32>} : memref<512x128xf32, #tpu.memory_space<vmem>>, vector<1x16xf32>,
        %get3A_952 = vector.shape_cast %get3A_951 : vector<1x16xf32> to vector<16xf32>
        %max3A_953 = arith.maximumf %max3A_942, %get3A_952 : vector<16xf32>
        %min3A_954 = arith.minimumf %min3A_943, %get3A_952 : vector<16xf32>
        %add3A_955 = arith.addf %add3A_944, %get3A_952 : vector<16xf32>
        %mul3A_956 = arith.mulf %get3A_952, %get3A_952 : vector<16xf32>
        %add3A_957 = arith.addf %add3A_946, %mul3A_956 : vector<16xf32>
        %add3A_958 = arith.constant 3 : i32
        %add3A_959 = arith.addi %mul3A_260, %add3A_958 : i32
        %get3A_960 = arith.index_cast %add3A_959 : i32 to index
        %get3A_961 = arith.constant 48 : index
        %get3A_962 = tpu.vector_load %arg8[%get3A_960, %get3A_961] {strides = array<i32>} : memref<512x128xf32, #tpu.memory_space<vmem>>, vector<1x16xf32>,
        %get3A_963 = vector.shape_cast %get3A_962 : vector<1x16xf32> to vector<16xf32>
        %max3A_964 = arith.maximumf %max3A_953, %get3A_963 : vector<16xf32>
        %min3A_965 = arith.minimumf %min3A_954, %get3A_963 : vector<16xf32>
        %add3A_966 = arith.addf %add3A_955, %get3A_963 : vector<16xf32>
        %mul3A_967 = arith.mulf %get3A_963, %get3A_963 : vector<16xf32>
        %add3A_968 = arith.addf %add3A_957, %mul3A_967 : vector<16xf32>
        %add3A_969 = arith.constant 4 : i32
        %add3A_970 = arith.addi %mul3A_260, %add3A_969 : i32
        %get3A_971 = arith.index_cast %add3A_970 : i32 to index
        %get3A_972 = arith.constant 48 : index
        %get3A_973 = tpu.vector_load %arg8[%get3A_971, %get3A_972] {strides = array<i32>} : memref<512x128xf32, #tpu.memory_space<vmem>>, vector<1x16xf32>,
        %get3A_974 = vector.shape_cast %get3A_973 : vector<1x16xf32> to vector<16xf32>
        %max3A_975 = arith.maximumf %max3A_964, %get3A_974 : vector<16xf32>
        %min3A_976 = arith.minimumf %min3A_965, %get3A_974 : vector<16xf32>
        %add3A_977 = arith.addf %add3A_966, %get3A_974 : vector<16xf32>
        %mul3A_978 = arith.mulf %get3A_974, %get3A_974 : vector<16xf32>
        %add3A_979 = arith.addf %add3A_968, %mul3A_978 : vector<16xf32>
        %add3A_980 = arith.constant 5 : i32
        %add3A_981 = arith.addi %mul3A_260, %add3A_980 : i32
        %get3A_982 = arith.index_cast %add3A_981 : i32 to index
        %get3A_983 = arith.constant 48 : index
        %get3A_984 = tpu.vector_load %arg8[%get3A_982, %get3A_983] {strides = array<i32>} : memref<512x128xf32, #tpu.memory_space<vmem>>, vector<1x16xf32>,
        %get3A_985 = vector.shape_cast %get3A_984 : vector<1x16xf32> to vector<16xf32>
        %max3A_986 = arith.maximumf %max3A_975, %get3A_985 : vector<16xf32>
        %min3A_987 = arith.minimumf %min3A_976, %get3A_985 : vector<16xf32>
        %add3A_988 = arith.addf %add3A_977, %get3A_985 : vector<16xf32>
        %mul3A_989 = arith.mulf %get3A_985, %get3A_985 : vector<16xf32>
        %add3A_990 = arith.addf %add3A_979, %mul3A_989 : vector<16xf32>
        %add3A_991 = arith.constant 6 : i32
        %add3A_992 = arith.addi %mul3A_260, %add3A_991 : i32
        %get3A_993 = arith.index_cast %add3A_992 : i32 to index
        %get3A_994 = arith.constant 48 : index
        %get3A_995 = tpu.vector_load %arg8[%get3A_993, %get3A_994] {strides = array<i32>} : memref<512x128xf32, #tpu.memory_space<vmem>>, vector<1x16xf32>,
        %get3A_996 = vector.shape_cast %get3A_995 : vector<1x16xf32> to vector<16xf32>
        %max3A_997 = arith.maximumf %max3A_986, %get3A_996 : vector<16xf32>
        %min3A_998 = arith.minimumf %min3A_987, %get3A_996 : vector<16xf32>
        %add3A_999 = arith.addf %add3A_988, %get3A_996 : vector<16xf32>
        %mul3A_1000 = arith.mulf %get3A_996, %get3A_996 : vector<16xf32>
        %add3A_1001 = arith.addf %add3A_990, %mul3A_1000 : vector<16xf32>
        %add3A_1002 = arith.constant 7 : i32
        %add3A_1003 = arith.addi %mul3A_260, %add3A_1002 : i32
        %get3A_1004 = arith.index_cast %add3A_1003 : i32 to index
        %get3A_1005 = arith.constant 48 : index
        %get3A_1006 = tpu.vector_load %arg8[%get3A_1004, %get3A_1005] {strides = array<i32>} : memref<512x128xf32, #tpu.memory_space<vmem>>, vector<1x16xf32>,
        %get3A_1007 = vector.shape_cast %get3A_1006 : vector<1x16xf32> to vector<16xf32>
        %max3A_1008 = arith.maximumf %max3A_997, %get3A_1007 : vector<16xf32>
        %min3A_1009 = arith.minimumf %min3A_998, %get3A_1007 : vector<16xf32>
        %add3A_1010 = arith.addf %add3A_999, %get3A_1007 : vector<16xf32>
        %mul3A_1011 = arith.mulf %get3A_1007, %get3A_1007 : vector<16xf32>
        %add3A_1012 = arith.addf %add3A_1001, %mul3A_1011 : vector<16xf32>
        %add3A_1013 = arith.constant 8 : i32
        %add3A_1014 = arith.addi %mul3A_260, %add3A_1013 : i32
        %get3A_1015 = arith.index_cast %add3A_1014 : i32 to index
        %get3A_1016 = arith.constant 48 : index
        %get3A_1017 = tpu.vector_load %arg8[%get3A_1015, %get3A_1016] {strides = array<i32>} : memref<512x128xf32, #tpu.memory_space<vmem>>, vector<1x16xf32>,
        %get3A_1018 = vector.shape_cast %get3A_1017 : vector<1x16xf32> to vector<16xf32>
        %max3A_1019 = arith.maximumf %max3A_1008, %get3A_1018 : vector<16xf32>
        %min3A_1020 = arith.minimumf %min3A_1009, %get3A_1018 : vector<16xf32>
        %add3A_1021 = arith.addf %add3A_1010, %get3A_1018 : vector<16xf32>
        %mul3A_1022 = arith.mulf %get3A_1018, %get3A_1018 : vector<16xf32>
        %add3A_1023 = arith.addf %add3A_1012, %mul3A_1022 : vector<16xf32>
        %add3A_1024 = arith.constant 9 : i32
        %add3A_1025 = arith.addi %mul3A_260, %add3A_1024 : i32
        %get3A_1026 = arith.index_cast %add3A_1025 : i32 to index
        %get3A_1027 = arith.constant 48 : index
        %get3A_1028 = tpu.vector_load %arg8[%get3A_1026, %get3A_1027] {strides = array<i32>} : memref<512x128xf32, #tpu.memory_space<vmem>>, vector<1x16xf32>,
        %get3A_1029 = vector.shape_cast %get3A_1028 : vector<1x16xf32> to vector<16xf32>
        %max3A_1030 = arith.maximumf %max3A_1019, %get3A_1029 : vector<16xf32>
        %min3A_1031 = arith.minimumf %min3A_1020, %get3A_1029 : vector<16xf32>
        %add3A_1032 = arith.addf %add3A_1021, %get3A_1029 : vector<16xf32>
        %mul3A_1033 = arith.mulf %get3A_1029, %get3A_1029 : vector<16xf32>
        %add3A_1034 = arith.addf %add3A_1023, %mul3A_1033 : vector<16xf32>
        %add3A_1035 = arith.constant 10 : i32
        %add3A_1036 = arith.addi %mul3A_260, %add3A_1035 : i32
        %get3A_1037 = arith.index_cast %add3A_1036 : i32 to index
        %get3A_1038 = arith.constant 48 : index
        %get3A_1039 = tpu.vector_load %arg8[%get3A_1037, %get3A_1038] {strides = array<i32>} : memref<512x128xf32, #tpu.memory_space<vmem>>, vector<1x16xf32>,
        %get3A_1040 = vector.shape_cast %get3A_1039 : vector<1x16xf32> to vector<16xf32>
        %max3A_1041 = arith.maximumf %max3A_1030, %get3A_1040 : vector<16xf32>
        %min3A_1042 = arith.minimumf %min3A_1031, %get3A_1040 : vector<16xf32>
        %add3A_1043 = arith.addf %add3A_1032, %get3A_1040 : vector<16xf32>
        %mul3A_1044 = arith.mulf %get3A_1040, %get3A_1040 : vector<16xf32>
        %add3A_1045 = arith.addf %add3A_1034, %mul3A_1044 : vector<16xf32>
        %add3A_1046 = arith.constant 11 : i32
        %add3A_1047 = arith.addi %mul3A_260, %add3A_1046 : i32
        %get3A_1048 = arith.index_cast %add3A_1047 : i32 to index
        %get3A_1049 = arith.constant 48 : index
        %get3A_1050 = tpu.vector_load %arg8[%get3A_1048, %get3A_1049] {strides = array<i32>} : memref<512x128xf32, #tpu.memory_space<vmem>>, vector<1x16xf32>,
        %get3A_1051 = vector.shape_cast %get3A_1050 : vector<1x16xf32> to vector<16xf32>
        %max3A_1052 = arith.maximumf %max3A_1041, %get3A_1051 : vector<16xf32>
        %min3A_1053 = arith.minimumf %min3A_1042, %get3A_1051 : vector<16xf32>
        %add3A_1054 = arith.addf %add3A_1043, %get3A_1051 : vector<16xf32>
        %mul3A_1055 = arith.mulf %get3A_1051, %get3A_1051 : vector<16xf32>
        %add3A_1056 = arith.addf %add3A_1045, %mul3A_1055 : vector<16xf32>
        %add3A_1057 = arith.constant 12 : i32
        %add3A_1058 = arith.addi %mul3A_260, %add3A_1057 : i32
        %get3A_1059 = arith.index_cast %add3A_1058 : i32 to index
        %get3A_1060 = arith.constant 48 : index
        %get3A_1061 = tpu.vector_load %arg8[%get3A_1059, %get3A_1060] {strides = array<i32>} : memref<512x128xf32, #tpu.memory_space<vmem>>, vector<1x16xf32>,
        %get3A_1062 = vector.shape_cast %get3A_1061 : vector<1x16xf32> to vector<16xf32>
        %max3A_1063 = arith.maximumf %max3A_1052, %get3A_1062 : vector<16xf32>
        %min3A_1064 = arith.minimumf %min3A_1053, %get3A_1062 : vector<16xf32>
        %add3A_1065 = arith.addf %add3A_1054, %get3A_1062 : vector<16xf32>
        %mul3A_1066 = arith.mulf %get3A_1062, %get3A_1062 : vector<16xf32>
        %add3A_1067 = arith.addf %add3A_1056, %mul3A_1066 : vector<16xf32>
        %add3A_1068 = arith.constant 13 : i32
        %add3A_1069 = arith.addi %mul3A_260, %add3A_1068 : i32
        %get3A_1070 = arith.index_cast %add3A_1069 : i32 to index
        %get3A_1071 = arith.constant 48 : index
        %get3A_1072 = tpu.vector_load %arg8[%get3A_1070, %get3A_1071] {strides = array<i32>} : memref<512x128xf32, #tpu.memory_space<vmem>>, vector<1x16xf32>,
        %get3A_1073 = vector.shape_cast %get3A_1072 : vector<1x16xf32> to vector<16xf32>
        %max3A_1074 = arith.maximumf %max3A_1063, %get3A_1073 : vector<16xf32>
        %min3A_1075 = arith.minimumf %min3A_1064, %get3A_1073 : vector<16xf32>
        %add3A_1076 = arith.addf %add3A_1065, %get3A_1073 : vector<16xf32>
        %mul3A_1077 = arith.mulf %get3A_1073, %get3A_1073 : vector<16xf32>
        %add3A_1078 = arith.addf %add3A_1067, %mul3A_1077 : vector<16xf32>
        %add3A_1079 = arith.constant 14 : i32
        %add3A_1080 = arith.addi %mul3A_260, %add3A_1079 : i32
        %get3A_1081 = arith.index_cast %add3A_1080 : i32 to index
        %get3A_1082 = arith.constant 48 : index
        %get3A_1083 = tpu.vector_load %arg8[%get3A_1081, %get3A_1082] {strides = array<i32>} : memref<512x128xf32, #tpu.memory_space<vmem>>, vector<1x16xf32>,
        %get3A_1084 = vector.shape_cast %get3A_1083 : vector<1x16xf32> to vector<16xf32>
        %max3A_1085 = arith.maximumf %max3A_1074, %get3A_1084 : vector<16xf32>
        %min3A_1086 = arith.minimumf %min3A_1075, %get3A_1084 : vector<16xf32>
        %add3A_1087 = arith.addf %add3A_1076, %get3A_1084 : vector<16xf32>
        %mul3A_1088 = arith.mulf %get3A_1084, %get3A_1084 : vector<16xf32>
        %add3A_1089 = arith.addf %add3A_1078, %mul3A_1088 : vector<16xf32>
        %add3A_1090 = arith.constant 15 : i32
        %add3A_1091 = arith.addi %mul3A_260, %add3A_1090 : i32
        %get3A_1092 = arith.index_cast %add3A_1091 : i32 to index
        %get3A_1093 = arith.constant 48 : index
        %get3A_1094 = tpu.vector_load %arg8[%get3A_1092, %get3A_1093] {strides = array<i32>} : memref<512x128xf32, #tpu.memory_space<vmem>>, vector<1x16xf32>,
        %get3A_1095 = vector.shape_cast %get3A_1094 : vector<1x16xf32> to vector<16xf32>
        %max3A_1096 = arith.maximumf %max3A_1085, %get3A_1095 : vector<16xf32>
        %min3A_1097 = arith.minimumf %min3A_1086, %get3A_1095 : vector<16xf32>
        %add3A_1098 = arith.addf %add3A_1087, %get3A_1095 : vector<16xf32>
        %mul3A_1099 = arith.mulf %get3A_1095, %get3A_1095 : vector<16xf32>
        %add3A_1100 = arith.addf %add3A_1089, %mul3A_1099 : vector<16xf32>
        %get3A_1101 = arith.index_cast %add3A_258 : i32 to index
        %get3A_1102 = arith.constant 112 : index
        %get3A_1103 = tpu.vector_load %arg9[%get3A_1101, %get3A_1102] {strides = array<i32>} : memref<32x128xf32, #tpu.memory_space<vmem>>, vector<1x16xf32>,
        %get3A_1104 = vector.shape_cast %get3A_1103 : vector<1x16xf32> to vector<16xf32>
        %add3A_1105 = arith.addf %max3A_1096, %get3A_1104 : vector<16xf32>
        %swap3A_1106 = arith.index_cast %add3A_258 : i32 to index
        %swap3A_1107 = arith.constant 48 : index
        %swap3A_1108 = tpu.vector_load %arg10[%swap3A_1106, %swap3A_1107] {strides = array<i32>} : memref<32x64xf32, #tpu.memory_space<vmem>>, vector<1x16xf32>,
        %swap3A_1109 = vector.shape_cast %swap3A_1108 : vector<1x16xf32> to vector<16xf32>
        %swap3A_1110 = vector.shape_cast %add3A_1105 : vector<16xf32> to vector<1x16xf32>
        tpu.vector_store %arg10[%swap3A_1106, %swap3A_1107], %swap3A_1110 {strides = array<i32>} : memref<32x64xf32, #tpu.memory_space<vmem>>, vector<1x16xf32>,
        %add3A_1111 = arith.addf %min3A_1097, %get3A_1104 : vector<16xf32>
        %swap3A_1112 = arith.index_cast %add3A_258 : i32 to index
        %swap3A_1113 = arith.constant 48 : index
        %swap3A_1114 = tpu.vector_load %arg11[%swap3A_1112, %swap3A_1113] {strides = array<i32>} : memref<32x64xf32, #tpu.memory_space<vmem>>, vector<1x16xf32>,
        %swap3A_1115 = vector.shape_cast %swap3A_1114 : vector<1x16xf32> to vector<16xf32>
        %swap3A_1116 = vector.shape_cast %add3A_1111 : vector<16xf32> to vector<1x16xf32>
        tpu.vector_store %arg11[%swap3A_1112, %swap3A_1113], %swap3A_1116 {strides = array<i32>} : memref<32x64xf32, #tpu.memory_space<vmem>>, vector<1x16xf32>,
        %get3A_1117 = arith.constant 3 : i32
        %get3A_1118 = arith.index_cast %get3A_1117 : i32 to index
        %get3A_1119 = arith.constant 0 : index
        %get3A_1120 = tpu.vector_load %arg12[%get3A_1118, %get3A_1119] {strides = array<i32>} : memref<8x16xf32, #tpu.memory_space<vmem>>, vector<1x16xf32>,
        %get3A_1121 = vector.shape_cast %get3A_1120 : vector<1x16xf32> to vector<16xf32>
        %add3A_1122 = arith.addf %get3A_1121, %add3A_1098 : vector<16xf32>
        %mul3A_1123 = arith.constant 1.600000e+01 : f32
        %mul3A_1124 = vector.broadcast %mul3A_1123 : f32 to vector<16xf32>
        %mul3A_1125 = arith.mulf %mul3A_1124, %get3A_1104 : vector<16xf32>
        %add3A_1126 = arith.addf %add3A_1122, %mul3A_1125 : vector<16xf32>
        %swap3A_1127 = arith.constant 3 : i32
        %swap3A_1128 = arith.index_cast %swap3A_1127 : i32 to index
        %swap3A_1129 = arith.constant 0 : index
        %swap3A_1130 = tpu.vector_load %arg12[%swap3A_1128, %swap3A_1129] {strides = array<i32>} : memref<8x16xf32, #tpu.memory_space<vmem>>, vector<1x16xf32>,
        %swap3A_1131 = vector.shape_cast %swap3A_1130 : vector<1x16xf32> to vector<16xf32>
        %swap3A_1132 = vector.shape_cast %add3A_1126 : vector<16xf32> to vector<1x16xf32>
        tpu.vector_store %arg12[%swap3A_1128, %swap3A_1129], %swap3A_1132 {strides = array<i32>} : memref<8x16xf32, #tpu.memory_space<vmem>>, vector<1x16xf32>,
        %get3A_1133 = arith.constant 7 : i32
        %get3A_1134 = arith.index_cast %get3A_1133 : i32 to index
        %get3A_1135 = arith.constant 0 : index
        %get3A_1136 = tpu.vector_load %arg12[%get3A_1134, %get3A_1135] {strides = array<i32>} : memref<8x16xf32, #tpu.memory_space<vmem>>, vector<1x16xf32>,
        %get3A_1137 = vector.shape_cast %get3A_1136 : vector<1x16xf32> to vector<16xf32>
        %add3A_1138 = arith.addf %get3A_1137, %add3A_1100 : vector<16xf32>
        %mul3A_1139 = arith.constant 2.000000e+00 : f32
        %mul3A_1140 = vector.broadcast %mul3A_1139 : f32 to vector<16xf32>
        %mul3A_1141 = arith.mulf %mul3A_1140, %get3A_1104 : vector<16xf32>
        %mul3A_1142 = arith.mulf %mul3A_1141, %add3A_1098 : vector<16xf32>
        %add3A_1143 = arith.addf %add3A_1138, %mul3A_1142 : vector<16xf32>
        %mul3A_1144 = arith.constant 1.600000e+01 : f32
        %mul3A_1145 = vector.broadcast %mul3A_1144 : f32 to vector<16xf32>
        %mul3A_1146 = arith.mulf %mul3A_1145, %get3A_1104 : vector<16xf32>
        %mul3A_1147 = arith.mulf %mul3A_1146, %get3A_1104 : vector<16xf32>
        %add3A_1148 = arith.addf %add3A_1143, %mul3A_1147 : vector<16xf32>
        %swap3A_1149 = arith.constant 7 : i32
        %swap3A_1150 = arith.index_cast %swap3A_1149 : i32 to index
        %swap3A_1151 = arith.constant 0 : index
        %swap3A_1152 = tpu.vector_load %arg12[%swap3A_1150, %swap3A_1151] {strides = array<i32>} : memref<8x16xf32, #tpu.memory_space<vmem>>, vector<1x16xf32>,
        %swap3A_1153 = vector.shape_cast %swap3A_1152 : vector<1x16xf32> to vector<16xf32>
        %swap3A_1154 = vector.shape_cast %add3A_1148 : vector<16xf32> to vector<1x16xf32>
        tpu.vector_store %arg12[%swap3A_1150, %swap3A_1151], %swap3A_1154 {strides = array<i32>} : memref<8x16xf32, #tpu.memory_space<vmem>>, vector<1x16xf32>,
      }
      %scan3A_253 = arith.constant 32 : i32
      "tpu.region"() ({
        %run_scoped3A_254 = tpu.sem_alloc : memref<!tpu.dma_semaphore, #tpu.memory_space<semaphore_mem>>
        %dma_start3A_255 = arith.constant 0 : i32
        %dma_start3A_256 = tpu.memref_slice %arg4[%add3A_151, %dma_start3A_255] : memref<8192x64xf32, #tpu.memory_space<hbm>> -> memref<32x64xf32, #tpu.memory_space<hbm>>
        %dma_start3A_257 = arith.constant 0 : i32
        %dma_start3A_258 = tpu.memref_slice %arg4[%add3A_151, %dma_start3A_257] : memref<8192x64xf32, #tpu.memory_space<hbm>> -> memref<32x64xf32, #tpu.memory_space<hbm>>
        tpu.enqueue_dma source(%arg10 : memref<32x64xf32, #tpu.memory_space<vmem>>) target(%dma_start3A_258 : memref<32x64xf32, #tpu.memory_space<hbm>>) target_semaphore(%run_scoped3A_254 : memref<!tpu.dma_semaphore, #tpu.memory_space<semaphore_mem>>)
        %dma_wait3A_259 = arith.constant 0 : i32
        %dma_wait3A_260 = tpu.memref_slice %arg4[%add3A_151, %dma_wait3A_259] : memref<8192x64xf32, #tpu.memory_space<hbm>> -> memref<32x64xf32, #tpu.memory_space<hbm>>
        %dma_wait3A_261 = arith.constant 0 : i32
        %dma_wait3A_262 = tpu.memref_slice %arg4[%add3A_151, %dma_wait3A_261] : memref<8192x64xf32, #tpu.memory_space<hbm>> -> memref<32x64xf32, #tpu.memory_space<hbm>>
        tpu.wait_dma2 semaphore(%run_scoped3A_254 : memref<!tpu.dma_semaphore, #tpu.memory_space<semaphore_mem>>) src(%arg10 : memref<32x64xf32, #tpu.memory_space<vmem>>) dst(%dma_wait3A_262 : memref<32x64xf32, #tpu.memory_space<hbm>>)
        tpu.yield
      }) : () -> ()
      "tpu.region"() ({
        %run_scoped3A_254 = tpu.sem_alloc : memref<!tpu.dma_semaphore, #tpu.memory_space<semaphore_mem>>
        %dma_start3A_255 = arith.constant 0 : i32
        %dma_start3A_256 = tpu.memref_slice %arg5[%add3A_151, %dma_start3A_255] : memref<8192x64xf32, #tpu.memory_space<hbm>> -> memref<32x64xf32, #tpu.memory_space<hbm>>
        %dma_start3A_257 = arith.constant 0 : i32
        %dma_start3A_258 = tpu.memref_slice %arg5[%add3A_151, %dma_start3A_257] : memref<8192x64xf32, #tpu.memory_space<hbm>> -> memref<32x64xf32, #tpu.memory_space<hbm>>
        tpu.enqueue_dma source(%arg11 : memref<32x64xf32, #tpu.memory_space<vmem>>) target(%dma_start3A_258 : memref<32x64xf32, #tpu.memory_space<hbm>>) target_semaphore(%run_scoped3A_254 : memref<!tpu.dma_semaphore, #tpu.memory_space<semaphore_mem>>)
        %dma_wait3A_259 = arith.constant 0 : i32
        %dma_wait3A_260 = tpu.memref_slice %arg5[%add3A_151, %dma_wait3A_259] : memref<8192x64xf32, #tpu.memory_space<hbm>> -> memref<32x64xf32, #tpu.memory_space<hbm>>
        %dma_wait3A_261 = arith.constant 0 : i32
        %dma_wait3A_262 = tpu.memref_slice %arg5[%add3A_151, %dma_wait3A_261] : memref<8192x64xf32, #tpu.memory_space<hbm>> -> memref<32x64xf32, #tpu.memory_space<hbm>>
        tpu.wait_dma2 semaphore(%run_scoped3A_254 : memref<!tpu.dma_semaphore, #tpu.memory_space<semaphore_mem>>) src(%arg11 : memref<32x64xf32, #tpu.memory_space<vmem>>) dst(%dma_wait3A_262 : memref<32x64xf32, #tpu.memory_space<hbm>>)
        tpu.yield
      }) : () -> ()
    }
    %scan3A_54 = arith.constant 8 : i32
    %get3A = arith.constant 0 : i32
    %get3A_55 = arith.index_cast %get3A : i32 to index
    %get3A_56 = arith.constant 0 : index
    %get3A_57 = tpu.vector_load %arg12[%get3A_55, %get3A_56] {strides = array<i32>} : memref<8x16xf32, #tpu.memory_space<vmem>>, vector<1x16xf32>,
    %get3A_58 = vector.shape_cast %get3A_57 : vector<1x16xf32> to vector<16xf32>
    %swap3A_59 = arith.constant 0 : i32
    %swap3A_60 = arith.index_cast %swap3A_59 : i32 to index
    %swap3A_61 = arith.constant 0 : index
    %swap3A_62 = tpu.vector_load %arg13[%swap3A_60, %swap3A_61] {strides = array<i32>} : memref<1x128xf32, #tpu.memory_space<vmem>>, vector<1x16xf32>,
    %swap3A_63 = vector.shape_cast %swap3A_62 : vector<1x16xf32> to vector<16xf32>
    %swap3A_64 = vector.shape_cast %get3A_58 : vector<16xf32> to vector<1x16xf32>
    tpu.vector_store %arg13[%swap3A_60, %swap3A_61], %swap3A_64 {strides = array<i32>} : memref<1x128xf32, #tpu.memory_space<vmem>>, vector<1x16xf32>,
    %get3A_65 = arith.constant 4 : i32
    %get3A_66 = arith.index_cast %get3A_65 : i32 to index
    %get3A_67 = arith.constant 0 : index
    %get3A_68 = tpu.vector_load %arg12[%get3A_66, %get3A_67] {strides = array<i32>} : memref<8x16xf32, #tpu.memory_space<vmem>>, vector<1x16xf32>,
    %get3A_69 = vector.shape_cast %get3A_68 : vector<1x16xf32> to vector<16xf32>
    %swap3A_70 = arith.constant 0 : i32
    %swap3A_71 = arith.index_cast %swap3A_70 : i32 to index
    %swap3A_72 = arith.constant 64 : index
    %swap3A_73 = tpu.vector_load %arg13[%swap3A_71, %swap3A_72] {strides = array<i32>} : memref<1x128xf32, #tpu.memory_space<vmem>>, vector<1x16xf32>,
    %swap3A_74 = vector.shape_cast %swap3A_73 : vector<1x16xf32> to vector<16xf32>
    %swap3A_75 = vector.shape_cast %get3A_69 : vector<16xf32> to vector<1x16xf32>
    tpu.vector_store %arg13[%swap3A_71, %swap3A_72], %swap3A_75 {strides = array<i32>} : memref<1x128xf32, #tpu.memory_space<vmem>>, vector<1x16xf32>,
    %get3A_76 = arith.constant 1 : i32
    %get3A_77 = arith.index_cast %get3A_76 : i32 to index
    %get3A_78 = arith.constant 0 : index
    %get3A_79 = tpu.vector_load %arg12[%get3A_77, %get3A_78] {strides = array<i32>} : memref<8x16xf32, #tpu.memory_space<vmem>>, vector<1x16xf32>,
    %get3A_80 = vector.shape_cast %get3A_79 : vector<1x16xf32> to vector<16xf32>
    %swap3A_81 = arith.constant 0 : i32
    %swap3A_82 = arith.index_cast %swap3A_81 : i32 to index
    %swap3A_83 = arith.constant 16 : index
    %swap3A_84 = tpu.vector_load %arg13[%swap3A_82, %swap3A_83] {strides = array<i32>} : memref<1x128xf32, #tpu.memory_space<vmem>>, vector<1x16xf32>,
    %swap3A_85 = vector.shape_cast %swap3A_84 : vector<1x16xf32> to vector<16xf32>
    %swap3A_86 = vector.shape_cast %get3A_80 : vector<16xf32> to vector<1x16xf32>
    tpu.vector_store %arg13[%swap3A_82, %swap3A_83], %swap3A_86 {strides = array<i32>} : memref<1x128xf32, #tpu.memory_space<vmem>>, vector<1x16xf32>,
    %get3A_87 = arith.constant 5 : i32
    %get3A_88 = arith.index_cast %get3A_87 : i32 to index
    %get3A_89 = arith.constant 0 : index
    %get3A_90 = tpu.vector_load %arg12[%get3A_88, %get3A_89] {strides = array<i32>} : memref<8x16xf32, #tpu.memory_space<vmem>>, vector<1x16xf32>,
    %get3A_91 = vector.shape_cast %get3A_90 : vector<1x16xf32> to vector<16xf32>
    %swap3A_92 = arith.constant 0 : i32
    %swap3A_93 = arith.index_cast %swap3A_92 : i32 to index
    %swap3A_94 = arith.constant 80 : index
    %swap3A_95 = tpu.vector_load %arg13[%swap3A_93, %swap3A_94] {strides = array<i32>} : memref<1x128xf32, #tpu.memory_space<vmem>>, vector<1x16xf32>,
    %swap3A_96 = vector.shape_cast %swap3A_95 : vector<1x16xf32> to vector<16xf32>
    %swap3A_97 = vector.shape_cast %get3A_91 : vector<16xf32> to vector<1x16xf32>
    tpu.vector_store %arg13[%swap3A_93, %swap3A_94], %swap3A_97 {strides = array<i32>} : memref<1x128xf32, #tpu.memory_space<vmem>>, vector<1x16xf32>,
    %get3A_98 = arith.constant 2 : i32
    %get3A_99 = arith.index_cast %get3A_98 : i32 to index
    %get3A_100 = arith.constant 0 : index
    %get3A_101 = tpu.vector_load %arg12[%get3A_99, %get3A_100] {strides = array<i32>} : memref<8x16xf32, #tpu.memory_space<vmem>>, vector<1x16xf32>,
    %get3A_102 = vector.shape_cast %get3A_101 : vector<1x16xf32> to vector<16xf32>
    %swap3A_103 = arith.constant 0 : i32
    %swap3A_104 = arith.index_cast %swap3A_103 : i32 to index
    %swap3A_105 = arith.constant 32 : index
    %swap3A_106 = tpu.vector_load %arg13[%swap3A_104, %swap3A_105] {strides = array<i32>} : memref<1x128xf32, #tpu.memory_space<vmem>>, vector<1x16xf32>,
    %swap3A_107 = vector.shape_cast %swap3A_106 : vector<1x16xf32> to vector<16xf32>
    %swap3A_108 = vector.shape_cast %get3A_102 : vector<16xf32> to vector<1x16xf32>
    tpu.vector_store %arg13[%swap3A_104, %swap3A_105], %swap3A_108 {strides = array<i32>} : memref<1x128xf32, #tpu.memory_space<vmem>>, vector<1x16xf32>,
    %get3A_109 = arith.constant 6 : i32
    %get3A_110 = arith.index_cast %get3A_109 : i32 to index
    %get3A_111 = arith.constant 0 : index
    %get3A_112 = tpu.vector_load %arg12[%get3A_110, %get3A_111] {strides = array<i32>} : memref<8x16xf32, #tpu.memory_space<vmem>>, vector<1x16xf32>,
    %get3A_113 = vector.shape_cast %get3A_112 : vector<1x16xf32> to vector<16xf32>
    %swap3A_114 = arith.constant 0 : i32
    %swap3A_115 = arith.index_cast %swap3A_114 : i32 to index
    %swap3A_116 = arith.constant 96 : index
    %swap3A_117 = tpu.vector_load %arg13[%swap3A_115, %swap3A_116] {strides = array<i32>} : memref<1x128xf32, #tpu.memory_space<vmem>>, vector<1x16xf32>,
    %swap3A_118 = vector.shape_cast %swap3A_117 : vector<1x16xf32> to vector<16xf32>
    %swap3A_119 = vector.shape_cast %get3A_113 : vector<16xf32> to vector<1x16xf32>
    tpu.vector_store %arg13[%swap3A_115, %swap3A_116], %swap3A_119 {strides = array<i32>} : memref<1x128xf32, #tpu.memory_space<vmem>>, vector<1x16xf32>,
    %get3A_120 = arith.constant 3 : i32
    %get3A_121 = arith.index_cast %get3A_120 : i32 to index
    %get3A_122 = arith.constant 0 : index
    %get3A_123 = tpu.vector_load %arg12[%get3A_121, %get3A_122] {strides = array<i32>} : memref<8x16xf32, #tpu.memory_space<vmem>>, vector<1x16xf32>,
    %get3A_124 = vector.shape_cast %get3A_123 : vector<1x16xf32> to vector<16xf32>
    %swap3A_125 = arith.constant 0 : i32
    %swap3A_126 = arith.index_cast %swap3A_125 : i32 to index
    %swap3A_127 = arith.constant 48 : index
    %swap3A_128 = tpu.vector_load %arg13[%swap3A_126, %swap3A_127] {strides = array<i32>} : memref<1x128xf32, #tpu.memory_space<vmem>>, vector<1x16xf32>,
    %swap3A_129 = vector.shape_cast %swap3A_128 : vector<1x16xf32> to vector<16xf32>
    %swap3A_130 = vector.shape_cast %get3A_124 : vector<16xf32> to vector<1x16xf32>
    tpu.vector_store %arg13[%swap3A_126, %swap3A_127], %swap3A_130 {strides = array<i32>} : memref<1x128xf32, #tpu.memory_space<vmem>>, vector<1x16xf32>,
    %get3A_131 = arith.constant 7 : i32
    %get3A_132 = arith.index_cast %get3A_131 : i32 to index
    %get3A_133 = arith.constant 0 : index
    %get3A_134 = tpu.vector_load %arg12[%get3A_132, %get3A_133] {strides = array<i32>} : memref<8x16xf32, #tpu.memory_space<vmem>>, vector<1x16xf32>,
    %get3A_135 = vector.shape_cast %get3A_134 : vector<1x16xf32> to vector<16xf32>
    %swap3A_136 = arith.constant 0 : i32
    %swap3A_137 = arith.index_cast %swap3A_136 : i32 to index
    %swap3A_138 = arith.constant 112 : index
    %swap3A_139 = tpu.vector_load %arg13[%swap3A_137, %swap3A_138] {strides = array<i32>} : memref<1x128xf32, #tpu.memory_space<vmem>>, vector<1x16xf32>,
    %swap3A_140 = vector.shape_cast %swap3A_139 : vector<1x16xf32> to vector<16xf32>
    %swap3A_141 = vector.shape_cast %get3A_135 : vector<16xf32> to vector<1x16xf32>
    tpu.vector_store %arg13[%swap3A_137, %swap3A_138], %swap3A_141 {strides = array<i32>} : memref<1x128xf32, #tpu.memory_space<vmem>>, vector<1x16xf32>,
    %mul3A_142 = arith.constant 8 : i32
    %mul3A_143 = arith.muli %mul3A_142, %add3A : i32
    "tpu.region"() ({
      %run_scoped3A = tpu.sem_alloc : memref<!tpu.dma_semaphore, #tpu.memory_space<semaphore_mem>>
      %dma_start3A = arith.constant 0 : i32
      %dma_start3A_144 = tpu.memref_slice %arg6[%mul3A_143, %dma_start3A] : memref<256x128xf32, #tpu.memory_space<hbm>> -> memref<1x128xf32, #tpu.memory_space<hbm>>
      %dma_start3A_145 = arith.constant 0 : i32
      %dma_start3A_146 = tpu.memref_slice %arg6[%mul3A_143, %dma_start3A_145] : memref<256x128xf32, #tpu.memory_space<hbm>> -> memref<1x128xf32, #tpu.memory_space<hbm>>
      tpu.enqueue_dma source(%arg13 : memref<1x128xf32, #tpu.memory_space<vmem>>) target(%dma_start3A_146 : memref<1x128xf32, #tpu.memory_space<hbm>>) target_semaphore(%run_scoped3A : memref<!tpu.dma_semaphore, #tpu.memory_space<semaphore_mem>>)
      %dma_wait3A = arith.constant 0 : i32
      %dma_wait3A_147 = tpu.memref_slice %arg6[%mul3A_143, %dma_wait3A] : memref<256x128xf32, #tpu.memory_space<hbm>> -> memref<1x128xf32, #tpu.memory_space<hbm>>
      %dma_wait3A_148 = arith.constant 0 : i32
      %dma_wait3A_149 = tpu.memref_slice %arg6[%mul3A_143, %dma_wait3A_148] : memref<256x128xf32, #tpu.memory_space<hbm>> -> memref<1x128xf32, #tpu.memory_space<hbm>>
      tpu.wait_dma2 semaphore(%run_scoped3A : memref<!tpu.dma_semaphore, #tpu.memory_space<semaphore_mem>>) src(%arg13 : memref<1x128xf32, #tpu.memory_space<vmem>>) dst(%dma_wait3A_149 : memref<1x128xf32, #tpu.memory_space<hbm>>)
      tpu.yield
    }) : () -> ()
    return
  }
}

module attributes {stable_mosaic.version = 14 : i64} {
  func.func @_final_body(%arg0: i32, %arg1: memref<1x2048x64xf32, #tpu.memory_space<vmem>>, %arg2: memref<1x2048x64xf32, #tpu.memory_space<vmem>>, %arg3: memref<1x2048x64xf32, #tpu.memory_space<vmem>>, %arg4: memref<1x2048x64xf32, #tpu.memory_space<vmem>>, %arg5: memref<256x128xf32, #tpu.memory_space<vmem>>, %arg6: memref<256x128xf32, #tpu.memory_space<vmem>>, %arg7: memref<1x64xf32, #tpu.memory_space<vmem>>, %arg8: memref<1x64xf32, #tpu.memory_space<vmem>>, %arg9: memref<1x64x2048xf32, #tpu.memory_space<vmem>>) attributes {dimension_semantics = [#tpu.dimension_semantics<arbitrary>], iteration_bounds = array<i64: 8>, scalar_prefetch = 0 : i64, scratch_operands = 0 : i64, tpu.core_type = #tpu.core_type<tc>, window_params = [{transform_indices = @transform_0, window_bounds = array<i64: 1, 2048, 64>}, {transform_indices = @transform_1, window_bounds = array<i64: 1, 2048, 64>}, {transform_indices = @transform_2, window_bounds = array<i64: 1, 2048, 64>}, {transform_indices = @transform_3, window_bounds = array<i64: 1, 2048, 64>}, {pipeline_mode = #tpu.pipeline_mode<synchronous>, transform_indices = @transform_4, window_bounds = array<i64: 256, 128>}, {pipeline_mode = #tpu.pipeline_mode<synchronous>, transform_indices = @transform_5, window_bounds = array<i64: 256, 128>}, {pipeline_mode = #tpu.pipeline_mode<synchronous>, transform_indices = @transform_6, window_bounds = array<i64: 1, 64>}, {pipeline_mode = #tpu.pipeline_mode<synchronous>, transform_indices = @transform_7, window_bounds = array<i64: 1, 64>}, {transform_indices = @transform_8, window_bounds = array<i64: 1, 64, 2048>}]} {
    %get3A = arith.constant 0 : index
    %get3A_0 = arith.constant 0 : index
    %get3A_1 = vector.load %arg5[%get3A, %get3A_0] : memref<256x128xf32, #tpu.memory_space<vmem>>, vector<256x128xf32>
    %reshape3A = vector.shape_cast %get3A_1 : vector<256x128xf32> to vector<32x8x128xf32>
    %slice3A = vector.extract_strided_slice %reshape3A {offsets = [0, 0, 0], sizes = [32, 1, 128], strides = [1, 1, 1]} : vector<32x8x128xf32> to vector<32x1x128xf32>
    %squeeze3A = vector.shape_cast %slice3A : vector<32x1x128xf32> to vector<32x128xf32>
    %get3A_2 = arith.constant 0 : index
    %get3A_3 = arith.constant 0 : index
    %get3A_4 = vector.load %arg6[%get3A_2, %get3A_3] : memref<256x128xf32, #tpu.memory_space<vmem>>, vector<256x128xf32>
    %reshape3A_5 = vector.shape_cast %get3A_4 : vector<256x128xf32> to vector<32x8x128xf32>
    %slice3A_6 = vector.extract_strided_slice %reshape3A_5 {offsets = [0, 0, 0], sizes = [32, 1, 128], strides = [1, 1, 1]} : vector<32x8x128xf32> to vector<32x1x128xf32>
    %squeeze3A_7 = vector.shape_cast %slice3A_6 : vector<32x1x128xf32> to vector<32x128xf32>
    %slice3A_8 = vector.extract_strided_slice %squeeze3A {offsets = [0, 0], sizes = [32, 64], strides = [1, 1]} : vector<32x128xf32> to vector<32x64xf32>
    %reduce_sum3A = arith.constant dense<0.000000e+00> : vector<64xf32>
    %reduce_sum3A_9 = vector.multi_reduction <add>, %slice3A_8, %reduce_sum3A [0] : vector<32x64xf32> to vector<64xf32>
    %broadcast_in_dim3A = vector.shape_cast %reduce_sum3A_9 : vector<64xf32> to vector<1x64xf32>
    %slice3A_10 = vector.extract_strided_slice %squeeze3A_7 {offsets = [0, 0], sizes = [32, 64], strides = [1, 1]} : vector<32x128xf32> to vector<32x64xf32>
    %reduce_sum3A_11 = arith.constant dense<0.000000e+00> : vector<64xf32>
    %reduce_sum3A_12 = vector.multi_reduction <add>, %slice3A_10, %reduce_sum3A_11 [0] : vector<32x64xf32> to vector<64xf32>
    %broadcast_in_dim3A_13 = vector.shape_cast %reduce_sum3A_12 : vector<64xf32> to vector<1x64xf32>
    %add3A = arith.addf %broadcast_in_dim3A, %broadcast_in_dim3A_13 : vector<1x64xf32>
    %slice3A_14 = vector.extract_strided_slice %squeeze3A {offsets = [0, 64], sizes = [32, 64], strides = [1, 1]} : vector<32x128xf32> to vector<32x64xf32>
    %reduce_sum3A_15 = arith.constant dense<0.000000e+00> : vector<64xf32>
    %reduce_sum3A_16 = vector.multi_reduction <add>, %slice3A_14, %reduce_sum3A_15 [0] : vector<32x64xf32> to vector<64xf32>
    %broadcast_in_dim3A_17 = vector.shape_cast %reduce_sum3A_16 : vector<64xf32> to vector<1x64xf32>
    %slice3A_18 = vector.extract_strided_slice %squeeze3A_7 {offsets = [0, 64], sizes = [32, 64], strides = [1, 1]} : vector<32x128xf32> to vector<32x64xf32>
    %reduce_sum3A_19 = arith.constant dense<0.000000e+00> : vector<64xf32>
    %reduce_sum3A_20 = vector.multi_reduction <add>, %slice3A_18, %reduce_sum3A_19 [0] : vector<32x64xf32> to vector<64xf32>
    %broadcast_in_dim3A_21 = vector.shape_cast %reduce_sum3A_20 : vector<64xf32> to vector<1x64xf32>
    %add3A_22 = arith.addf %broadcast_in_dim3A_17, %broadcast_in_dim3A_21 : vector<1x64xf32>
    %div3A = arith.constant 2.621440e+05 : f32
    %div3A_23 = vector.broadcast %div3A : f32 to vector<1x64xf32>
    %div3A_24 = arith.divf %add3A, %div3A_23 : vector<1x64xf32>
    %div3A_25 = arith.constant 2.621440e+05 : f32
    %div3A_26 = vector.broadcast %div3A_25 : f32 to vector<1x64xf32>
    %div3A_27 = arith.divf %add3A_22, %div3A_26 : vector<1x64xf32>
    %mul3A = arith.mulf %div3A_24, %div3A_24 : vector<1x64xf32>
    %sub3A = arith.subf %div3A_27, %mul3A : vector<1x64xf32>
    %add3A_28 = arith.constant 9.99999974E-6 : f32
    %add3A_29 = vector.broadcast %add3A_28 : f32 to vector<1x64xf32>
    %add3A_30 = arith.addf %sub3A, %add3A_29 : vector<1x64xf32>
    %sqrt3A = math.sqrt %add3A_30 : vector<1x64xf32>
    %div3A_31 = arith.constant 1.000000e+00 : f32
    %div3A_32 = vector.broadcast %div3A_31 : f32 to vector<1x64xf32>
    %div3A_33 = arith.divf %div3A_32, %sqrt3A : vector<1x64xf32>
    %get3A_34 = arith.constant 0 : index
    %get3A_35 = arith.constant 0 : index
    %get3A_36 = vector.load %arg7[%get3A_34, %get3A_35] : memref<1x64xf32, #tpu.memory_space<vmem>>, vector<1x64xf32>
    %mul3A_37 = arith.mulf %get3A_36, %div3A_33 : vector<1x64xf32>
    %get3A_38 = arith.constant 0 : index
    %get3A_39 = arith.constant 0 : index
    %get3A_40 = vector.load %arg8[%get3A_38, %get3A_39] : memref<1x64xf32, #tpu.memory_space<vmem>>, vector<1x64xf32>
    %mul3A_41 = arith.mulf %div3A_24, %mul3A_37 : vector<1x64xf32>
    %sub3A_42 = arith.subf %get3A_40, %mul3A_41 : vector<1x64xf32>
    %lt3A = arith.constant 4 : i32
    %lt3A_43 = arith.cmpi slt, %arg0, %lt3A : i32
    %get3A_44 = arith.constant 0 : index
    %get3A_45 = arith.constant 0 : index
    %get3A_46 = arith.constant 0 : index
    %get3A_47 = vector.load %arg1[%get3A_44, %get3A_45, %get3A_46] : memref<1x2048x64xf32, #tpu.memory_space<vmem>>, vector<1x2048x64xf32>
    %get3A_48 = vector.shape_cast %get3A_47 : vector<1x2048x64xf32> to vector<2048x64xf32>
    %get3A_49 = arith.constant 0 : index
    %get3A_50 = arith.constant 0 : index
    %get3A_51 = arith.constant 0 : index
    %get3A_52 = vector.load %arg2[%get3A_49, %get3A_50, %get3A_51] : memref<1x2048x64xf32, #tpu.memory_space<vmem>>, vector<1x2048x64xf32>
    %get3A_53 = vector.shape_cast %get3A_52 : vector<1x2048x64xf32> to vector<2048x64xf32>
    %select_n3A = arith.select %lt3A_43, %get3A_48, %get3A_53 : vector<2048x64xf32>
    %get3A_54 = arith.constant 0 : index
    %get3A_55 = arith.constant 0 : index
    %get3A_56 = arith.constant 0 : index
    %get3A_57 = vector.load %arg3[%get3A_54, %get3A_55, %get3A_56] : memref<1x2048x64xf32, #tpu.memory_space<vmem>>, vector<1x2048x64xf32>
    %get3A_58 = vector.shape_cast %get3A_57 : vector<1x2048x64xf32> to vector<2048x64xf32>
    %get3A_59 = arith.constant 0 : index
    %get3A_60 = arith.constant 0 : index
    %get3A_61 = arith.constant 0 : index
    %get3A_62 = vector.load %arg4[%get3A_59, %get3A_60, %get3A_61] : memref<1x2048x64xf32, #tpu.memory_space<vmem>>, vector<1x2048x64xf32>
    %get3A_63 = vector.shape_cast %get3A_62 : vector<1x2048x64xf32> to vector<2048x64xf32>
    %select_n3A_64 = arith.select %lt3A_43, %get3A_58, %get3A_63 : vector<2048x64xf32>
    %ge3A = arith.constant 0.000000e+00 : f32
    %ge3A_65 = vector.broadcast %ge3A : f32 to vector<1x64xf32>
    %ge3A_66 = arith.cmpf oge, %mul3A_37, %ge3A_65 : vector<1x64xf32>
    %broadcast_in_dim3A_67 = vector.shape_cast %ge3A_66 : vector<1x64xi1> to vector<1x64xi1>
    %broadcast_in_dim3A_68 = vector.broadcast %broadcast_in_dim3A_67 : vector<1x64xi1> to vector<2048x64xi1>
    %select_n3A_69 = arith.select %broadcast_in_dim3A_68, %select_n3A, %select_n3A_64 : vector<2048x64xi1>, vector<2048x64xf32>
    %mul3A_70 = vector.broadcast %mul3A_37 : vector<1x64xf32> to vector<2048x64xf32>
    %mul3A_71 = arith.mulf %select_n3A_69, %mul3A_70 : vector<2048x64xf32>
    %add3A_72 = vector.broadcast %sub3A_42 : vector<1x64xf32> to vector<2048x64xf32>
    %add3A_73 = arith.addf %mul3A_71, %add3A_72 : vector<2048x64xf32>
    %ge3A_74 = arith.constant 0.000000e+00 : f32
    %ge3A_75 = vector.broadcast %ge3A_74 : f32 to vector<2048x64xf32>
    %ge3A_76 = arith.cmpf oge, %add3A_73, %ge3A_75 : vector<2048x64xf32>
    %mul3A_77 = arith.constant 2.000000e-01 : f32
    %mul3A_78 = vector.broadcast %mul3A_77 : f32 to vector<2048x64xf32>
    %mul3A_79 = arith.mulf %mul3A_78, %add3A_73 : vector<2048x64xf32>
    %select_n3A_80 = arith.select %ge3A_76, %add3A_73, %mul3A_79 : vector<2048x64xi1>, vector<2048x64xf32>
    %iota3A = tpu.iota {dimensions = array<i32: 0>} : vector<64x64xi32>
    %iota3A_81 = tpu.iota {dimensions = array<i32: 1>} : vector<64x64xi32>
    %eq3A = arith.cmpi eq, %iota3A, %iota3A_81 : vector<64x64xi32>
    %convert_element_type3A = arith.extui %eq3A : vector<64x64xi1> to vector<64x64xi32>
    %convert_element_type3A_82 = arith.sitofp %convert_element_type3A : vector<64x64xi32> to vector<64x64xf32>
    %dot_general3A = arith.constant dense<0.000000e+00> : vector<64x2048xf32>
    %dot_general3A_83 = tpu.matmul %convert_element_type3A_82, %select_n3A_80, %dot_general3A {dimension_numbers = #tpu.dot_dimension_numbers<[1], [1], [0], [0], [0, 0, 1, 0], [], []>, transpose_lhs_hint = false} : vector<64x64xf32>, vector<2048x64xf32>, vector<64x2048xf32> -> vector<64x2048xf32>
    %swap3A = arith.constant 0 : index
    %swap3A_84 = arith.constant 0 : index
    %swap3A_85 = arith.constant 0 : index
    %swap3A_86 = vector.load %arg9[%swap3A, %swap3A_84, %swap3A_85] : memref<1x64x2048xf32, #tpu.memory_space<vmem>>, vector<1x64x2048xf32>
    %swap3A_87 = vector.shape_cast %swap3A_86 : vector<1x64x2048xf32> to vector<64x2048xf32>
    %swap3A_88 = vector.shape_cast %dot_general3A_83 : vector<64x2048xf32> to vector<1x64x2048xf32>
    tpu.vector_store %arg9[%swap3A, %swap3A_84, %swap3A_85], %swap3A_88 {strides = array<i32>} : memref<1x64x2048xf32, #tpu.memory_space<vmem>>, vector<1x64x2048xf32>,
    return
  }
  func.func @transform_0(%arg0: i32) -> (i32, i32, i32) {
    %min3A = arith.constant 3 : i32
    %min3A_0 = arith.minsi %arg0, %min3A : i32
    %c0_i32 = arith.constant 0 : i32
    %c0_i32_1 = arith.constant 0 : i32
    %c0_i32_2 = arith.constant 0 : i32
    return %min3A_0, %c0_i32, %c0_i32_1 : i32, i32, i32
  }
  func.func @transform_1(%arg0: i32) -> (i32, i32, i32) {
    %sub3A = arith.constant 4 : i32
    %sub3A_0 = arith.subi %arg0, %sub3A : i32
    %max3A = arith.constant 0 : i32
    %max3A_1 = arith.maxsi %sub3A_0, %max3A : i32
    %c0_i32 = arith.constant 0 : i32
    %c0_i32_2 = arith.constant 0 : i32
    %c0_i32_3 = arith.constant 0 : i32
    return %max3A_1, %c0_i32, %c0_i32_2 : i32, i32, i32
  }
  func.func @transform_2(%arg0: i32) -> (i32, i32, i32) {
    %min3A = arith.constant 3 : i32
    %min3A_0 = arith.minsi %arg0, %min3A : i32
    %c0_i32 = arith.constant 0 : i32
    %c0_i32_1 = arith.constant 0 : i32
    %c0_i32_2 = arith.constant 0 : i32
    return %min3A_0, %c0_i32, %c0_i32_1 : i32, i32, i32
  }
  func.func @transform_3(%arg0: i32) -> (i32, i32, i32) {
    %sub3A = arith.constant 4 : i32
    %sub3A_0 = arith.subi %arg0, %sub3A : i32
    %max3A = arith.constant 0 : i32
    %max3A_1 = arith.maxsi %sub3A_0, %max3A : i32
    %c0_i32 = arith.constant 0 : i32
    %c0_i32_2 = arith.constant 0 : i32
    %c0_i32_3 = arith.constant 0 : i32
    return %max3A_1, %c0_i32, %c0_i32_2 : i32, i32, i32
  }
  func.func @transform_4(%arg0: i32) -> (i32, i32) {
    %c0_i32 = arith.constant 0 : i32
    %c0_i32_0 = arith.constant 0 : i32
    %c0_i32_1 = arith.constant 0 : i32
    return %c0_i32, %c0_i32_0 : i32, i32
  }
  func.func @transform_5(%arg0: i32) -> (i32, i32) {
    %c0_i32 = arith.constant 0 : i32
    %c0_i32_0 = arith.constant 0 : i32
    %c0_i32_1 = arith.constant 0 : i32
    return %c0_i32, %c0_i32_0 : i32, i32
  }
  func.func @transform_6(%arg0: i32) -> (i32, i32) {
    %c0_i32 = arith.constant 0 : i32
    %c0_i32_0 = arith.constant 0 : i32
    %c0_i32_1 = arith.constant 0 : i32
    return %c0_i32, %c0_i32_0 : i32, i32
  }
  func.func @transform_7(%arg0: i32) -> (i32, i32) {
    %c0_i32 = arith.constant 0 : i32
    %c0_i32_0 = arith.constant 0 : i32
    %c0_i32_1 = arith.constant 0 : i32
    return %c0_i32, %c0_i32_0 : i32, i32
  }
  func.func @transform_8(%arg0: i32) -> (i32, i32, i32) {
    %c0_i32 = arith.constant 0 : i32
    %c0_i32_0 = arith.constant 0 : i32
    %c0_i32_1 = arith.constant 0 : i32
    return %arg0, %c0_i32, %c0_i32_0 : i32, i32, i32
  }
}

module attributes {stable_mosaic.version = 14 : i64} {
  func.func @_knn_body(%arg0: i32, %arg1: i32, %arg2: memref<1x64x2048xf32, #tpu.memory_space<vmem>>, %arg3: memref<1x64x256xf32, #tpu.memory_space<vmem>>, %arg4: memref<64x128xf32, #tpu.memory_space<vmem>>, %arg5: memref<1x256x16xi32, #tpu.memory_space<vmem>>, %arg6: memref<1x256x128xf32, #tpu.memory_space<vmem>>) attributes {dimension_semantics = [#tpu.dimension_semantics<parallel>, #tpu.dimension_semantics<parallel>], iteration_bounds = array<i64: 4, 8>, scalar_prefetch = 0 : i64, scratch_operands = 0 : i64, tpu.core_type = #tpu.core_type<tc>, window_params = [{transform_indices = @transform_0, window_bounds = array<i64: 1, 64, 2048>}, {transform_indices = @transform_1, window_bounds = array<i64: 1, 64, 256>}, {pipeline_mode = #tpu.pipeline_mode<synchronous>, transform_indices = @transform_2, window_bounds = array<i64: 64, 128>}, {transform_indices = @transform_3, window_bounds = array<i64: 1, 256, 16>}, {transform_indices = @transform_4, window_bounds = array<i64: 1, 256, 128>}]} {
    %get3A = arith.constant 0 : index
    %get3A_0 = arith.constant 0 : index
    %get3A_1 = arith.constant 0 : index
    %get3A_2 = vector.load %arg2[%get3A, %get3A_0, %get3A_1] : memref<1x64x2048xf32, #tpu.memory_space<vmem>>, vector<1x64x2048xf32>
    %get3A_3 = vector.shape_cast %get3A_2 : vector<1x64x2048xf32> to vector<64x2048xf32>
    %get3A_4 = arith.constant 0 : index
    %get3A_5 = arith.constant 0 : index
    %get3A_6 = arith.constant 0 : index
    %get3A_7 = vector.load %arg3[%get3A_4, %get3A_5, %get3A_6] : memref<1x64x256xf32, #tpu.memory_space<vmem>>, vector<1x64x256xf32>
    %get3A_8 = vector.shape_cast %get3A_7 : vector<1x64x256xf32> to vector<64x256xf32>
    %get3A_9 = arith.constant 0 : index
    %get3A_10 = arith.constant 0 : index
    %get3A_11 = vector.load %arg4[%get3A_9, %get3A_10] : memref<64x128xf32, #tpu.memory_space<vmem>>, vector<64x128xf32>
    %slice3A = vector.extract_strided_slice %get3A_11 {offsets = [0, 0], sizes = [64, 64], strides = [1, 1]} : vector<64x128xf32> to vector<64x64xf32>
    %slice3A_12 = vector.extract_strided_slice %get3A_11 {offsets = [0, 64], sizes = [64, 64], strides = [1, 1]} : vector<64x128xf32> to vector<64x64xf32>
    %dot_general3A = arith.constant dense<0.000000e+00> : vector<256x64xf32>
    %dot_general3A_13 = tpu.matmul %get3A_8, %slice3A, %dot_general3A {dimension_numbers = #tpu.dot_dimension_numbers<[0], [1], [1], [0], [0, 1, 1, 0], [], []>, transpose_lhs_hint = false} : vector<64x256xf32>, vector<64x64xf32>, vector<256x64xf32> -> vector<256x64xf32>
    %sub3A = arith.subf %slice3A_12, %slice3A : vector<64x64xf32>
    %dot_general3A_14 = arith.constant dense<0.000000e+00> : vector<256x64xf32>
    %dot_general3A_15 = tpu.matmul %get3A_8, %sub3A, %dot_general3A_14 {dimension_numbers = #tpu.dot_dimension_numbers<[0], [1], [1], [0], [0, 1, 1, 0], [], []>, transpose_lhs_hint = false} : vector<64x256xf32>, vector<64x64xf32>, vector<256x64xf32> -> vector<256x64xf32>
    %concatenate3A = tpu.concatenate %dot_general3A_13, %dot_general3A_15 in 1 : vector<256x64xf32>, vector<256x64xf32> -> vector<256x128xf32>
    %swap3A = arith.constant 0 : index
    %swap3A_16 = arith.constant 0 : index
    %swap3A_17 = arith.constant 0 : index
    %swap3A_18 = vector.load %arg6[%swap3A, %swap3A_16, %swap3A_17] : memref<1x256x128xf32, #tpu.memory_space<vmem>>, vector<1x256x128xf32>
    %swap3A_19 = vector.shape_cast %swap3A_18 : vector<1x256x128xf32> to vector<256x128xf32>
    %swap3A_20 = vector.shape_cast %concatenate3A : vector<256x128xf32> to vector<1x256x128xf32>
    tpu.vector_store %arg6[%swap3A, %swap3A_16, %swap3A_17], %swap3A_20 {strides = array<i32>} : memref<1x256x128xf32, #tpu.memory_space<vmem>>, vector<1x256x128xf32>,
    %dot_general3A_21 = arith.constant dense<0.000000e+00> : vector<256x2048xf32>
    %dot_general3A_22 = tpu.matmul %get3A_8, %get3A_3, %dot_general3A_21 {dimension_numbers = #tpu.dot_dimension_numbers<[0], [0], [1], [1], [0, 1, 1, 1], [], []>, transpose_lhs_hint = false} : vector<64x256xf32>, vector<64x2048xf32>, vector<256x2048xf32> -> vector<256x2048xf32>
    %mul3A = arith.mulf %get3A_3, %get3A_3 : vector<64x2048xf32>
    %reduce_sum3A = arith.constant dense<0.000000e+00> : vector<2048xf32>
    %reduce_sum3A_23 = vector.multi_reduction <add>, %mul3A, %reduce_sum3A [0] : vector<64x2048xf32> to vector<2048xf32>
    %broadcast_in_dim3A = vector.shape_cast %reduce_sum3A_23 : vector<2048xf32> to vector<1x2048xf32>
    %mul3A_24 = arith.mulf %get3A_8, %get3A_8 : vector<64x256xf32>
    %reduce_sum3A_25 = arith.constant dense<0.000000e+00> : vector<256xf32>
    %reduce_sum3A_26 = vector.multi_reduction <add>, %mul3A_24, %reduce_sum3A_25 [0] : vector<64x256xf32> to vector<256xf32>
    %broadcast_in_dim3A_27 = vector.shape_cast %reduce_sum3A_26 : vector<256xf32> to vector<1x256xf32>
    %transpose3A = tpu.transpose %broadcast_in_dim3A_27, [1, 0] : vector<1x256xf32> -> vector<256x1xf32>
    %neg3A = arith.constant 0.000000e+00 : f32
    %neg3A_28 = vector.broadcast %neg3A : f32 to vector<256x1xf32>
    %neg3A_29 = arith.subf %neg3A_28, %transpose3A : vector<256x1xf32>
    %sub3A_30 = vector.broadcast %neg3A_29 : vector<256x1xf32> to vector<256x2048xf32>
    %sub3A_31 = vector.broadcast %broadcast_in_dim3A : vector<1x2048xf32> to vector<256x2048xf32>
    %sub3A_32 = arith.subf %sub3A_30, %sub3A_31 : vector<256x2048xf32>
    %mul3A_33 = arith.constant 2.000000e+00 : f32
    %mul3A_34 = vector.broadcast %mul3A_33 : f32 to vector<256x2048xf32>
    %mul3A_35 = arith.mulf %mul3A_34, %dot_general3A_22 : vector<256x2048xf32>
    %add3A = arith.addf %sub3A_32, %mul3A_35 : vector<256x2048xf32>
    %iota3A = tpu.iota {dimensions = array<i32: 1>} : vector<256x2048xi32>
    %mul3A_36 = arith.constant 256 : i32
    %mul3A_37 = arith.muli %arg1, %mul3A_36 : i32
    %iota3A_38 = tpu.iota {dimensions = array<i32: 0>} : vector<256x2048xi32>
    %add3A_39 = vector.broadcast %mul3A_37 : i32 to vector<256x2048xi32>
    %add3A_40 = arith.addi %add3A_39, %iota3A_38 : vector<256x2048xi32>
    %eq3A = arith.cmpi eq, %iota3A, %add3A_40 : vector<256x2048xi32>
    %jit3A = arith.constant 0xFF800000 : f32
    %broadcast_in_dim3A_41 = vector.broadcast %jit3A : f32 to vector<256x2048xf32>
    %select_n3A = arith.select %eq3A, %broadcast_in_dim3A_41, %add3A : vector<256x2048xi1>, vector<256x2048xf32>
    %convert_element_type3A = arith.sitofp %iota3A : vector<256x2048xi32> to vector<256x2048xf32>
    %iota3A_42 = tpu.iota {dimensions = array<i32: 1>} : vector<256x16xi32>
    %broadcast_in_dim3A_43 = arith.constant 0.000000e+00 : f32
    %broadcast_in_dim3A_44 = vector.broadcast %broadcast_in_dim3A_43 : f32 to vector<256x16xf32>
    %reduce_max3A = arith.constant dense<0xFF800000> : vector<256xf32>
    %reduce_max3A_45 = vector.multi_reduction <maximumf>, %select_n3A, %reduce_max3A [1] : vector<256x2048xf32> to vector<256xf32>
    %broadcast_in_dim3A_46 = vector.shape_cast %reduce_max3A_45 : vector<256xf32> to vector<256x1xf32>
    %eq3A_47 = vector.broadcast %broadcast_in_dim3A_46 : vector<256x1xf32> to vector<256x2048xf32>
    %eq3A_48 = arith.cmpf oeq, %select_n3A, %eq3A_47 : vector<256x2048xf32>
    %jit3A_49 = arith.constant 2.048000e+03 : f32
    %broadcast_in_dim3A_50 = vector.broadcast %jit3A_49 : f32 to vector<256x2048xf32>
    %select_n3A_51 = arith.select %eq3A_48, %convert_element_type3A, %broadcast_in_dim3A_50 : vector<256x2048xi1>, vector<256x2048xf32>
    %reduce_min3A = arith.constant dense<0x7F800000> : vector<256xf32>
    %reduce_min3A_52 = vector.multi_reduction <minimumf>, %select_n3A_51, %reduce_min3A [1] : vector<256x2048xf32> to vector<256xf32>
    %broadcast_in_dim3A_53 = vector.shape_cast %reduce_min3A_52 : vector<256xf32> to vector<256x1xf32>
    %eq3A_54 = arith.constant 0 : i32
    %eq3A_55 = vector.broadcast %eq3A_54 : i32 to vector<256x16xi32>
    %eq3A_56 = arith.cmpi eq, %iota3A_42, %eq3A_55 : vector<256x16xi32>
    %broadcast_in_dim3A_57 = vector.shape_cast %broadcast_in_dim3A_53 : vector<256x1xf32> to vector<256x1xf32>
    %broadcast_in_dim3A_58 = vector.broadcast %broadcast_in_dim3A_57 : vector<256x1xf32> to vector<256x16xf32>
    %select_n3A_59 = arith.select %eq3A_56, %broadcast_in_dim3A_58, %broadcast_in_dim3A_44 : vector<256x16xi1>, vector<256x16xf32>
    %eq3A_60 = vector.broadcast %broadcast_in_dim3A_53 : vector<256x1xf32> to vector<256x2048xf32>
    %eq3A_61 = arith.cmpf oeq, %convert_element_type3A, %eq3A_60 : vector<256x2048xf32>
    %jit3A_62 = arith.constant 0xFF800000 : f32
    %broadcast_in_dim3A_63 = vector.broadcast %jit3A_62 : f32 to vector<256x2048xf32>
    %select_n3A_64 = arith.select %eq3A_61, %broadcast_in_dim3A_63, %select_n3A : vector<256x2048xi1>, vector<256x2048xf32>
    %reduce_max3A_65 = arith.constant dense<0xFF800000> : vector<256xf32>
    %reduce_max3A_66 = vector.multi_reduction <maximumf>, %select_n3A_64, %reduce_max3A_65 [1] : vector<256x2048xf32> to vector<256xf32>
    %broadcast_in_dim3A_67 = vector.shape_cast %reduce_max3A_66 : vector<256xf32> to vector<256x1xf32>
    %eq3A_68 = vector.broadcast %broadcast_in_dim3A_67 : vector<256x1xf32> to vector<256x2048xf32>
    %eq3A_69 = arith.cmpf oeq, %select_n3A_64, %eq3A_68 : vector<256x2048xf32>
    %jit3A_70 = arith.constant 2.048000e+03 : f32
    %broadcast_in_dim3A_71 = vector.broadcast %jit3A_70 : f32 to vector<256x2048xf32>
    %select_n3A_72 = arith.select %eq3A_69, %convert_element_type3A, %broadcast_in_dim3A_71 : vector<256x2048xi1>, vector<256x2048xf32>
    %reduce_min3A_73 = arith.constant dense<0x7F800000> : vector<256xf32>
    %reduce_min3A_74 = vector.multi_reduction <minimumf>, %select_n3A_72, %reduce_min3A_73 [1] : vector<256x2048xf32> to vector<256xf32>
    %broadcast_in_dim3A_75 = vector.shape_cast %reduce_min3A_74 : vector<256xf32> to vector<256x1xf32>
    %eq3A_76 = arith.constant 1 : i32
    %eq3A_77 = vector.broadcast %eq3A_76 : i32 to vector<256x16xi32>
    %eq3A_78 = arith.cmpi eq, %iota3A_42, %eq3A_77 : vector<256x16xi32>
    %broadcast_in_dim3A_79 = vector.shape_cast %broadcast_in_dim3A_75 : vector<256x1xf32> to vector<256x1xf32>
    %broadcast_in_dim3A_80 = vector.broadcast %broadcast_in_dim3A_79 : vector<256x1xf32> to vector<256x16xf32>
    %select_n3A_81 = arith.select %eq3A_78, %broadcast_in_dim3A_80, %select_n3A_59 : vector<256x16xi1>, vector<256x16xf32>
    %eq3A_82 = vector.broadcast %broadcast_in_dim3A_75 : vector<256x1xf32> to vector<256x2048xf32>
    %eq3A_83 = arith.cmpf oeq, %convert_element_type3A, %eq3A_82 : vector<256x2048xf32>
    %jit3A_84 = arith.constant 0xFF800000 : f32
    %broadcast_in_dim3A_85 = vector.broadcast %jit3A_84 : f32 to vector<256x2048xf32>
    %select_n3A_86 = arith.select %eq3A_83, %broadcast_in_dim3A_85, %select_n3A_64 : vector<256x2048xi1>, vector<256x2048xf32>
    %reduce_max3A_87 = arith.constant dense<0xFF800000> : vector<256xf32>
    %reduce_max3A_88 = vector.multi_reduction <maximumf>, %select_n3A_86, %reduce_max3A_87 [1] : vector<256x2048xf32> to vector<256xf32>
    %broadcast_in_dim3A_89 = vector.shape_cast %reduce_max3A_88 : vector<256xf32> to vector<256x1xf32>
    %eq3A_90 = vector.broadcast %broadcast_in_dim3A_89 : vector<256x1xf32> to vector<256x2048xf32>
    %eq3A_91 = arith.cmpf oeq, %select_n3A_86, %eq3A_90 : vector<256x2048xf32>
    %jit3A_92 = arith.constant 2.048000e+03 : f32
    %broadcast_in_dim3A_93 = vector.broadcast %jit3A_92 : f32 to vector<256x2048xf32>
    %select_n3A_94 = arith.select %eq3A_91, %convert_element_type3A, %broadcast_in_dim3A_93 : vector<256x2048xi1>, vector<256x2048xf32>
    %reduce_min3A_95 = arith.constant dense<0x7F800000> : vector<256xf32>
    %reduce_min3A_96 = vector.multi_reduction <minimumf>, %select_n3A_94, %reduce_min3A_95 [1] : vector<256x2048xf32> to vector<256xf32>
    %broadcast_in_dim3A_97 = vector.shape_cast %reduce_min3A_96 : vector<256xf32> to vector<256x1xf32>
    %eq3A_98 = arith.constant 2 : i32
    %eq3A_99 = vector.broadcast %eq3A_98 : i32 to vector<256x16xi32>
    %eq3A_100 = arith.cmpi eq, %iota3A_42, %eq3A_99 : vector<256x16xi32>
    %broadcast_in_dim3A_101 = vector.shape_cast %broadcast_in_dim3A_97 : vector<256x1xf32> to vector<256x1xf32>
    %broadcast_in_dim3A_102 = vector.broadcast %broadcast_in_dim3A_101 : vector<256x1xf32> to vector<256x16xf32>
    %select_n3A_103 = arith.select %eq3A_100, %broadcast_in_dim3A_102, %select_n3A_81 : vector<256x16xi1>, vector<256x16xf32>
    %eq3A_104 = vector.broadcast %broadcast_in_dim3A_97 : vector<256x1xf32> to vector<256x2048xf32>
    %eq3A_105 = arith.cmpf oeq, %convert_element_type3A, %eq3A_104 : vector<256x2048xf32>
    %jit3A_106 = arith.constant 0xFF800000 : f32
    %broadcast_in_dim3A_107 = vector.broadcast %jit3A_106 : f32 to vector<256x2048xf32>
    %select_n3A_108 = arith.select %eq3A_105, %broadcast_in_dim3A_107, %select_n3A_86 : vector<256x2048xi1>, vector<256x2048xf32>
    %reduce_max3A_109 = arith.constant dense<0xFF800000> : vector<256xf32>
    %reduce_max3A_110 = vector.multi_reduction <maximumf>, %select_n3A_108, %reduce_max3A_109 [1] : vector<256x2048xf32> to vector<256xf32>
    %broadcast_in_dim3A_111 = vector.shape_cast %reduce_max3A_110 : vector<256xf32> to vector<256x1xf32>
    %eq3A_112 = vector.broadcast %broadcast_in_dim3A_111 : vector<256x1xf32> to vector<256x2048xf32>
    %eq3A_113 = arith.cmpf oeq, %select_n3A_108, %eq3A_112 : vector<256x2048xf32>
    %jit3A_114 = arith.constant 2.048000e+03 : f32
    %broadcast_in_dim3A_115 = vector.broadcast %jit3A_114 : f32 to vector<256x2048xf32>
    %select_n3A_116 = arith.select %eq3A_113, %convert_element_type3A, %broadcast_in_dim3A_115 : vector<256x2048xi1>, vector<256x2048xf32>
    %reduce_min3A_117 = arith.constant dense<0x7F800000> : vector<256xf32>
    %reduce_min3A_118 = vector.multi_reduction <minimumf>, %select_n3A_116, %reduce_min3A_117 [1] : vector<256x2048xf32> to vector<256xf32>
    %broadcast_in_dim3A_119 = vector.shape_cast %reduce_min3A_118 : vector<256xf32> to vector<256x1xf32>
    %eq3A_120 = arith.constant 3 : i32
    %eq3A_121 = vector.broadcast %eq3A_120 : i32 to vector<256x16xi32>
    %eq3A_122 = arith.cmpi eq, %iota3A_42, %eq3A_121 : vector<256x16xi32>
    %broadcast_in_dim3A_123 = vector.shape_cast %broadcast_in_dim3A_119 : vector<256x1xf32> to vector<256x1xf32>
    %broadcast_in_dim3A_124 = vector.broadcast %broadcast_in_dim3A_123 : vector<256x1xf32> to vector<256x16xf32>
    %select_n3A_125 = arith.select %eq3A_122, %broadcast_in_dim3A_124, %select_n3A_103 : vector<256x16xi1>, vector<256x16xf32>
    %eq3A_126 = vector.broadcast %broadcast_in_dim3A_119 : vector<256x1xf32> to vector<256x2048xf32>
    %eq3A_127 = arith.cmpf oeq, %convert_element_type3A, %eq3A_126 : vector<256x2048xf32>
    %jit3A_128 = arith.constant 0xFF800000 : f32
    %broadcast_in_dim3A_129 = vector.broadcast %jit3A_128 : f32 to vector<256x2048xf32>
    %select_n3A_130 = arith.select %eq3A_127, %broadcast_in_dim3A_129, %select_n3A_108 : vector<256x2048xi1>, vector<256x2048xf32>
    %reduce_max3A_131 = arith.constant dense<0xFF800000> : vector<256xf32>
    %reduce_max3A_132 = vector.multi_reduction <maximumf>, %select_n3A_130, %reduce_max3A_131 [1] : vector<256x2048xf32> to vector<256xf32>
    %broadcast_in_dim3A_133 = vector.shape_cast %reduce_max3A_132 : vector<256xf32> to vector<256x1xf32>
    %eq3A_134 = vector.broadcast %broadcast_in_dim3A_133 : vector<256x1xf32> to vector<256x2048xf32>
    %eq3A_135 = arith.cmpf oeq, %select_n3A_130, %eq3A_134 : vector<256x2048xf32>
    %jit3A_136 = arith.constant 2.048000e+03 : f32
    %broadcast_in_dim3A_137 = vector.broadcast %jit3A_136 : f32 to vector<256x2048xf32>
    %select_n3A_138 = arith.select %eq3A_135, %convert_element_type3A, %broadcast_in_dim3A_137 : vector<256x2048xi1>, vector<256x2048xf32>
    %reduce_min3A_139 = arith.constant dense<0x7F800000> : vector<256xf32>
    %reduce_min3A_140 = vector.multi_reduction <minimumf>, %select_n3A_138, %reduce_min3A_139 [1] : vector<256x2048xf32> to vector<256xf32>
    %broadcast_in_dim3A_141 = vector.shape_cast %reduce_min3A_140 : vector<256xf32> to vector<256x1xf32>
    %eq3A_142 = arith.constant 4 : i32
    %eq3A_143 = vector.broadcast %eq3A_142 : i32 to vector<256x16xi32>
    %eq3A_144 = arith.cmpi eq, %iota3A_42, %eq3A_143 : vector<256x16xi32>
    %broadcast_in_dim3A_145 = vector.shape_cast %broadcast_in_dim3A_141 : vector<256x1xf32> to vector<256x1xf32>
    %broadcast_in_dim3A_146 = vector.broadcast %broadcast_in_dim3A_145 : vector<256x1xf32> to vector<256x16xf32>
    %select_n3A_147 = arith.select %eq3A_144, %broadcast_in_dim3A_146, %select_n3A_125 : vector<256x16xi1>, vector<256x16xf32>
    %eq3A_148 = vector.broadcast %broadcast_in_dim3A_141 : vector<256x1xf32> to vector<256x2048xf32>
    %eq3A_149 = arith.cmpf oeq, %convert_element_type3A, %eq3A_148 : vector<256x2048xf32>
    %jit3A_150 = arith.constant 0xFF800000 : f32
    %broadcast_in_dim3A_151 = vector.broadcast %jit3A_150 : f32 to vector<256x2048xf32>
    %select_n3A_152 = arith.select %eq3A_149, %broadcast_in_dim3A_151, %select_n3A_130 : vector<256x2048xi1>, vector<256x2048xf32>
    %reduce_max3A_153 = arith.constant dense<0xFF800000> : vector<256xf32>
    %reduce_max3A_154 = vector.multi_reduction <maximumf>, %select_n3A_152, %reduce_max3A_153 [1] : vector<256x2048xf32> to vector<256xf32>
    %broadcast_in_dim3A_155 = vector.shape_cast %reduce_max3A_154 : vector<256xf32> to vector<256x1xf32>
    %eq3A_156 = vector.broadcast %broadcast_in_dim3A_155 : vector<256x1xf32> to vector<256x2048xf32>
    %eq3A_157 = arith.cmpf oeq, %select_n3A_152, %eq3A_156 : vector<256x2048xf32>
    %jit3A_158 = arith.constant 2.048000e+03 : f32
    %broadcast_in_dim3A_159 = vector.broadcast %jit3A_158 : f32 to vector<256x2048xf32>
    %select_n3A_160 = arith.select %eq3A_157, %convert_element_type3A, %broadcast_in_dim3A_159 : vector<256x2048xi1>, vector<256x2048xf32>
    %reduce_min3A_161 = arith.constant dense<0x7F800000> : vector<256xf32>
    %reduce_min3A_162 = vector.multi_reduction <minimumf>, %select_n3A_160, %reduce_min3A_161 [1] : vector<256x2048xf32> to vector<256xf32>
    %broadcast_in_dim3A_163 = vector.shape_cast %reduce_min3A_162 : vector<256xf32> to vector<256x1xf32>
    %eq3A_164 = arith.constant 5 : i32
    %eq3A_165 = vector.broadcast %eq3A_164 : i32 to vector<256x16xi32>
    %eq3A_166 = arith.cmpi eq, %iota3A_42, %eq3A_165 : vector<256x16xi32>
    %broadcast_in_dim3A_167 = vector.shape_cast %broadcast_in_dim3A_163 : vector<256x1xf32> to vector<256x1xf32>
    %broadcast_in_dim3A_168 = vector.broadcast %broadcast_in_dim3A_167 : vector<256x1xf32> to vector<256x16xf32>
    %select_n3A_169 = arith.select %eq3A_166, %broadcast_in_dim3A_168, %select_n3A_147 : vector<256x16xi1>, vector<256x16xf32>
    %eq3A_170 = vector.broadcast %broadcast_in_dim3A_163 : vector<256x1xf32> to vector<256x2048xf32>
    %eq3A_171 = arith.cmpf oeq, %convert_element_type3A, %eq3A_170 : vector<256x2048xf32>
    %jit3A_172 = arith.constant 0xFF800000 : f32
    %broadcast_in_dim3A_173 = vector.broadcast %jit3A_172 : f32 to vector<256x2048xf32>
    %select_n3A_174 = arith.select %eq3A_171, %broadcast_in_dim3A_173, %select_n3A_152 : vector<256x2048xi1>, vector<256x2048xf32>
    %reduce_max3A_175 = arith.constant dense<0xFF800000> : vector<256xf32>
    %reduce_max3A_176 = vector.multi_reduction <maximumf>, %select_n3A_174, %reduce_max3A_175 [1] : vector<256x2048xf32> to vector<256xf32>
    %broadcast_in_dim3A_177 = vector.shape_cast %reduce_max3A_176 : vector<256xf32> to vector<256x1xf32>
    %eq3A_178 = vector.broadcast %broadcast_in_dim3A_177 : vector<256x1xf32> to vector<256x2048xf32>
    %eq3A_179 = arith.cmpf oeq, %select_n3A_174, %eq3A_178 : vector<256x2048xf32>
    %jit3A_180 = arith.constant 2.048000e+03 : f32
    %broadcast_in_dim3A_181 = vector.broadcast %jit3A_180 : f32 to vector<256x2048xf32>
    %select_n3A_182 = arith.select %eq3A_179, %convert_element_type3A, %broadcast_in_dim3A_181 : vector<256x2048xi1>, vector<256x2048xf32>
    %reduce_min3A_183 = arith.constant dense<0x7F800000> : vector<256xf32>
    %reduce_min3A_184 = vector.multi_reduction <minimumf>, %select_n3A_182, %reduce_min3A_183 [1] : vector<256x2048xf32> to vector<256xf32>
    %broadcast_in_dim3A_185 = vector.shape_cast %reduce_min3A_184 : vector<256xf32> to vector<256x1xf32>
    %eq3A_186 = arith.constant 6 : i32
    %eq3A_187 = vector.broadcast %eq3A_186 : i32 to vector<256x16xi32>
    %eq3A_188 = arith.cmpi eq, %iota3A_42, %eq3A_187 : vector<256x16xi32>
    %broadcast_in_dim3A_189 = vector.shape_cast %broadcast_in_dim3A_185 : vector<256x1xf32> to vector<256x1xf32>
    %broadcast_in_dim3A_190 = vector.broadcast %broadcast_in_dim3A_189 : vector<256x1xf32> to vector<256x16xf32>
    %select_n3A_191 = arith.select %eq3A_188, %broadcast_in_dim3A_190, %select_n3A_169 : vector<256x16xi1>, vector<256x16xf32>
    %eq3A_192 = vector.broadcast %broadcast_in_dim3A_185 : vector<256x1xf32> to vector<256x2048xf32>
    %eq3A_193 = arith.cmpf oeq, %convert_element_type3A, %eq3A_192 : vector<256x2048xf32>
    %jit3A_194 = arith.constant 0xFF800000 : f32
    %broadcast_in_dim3A_195 = vector.broadcast %jit3A_194 : f32 to vector<256x2048xf32>
    %select_n3A_196 = arith.select %eq3A_193, %broadcast_in_dim3A_195, %select_n3A_174 : vector<256x2048xi1>, vector<256x2048xf32>
    %reduce_max3A_197 = arith.constant dense<0xFF800000> : vector<256xf32>
    %reduce_max3A_198 = vector.multi_reduction <maximumf>, %select_n3A_196, %reduce_max3A_197 [1] : vector<256x2048xf32> to vector<256xf32>
    %broadcast_in_dim3A_199 = vector.shape_cast %reduce_max3A_198 : vector<256xf32> to vector<256x1xf32>
    %eq3A_200 = vector.broadcast %broadcast_in_dim3A_199 : vector<256x1xf32> to vector<256x2048xf32>
    %eq3A_201 = arith.cmpf oeq, %select_n3A_196, %eq3A_200 : vector<256x2048xf32>
    %jit3A_202 = arith.constant 2.048000e+03 : f32
    %broadcast_in_dim3A_203 = vector.broadcast %jit3A_202 : f32 to vector<256x2048xf32>
    %select_n3A_204 = arith.select %eq3A_201, %convert_element_type3A, %broadcast_in_dim3A_203 : vector<256x2048xi1>, vector<256x2048xf32>
    %reduce_min3A_205 = arith.constant dense<0x7F800000> : vector<256xf32>
    %reduce_min3A_206 = vector.multi_reduction <minimumf>, %select_n3A_204, %reduce_min3A_205 [1] : vector<256x2048xf32> to vector<256xf32>
    %broadcast_in_dim3A_207 = vector.shape_cast %reduce_min3A_206 : vector<256xf32> to vector<256x1xf32>
    %eq3A_208 = arith.constant 7 : i32
    %eq3A_209 = vector.broadcast %eq3A_208 : i32 to vector<256x16xi32>
    %eq3A_210 = arith.cmpi eq, %iota3A_42, %eq3A_209 : vector<256x16xi32>
    %broadcast_in_dim3A_211 = vector.shape_cast %broadcast_in_dim3A_207 : vector<256x1xf32> to vector<256x1xf32>
    %broadcast_in_dim3A_212 = vector.broadcast %broadcast_in_dim3A_211 : vector<256x1xf32> to vector<256x16xf32>
    %select_n3A_213 = arith.select %eq3A_210, %broadcast_in_dim3A_212, %select_n3A_191 : vector<256x16xi1>, vector<256x16xf32>
    %eq3A_214 = vector.broadcast %broadcast_in_dim3A_207 : vector<256x1xf32> to vector<256x2048xf32>
    %eq3A_215 = arith.cmpf oeq, %convert_element_type3A, %eq3A_214 : vector<256x2048xf32>
    %jit3A_216 = arith.constant 0xFF800000 : f32
    %broadcast_in_dim3A_217 = vector.broadcast %jit3A_216 : f32 to vector<256x2048xf32>
    %select_n3A_218 = arith.select %eq3A_215, %broadcast_in_dim3A_217, %select_n3A_196 : vector<256x2048xi1>, vector<256x2048xf32>
    %reduce_max3A_219 = arith.constant dense<0xFF800000> : vector<256xf32>
    %reduce_max3A_220 = vector.multi_reduction <maximumf>, %select_n3A_218, %reduce_max3A_219 [1] : vector<256x2048xf32> to vector<256xf32>
    %broadcast_in_dim3A_221 = vector.shape_cast %reduce_max3A_220 : vector<256xf32> to vector<256x1xf32>
    %eq3A_222 = vector.broadcast %broadcast_in_dim3A_221 : vector<256x1xf32> to vector<256x2048xf32>
    %eq3A_223 = arith.cmpf oeq, %select_n3A_218, %eq3A_222 : vector<256x2048xf32>
    %jit3A_224 = arith.constant 2.048000e+03 : f32
    %broadcast_in_dim3A_225 = vector.broadcast %jit3A_224 : f32 to vector<256x2048xf32>
    %select_n3A_226 = arith.select %eq3A_223, %convert_element_type3A, %broadcast_in_dim3A_225 : vector<256x2048xi1>, vector<256x2048xf32>
    %reduce_min3A_227 = arith.constant dense<0x7F800000> : vector<256xf32>
    %reduce_min3A_228 = vector.multi_reduction <minimumf>, %select_n3A_226, %reduce_min3A_227 [1] : vector<256x2048xf32> to vector<256xf32>
    %broadcast_in_dim3A_229 = vector.shape_cast %reduce_min3A_228 : vector<256xf32> to vector<256x1xf32>
    %eq3A_230 = arith.constant 8 : i32
    %eq3A_231 = vector.broadcast %eq3A_230 : i32 to vector<256x16xi32>
    %eq3A_232 = arith.cmpi eq, %iota3A_42, %eq3A_231 : vector<256x16xi32>
    %broadcast_in_dim3A_233 = vector.shape_cast %broadcast_in_dim3A_229 : vector<256x1xf32> to vector<256x1xf32>
    %broadcast_in_dim3A_234 = vector.broadcast %broadcast_in_dim3A_233 : vector<256x1xf32> to vector<256x16xf32>
    %select_n3A_235 = arith.select %eq3A_232, %broadcast_in_dim3A_234, %select_n3A_213 : vector<256x16xi1>, vector<256x16xf32>
    %eq3A_236 = vector.broadcast %broadcast_in_dim3A_229 : vector<256x1xf32> to vector<256x2048xf32>
    %eq3A_237 = arith.cmpf oeq, %convert_element_type3A, %eq3A_236 : vector<256x2048xf32>
    %jit3A_238 = arith.constant 0xFF800000 : f32
    %broadcast_in_dim3A_239 = vector.broadcast %jit3A_238 : f32 to vector<256x2048xf32>
    %select_n3A_240 = arith.select %eq3A_237, %broadcast_in_dim3A_239, %select_n3A_218 : vector<256x2048xi1>, vector<256x2048xf32>
    %reduce_max3A_241 = arith.constant dense<0xFF800000> : vector<256xf32>
    %reduce_max3A_242 = vector.multi_reduction <maximumf>, %select_n3A_240, %reduce_max3A_241 [1] : vector<256x2048xf32> to vector<256xf32>
    %broadcast_in_dim3A_243 = vector.shape_cast %reduce_max3A_242 : vector<256xf32> to vector<256x1xf32>
    %eq3A_244 = vector.broadcast %broadcast_in_dim3A_243 : vector<256x1xf32> to vector<256x2048xf32>
    %eq3A_245 = arith.cmpf oeq, %select_n3A_240, %eq3A_244 : vector<256x2048xf32>
    %jit3A_246 = arith.constant 2.048000e+03 : f32
    %broadcast_in_dim3A_247 = vector.broadcast %jit3A_246 : f32 to vector<256x2048xf32>
    %select_n3A_248 = arith.select %eq3A_245, %convert_element_type3A, %broadcast_in_dim3A_247 : vector<256x2048xi1>, vector<256x2048xf32>
    %reduce_min3A_249 = arith.constant dense<0x7F800000> : vector<256xf32>
    %reduce_min3A_250 = vector.multi_reduction <minimumf>, %select_n3A_248, %reduce_min3A_249 [1] : vector<256x2048xf32> to vector<256xf32>
    %broadcast_in_dim3A_251 = vector.shape_cast %reduce_min3A_250 : vector<256xf32> to vector<256x1xf32>
    %eq3A_252 = arith.constant 9 : i32
    %eq3A_253 = vector.broadcast %eq3A_252 : i32 to vector<256x16xi32>
    %eq3A_254 = arith.cmpi eq, %iota3A_42, %eq3A_253 : vector<256x16xi32>
    %broadcast_in_dim3A_255 = vector.shape_cast %broadcast_in_dim3A_251 : vector<256x1xf32> to vector<256x1xf32>
    %broadcast_in_dim3A_256 = vector.broadcast %broadcast_in_dim3A_255 : vector<256x1xf32> to vector<256x16xf32>
    %select_n3A_257 = arith.select %eq3A_254, %broadcast_in_dim3A_256, %select_n3A_235 : vector<256x16xi1>, vector<256x16xf32>
    %eq3A_258 = vector.broadcast %broadcast_in_dim3A_251 : vector<256x1xf32> to vector<256x2048xf32>
    %eq3A_259 = arith.cmpf oeq, %convert_element_type3A, %eq3A_258 : vector<256x2048xf32>
    %jit3A_260 = arith.constant 0xFF800000 : f32
    %broadcast_in_dim3A_261 = vector.broadcast %jit3A_260 : f32 to vector<256x2048xf32>
    %select_n3A_262 = arith.select %eq3A_259, %broadcast_in_dim3A_261, %select_n3A_240 : vector<256x2048xi1>, vector<256x2048xf32>
    %reduce_max3A_263 = arith.constant dense<0xFF800000> : vector<256xf32>
    %reduce_max3A_264 = vector.multi_reduction <maximumf>, %select_n3A_262, %reduce_max3A_263 [1] : vector<256x2048xf32> to vector<256xf32>
    %broadcast_in_dim3A_265 = vector.shape_cast %reduce_max3A_264 : vector<256xf32> to vector<256x1xf32>
    %eq3A_266 = vector.broadcast %broadcast_in_dim3A_265 : vector<256x1xf32> to vector<256x2048xf32>
    %eq3A_267 = arith.cmpf oeq, %select_n3A_262, %eq3A_266 : vector<256x2048xf32>
    %jit3A_268 = arith.constant 2.048000e+03 : f32
    %broadcast_in_dim3A_269 = vector.broadcast %jit3A_268 : f32 to vector<256x2048xf32>
    %select_n3A_270 = arith.select %eq3A_267, %convert_element_type3A, %broadcast_in_dim3A_269 : vector<256x2048xi1>, vector<256x2048xf32>
    %reduce_min3A_271 = arith.constant dense<0x7F800000> : vector<256xf32>
    %reduce_min3A_272 = vector.multi_reduction <minimumf>, %select_n3A_270, %reduce_min3A_271 [1] : vector<256x2048xf32> to vector<256xf32>
    %broadcast_in_dim3A_273 = vector.shape_cast %reduce_min3A_272 : vector<256xf32> to vector<256x1xf32>
    %eq3A_274 = arith.constant 10 : i32
    %eq3A_275 = vector.broadcast %eq3A_274 : i32 to vector<256x16xi32>
    %eq3A_276 = arith.cmpi eq, %iota3A_42, %eq3A_275 : vector<256x16xi32>
    %broadcast_in_dim3A_277 = vector.shape_cast %broadcast_in_dim3A_273 : vector<256x1xf32> to vector<256x1xf32>
    %broadcast_in_dim3A_278 = vector.broadcast %broadcast_in_dim3A_277 : vector<256x1xf32> to vector<256x16xf32>
    %select_n3A_279 = arith.select %eq3A_276, %broadcast_in_dim3A_278, %select_n3A_257 : vector<256x16xi1>, vector<256x16xf32>
    %eq3A_280 = vector.broadcast %broadcast_in_dim3A_273 : vector<256x1xf32> to vector<256x2048xf32>
    %eq3A_281 = arith.cmpf oeq, %convert_element_type3A, %eq3A_280 : vector<256x2048xf32>
    %jit3A_282 = arith.constant 0xFF800000 : f32
    %broadcast_in_dim3A_283 = vector.broadcast %jit3A_282 : f32 to vector<256x2048xf32>
    %select_n3A_284 = arith.select %eq3A_281, %broadcast_in_dim3A_283, %select_n3A_262 : vector<256x2048xi1>, vector<256x2048xf32>
    %reduce_max3A_285 = arith.constant dense<0xFF800000> : vector<256xf32>
    %reduce_max3A_286 = vector.multi_reduction <maximumf>, %select_n3A_284, %reduce_max3A_285 [1] : vector<256x2048xf32> to vector<256xf32>
    %broadcast_in_dim3A_287 = vector.shape_cast %reduce_max3A_286 : vector<256xf32> to vector<256x1xf32>
    %eq3A_288 = vector.broadcast %broadcast_in_dim3A_287 : vector<256x1xf32> to vector<256x2048xf32>
    %eq3A_289 = arith.cmpf oeq, %select_n3A_284, %eq3A_288 : vector<256x2048xf32>
    %jit3A_290 = arith.constant 2.048000e+03 : f32
    %broadcast_in_dim3A_291 = vector.broadcast %jit3A_290 : f32 to vector<256x2048xf32>
    %select_n3A_292 = arith.select %eq3A_289, %convert_element_type3A, %broadcast_in_dim3A_291 : vector<256x2048xi1>, vector<256x2048xf32>
    %reduce_min3A_293 = arith.constant dense<0x7F800000> : vector<256xf32>
    %reduce_min3A_294 = vector.multi_reduction <minimumf>, %select_n3A_292, %reduce_min3A_293 [1] : vector<256x2048xf32> to vector<256xf32>
    %broadcast_in_dim3A_295 = vector.shape_cast %reduce_min3A_294 : vector<256xf32> to vector<256x1xf32>
    %eq3A_296 = arith.constant 11 : i32
    %eq3A_297 = vector.broadcast %eq3A_296 : i32 to vector<256x16xi32>
    %eq3A_298 = arith.cmpi eq, %iota3A_42, %eq3A_297 : vector<256x16xi32>
    %broadcast_in_dim3A_299 = vector.shape_cast %broadcast_in_dim3A_295 : vector<256x1xf32> to vector<256x1xf32>
    %broadcast_in_dim3A_300 = vector.broadcast %broadcast_in_dim3A_299 : vector<256x1xf32> to vector<256x16xf32>
    %select_n3A_301 = arith.select %eq3A_298, %broadcast_in_dim3A_300, %select_n3A_279 : vector<256x16xi1>, vector<256x16xf32>
    %eq3A_302 = vector.broadcast %broadcast_in_dim3A_295 : vector<256x1xf32> to vector<256x2048xf32>
    %eq3A_303 = arith.cmpf oeq, %convert_element_type3A, %eq3A_302 : vector<256x2048xf32>
    %jit3A_304 = arith.constant 0xFF800000 : f32
    %broadcast_in_dim3A_305 = vector.broadcast %jit3A_304 : f32 to vector<256x2048xf32>
    %select_n3A_306 = arith.select %eq3A_303, %broadcast_in_dim3A_305, %select_n3A_284 : vector<256x2048xi1>, vector<256x2048xf32>
    %reduce_max3A_307 = arith.constant dense<0xFF800000> : vector<256xf32>
    %reduce_max3A_308 = vector.multi_reduction <maximumf>, %select_n3A_306, %reduce_max3A_307 [1] : vector<256x2048xf32> to vector<256xf32>
    %broadcast_in_dim3A_309 = vector.shape_cast %reduce_max3A_308 : vector<256xf32> to vector<256x1xf32>
    %eq3A_310 = vector.broadcast %broadcast_in_dim3A_309 : vector<256x1xf32> to vector<256x2048xf32>
    %eq3A_311 = arith.cmpf oeq, %select_n3A_306, %eq3A_310 : vector<256x2048xf32>
    %jit3A_312 = arith.constant 2.048000e+03 : f32
    %broadcast_in_dim3A_313 = vector.broadcast %jit3A_312 : f32 to vector<256x2048xf32>
    %select_n3A_314 = arith.select %eq3A_311, %convert_element_type3A, %broadcast_in_dim3A_313 : vector<256x2048xi1>, vector<256x2048xf32>
    %reduce_min3A_315 = arith.constant dense<0x7F800000> : vector<256xf32>
    %reduce_min3A_316 = vector.multi_reduction <minimumf>, %select_n3A_314, %reduce_min3A_315 [1] : vector<256x2048xf32> to vector<256xf32>
    %broadcast_in_dim3A_317 = vector.shape_cast %reduce_min3A_316 : vector<256xf32> to vector<256x1xf32>
    %eq3A_318 = arith.constant 12 : i32
    %eq3A_319 = vector.broadcast %eq3A_318 : i32 to vector<256x16xi32>
    %eq3A_320 = arith.cmpi eq, %iota3A_42, %eq3A_319 : vector<256x16xi32>
    %broadcast_in_dim3A_321 = vector.shape_cast %broadcast_in_dim3A_317 : vector<256x1xf32> to vector<256x1xf32>
    %broadcast_in_dim3A_322 = vector.broadcast %broadcast_in_dim3A_321 : vector<256x1xf32> to vector<256x16xf32>
    %select_n3A_323 = arith.select %eq3A_320, %broadcast_in_dim3A_322, %select_n3A_301 : vector<256x16xi1>, vector<256x16xf32>
    %eq3A_324 = vector.broadcast %broadcast_in_dim3A_317 : vector<256x1xf32> to vector<256x2048xf32>
    %eq3A_325 = arith.cmpf oeq, %convert_element_type3A, %eq3A_324 : vector<256x2048xf32>
    %jit3A_326 = arith.constant 0xFF800000 : f32
    %broadcast_in_dim3A_327 = vector.broadcast %jit3A_326 : f32 to vector<256x2048xf32>
    %select_n3A_328 = arith.select %eq3A_325, %broadcast_in_dim3A_327, %select_n3A_306 : vector<256x2048xi1>, vector<256x2048xf32>
    %reduce_max3A_329 = arith.constant dense<0xFF800000> : vector<256xf32>
    %reduce_max3A_330 = vector.multi_reduction <maximumf>, %select_n3A_328, %reduce_max3A_329 [1] : vector<256x2048xf32> to vector<256xf32>
    %broadcast_in_dim3A_331 = vector.shape_cast %reduce_max3A_330 : vector<256xf32> to vector<256x1xf32>
    %eq3A_332 = vector.broadcast %broadcast_in_dim3A_331 : vector<256x1xf32> to vector<256x2048xf32>
    %eq3A_333 = arith.cmpf oeq, %select_n3A_328, %eq3A_332 : vector<256x2048xf32>
    %jit3A_334 = arith.constant 2.048000e+03 : f32
    %broadcast_in_dim3A_335 = vector.broadcast %jit3A_334 : f32 to vector<256x2048xf32>
    %select_n3A_336 = arith.select %eq3A_333, %convert_element_type3A, %broadcast_in_dim3A_335 : vector<256x2048xi1>, vector<256x2048xf32>
    %reduce_min3A_337 = arith.constant dense<0x7F800000> : vector<256xf32>
    %reduce_min3A_338 = vector.multi_reduction <minimumf>, %select_n3A_336, %reduce_min3A_337 [1] : vector<256x2048xf32> to vector<256xf32>
    %broadcast_in_dim3A_339 = vector.shape_cast %reduce_min3A_338 : vector<256xf32> to vector<256x1xf32>
    %eq3A_340 = arith.constant 13 : i32
    %eq3A_341 = vector.broadcast %eq3A_340 : i32 to vector<256x16xi32>
    %eq3A_342 = arith.cmpi eq, %iota3A_42, %eq3A_341 : vector<256x16xi32>
    %broadcast_in_dim3A_343 = vector.shape_cast %broadcast_in_dim3A_339 : vector<256x1xf32> to vector<256x1xf32>
    %broadcast_in_dim3A_344 = vector.broadcast %broadcast_in_dim3A_343 : vector<256x1xf32> to vector<256x16xf32>
    %select_n3A_345 = arith.select %eq3A_342, %broadcast_in_dim3A_344, %select_n3A_323 : vector<256x16xi1>, vector<256x16xf32>
    %eq3A_346 = vector.broadcast %broadcast_in_dim3A_339 : vector<256x1xf32> to vector<256x2048xf32>
    %eq3A_347 = arith.cmpf oeq, %convert_element_type3A, %eq3A_346 : vector<256x2048xf32>
    %jit3A_348 = arith.constant 0xFF800000 : f32
    %broadcast_in_dim3A_349 = vector.broadcast %jit3A_348 : f32 to vector<256x2048xf32>
    %select_n3A_350 = arith.select %eq3A_347, %broadcast_in_dim3A_349, %select_n3A_328 : vector<256x2048xi1>, vector<256x2048xf32>
    %reduce_max3A_351 = arith.constant dense<0xFF800000> : vector<256xf32>
    %reduce_max3A_352 = vector.multi_reduction <maximumf>, %select_n3A_350, %reduce_max3A_351 [1] : vector<256x2048xf32> to vector<256xf32>
    %broadcast_in_dim3A_353 = vector.shape_cast %reduce_max3A_352 : vector<256xf32> to vector<256x1xf32>
    %eq3A_354 = vector.broadcast %broadcast_in_dim3A_353 : vector<256x1xf32> to vector<256x2048xf32>
    %eq3A_355 = arith.cmpf oeq, %select_n3A_350, %eq3A_354 : vector<256x2048xf32>
    %jit3A_356 = arith.constant 2.048000e+03 : f32
    %broadcast_in_dim3A_357 = vector.broadcast %jit3A_356 : f32 to vector<256x2048xf32>
    %select_n3A_358 = arith.select %eq3A_355, %convert_element_type3A, %broadcast_in_dim3A_357 : vector<256x2048xi1>, vector<256x2048xf32>
    %reduce_min3A_359 = arith.constant dense<0x7F800000> : vector<256xf32>
    %reduce_min3A_360 = vector.multi_reduction <minimumf>, %select_n3A_358, %reduce_min3A_359 [1] : vector<256x2048xf32> to vector<256xf32>
    %broadcast_in_dim3A_361 = vector.shape_cast %reduce_min3A_360 : vector<256xf32> to vector<256x1xf32>
    %eq3A_362 = arith.constant 14 : i32
    %eq3A_363 = vector.broadcast %eq3A_362 : i32 to vector<256x16xi32>
    %eq3A_364 = arith.cmpi eq, %iota3A_42, %eq3A_363 : vector<256x16xi32>
    %broadcast_in_dim3A_365 = vector.shape_cast %broadcast_in_dim3A_361 : vector<256x1xf32> to vector<256x1xf32>
    %broadcast_in_dim3A_366 = vector.broadcast %broadcast_in_dim3A_365 : vector<256x1xf32> to vector<256x16xf32>
    %select_n3A_367 = arith.select %eq3A_364, %broadcast_in_dim3A_366, %select_n3A_345 : vector<256x16xi1>, vector<256x16xf32>
    %eq3A_368 = vector.broadcast %broadcast_in_dim3A_361 : vector<256x1xf32> to vector<256x2048xf32>
    %eq3A_369 = arith.cmpf oeq, %convert_element_type3A, %eq3A_368 : vector<256x2048xf32>
    %jit3A_370 = arith.constant 0xFF800000 : f32
    %broadcast_in_dim3A_371 = vector.broadcast %jit3A_370 : f32 to vector<256x2048xf32>
    %select_n3A_372 = arith.select %eq3A_369, %broadcast_in_dim3A_371, %select_n3A_350 : vector<256x2048xi1>, vector<256x2048xf32>
    %reduce_max3A_373 = arith.constant dense<0xFF800000> : vector<256xf32>
    %reduce_max3A_374 = vector.multi_reduction <maximumf>, %select_n3A_372, %reduce_max3A_373 [1] : vector<256x2048xf32> to vector<256xf32>
    %broadcast_in_dim3A_375 = vector.shape_cast %reduce_max3A_374 : vector<256xf32> to vector<256x1xf32>
    %eq3A_376 = vector.broadcast %broadcast_in_dim3A_375 : vector<256x1xf32> to vector<256x2048xf32>
    %eq3A_377 = arith.cmpf oeq, %select_n3A_372, %eq3A_376 : vector<256x2048xf32>
    %jit3A_378 = arith.constant 2.048000e+03 : f32
    %broadcast_in_dim3A_379 = vector.broadcast %jit3A_378 : f32 to vector<256x2048xf32>
    %select_n3A_380 = arith.select %eq3A_377, %convert_element_type3A, %broadcast_in_dim3A_379 : vector<256x2048xi1>, vector<256x2048xf32>
    %reduce_min3A_381 = arith.constant dense<0x7F800000> : vector<256xf32>
    %reduce_min3A_382 = vector.multi_reduction <minimumf>, %select_n3A_380, %reduce_min3A_381 [1] : vector<256x2048xf32> to vector<256xf32>
    %broadcast_in_dim3A_383 = vector.shape_cast %reduce_min3A_382 : vector<256xf32> to vector<256x1xf32>
    %eq3A_384 = arith.constant 15 : i32
    %eq3A_385 = vector.broadcast %eq3A_384 : i32 to vector<256x16xi32>
    %eq3A_386 = arith.cmpi eq, %iota3A_42, %eq3A_385 : vector<256x16xi32>
    %broadcast_in_dim3A_387 = vector.shape_cast %broadcast_in_dim3A_383 : vector<256x1xf32> to vector<256x1xf32>
    %broadcast_in_dim3A_388 = vector.broadcast %broadcast_in_dim3A_387 : vector<256x1xf32> to vector<256x16xf32>
    %select_n3A_389 = arith.select %eq3A_386, %broadcast_in_dim3A_388, %select_n3A_367 : vector<256x16xi1>, vector<256x16xf32>
    %convert_element_type3A_390 = arith.fptosi %select_n3A_389 : vector<256x16xf32> to vector<256x16xi32>
    %mul3A_391 = arith.constant 2048 : i32
    %mul3A_392 = arith.muli %arg0, %mul3A_391 : i32
    %add3A_393 = vector.broadcast %mul3A_392 : i32 to vector<256x16xi32>
    %add3A_394 = arith.addi %convert_element_type3A_390, %add3A_393 : vector<256x16xi32>
    %swap3A_395 = arith.constant 0 : index
    %swap3A_396 = arith.constant 0 : index
    %swap3A_397 = arith.constant 0 : index
    %swap3A_398 = vector.load %arg5[%swap3A_395, %swap3A_396, %swap3A_397] : memref<1x256x16xi32, #tpu.memory_space<vmem>>, vector<1x256x16xi32>
    %swap3A_399 = vector.shape_cast %swap3A_398 : vector<1x256x16xi32> to vector<256x16xi32>
    %swap3A_400 = vector.shape_cast %add3A_394 : vector<256x16xi32> to vector<1x256x16xi32>
    tpu.vector_store %arg5[%swap3A_395, %swap3A_396, %swap3A_397], %swap3A_400 {strides = array<i32>} : memref<1x256x16xi32, #tpu.memory_space<vmem>>, vector<1x256x16xi32>,
    return
  }
  func.func @transform_0(%arg0: i32, %arg1: i32) -> (i32, i32, i32) {
    %c0_i32 = arith.constant 0 : i32
    %c0_i32_0 = arith.constant 0 : i32
    %c0_i32_1 = arith.constant 0 : i32
    return %arg0, %c0_i32, %c0_i32_0 : i32, i32, i32
  }
  func.func @transform_1(%arg0: i32, %arg1: i32) -> (i32, i32, i32) {
    %c0_i32 = arith.constant 0 : i32
    %c0_i32_0 = arith.constant 0 : i32
    return %arg0, %c0_i32, %arg1 : i32, i32, i32
  }
  func.func @transform_2(%arg0: i32, %arg1: i32) -> (i32, i32) {
    %c0_i32 = arith.constant 0 : i32
    %c0_i32_0 = arith.constant 0 : i32
    %c0_i32_1 = arith.constant 0 : i32
    return %c0_i32, %c0_i32_0 : i32, i32
  }
  func.func @transform_3(%arg0: i32, %arg1: i32) -> (i32, i32, i32) {
    %c0_i32 = arith.constant 0 : i32
    %c0_i32_0 = arith.constant 0 : i32
    return %arg0, %arg1, %c0_i32 : i32, i32, i32
  }
  func.func @transform_4(%arg0: i32, %arg1: i32) -> (i32, i32, i32) {
    %c0_i32 = arith.constant 0 : i32
    %c0_i32_0 = arith.constant 0 : i32
    return %arg0, %arg1, %c0_i32 : i32, i32, i32
  }
}

</mosaic_0001>

<sc_bundles>
// kernel: kernel.10.cloned.1.call-start
scs
__scs_entry_jumppad:
0x0: {  	(pc) =	sbr.rel $0x88, $3  }
0x1: {  	(tag) =	ssettag $0x0;
	lr =	simm.s32 $0x1  }
0x2: {  	[smem:$0x3F9D] =	sst lr;
	_ =	strace $0xD0000000  }
0x3: {  	_ = 	snop  }
0x4: {  	_ = 	snop  }
0x5: {  	_ = 	snop  }
0x6: {  	_ = 	snop  }
0x7: {  	_ = 	snop  }
__scs_overlays_trampoline_lowered:
0x8: {  	[smem:$0x3FAC] =	sst s0  }
0x9: {  	[smem:$0x3FAD] =	sst s1  }
0xa: {  	[smem:$0x3FAE] =	sst s2  }
0xb: {  	[smem:$0x3FAF] =	sst s3  }
0xc: {  	[smem:$0x3FB0] =	sst s4  }
0xd: {  	[smem:$0x3FB1] =	sst s5  }
0xe: {  	[smem:$0x3FB2] =	sst s6  }
0xf: {  	[smem:$0x3FB3] =	sst s7  }
0x10: {  	[smem:$0x3FB4] =	sst s8  }
0x11: {  	[smem:$0x3FB5] =	sst s9;
	s0 =	simm.s32 @!p0 $0x0  }
0x12: {  	s1 =	sld [smem:$0x3F9B];
	s0 =	simm.s32 @p0 $0x1  }
0x13: {  	[smem:$0x3FB6] =	sst s0;
	s0 =	simm.s32 @!p1 $0x0  }
0x14: {  	s2 =	sld [smem:$0x3F9A];
	s0 =	simm.s32 @p1 $0x1  }
0x15: {  	[smem:$0x3FB7] =	sst s0;
	s0 =	simm.s32 @!p2 $0x0  }
0x16: {  	s3 =	sld [smem:$0x3FDB];
	s0 =	simm.s32 @p2 $0x1  }
0x17: {  	s4 =	simm.s32 $0x1BF5;
	[smem:$0x3FB9] =	sst s0  }
0x18: {  	s0 =	sld [smem:$0x3F9C];
	_ =	swait.ge [sflag:s4], $0x0  }
0x19: {  	s7 =	sld [smem:$0x3F9D]  }
0x1a: {  	s8 =	sadd.s32 $0xFFFFE003, lr  }
0x1b: {  	s9 =	sadd.s32 $0xFFFFFEF7, lr;
	s5 =	simm.s32 $0xFFFFFFFF;
	p2 =	slt.u32 s8, $0xFFFFF086  }
0x1c: {  	p1 =	slt.u32 s9, $0xF7A;
	s5 =	simm.s32 @!p2 $0x0  }
0x1d: {  	s5 =	simm.s32 @p1 $0x1;
	p0 =	seq.s32 s7, s2  }
0x1e: {  	s7 =	smul.u32 @!p0 $0xF7A, s2;
	p2 =	seq.s32 @!p0 s5, $0x0  }
0x1f: {  	s9 =	smul.u32 $0xF7A, s1;
	s8 =	simm.s32 @!p0 $0x1BF5;
	p2 =	por !p2, p0  }
0x20: {  	[sflag:s8] =	ssyncset.s32 @!p0 $0xFFFFF086;
	s6 =	sadd.s32 @!p0 s3, s7;
	s7 =	simm.s32 @!p0 $0x108  }
0x21: {  	s3 =	sadd.s32 s3, s9;
	s6 =	sadd.s32 @!p0 $0x88, s6;
	s7 =	simm.s32 @p2 $0x1082  }
0x22: {  	[simem:s7], [sflag:s8] =	dma.local @!p0 [hbm:s6], $0xF7A  }
0x23: {  	s9 =	sor.u32 $0xD0000000, s2;
	s6 =	simm.s32 $0x108;
	_ =	swait.ge @!p0 [sflag:s8], $0x0  }
0x24: {  	s3 =	sadd.s32 $0x88, s3;
	s6 =	simm.s32 @!p1 $0x1082;
	[sflag:s4] =	ssyncset.s32 $0xFFFFF086  }
0x25: {  	[simem:s6], [sflag:s4] =	dma.local [hbm:s3], $0xF7A  }
0x26: {  	[smem:$0x3F9D] =	sst s1;
	(tag) =	ssettag s2;
	_ =	strace s9  }
0x27: {  	s1 =	sld [smem:$0x3FAD]  }
0x28: {  	s2 =	sld [smem:$0x3FAE]  }
0x29: {  	s4 =	sld [smem:$0x3FB0]  }
0x2a: {  	p0 =	seq.s32 s5, $0x0;
	s5 =	sld [smem:$0x3FB1]  }
0x2b: {  	s6 =	sld [smem:$0x3FB2]  }
0x2c: {  	s7 =	sld [smem:$0x3FB3]  }
0x2d: {  	s3 =	simm.s32 $0x108;
	s8 =	sld [smem:$0x3FB4]  }
0x2e: {  	s3 =	simm.s32 @!p0 $0x1082;
	s9 =	sld [smem:$0x3FB5]  }
0x2f: {  	lr =	sadd.s32 s0, s3;
	s0 =	sld [smem:$0x3FAC]  }
0x30: {  	s3 =	sld [smem:$0x3FAF]  }
0x31: {  	[smem:$0x3FB8] =	sst s10  }
0x32: {  	s10 =	sld [smem:$0x3FB6];
	_ =	sdelay $0x3  }
0x33: {  	p0 =	seq.s32 s10, $0x1;
	s10 =	sld [smem:$0x3FB8];
	_ =	sdelay $0x3  }
0x34: {  	[smem:$0x3FB8] =	sst s10  }
0x35: {  	s10 =	sld [smem:$0x3FB7];
	_ =	sdelay $0x3  }
0x36: {  	p1 =	seq.s32 s10, $0x1;
	s10 =	sld [smem:$0x3FB8];
	_ =	sdelay $0x3  }
0x37: {  	[smem:$0x3FB8] =	sst s10  }
0x38: {  	s10 =	sld [smem:$0x3FB9]  }
0x39: {  	_ = 	snop;
	(pc) =	sbr.ind lr, $3  }
0x3a: {  	_ = 	snop  }
0x3b: {  	_ = 	snop  }
0x3c: {  	p2 =	seq.s32 s10, $0x1;
	s10 =	sld [smem:$0x3FB8]  }
0x3d: {  	_ =	shalt  }
0x3e: {  	_ =	shalt  }
0x3f: {  	_ =	shalt  }
0x40: {  	_ =	shalt  }
0x41: {  	_ =	shalt  }
0x42: {  	_ =	shalt  }
0x43: {  	_ =	shalt  }
0x44: {  	_ =	shalt  }
0x45: {  	_ =	shalt  }
0x46: {  	_ =	shalt  }
0x47: {  	_ =	shalt  }
0x48: {  	_ =	shalt  }
0x49: {  	_ =	shalt  }
0x4a: {  	_ =	shalt  }
0x4b: {  	_ =	shalt  }
0x4c: {  	_ =	shalt  }
0x4d: {  	_ =	shalt  }
0x4e: {  	_ =	shalt  }
0x4f: {  	_ =	shalt  }
0x50: {  	_ =	shalt  }
0x51: {  	_ =	shalt  }
0x52: {  	_ =	shalt  }
0x53: {  	_ =	shalt  }
0x54: {  	_ =	shalt  }
0x55: {  	_ =	shalt  }
0x56: {  	_ =	shalt  }
0x57: {  	_ =	shalt  }
0x58: {  	_ =	shalt  }
0x59: {  	_ =	shalt  }
0x5a: {  	_ =	shalt  }
0x5b: {  	_ =	shalt  }
0x5c: {  	_ =	shalt  }
0x5d: {  	_ =	shalt  }
0x5e: {  	_ =	shalt  }
0x5f: {  	_ =	shalt  }
0x60: {  	_ =	shalt  }
0x61: {  	_ =	shalt  }
0x62: {  	_ =	shalt  }
0x63: {  	_ =	shalt  }
0x64: {  	_ =	shalt  }
0x65: {  	_ =	shalt  }
0x66: {  	_ =	shalt  }
0x67: {  	_ =	shalt  }
0x68: {  	_ =	shalt  }
0x69: {  	_ =	shalt  }
0x6a: {  	_ =	shalt  }
0x6b: {  	_ =	shalt  }
0x6c: {  	_ =	shalt  }
0x6d: {  	_ =	shalt  }
0x6e: {  	_ =	shalt  }
0x6f: {  	_ =	shalt  }
0x70: {  	_ =	shalt  }
0x71: {  	_ =	shalt  }
0x72: {  	_ =	shalt  }
0x73: {  	_ =	shalt  }
0x74: {  	_ =	shalt  }
0x75: {  	_ =	shalt  }
0x76: {  	_ =	shalt  }
0x77: {  	_ =	shalt  }
0x78: {  	_ =	shalt  }
0x79: {  	_ =	shalt  }
0x7a: {  	_ =	shalt  }
0x7b: {  	_ =	shalt  }
0x7c: {  	_ =	shalt  }
0x7d: {  	_ =	shalt  }
0x7e: {  	_ =	shalt  }
0x7f: {  	_ =	shalt  }
0x80: {  	_ =	shalt  }
0x81: {  	_ =	shalt  }
0x82: {  	_ =	shalt  }
0x83: {  	_ =	shalt  }
0x84: {  	_ =	shalt  }
0x85: {  	_ =	shalt  }
0x86: {  	_ =	shalt  }
0x87: {  	_ =	shalt  }
.Lfunc_end0:
.L_simem_size_0:
called_computation.1_lowered:
.L_overlay_start_0:
0x88: {  	s2 =	sld [smem:$0x3FD9]  }
0x89: {  	s3 =	sld [smem:$0x3FFE];
	_ =	sdelay $0x1  }
0x8a: {  	s1 =	srdreg.scid  }
0x8b: {  	s0 =	sand.u32 $0x1, s1  }
0x8c: {  	s17 =	sshll.u32 s0, $0xA;
	s2 =	sadd.s32 s3, s2  }
0x8d: {  	s2 =	sadd.s32 s2, s17  }
0x8e: {  	[smem:$0x3FC4] =	sst s2  }
0x8f: {  	_ = 	snop  }
0x90: {  	(tm) =	ssettm $0x1  }
0x91: {  	s18 =	sld [smem:$0x3FFB];
	_ =	sdelay $0x3  }
0x92: {  	_ =	strace s18  }
0x93: {  	s2 =	sld [smem:$0x3FFC];
	_ =	sdelay $0x3  }
0x94: {  	_ =	strace s2  }
0x95: {  	s2 =	sld [smem:$0x3FFD];
	_ =	sdelay $0x3  }
0x96: {  	_ =	strace s2  }
0x97: {  	_ =	strace $0x8FFFFFFF  }
0x98: {  	s19 =	sld [smem:$0x3FDB];
	_ =	sdelay $0x1  }
0x99: {  	s20 =	simm.s32 $_scs_section_size  }
0x9a: {  	s4 =	simm.s32 $_size__tile_overlayer_lowered;
	s5 =	simm.s32 $_tile_overlayer_lowered  }
0x9b: {  	s6 =	simm.s32 $0x1BFF;
	s21 =	sshll.u32 s5, $0x1;
	s3 =	sadd.s32 s20, s19  }
0x9c: {  	s22 =	simm.s32 $0x0;
	s4 =	sshll.u32 s4, $0x1;
	s5 =	sadd.s32 s21, s3  }
0x9d: {  	[timem:s22], [sflag:s6] =	dma.local [hbm:s5], s4  }
0x9e: {  	_ =	swait.ge [sflag:s6], s4  }
0x9f: {  	s4 =	ssub.s32 $0x0, s4;
	[sflag:s6] =	ssyncset.done $0x0  }
0xa0: {  	[sflag:s6] =	ssyncadd.s32 s4;
	_ =	sdelay $0x1  }
0xa1: {  	s23 =	simm.s32 $0x1B8B  }
0xa2: {  	_ =	swait.ge [sflag:s23], $0x1  }
0xa3: {  	[sflag:s23] =	ssyncset.done $0x0  }
0xa4: {  	[sflag:s23] =	ssyncadd.s32 $0xFFFFFFFF  }
0xa5: {  	s4 =	sld [smem:$0x0]  }
0xa6: {  	s5 =	sand.u32 $0xFFFFFFFE, s1  }
0xa7: {  	p0 =	sne.s32 s1, s5  }
0xa8: {  	s5 =	sshll.u32 @p0 s5, $0xE  }
0xa9: {  	s5 =	sadd.s32 @p0 $0x11B8D, s5;
	s6 =	sshll.u32 @p0 s4, $0x11  }
0xaa: {  	s5 =	sor.u32 @p0 s6, s5  }
0xab: {  	[sflag:s5] =	ssyncadd.remote.s32 @p0 $0x1;
	_ =	sdelay $0x1  }
0xac: {  	s5 =	simm.s32 @p0 $0x1B8D  }
0xad: {  	_ =	swait.eq @p0 [sflag:s5], $0x1  }
0xae: {  	[sflag:s5] =	ssyncadd.s32 @p0 $0xFFFFFFFF  }
0xaf: {  	s6 =	sshll.u32 @!p0 s1, $0xE  }
0xb0: {  	s6 =	sor.u32 @!p0 $0x4000, s6;
	s5 =	simm.s32 @!p0 $0x1B8D  }
0xb1: {  	s4 =	sshll.u32 @!p0 s4, $0x11;
	s6 =	sadd.s32 @!p0 $0x11B8D, s6;
	_ =	swait.eq @!p0 [sflag:s5], $0x1  }
0xb2: {  	s4 =	sor.u32 @!p0 s4, s6;
	[sflag:s5] =	ssyncadd.s32 @!p0 $0xFFFFFFFF  }
0xb3: {  	s25 =	simm.s32 $0x1B8E;
	s24 =	sld [smem:$0x3FFE];
	[sflag:s4] =	ssyncadd.remote.s32 @!p0 $0x1  }
0xb4: {  	s26 =	simm.s32 $execute0_lowered;
	[smem:$0x3FD2] =	sst s25  }
0xb5: {  	s5 =	sshll.u32 s26, $0x1;
	_ =	strace $0x80000049;
	[dreg:$0x1] =	wrdreg $0xFFFFFFFF  }
0xb6: {  	s28 =	simm.s32 $_size_execute0_lowered;
	s3 =	sadd.s32 s3, s5;
	[dreg:$0x0] =	wrdreg $0x0  }
0xb7: {  	s5 =	sshll.u32 s28, $0x1;
	[dreg:$0x2] =	wrdreg s3  }
0xb8: {  	[dreg:$0x3] =	wrdreg s5  }
0xb9: {  	[dreg:$0x4] =	wrdreg $0xC0  }
0xba: {  	_ =	task [dreg:s22], $0x5FFFF  }
0xbb: {  	[dreg:$0x1] =	wrdreg $0xFFFFFFFF  }
0xbc: {  	[dreg:$0x0] =	wrdreg $0x60  }
0xbd: {  	[dreg:$0x2] =	wrdreg s24  }
0xbe: {  	[dreg:$0x3] =	wrdreg $0xA  }
0xbf: {  	_ =	task.clear_ibuf [dreg:s22], $0x4FFFF;
	_ =	strace $0x90000049  }
0xc0: {  	s29 =	simm.s32 $0xA;
	_ =	strace $0x8000004B  }
0xc1: {  	_ =	swait.ge [sflag:s29], $0x1  }
0xc2: {  	[sflag:s29] =	ssyncadd.s32 $0xFFFFFFFF  }
0xc3: {  	_ =	strace $0x9000004B  }
0xc4: {  	_ =	sfence  }
0xc5: {  	s30 =	sld [smem:$0x0];
	_ =	sdelay $0x2  }
0xc6: {  	s31 =	sshll.u32 s1, $0xD;
	s1 =	sshrl.u32 s1, $0x2  }
0xc7: {  	s4 =	sand.u32 $0x4000, s31;
	s1 =	sadd.s32 s1, s30  }
0xc8: {  	s0 =	sor.u32 s4, s0;
	s1 =	sshll.u32 s1, $0x11  }
0xc9: {  	s0 =	sor.u32 s1, s0  }
0xca: {  	s0 =	sadd.s32 $0x8F2B, s0  }
0xcb: {  	[sflag:s0] =	ssyncadd.remote.s32 $0x1  }
0xcc: {  	_ =	sfence.sel $0xFFFF  }
0xcd: {  	[dreg:$0x0] =	wrdreg $0xFFFFFFFF;
	(pc) =	sbr.abs _section_cstart, $3  }
0xce: {  	[dreg:$0x1] =	wrdreg $0xFFFFFFFF  }
0xcf: {  	_ =	task.clear_ibuf [dreg:s22], $0x2FFFF;
	_ =	strace $0x9FFFFFFF  }
0xd0: {  	(tm) =	ssettm $0x7FFFFFFF  }
0xd1: {  	_ =	shalt  }
tec
execute0_lowered:
.L_overlay_start_1:
0x0: {  	(tag) =	ssettag $0x1  }
0x1: {  	s0 =	rddreg [dreg:$0x0];
	s2 =	simm.s32 $0x0  }
0x2: {  	s3 =	srdreg.scid;
	s1 =	stileid.u32;
	s13 =	simm.s32 $0x2  }
0x3: {  	s14 =	simm.s32 $0x80;
	s15 =	simm.s32 $0x100;
	s16 =	simm.s32 $0x180  }
0x4: {  	s17 =	simm.s32 $0x200;
	s18 =	simm.s32 $0x4200;
	s19 =	simm.s32 $0x8200  }
0x5: {  	s20 =	simm.s32 $0xC200;
	s21 =	simm.s32 $0x10200;
	s22 =	simm.s32 $0x1  }
0x6: {  	s23 =	simm.s32 $0x11200;
	s24 =	simm.s32 $0x12200;
	s25 =	simm.s32 $0x13600  }
0x7: {  	s26 =	simm.s32 $0x0;
	[smem:$0x7FF] =	sst s2;
	s6 =	sand.u32 $0x1, s3  }
0x8: {  	s5 =	sshll.u32 s1, $0x1;
	s3 =	sadd.s32 $0x47C00, s0;
	s4 =	sadd.s32 $0x67C00, s0  }
0x9: {  	s10 =	sadd.s32 $0x67C30, s0;
	_ =	strace $0x8000004A;
	s7 =	sor.u32 s6, s5  }
0xa: {  	s5 =	sadd.s32 $0x6BC00, s0;
	s9 =	ssub.s32 $0x2, s6;
	s6 =	sadd.s32 $0x8BC00, s0  }
0xb: {  	s8 =	sshll.u32 s7, $0x7;
	s31 =	sshrl.u32 s9, $0x1;
	s7 =	sshll.u32 s7, $0x8  }
0xc: {  	s11 =	sadd.s32 s8, s0;
	s12 =	ssub.s32 s9, s31;
	s8 =	sadd.s32 $0x67C10, s0  }
0xd: {  	v0 =	vimm.f32 $0.0e+00;
	s9 =	sadd.s32 $0x67C20, s0;
	s11 =	sadd.s32 $0xABC00, s11;
	s12 =	smax.u32 s12, $0x1  }
.LBB2_1:
0xe: {  	[tilespmem:$0x13200] =	vst v0  }
0xf: {  	[tilespmem:$0x13280] =	vst v0  }
0x10: {  	[tilespmem:$0x13300] =	vst v0  }
0x11: {  	[tilespmem:$0x13380] =	vst v0  }
0x12: {  	[tilespmem:$0x13400] =	vst v0  }
0x13: {  	[tilespmem:$0x13480] =	vst v0  }
0x14: {  	[tilespmem:$0x13500] =	vst v0  }
0x15: {  	[tilespmem:$0x13580] =	vst v0;
	s28 =	simm.s32 $0x0  }
.LBB2_2:
0x16: {  	s0 =	sshll.u32 s28, $0x5  }
0x17: {  	s0 =	sadd.s32 s7, s0  }
0x18: {  	s29 =	sshll.u32 s0, $0x1  }
0x19: {  	s31 =	simm.s32 $0x0;
	s30 =	sadd.s32 s4, s29  }
0x1a: {  	[tilespmem:s31], [sflag:$0x2] =	stream.linear.gather [hbm4b:s30+s31], $0x80, $0x38;
	[tilespmem:$0x13680] =	vst v63  }
0x1b: {  	_ =	swait.ge [sflag:s13], $0x80  }
0x1c: {  	[sflag:s13] =	ssyncset.done $0x0  }
0x1d: {  	s30 =	sadd.s32 s29, s8;
	[sflag:s13] =	ssyncadd.s32 $0xFFFFFF80  }
0x1e: {  	[tilespmem:s14], [sflag:$0x2] =	stream.linear.gather [hbm4b:s30+s31], $0x80, $0x38;
	[tilespmem:$0x13680] =	vst v63  }
0x1f: {  	_ =	swait.ge [sflag:s13], $0x80  }
0x20: {  	[sflag:s13] =	ssyncset.done $0x0  }
0x21: {  	s30 =	sadd.s32 s29, s9;
	[sflag:s13] =	ssyncadd.s32 $0xFFFFFF80  }
0x22: {  	[tilespmem:s15], [sflag:$0x2] =	stream.linear.gather [hbm4b:s30+s31], $0x80, $0x38;
	[tilespmem:$0x13680] =	vst v63  }
0x23: {  	_ =	swait.ge [sflag:s13], $0x80  }
0x24: {  	[sflag:s13] =	ssyncset.done $0x0  }
0x25: {  	s29 =	sadd.s32 s29, s10;
	[sflag:s13] =	ssyncadd.s32 $0xFFFFFF80  }
0x26: {  	[tilespmem:s16], [sflag:$0x2] =	stream.linear.gather [hbm4b:s29+s31], $0x80, $0x38;
	[tilespmem:$0x13680] =	vst v63  }
0x27: {  	_ =	swait.ge [sflag:s13], $0x80  }
0x28: {  	[sflag:s13] =	ssyncset.done $0x0  }
0x29: {  	[sflag:s13] =	ssyncadd.s32 $0xFFFFFF80  }
0x2a: {  	[tilespmem:s17], [sflag:$0x1] =	stream.indirect.gather [hbm4b:s3+s14], $0x80, s31, s14, $0xb8;
	[tilespmem:$0x13680] =	vst v63  }
0x2b: {  	_ = 	snop  }
0x2c: {  	[tilespmem:s18], [sflag:$0x1] =	stream.indirect.gather [hbm4b:s3+s14], $0x80, s14, s14, $0xb8;
	[tilespmem:$0x13680] =	vst v63  }
0x2d: {  	_ = 	snop  }
0x2e: {  	[tilespmem:s19], [sflag:$0x1] =	stream.indirect.gather [hbm4b:s3+s14], $0x80, s15, s14, $0xb8;
	[tilespmem:$0x13680] =	vst v63  }
0x2f: {  	s29 =	sshll.u32 s0, $0x4  }
0x30: {  	[tilespmem:s20], [sflag:$0x1] =	stream.indirect.gather [hbm4b:s3+s14], $0x80, s16, s14, $0xb8;
	[tilespmem:$0x13680] =	vst v63  }
0x31: {  	s0 =	sadd.s32 s3, s29  }
0x32: {  	[tilespmem:s21], [sflag:$0x2] =	stream.linear.gather [hbm4b:s0+s31], $0x1000, $0x38;
	[tilespmem:$0x13680] =	vst v63  }
0x33: {  	_ =	swait.ge [sflag:s13], $0x1000  }
0x34: {  	[sflag:s13] =	ssyncset.done $0x0  }
0x35: {  	[sflag:s13] =	ssyncadd.s32 $0xFFFFF000  }
0x36: {  	_ =	swait.ge [sflag:s22], $0x4000  }
0x37: {  	[sflag:s22] =	ssyncset.done $0x0  }
0x38: {  	[sflag:s22] =	ssyncadd.s32 $0xFFFFC000  }
0x39: {  	_ =	swait.ge [sflag:s22], $0x4000  }
0x3a: {  	[sflag:s22] =	ssyncset.done $0x0  }
0x3b: {  	[sflag:s22] =	ssyncadd.s32 $0xFFFFC000  }
0x3c: {  	_ =	swait.ge [sflag:s22], $0x4000  }
0x3d: {  	[sflag:s22] =	ssyncset.done $0x0  }
0x3e: {  	[sflag:s22] =	ssyncadd.s32 $0xFFFFC000  }
0x3f: {  	_ =	swait.ge [sflag:s22], $0x4000  }
0x40: {  	[sflag:s22] =	ssyncset.done $0x0  }
0x41: {  	s30 =	simm.s32 $0x600;
	[sflag:s22] =	ssyncadd.s32 $0xFFFFC000  }
0x42: {  	v1 =	vld [tilespmem:s30+$0xFFFFFC00]  }
0x43: {  	v2 =	vld [tilespmem:s30+$0xFFFFFC80]  }
0x44: {  	v3 =	vld [tilespmem:s30+$0xFFFFFD00]  }
0x45: {  	v4 =	vld [tilespmem:s30+$0xFFFFFD80]  }
0x46: {  	v8 =	vld [tilespmem:s30+$0xFFFFFE00]  }
0x47: {  	v10 =	vld [tilespmem:s30+$0xFFFFFE80]  }
0x48: {  	v11 =	vld [tilespmem:s30+$0x0];
	v5 =	vmul.f32 v1, v1;
	v6 =	vmul.f32 v2, v2  }
0x49: {  	v52 =	vld [tilespmem:s30+$0x100];
	v7 =	vadd.f32 v2, v1  }
0x4a: {  	v5 =	vadd.f32 v6, v5;
	v6 =	vmul.f32 v3, v3  }
0x4b: {  	v53 =	vld [tilespmem:s30+$0x180];
	v9 =	vmax.f32 v1, v2;
	v7 =	vadd.f32 v3, v7  }
0x4c: {  	v1 =	vmin.f32 v1, v2;
	v5 =	vadd.f32 v6, v5;
	v6 =	vmul.f32 v4, v4  }
0x4d: {  	v2 =	vld [tilespmem:s30+$0xFFFFFF00];
	v12 =	vmul.f32 v8, v8;
	v13 =	vmul.f32 v10, v10;
	v7 =	vadd.f32 v4, v7  }
0x4e: {  	v57 =	vmul.f32 v11, v11;
	v59 =	vmul.f32 v52, v52;
	v5 =	vadd.f32 v6, v5  }
0x4f: {  	v9 =	vmax.f32 v9, v3;
	v1 =	vmin.f32 v1, v3;
	v3 =	vld [tilespmem:s30+$0xFFFFFF80];
	v7 =	vadd.f32 v8, v7  }
0x50: {  	v60 =	vmul.f32 v53, v53;
	v1 =	vmin.f32 v1, v4;
	v5 =	vadd.f32 v12, v5  }
0x51: {  	v54 =	vld [tilespmem:s30+$0x200];
	v1 =	vmin.f32 v1, v8;
	v4 =	vmax.f32 v9, v4;
	v7 =	vadd.f32 v10, v7  }
0x52: {  	v1 =	vmin.f32 v1, v10;
	v14 =	vmul.f32 v2, v2;
	v6 =	vld [tilespmem:s30+$0x80];
	v5 =	vadd.f32 v13, v5  }
0x53: {  	v4 =	vmax.f32 v4, v8;
	v1 =	vmin.f32 v1, v2;
	v7 =	vadd.f32 v2, v7  }
0x54: {  	v4 =	vmax.f32 v4, v10;
	v56 =	vmul.f32 v3, v3;
	v5 =	vadd.f32 v14, v5  }
0x55: {  	v1 =	vmin.f32 v1, v3;
	v2 =	vmax.f32 v4, v2;
	v4 =	vadd.f32 v3, v7  }
0x56: {  	v61 =	vmul.f32 v54, v54;
	v1 =	vmin.f32 v1, v11;
	v5 =	vadd.f32 v56, v5  }
0x57: {  	v55 =	vld [tilespmem:s30+$0x280];
	v1 =	vmin.f32 v1, v6;
	v2 =	vmax.f32 v2, v3;
	v3 =	vadd.f32 v11, v4  }
0x58: {  	v58 =	vmul.f32 v6, v6;
	v7 =	vld [tilespmem:s30+$0x300];
	v2 =	vmax.f32 v2, v11;
	v5 =	vadd.f32 v57, v5  }
0x59: {  	s0 =	simm.s32 $0x0;
	v1 =	vmin.f32 v1, v52;
	v2 =	vmax.f32 v2, v6;
	v4 =	vld [tilespmem:s30+$0x380];
	v3 =	vadd.f32 v6, v3  }
0x5a: {  	v1 =	vmin.f32 v1, v53;
	v2 =	vmax.f32 v2, v52;
	v6 =	vld [tilespmem:s0+$0x10240];
	v5 =	vadd.f32 v58, v5  }
0x5b: {  	v1 =	vmin.f32 v1, v54;
	v2 =	vmax.f32 v2, v53;
	v3 =	vadd.f32 v52, v3  }
0x5c: {  	v1 =	vmin.f32 v1, v55;
	v2 =	vmax.f32 v2, v54;
	v5 =	vadd.f32 v59, v5  }
0x5d: {  	v1 =	vmin.f32 v1, v7;
	v2 =	vmax.f32 v2, v55;
	v3 =	vadd.f32 v53, v3  }
0x5e: {  	v2 =	vmax.f32 v2, v7;
	v1 =	vmin.f32 v1, v4;
	v5 =	vadd.f32 v60, v5  }
0x5f: {  	v2 =	vmax.f32 v2, v4;
	v1 =	vadd.f32 v6, v1;
	v3 =	vadd.f32 v54, v3  }
0x60: {  	v62 =	vmul.f32 v55, v55;
	v2 =	vadd.f32 v6, v2;
	v5 =	vadd.f32 v61, v5  }
0x61: {  	[tilespmem:s0+$0x12200] =	vst v1;
	v3 =	vadd.f32 v55, v3  }
0x62: {  	[tilespmem:s0+$0x11200] =	vst v2;
	v1 =	vadd.f32 v62, v5;
	v5 =	vmul.f32 v7, v7  }
0x63: {  	v2 =	vadd.f32 v7, v3;
	v3 =	vld [tilespmem:$0x13400]  }
0x64: {  	v7 =	vld [tilespmem:$0x13200];
	v1 =	vadd.f32 v5, v1;
	v5 =	vmul.f32 v4, v4  }
0x65: {  	v2 =	vadd.f32 v4, v2  }
0x66: {  	v4 =	vadd.f32 v6, v6;
	v1 =	vadd.f32 v5, v1;
	_ =	sdelay $0x1  }
0x67: {  	v5 =	vmul.f32 $1.600000000e+01, v6;
	v1 =	vadd.f32 v3, v1;
	v3 =	vmul.f32 v4, v2  }
0x68: {  	v2 =	vadd.f32 v7, v2  }
0x69: {  	v1 =	vadd.f32 v1, v3;
	v3 =	vmul.f32 v5, v6  }
0x6a: {  	v2 =	vadd.f32 v2, v5  }
0x6b: {  	v1 =	vadd.f32 v1, v3  }
0x6c: {  	[tilespmem:$0x13200] =	vst v2  }
0x6d: {  	[tilespmem:$0x13400] =	vst v1  }
0x6e: {  	v1 =	vld [tilespmem:s30+$0xFFFFFC10]  }
0x6f: {  	v2 =	vld [tilespmem:s30+$0xFFFFFC90];
	_ =	sdelay $0x1  }
0x70: {  	v3 =	vld [tilespmem:s30+$0xFFFFFD10]  }
0x71: {  	v4 =	vld [tilespmem:s30+$0xFFFFFD90]  }
0x72: {  	v63 =	vld [tilespmem:s30+$0xFFFFFE10]  }
0x73: {  	v5 =	vmul.f32 v1, v1;
	v6 =	vmul.f32 v2, v2  }
0x74: {  	v16 =	vld [tilespmem:s30+$0xFFFFFE90];
	v7 =	vadd.f32 v2, v1  }
0x75: {  	v18 =	vld [tilespmem:s30+$0x10];
	v5 =	vadd.f32 v6, v5;
	v6 =	vmul.f32 v3, v3  }
0x76: {  	v15 =	vmax.f32 v1, v2;
	v1 =	vmin.f32 v1, v2;
	v7 =	vadd.f32 v3, v7  }
0x77: {  	v2 =	vld [tilespmem:s30+$0xFFFFFF10];
	v17 =	vmul.f32 v63, v63;
	v5 =	vadd.f32 v6, v5;
	v6 =	vmul.f32 v4, v4  }
0x78: {  	v9 =	vmax.f32 v15, v3;
	v1 =	vmin.f32 v1, v3;
	v3 =	vadd.f32 v4, v7  }
0x79: {  	v19 =	vmul.f32 v16, v16;
	v1 =	vmin.f32 v1, v4;
	v7 =	vld [tilespmem:s30+$0xFFFFFF90];
	v5 =	vadd.f32 v6, v5  }
0x7a: {  	v26 =	vmul.f32 v18, v18;
	v1 =	vmin.f32 v1, v63;
	v3 =	vadd.f32 v63, v3  }
0x7b: {  	v4 =	vmax.f32 v9, v4;
	v1 =	vmin.f32 v1, v16;
	v6 =	vld [tilespmem:s30+$0x90];
	v5 =	vadd.f32 v17, v5  }
0x7c: {  	v20 =	vld [tilespmem:s30+$0x110];
	v4 =	vmax.f32 v4, v63;
	v1 =	vmin.f32 v1, v2;
	v3 =	vadd.f32 v16, v3  }
0x7d: {  	v21 =	vld [tilespmem:s30+$0x190];
	v22 =	vmul.f32 v2, v2;
	v4 =	vmax.f32 v4, v16;
	v5 =	vadd.f32 v19, v5  }
0x7e: {  	v23 =	vld [tilespmem:s30+$0x210];
	v1 =	vmin.f32 v1, v7;
	v25 =	vmul.f32 v7, v7;
	v3 =	vadd.f32 v2, v3  }
0x7f: {  	v24 =	vld [tilespmem:s30+$0x290];
	v1 =	vmin.f32 v1, v18;
	v2 =	vmax.f32 v4, v2;
	v5 =	vadd.f32 v22, v5  }
0x80: {  	v1 =	vmin.f32 v1, v6;
	v2 =	vmax.f32 v2, v7;
	v3 =	vadd.f32 v7, v3  }
0x81: {  	v4 =	vld [tilespmem:s30+$0x310];
	v1 =	vmin.f32 v1, v20;
	v2 =	vmax.f32 v2, v18;
	v5 =	vadd.f32 v25, v5  }
0x82: {  	v27 =	vmul.f32 v6, v6;
	v1 =	vmin.f32 v1, v21;
	v2 =	vmax.f32 v2, v6  }
0x83: {  	v7 =	vld [tilespmem:s30+$0x390];
	v3 =	vadd.f32 v18, v3;
	v1 =	vmin.f32 v1, v23;
	v5 =	vadd.f32 v26, v5  }
0x84: {  	v28 =	vmul.f32 v20, v20;
	v2 =	vmax.f32 v2, v20;
	v1 =	vmin.f32 v1, v24  }
0x85: {  	v2 =	vmax.f32 v2, v21;
	v3 =	vadd.f32 v6, v3;
	v6 =	vld [tilespmem:s0+$0x10250];
	v5 =	vadd.f32 v27, v5  }
0x86: {  	v29 =	vmul.f32 v21, v21;
	v1 =	vmin.f32 v1, v4;
	v2 =	vmax.f32 v2, v23  }
0x87: {  	v2 =	vmax.f32 v2, v24;
	v3 =	vadd.f32 v20, v3;
	v5 =	vadd.f32 v28, v5  }
0x88: {  	v30 =	vmul.f32 v23, v23;
	v1 =	vmin.f32 v1, v7;
	v2 =	vmax.f32 v2, v4  }
0x89: {  	v2 =	vmax.f32 v2, v7;
	v3 =	vadd.f32 v21, v3;
	v5 =	vadd.f32 v29, v5  }
0x8a: {  	v1 =	vadd.f32 v6, v1;
	v2 =	vadd.f32 v6, v2  }
0x8b: {  	v31 =	vmul.f32 v24, v24;
	v3 =	vadd.f32 v23, v3;
	v5 =	vadd.f32 v30, v5  }
0x8c: {  	[tilespmem:s0+$0x12210] =	vst v1  }
0x8d: {  	[tilespmem:s0+$0x11210] =	vst v2;
	v1 =	vadd.f32 v24, v3;
	v3 =	vadd.f32 v31, v5;
	v5 =	vmul.f32 v4, v4  }
0x8e: {  	v2 =	vld [tilespmem:$0x13480]  }
0x8f: {  	v1 =	vadd.f32 v4, v1;
	v4 =	vmul.f32 v7, v7;
	v3 =	vadd.f32 v5, v3;
	v5 =	vld [tilespmem:$0x13280]  }
0x90: {  	v32 =	vadd.f32 v6, v6  }
0x91: {  	v1 =	vadd.f32 v7, v1;
	v3 =	vadd.f32 v4, v3;
	_ =	sdelay $0x1  }
0x92: {  	v4 =	vmul.f32 $1.600000000e+01, v6;
	v2 =	vadd.f32 v2, v3;
	v3 =	vmul.f32 v32, v1  }
0x93: {  	v1 =	vadd.f32 v5, v1  }
0x94: {  	v2 =	vadd.f32 v2, v3;
	v3 =	vmul.f32 v4, v6  }
0x95: {  	v1 =	vadd.f32 v1, v4  }
0x96: {  	v2 =	vadd.f32 v2, v3  }
0x97: {  	[tilespmem:$0x13280] =	vst v1  }
0x98: {  	[tilespmem:$0x13480] =	vst v2  }
0x99: {  	v1 =	vld [tilespmem:s30+$0xFFFFFC20]  }
0x9a: {  	v2 =	vld [tilespmem:s30+$0xFFFFFCA0];
	_ =	sdelay $0x1  }
0x9b: {  	v3 =	vld [tilespmem:s30+$0xFFFFFD20];
	_ =	sdelay $0x1  }
0x9c: {  	v4 =	vld [tilespmem:s30+$0xFFFFFDA0]  }
0x9d: {  	v7 =	vld [tilespmem:s30+$0xFFFFFE20];
	v5 =	vmul.f32 v1, v1;
	v6 =	vmul.f32 v2, v2  }
0x9e: {  	v36 =	vld [tilespmem:s30+$0xFFFFFF20];
	v33 =	vadd.f32 v2, v1  }
0x9f: {  	v38 =	vld [tilespmem:s30+$0xFFFFFFA0];
	v34 =	vmul.f32 v3, v3;
	v5 =	vadd.f32 v6, v5  }
0xa0: {  	v35 =	vmax.f32 v1, v2;
	v6 =	vld [tilespmem:s30+$0xFFFFFEA0];
	v8 =	vadd.f32 v3, v33  }
0xa1: {  	v41 =	vld [tilespmem:s30+$0x120];
	v1 =	vmin.f32 v1, v2;
	v2 =	vmul.f32 v4, v4;
	v5 =	vadd.f32 v34, v5  }
0xa2: {  	v10 =	vmax.f32 v35, v3;
	v1 =	vmin.f32 v1, v3;
	v3 =	vadd.f32 v4, v8  }
0xa3: {  	v39 =	vmul.f32 v7, v7;
	v42 =	vmul.f32 v36, v36;
	v2 =	vadd.f32 v2, v5  }
0xa4: {  	v45 =	vmul.f32 v38, v38;
	v37 =	vmax.f32 v10, v4;
	v3 =	vadd.f32 v7, v3  }
0xa5: {  	v1 =	vmin.f32 v1, v4;
	v4 =	vld [tilespmem:s30+$0x20];
	v40 =	vmul.f32 v6, v6;
	v2 =	vadd.f32 v39, v2  }
0xa6: {  	v49 =	vmul.f32 v41, v41;
	v5 =	vmax.f32 v37, v7;
	v3 =	vadd.f32 v6, v3  }
0xa7: {  	v1 =	vmin.f32 v1, v7;
	v7 =	vld [tilespmem:s30+$0xA0];
	v5 =	vmax.f32 v5, v6;
	v2 =	vadd.f32 v40, v2  }
0xa8: {  	v1 =	vmin.f32 v1, v6;
	v5 =	vmax.f32 v5, v36;
	v3 =	vadd.f32 v36, v3  }
0xa9: {  	v6 =	vld [tilespmem:s30+$0x1A0];
	v1 =	vmin.f32 v1, v36;
	v5 =	vmax.f32 v5, v38;
	v2 =	vadd.f32 v42, v2  }
0xaa: {  	v1 =	vmin.f32 v1, v38;
	v47 =	vmul.f32 v4, v4;
	v3 =	vadd.f32 v38, v3  }
0xab: {  	v43 =	vld [tilespmem:s30+$0x220];
	v5 =	vmax.f32 v5, v4;
	v1 =	vmin.f32 v1, v4;
	v2 =	vadd.f32 v45, v2  }
0xac: {  	v44 =	vld [tilespmem:s30+$0x2A0];
	v5 =	vmax.f32 v5, v7;
	v48 =	vmul.f32 v7, v7;
	v3 =	vadd.f32 v4, v3  }
0xad: {  	v46 =	vld [tilespmem:s30+$0x320];
	v1 =	vmin.f32 v1, v7;
	v5 =	vmax.f32 v5, v41;
	v2 =	vadd.f32 v47, v2  }
0xae: {  	v1 =	vmin.f32 v1, v41;
	v5 =	vmax.f32 v5, v6;
	v4 =	vld [tilespmem:s30+$0x3A0];
	v3 =	vadd.f32 v7, v3  }
0xaf: {  	v1 =	vmin.f32 v1, v6;
	v50 =	vmul.f32 v6, v6;
	v7 =	vld [tilespmem:s0+$0x10260];
	v2 =	vadd.f32 v48, v2  }
0xb0: {  	v5 =	vmax.f32 v5, v43;
	v1 =	vmin.f32 v1, v43;
	v3 =	vadd.f32 v41, v3  }
0xb1: {  	v5 =	vmax.f32 v5, v44;
	v1 =	vmin.f32 v1, v44;
	v2 =	vadd.f32 v49, v2  }
0xb2: {  	v5 =	vmax.f32 v5, v46;
	v1 =	vmin.f32 v1, v46;
	v3 =	vadd.f32 v6, v3  }
0xb3: {  	v5 =	vmax.f32 v5, v4;
	v6 =	vmul.f32 v43, v43;
	v2 =	vadd.f32 v50, v2  }
0xb4: {  	v1 =	vmin.f32 v1, v4;
	v5 =	vadd.f32 v7, v5;
	v3 =	vadd.f32 v43, v3  }
0xb5: {  	v1 =	vadd.f32 v7, v1;
	v2 =	vadd.f32 v6, v2;
	v6 =	vmul.f32 v44, v44  }
0xb6: {  	[tilespmem:s0+$0x11220] =	vst v5;
	v3 =	vadd.f32 v44, v3  }
0xb7: {  	[tilespmem:s0+$0x12220] =	vst v1;
	v1 =	vadd.f32 v6, v2;
	v2 =	vmul.f32 v46, v46  }
0xb8: {  	v5 =	vld [tilespmem:$0x13500];
	v3 =	vadd.f32 v46, v3  }
0xb9: {  	v6 =	vld [tilespmem:$0x13300];
	v1 =	vadd.f32 v2, v1;
	v2 =	vmul.f32 v4, v4  }
0xba: {  	v3 =	vadd.f32 v4, v3  }
0xbb: {  	v1 =	vadd.f32 v2, v1;
	v2 =	vadd.f32 v7, v7;
	_ =	sdelay $0x1  }
0xbc: {  	v4 =	vmul.f32 $1.600000000e+01, v7;
	v1 =	vadd.f32 v5, v1;
	v2 =	vmul.f32 v2, v3  }
0xbd: {  	v3 =	vadd.f32 v6, v3  }
0xbe: {  	v5 =	vmul.f32 v4, v7;
	v1 =	vadd.f32 v1, v2  }
0xbf: {  	v2 =	vadd.f32 v3, v4  }
0xc0: {  	v1 =	vadd.f32 v1, v5  }
0xc1: {  	[tilespmem:$0x13300] =	vst v2  }
0xc2: {  	[tilespmem:$0x13500] =	vst v1  }
0xc3: {  	v1 =	vld [tilespmem:s30+$0xFFFFFC30]  }
0xc4: {  	v2 =	vld [tilespmem:s30+$0xFFFFFCB0]  }
0xc5: {  	v3 =	vld [tilespmem:s30+$0xFFFFFD30]  }
0xc6: {  	v4 =	vld [tilespmem:s30+$0xFFFFFDB0]  }
0xc7: {  	v5 =	vld [tilespmem:s30+$0xFFFFFE30]  }
0xc8: {  	v51 =	vld [tilespmem:s30+$0xFFFFFEB0]  }
0xc9: {  	v56 =	vld [tilespmem:s30+$0xB0];
	v6 =	vmul.f32 v1, v1;
	v7 =	vmul.f32 v2, v2  }
0xca: {  	v57 =	vld [tilespmem:s30+$0x130];
	v52 =	vadd.f32 v2, v1  }
0xcb: {  	v60 =	vld [tilespmem:s30+$0x1B0];
	v53 =	vmax.f32 v1, v2;
	v6 =	vadd.f32 v7, v6;
	v7 =	vmul.f32 v3, v3  }
0xcc: {  	v16 =	vld [tilespmem:s30+$0x230];
	v1 =	vmin.f32 v1, v2;
	v2 =	vmax.f32 v53, v3;
	v9 =	vadd.f32 v3, v52  }
0xcd: {  	v1 =	vmin.f32 v1, v3;
	v6 =	vadd.f32 v7, v6;
	v7 =	vmul.f32 v4, v4  }
0xce: {  	v54 =	vld [tilespmem:s30+$0xFFFFFF30];
	v2 =	vmax.f32 v2, v4;
	v1 =	vmin.f32 v1, v4;
	v4 =	vadd.f32 v4, v9  }
0xcf: {  	v59 =	vmul.f32 v56, v56;
	v6 =	vadd.f32 v7, v6;
	v7 =	vmul.f32 v5, v5  }
0xd0: {  	v55 =	vld [tilespmem:s30+$0xFFFFFFB0];
	v15 =	vmul.f32 v57, v57;
	v62 =	vmul.f32 v60, v60;
	v4 =	vadd.f32 v5, v4  }
0xd1: {  	v63 =	vmul.f32 v16, v16;
	v6 =	vadd.f32 v7, v6;
	v7 =	vmul.f32 v51, v51  }
0xd2: {  	v3 =	vld [tilespmem:s30+$0x30];
	v2 =	vmax.f32 v2, v5;
	v1 =	vmin.f32 v1, v5;
	v4 =	vadd.f32 v51, v4  }
0xd3: {  	v2 =	vmax.f32 v2, v51;
	v6 =	vadd.f32 v7, v6;
	v7 =	vmul.f32 v54, v54  }
0xd4: {  	v1 =	vmin.f32 v1, v51;
	v2 =	vmax.f32 v2, v54;
	v4 =	vadd.f32 v54, v4  }
0xd5: {  	v1 =	vmin.f32 v1, v54;
	v5 =	vmul.f32 v55, v55;
	v6 =	vadd.f32 v7, v6  }
0xd6: {  	v2 =	vmax.f32 v2, v55;
	v1 =	vmin.f32 v1, v55;
	v4 =	vadd.f32 v55, v4  }
0xd7: {  	v58 =	vmul.f32 v3, v3;
	v2 =	vmax.f32 v2, v3;
	v7 =	vld [tilespmem:s30+$0x2B0];
	v5 =	vadd.f32 v5, v6  }
0xd8: {  	v61 =	vld [tilespmem:s30+$0x330];
	v1 =	vmin.f32 v1, v3;
	v2 =	vmax.f32 v2, v56;
	v3 =	vadd.f32 v3, v4  }
0xd9: {  	v1 =	vmin.f32 v1, v56;
	v2 =	vmax.f32 v2, v57;
	v4 =	vld [tilespmem:s30+$0x3B0];
	v5 =	vadd.f32 v58, v5  }
0xda: {  	v1 =	vmin.f32 v1, v57;
	v2 =	vmax.f32 v2, v60;
	v6 =	vld [tilespmem:s0+$0x10270];
	v3 =	vadd.f32 v56, v3  }
0xdb: {  	v1 =	vmin.f32 v1, v60;
	v2 =	vmax.f32 v2, v16;
	v5 =	vadd.f32 v59, v5  }
0xdc: {  	v1 =	vmin.f32 v1, v16;
	v2 =	vmax.f32 v2, v7;
	v3 =	vadd.f32 v57, v3  }
0xdd: {  	v1 =	vmin.f32 v1, v7;
	v2 =	vmax.f32 v2, v61;
	v5 =	vadd.f32 v15, v5  }
0xde: {  	v1 =	vmin.f32 v1, v61;
	v2 =	vmax.f32 v2, v4;
	v3 =	vadd.f32 v60, v3  }
0xdf: {  	v1 =	vmin.f32 v1, v4;
	v2 =	vadd.f32 v6, v2;
	v5 =	vadd.f32 v62, v5  }
0xe0: {  	v1 =	vadd.f32 v6, v1;
	v3 =	vadd.f32 v16, v3  }
0xe1: {  	[tilespmem:s0+$0x11230] =	vst v2;
	v2 =	vadd.f32 v63, v5;
	v5 =	vmul.f32 v7, v7  }
0xe2: {  	[tilespmem:s0+$0x12230] =	vst v1;
	v1 =	vadd.f32 v7, v3  }
0xe3: {  	v3 =	vld [tilespmem:$0x13380];
	v2 =	vadd.f32 v5, v2;
	v5 =	vmul.f32 v61, v61  }
0xe4: {  	v7 =	vld [tilespmem:$0x13580];
	v1 =	vadd.f32 v61, v1  }
0xe5: {  	v2 =	vadd.f32 v5, v2;
	v5 =	vmul.f32 v4, v4  }
0xe6: {  	v4 =	vadd.f32 v4, v1  }
0xe7: {  	v1 =	vadd.f32 v5, v2  }
0xe8: {  	v2 =	vadd.f32 v3, v4;
	v3 =	vmul.f32 $1.600000000e+01, v6;
	v5 =	vadd.f32 v6, v6  }
0xe9: {  	v1 =	vadd.f32 v7, v1  }
0xea: {  	s31 =	simm.s32 $0x200;
	v2 =	vadd.f32 v2, v3;
	v4 =	vmul.f32 v5, v4;
	v3 =	vmul.f32 v3, v6  }
.LBB2_3:
0xeb: {  	p0 =	sne.s32 s31, $0x3E00  }
0xec: {  	s30 =	sadd.s32 $0x800, s30;
	s0 =	smov.u32 s31;
	s31 =	sadd.s32 $0x200, s31  }
0xed: {  	[tilespmem:$0x13380] =	vst v2;
	v1 =	vadd.f32 v1, v4;
	_ =	sdelay $0x1  }
0xee: {  	v1 =	vadd.f32 v1, v3;
	_ =	sdelay $0x1  }
0xef: {  	[tilespmem:$0x13580] =	vst v1;
	_ =	sdelay $0x2  }
0xf0: {  	v1 =	vld [tilespmem:s30+$0xFFFFFC00]  }
0xf1: {  	v2 =	vld [tilespmem:s30+$0xFFFFFC80];
	_ =	sdelay $0x1  }
0xf2: {  	v3 =	vld [tilespmem:s30+$0xFFFFFD00];
	_ =	sdelay $0x1  }
0xf3: {  	v4 =	vld [tilespmem:s30+$0xFFFFFD80]  }
0xf4: {  	v5 =	vmul.f32 v1, v1;
	v6 =	vadd.f32 v2, v1;
	v7 =	vmul.f32 v2, v2;
	v8 =	vld [tilespmem:s30+$0xFFFFFE00]  }
0xf5: {  	v9 =	vmax.f32 v1, v2;
	v1 =	vmin.f32 v1, v2;
	v2 =	vld [tilespmem:s30+$0xFFFFFE80]  }
0xf6: {  	v5 =	vadd.f32 v7, v5;
	v6 =	vadd.f32 v3, v6;
	v7 =	vmul.f32 v3, v3;
	v10 =	vld [tilespmem:s30+$0xFFFFFF00]  }
0xf7: {  	v9 =	vmax.f32 v9, v3;
	v1 =	vmin.f32 v1, v3;
	v3 =	vld [tilespmem:s30+$0xFFFFFF80]  }
0xf8: {  	v5 =	vadd.f32 v7, v5;
	v1 =	vmin.f32 v1, v4;
	v6 =	vadd.f32 v4, v6;
	v7 =	vld [tilespmem:s30+$0x0]  }
0xf9: {  	v9 =	vmax.f32 v9, v4;
	v4 =	vmul.f32 v4, v4;
	v1 =	vmin.f32 v1, v8;
	v11 =	vld [tilespmem:s30+$0x80]  }
0xfa: {  	v12 =	vmul.f32 v8, v8;
	v6 =	vadd.f32 v8, v6;
	v1 =	vmin.f32 v1, v2;
	v13 =	vld [tilespmem:s30+$0x100]  }
0xfb: {  	v4 =	vadd.f32 v4, v5;
	v5 =	vmax.f32 v9, v8;
	v1 =	vmin.f32 v1, v10;
	v8 =	vld [tilespmem:s30+$0x180]  }
0xfc: {  	v9 =	vmul.f32 v2, v2;
	v6 =	vadd.f32 v2, v6;
	v1 =	vmin.f32 v1, v3;
	v14 =	vld [tilespmem:s30+$0x200]  }
0xfd: {  	v4 =	vadd.f32 v12, v4;
	v2 =	vmax.f32 v5, v2;
	v1 =	vmin.f32 v1, v7;
	v5 =	vld [tilespmem:s30+$0x280]  }
0xfe: {  	v12 =	vmul.f32 v10, v10;
	v6 =	vadd.f32 v10, v6;
	v1 =	vmin.f32 v1, v11;
	v15 =	vld [tilespmem:s30+$0x300]  }
0xff: {  	s0 =	sshra.s32 s0, $0x2;
	v2 =	vmax.f32 v2, v10;
	v4 =	vadd.f32 v9, v4;
	v1 =	vmin.f32 v1, v13;
	v9 =	vld [tilespmem:s30+$0x380]  }
0x100: {  	v10 =	vmul.f32 v3, v3;
	v6 =	vadd.f32 v3, v6;
	v1 =	vmin.f32 v1, v8;
	v16 =	vld [tilespmem:s0+$0x10240]  }
0x101: {  	v2 =	vmax.f32 v2, v3;
	v4 =	vadd.f32 v12, v4;
	v1 =	vmin.f32 v1, v14  }
0x102: {  	v3 =	vadd.f32 v7, v6;
	v6 =	vmul.f32 v7, v7;
	v1 =	vmin.f32 v1, v5  }
0x103: {  	v2 =	vmax.f32 v2, v7;
	v4 =	vadd.f32 v10, v4;
	v1 =	vmin.f32 v1, v15  }
0x104: {  	v7 =	vmul.f32 v11, v11;
	v3 =	vadd.f32 v11, v3;
	v1 =	vmin.f32 v1, v9  }
0x105: {  	v2 =	vmax.f32 v2, v11;
	v4 =	vadd.f32 v6, v4;
	v1 =	vadd.f32 v16, v1  }
0x106: {  	v2 =	vmax.f32 v2, v13;
	v3 =	vadd.f32 v13, v3  }
0x107: {  	v2 =	vmax.f32 v2, v8;
	v6 =	vmul.f32 v13, v13;
	v4 =	vadd.f32 v7, v4  }
0x108: {  	v2 =	vmax.f32 v2, v14;
	v3 =	vadd.f32 v8, v3  }
0x109: {  	v2 =	vmax.f32 v2, v5;
	v4 =	vadd.f32 v6, v4;
	v6 =	vmul.f32 v8, v8  }
0x10a: {  	v2 =	vmax.f32 v2, v15;
	v3 =	vadd.f32 v14, v3  }
0x10b: {  	v2 =	vmax.f32 v2, v9;
	v4 =	vadd.f32 v6, v4;
	v6 =	vmul.f32 v14, v14  }
0x10c: {  	v2 =	vadd.f32 v16, v2;
	v3 =	vadd.f32 v5, v3  }
0x10d: {  	v4 =	vadd.f32 v6, v4;
	v5 =	vmul.f32 v5, v5  }
0x10e: {  	v3 =	vadd.f32 v15, v3;
	[tilespmem:s0+$0x12200] =	vst v1  }
0x10f: {  	v1 =	vadd.f32 v5, v4;
	v4 =	vmul.f32 v15, v15;
	[tilespmem:s0+$0x11200] =	vst v2  }
0x110: {  	v2 =	vadd.f32 v9, v3;
	v3 =	vld [tilespmem:$0x13400]  }
0x111: {  	v1 =	vadd.f32 v4, v1;
	v4 =	vmul.f32 v9, v9;
	v5 =	vld [tilespmem:$0x13200];
	_ =	sdelay $0x1  }
0x112: {  	v1 =	vadd.f32 v4, v1;
	v4 =	vadd.f32 v16, v16;
	_ =	sdelay $0x1  }
0x113: {  	v6 =	vmul.f32 $1.600000000e+01, v16;
	v1 =	vadd.f32 v3, v1;
	v3 =	vmul.f32 v4, v2  }
0x114: {  	v2 =	vadd.f32 v5, v2  }
0x115: {  	v1 =	vadd.f32 v1, v3;
	v3 =	vmul.f32 v6, v16  }
0x116: {  	v2 =	vadd.f32 v2, v6  }
0x117: {  	v1 =	vadd.f32 v1, v3  }
0x118: {  	[tilespmem:$0x13200] =	vst v2  }
0x119: {  	[tilespmem:$0x13400] =	vst v1  }
0x11a: {  	v1 =	vld [tilespmem:s30+$0xFFFFFC10]  }
0x11b: {  	v2 =	vld [tilespmem:s30+$0xFFFFFC90];
	_ =	sdelay $0x1  }
0x11c: {  	v3 =	vld [tilespmem:s30+$0xFFFFFD10];
	_ =	sdelay $0x1  }
0x11d: {  	v4 =	vmul.f32 v1, v1;
	v5 =	vld [tilespmem:s30+$0xFFFFFD90]  }
0x11e: {  	v6 =	vmax.f32 v1, v2;
	v7 =	vadd.f32 v2, v1;
	v8 =	vmul.f32 v2, v2;
	v9 =	vld [tilespmem:s30+$0xFFFFFE10]  }
0x11f: {  	v1 =	vmin.f32 v1, v2  }
0x120: {  	v2 =	vadd.f32 v8, v4;
	v4 =	vadd.f32 v3, v7;
	v7 =	vmul.f32 v3, v3;
	v8 =	vld [tilespmem:s30+$0xFFFFFE90]  }
0x121: {  	v6 =	vmax.f32 v6, v3;
	v1 =	vmin.f32 v1, v3;
	v3 =	vld [tilespmem:s30+$0xFFFFFF10]  }
0x122: {  	v2 =	vadd.f32 v7, v2;
	v4 =	vadd.f32 v5, v4;
	v7 =	vmul.f32 v5, v5;
	v10 =	vld [tilespmem:s30+$0xFFFFFF90]  }
0x123: {  	v6 =	vmax.f32 v6, v5;
	v1 =	vmin.f32 v1, v5;
	v5 =	vmul.f32 v9, v9;
	v11 =	vld [tilespmem:s30+$0x10]  }
0x124: {  	v1 =	vmin.f32 v1, v9;
	v2 =	vadd.f32 v7, v2;
	v4 =	vadd.f32 v9, v4;
	v7 =	vld [tilespmem:s30+$0x90]  }
0x125: {  	v6 =	vmax.f32 v6, v9;
	v1 =	vmin.f32 v1, v8;
	v9 =	vmul.f32 v8, v8;
	v12 =	vld [tilespmem:s30+$0x110]  }
0x126: {  	v2 =	vadd.f32 v5, v2;
	v4 =	vadd.f32 v8, v4;
	v1 =	vmin.f32 v1, v3;
	v5 =	vld [tilespmem:s30+$0x190]  }
0x127: {  	v6 =	vmax.f32 v6, v8;
	v8 =	vmul.f32 v3, v3;
	v1 =	vmin.f32 v1, v10;
	v13 =	vld [tilespmem:s30+$0x210]  }
0x128: {  	v2 =	vadd.f32 v9, v2;
	v4 =	vadd.f32 v3, v4;
	v1 =	vmin.f32 v1, v11;
	v9 =	vld [tilespmem:s30+$0x290]  }
0x129: {  	v3 =	vmax.f32 v6, v3;
	v6 =	vmul.f32 v10, v10;
	v1 =	vmin.f32 v1, v7;
	v14 =	vld [tilespmem:s30+$0x310]  }
0x12a: {  	v2 =	vadd.f32 v8, v2;
	v4 =	vadd.f32 v10, v4;
	v1 =	vmin.f32 v1, v12;
	v8 =	vld [tilespmem:s30+$0x390]  }
0x12b: {  	v3 =	vmax.f32 v3, v10;
	v10 =	vmul.f32 v11, v11;
	v1 =	vmin.f32 v1, v5  }
0x12c: {  	v2 =	vadd.f32 v6, v2;
	v4 =	vadd.f32 v11, v4;
	v1 =	vmin.f32 v1, v13;
	v6 =	vld [tilespmem:s0+$0x10250]  }
0x12d: {  	v3 =	vmax.f32 v3, v11;
	v11 =	vmul.f32 v7, v7;
	v1 =	vmin.f32 v1, v9  }
0x12e: {  	v2 =	vadd.f32 v10, v2;
	v4 =	vadd.f32 v7, v4;
	v1 =	vmin.f32 v1, v14  }
0x12f: {  	v3 =	vmax.f32 v3, v7;
	v7 =	vmul.f32 v12, v12;
	v1 =	vmin.f32 v1, v8  }
0x130: {  	v3 =	vmax.f32 v3, v12;
	v2 =	vadd.f32 v11, v2;
	v4 =	vadd.f32 v12, v4  }
0x131: {  	v3 =	vmax.f32 v3, v5;
	v10 =	vmul.f32 v5, v5;
	v1 =	vadd.f32 v6, v1  }
0x132: {  	v3 =	vmax.f32 v3, v13;
	v2 =	vadd.f32 v7, v2;
	v4 =	vadd.f32 v5, v4  }
0x133: {  	v3 =	vmax.f32 v3, v9;
	v5 =	vmul.f32 v13, v13;
	[tilespmem:s0+$0x12210] =	vst v1  }
0x134: {  	v3 =	vmax.f32 v3, v14;
	v1 =	vadd.f32 v10, v2;
	v2 =	vadd.f32 v13, v4  }
0x135: {  	v3 =	vmax.f32 v3, v8  }
0x136: {  	v3 =	vadd.f32 v6, v3;
	v4 =	vmul.f32 v9, v9;
	v1 =	vadd.f32 v5, v1  }
0x137: {  	v2 =	vadd.f32 v9, v2  }
0x138: {  	v1 =	vadd.f32 v4, v1;
	v4 =	vmul.f32 v14, v14;
	[tilespmem:s0+$0x11210] =	vst v3  }
0x139: {  	v2 =	vadd.f32 v14, v2;
	v3 =	vld [tilespmem:$0x13480]  }
0x13a: {  	v1 =	vadd.f32 v4, v1;
	v4 =	vmul.f32 v8, v8;
	v5 =	vld [tilespmem:$0x13280]  }
0x13b: {  	v7 =	vadd.f32 v6, v6  }
0x13c: {  	v2 =	vadd.f32 v8, v2;
	v1 =	vadd.f32 v4, v1;
	_ =	sdelay $0x1  }
0x13d: {  	v4 =	vmul.f32 $1.600000000e+01, v6;
	v1 =	vadd.f32 v3, v1;
	v3 =	vmul.f32 v7, v2  }
0x13e: {  	v2 =	vadd.f32 v5, v2  }
0x13f: {  	v1 =	vadd.f32 v1, v3;
	v3 =	vmul.f32 v4, v6  }
0x140: {  	v2 =	vadd.f32 v2, v4  }
0x141: {  	v1 =	vadd.f32 v1, v3  }
0x142: {  	[tilespmem:$0x13280] =	vst v2  }
0x143: {  	[tilespmem:$0x13480] =	vst v1  }
0x144: {  	v1 =	vld [tilespmem:s30+$0xFFFFFC20]  }
0x145: {  	v2 =	vld [tilespmem:s30+$0xFFFFFCA0]  }
0x146: {  	v3 =	vld [tilespmem:s30+$0xFFFFFD20]  }
0x147: {  	v4 =	vld [tilespmem:s30+$0xFFFFFDA0]  }
0x148: {  	v5 =	vld [tilespmem:s30+$0xFFFFFE20]  }
0x149: {  	v6 =	vld [tilespmem:s30+$0xFFFFFEA0]  }
0x14a: {  	v7 =	vmul.f32 v1, v1;
	v8 =	vadd.f32 v2, v1;
	v9 =	vmul.f32 v2, v2;
	v10 =	vld [tilespmem:s30+$0xFFFFFF20]  }
0x14b: {  	v11 =	vmax.f32 v1, v2;
	v1 =	vmin.f32 v1, v2;
	v2 =	vmul.f32 v3, v3  }
0x14c: {  	v7 =	vadd.f32 v9, v7;
	v9 =	vmax.f32 v11, v3;
	v8 =	vadd.f32 v3, v8  }
0x14d: {  	v1 =	vmin.f32 v1, v3;
	v3 =	vmax.f32 v9, v4;
	v9 =	vmul.f32 v4, v4;
	v11 =	vld [tilespmem:s30+$0xFFFFFFA0]  }
0x14e: {  	v1 =	vmin.f32 v1, v4;
	v2 =	vadd.f32 v2, v7;
	v4 =	vadd.f32 v4, v8;
	v7 =	vld [tilespmem:s30+$0x20]  }
0x14f: {  	v1 =	vmin.f32 v1, v5;
	v3 =	vmax.f32 v3, v5;
	v8 =	vmul.f32 v5, v5  }
0x150: {  	v3 =	vmax.f32 v3, v6;
	v2 =	vadd.f32 v9, v2;
	v4 =	vadd.f32 v5, v4;
	v5 =	vld [tilespmem:s30+$0xA0]  }
0x151: {  	v1 =	vmin.f32 v1, v6;
	v9 =	vmul.f32 v6, v6;
	v3 =	vmax.f32 v3, v10;
	v12 =	vld [tilespmem:s30+$0x120]  }
0x152: {  	v2 =	vadd.f32 v8, v2;
	v4 =	vadd.f32 v6, v4;
	v3 =	vmax.f32 v3, v11;
	v6 =	vld [tilespmem:s30+$0x1A0]  }
0x153: {  	v1 =	vmin.f32 v1, v10;
	v3 =	vmax.f32 v3, v7;
	v8 =	vld [tilespmem:s30+$0x220]  }
0x154: {  	v2 =	vadd.f32 v9, v2;
	v4 =	vadd.f32 v10, v4;
	v9 =	vmul.f32 v10, v10;
	v10 =	vld [tilespmem:s30+$0x2A0]  }
0x155: {  	v1 =	vmin.f32 v1, v11;
	v13 =	vmul.f32 v11, v11;
	v3 =	vmax.f32 v3, v5;
	v14 =	vld [tilespmem:s30+$0x320]  }
0x156: {  	v2 =	vadd.f32 v9, v2;
	v4 =	vadd.f32 v11, v4;
	v3 =	vmax.f32 v3, v12;
	v9 =	vld [tilespmem:s30+$0x3A0]  }
0x157: {  	v1 =	vmin.f32 v1, v7;
	v11 =	vmul.f32 v7, v7;
	v3 =	vmax.f32 v3, v6  }
0x158: {  	v2 =	vadd.f32 v13, v2;
	v4 =	vadd.f32 v7, v4;
	v3 =	vmax.f32 v3, v8;
	v7 =	vld [tilespmem:s0+$0x10260]  }
0x159: {  	v1 =	vmin.f32 v1, v5;
	v13 =	vmul.f32 v5, v5;
	v3 =	vmax.f32 v3, v10  }
0x15a: {  	v2 =	vadd.f32 v11, v2;
	v4 =	vadd.f32 v5, v4;
	v3 =	vmax.f32 v3, v14  }
0x15b: {  	v1 =	vmin.f32 v1, v12;
	v5 =	vmul.f32 v12, v12;
	v3 =	vmax.f32 v3, v9  }
0x15c: {  	v1 =	vmin.f32 v1, v6;
	v2 =	vadd.f32 v13, v2;
	v4 =	vadd.f32 v12, v4  }
0x15d: {  	v1 =	vmin.f32 v1, v8;
	v11 =	vmul.f32 v6, v6;
	v3 =	vadd.f32 v7, v3  }
0x15e: {  	v1 =	vmin.f32 v1, v10;
	v2 =	vadd.f32 v5, v2;
	v4 =	vadd.f32 v6, v4  }
0x15f: {  	v1 =	vmin.f32 v1, v14;
	v5 =	vmul.f32 v8, v8;
	[tilespmem:s0+$0x11220] =	vst v3  }
0x160: {  	v1 =	vmin.f32 v1, v9;
	v2 =	vadd.f32 v11, v2;
	v3 =	vadd.f32 v8, v4  }
0x161: {  	v1 =	vadd.f32 v7, v1  }
0x162: {  	v4 =	vmul.f32 v10, v10;
	v2 =	vadd.f32 v5, v2;
	v3 =	vadd.f32 v10, v3  }
0x163: {  	[tilespmem:s0+$0x12220] =	vst v1  }
0x164: {  	v1 =	vadd.f32 v4, v2;
	v2 =	vadd.f32 v14, v3;
	v3 =	vmul.f32 v14, v14;
	v4 =	vld [tilespmem:$0x13500]  }
0x165: {  	v5 =	vld [tilespmem:$0x13300]  }
0x166: {  	v1 =	vadd.f32 v3, v1;
	v2 =	vadd.f32 v9, v2;
	v3 =	vmul.f32 v9, v9;
	_ =	sdelay $0x1  }
0x167: {  	v1 =	vadd.f32 v3, v1;
	v3 =	vadd.f32 v7, v7  }
0x168: {  	v6 =	vmul.f32 $1.600000000e+01, v7  }
0x169: {  	v5 =	vadd.f32 v5, v2;
	v1 =	vadd.f32 v4, v1;
	v2 =	vmul.f32 v3, v2  }
0x16a: {  	v3 =	vmul.f32 v6, v7  }
0x16b: {  	v4 =	vadd.f32 v5, v6;
	v1 =	vadd.f32 v1, v2;
	_ =	sdelay $0x1  }
0x16c: {  	[tilespmem:$0x13300] =	vst v4;
	v1 =	vadd.f32 v1, v3;
	_ =	sdelay $0x1  }
0x16d: {  	[tilespmem:$0x13500] =	vst v1  }
0x16e: {  	v1 =	vld [tilespmem:s30+$0xFFFFFC30]  }
0x16f: {  	v2 =	vld [tilespmem:s30+$0xFFFFFCB0]  }
0x170: {  	v3 =	vld [tilespmem:s30+$0xFFFFFD30]  }
0x171: {  	v4 =	vld [tilespmem:s30+$0xFFFFFDB0]  }
0x172: {  	v5 =	vld [tilespmem:s30+$0xFFFFFE30]  }
0x173: {  	v6 =	vmul.f32 v1, v1;
	v7 =	vld [tilespmem:s30+$0xFFFFFEB0]  }
0x174: {  	v8 =	vmax.f32 v1, v2;
	v9 =	vadd.f32 v2, v1;
	v10 =	vmul.f32 v2, v2;
	v11 =	vld [tilespmem:s30+$0xFFFFFF30]  }
0x175: {  	v1 =	vmin.f32 v1, v2;
	v2 =	vmax.f32 v8, v3;
	v8 =	vld [tilespmem:s30+$0xFFFFFFB0]  }
0x176: {  	v1 =	vmin.f32 v1, v3;
	v6 =	vadd.f32 v10, v6;
	v10 =	vmul.f32 v3, v3;
	v12 =	vld [tilespmem:s30+$0x30]  }
0x177: {  	v3 =	vadd.f32 v3, v9;
	v2 =	vmax.f32 v2, v4;
	v1 =	vmin.f32 v1, v4;
	v9 =	vld [tilespmem:s30+$0xB0]  }
0x178: {  	v2 =	vmax.f32 v2, v5;
	v6 =	vadd.f32 v10, v6;
	v10 =	vmul.f32 v4, v4;
	v13 =	vld [tilespmem:s30+$0x130]  }
0x179: {  	v1 =	vmin.f32 v1, v5;
	v3 =	vadd.f32 v4, v3;
	v2 =	vmax.f32 v2, v7;
	v4 =	vld [tilespmem:s30+$0x1B0]  }
0x17a: {  	v6 =	vadd.f32 v10, v6;
	v10 =	vmul.f32 v5, v5;
	v14 =	vmul.f32 v8, v8;
	v15 =	vld [tilespmem:s30+$0x230]  }
0x17b: {  	v1 =	vmin.f32 v1, v7;
	v3 =	vadd.f32 v5, v3;
	v5 =	vmul.f32 v12, v12;
	v16 =	vld [tilespmem:s30+$0x2B0]  }
0x17c: {  	v6 =	vadd.f32 v10, v6;
	v10 =	vmul.f32 v7, v7;
	v17 =	vmul.f32 v9, v9;
	v18 =	vld [tilespmem:s30+$0x330]  }
0x17d: {  	v2 =	vmax.f32 v2, v11;
	v3 =	vadd.f32 v7, v3;
	v7 =	vmul.f32 v13, v13;
	v19 =	vld [tilespmem:s30+$0x3B0]  }
0x17e: {  	v2 =	vmax.f32 v2, v8;
	v6 =	vadd.f32 v10, v6;
	v10 =	vmul.f32 v11, v11;
	v20 =	vld [tilespmem:s0+$0x10270]  }
0x17f: {  	v1 =	vmin.f32 v1, v11;
	v2 =	vmax.f32 v2, v12;
	v3 =	vadd.f32 v11, v3  }
0x180: {  	v1 =	vmin.f32 v1, v8;
	v2 =	vmax.f32 v2, v9;
	v6 =	vadd.f32 v10, v6  }
0x181: {  	v1 =	vmin.f32 v1, v12;
	v2 =	vmax.f32 v2, v13;
	v3 =	vadd.f32 v8, v3  }
0x182: {  	v1 =	vmin.f32 v1, v9;
	v2 =	vmax.f32 v2, v4;
	v6 =	vadd.f32 v14, v6  }
0x183: {  	v1 =	vmin.f32 v1, v13;
	v2 =	vmax.f32 v2, v15;
	v3 =	vadd.f32 v12, v3  }
0x184: {  	v1 =	vmin.f32 v1, v4;
	v2 =	vmax.f32 v2, v16;
	v5 =	vadd.f32 v5, v6  }
0x185: {  	v1 =	vmin.f32 v1, v15;
	v2 =	vmax.f32 v2, v18;
	v3 =	vadd.f32 v9, v3  }
0x186: {  	v1 =	vmin.f32 v1, v16;
	v2 =	vmax.f32 v2, v19;
	v5 =	vadd.f32 v17, v5  }
0x187: {  	v1 =	vmin.f32 v1, v18;
	v6 =	vmul.f32 v4, v4;
	v3 =	vadd.f32 v13, v3  }
0x188: {  	v1 =	vmin.f32 v1, v19;
	v2 =	vadd.f32 v20, v2;
	v5 =	vadd.f32 v7, v5  }
0x189: {  	v1 =	vadd.f32 v20, v1;
	v3 =	vadd.f32 v4, v3  }
0x18a: {  	v4 =	vadd.f32 v6, v5;
	v5 =	vmul.f32 v15, v15;
	[tilespmem:s0+$0x11230] =	vst v2  }
0x18b: {  	v2 =	vadd.f32 v15, v3;
	[tilespmem:s0+$0x12230] =	vst v1  }
0x18c: {  	v3 =	vmul.f32 v16, v16;
	v1 =	vadd.f32 v5, v4;
	v4 =	vld [tilespmem:$0x13580]  }
0x18d: {  	v2 =	vadd.f32 v16, v2;
	v5 =	vld [tilespmem:$0x13380]  }
0x18e: {  	v1 =	vadd.f32 v3, v1;
	v3 =	vmul.f32 v18, v18  }
0x18f: {  	v2 =	vadd.f32 v18, v2  }
0x190: {  	v1 =	vadd.f32 v3, v1;
	v3 =	vmul.f32 v19, v19  }
.Ltmp0:
0x191: {  	v6 =	vadd.f32 v19, v2;
	(pc) =	sbr.rel @p0 .LBB2_3-.Ltmp0, $4  }
0x192: {  	v1 =	vadd.f32 v3, v1  }
0x193: {  	v2 =	vadd.f32 v5, v6;
	v3 =	vmul.f32 $1.600000000e+01, v20;
	v5 =	vadd.f32 v20, v20  }
0x194: {  	v1 =	vadd.f32 v4, v1  }
0x195: {  	v2 =	vadd.f32 v2, v3;
	v4 =	vmul.f32 v5, v6;
	v3 =	vmul.f32 v3, v20  }
0x196: {  	_ = 	snop  }
0x197: {  	v1 =	vadd.f32 v1, v4;
	_ =	sdelay $0x1  }
0x198: {  	v1 =	vadd.f32 v1, v3  }
0x199: {  	[tilespmem:$0x13380] =	vst v2  }
0x19a: {  	s0 =	sadd.s32 s5, s29;
	[tilespmem:$0x13580] =	vst v1  }
0x19b: {  	[hbm4b:s0+s2] =	stream.linear.scatter [tilespmem:s23], [sflag:$0x2], $0x1000, $0x38;
	[tilespmem:$0x13680] =	vst v63  }
0x19c: {  	s28 =	sadd.s32 $0x1, s28;
	_ =	swait.ge [sflag:s13], $0x1000  }
0x19d: {  	p0 =	sne.s32 s28, $0x8;
	[sflag:s13] =	ssyncset.done $0x0  }
.Ltmp1:
0x19e: {  	s31 =	sadd.s32 s6, s29;
	[sflag:s13] =	ssyncadd.s32 $0xFFFFF000;
	(pc) =	sbr.rel @p0 .LBB2_2-.Ltmp1, $4  }
0x19f: {  	[hbm4b:s31+s2] =	stream.linear.scatter [tilespmem:s24], [sflag:$0x2], $0x1000, $0x38;
	[tilespmem:$0x13680] =	vst v63  }
0x1a0: {  	_ =	swait.ge [sflag:s13], $0x1000  }
0x1a1: {  	[sflag:s13] =	ssyncset.done $0x0  }
0x1a2: {  	[sflag:s13] =	ssyncadd.s32 $0xFFFFF000  }
0x1a3: {  	v1 =	vld [tilespmem:$0x13200]  }
0x1a4: {  	v2 =	vld [tilespmem:$0x13400]  }
0x1a5: {  	v3 =	vld [tilespmem:$0x13280]  }
0x1a6: {  	v4 =	vld [tilespmem:$0x13480]  }
0x1a7: {  	v5 =	vld [tilespmem:$0x13300]  }
0x1a8: {  	[tilespmem:$0x13600] =	vst v1;
	v1 =	vld [tilespmem:$0x13500]  }
0x1a9: {  	[tilespmem:$0x13640] =	vst v2;
	v2 =	vld [tilespmem:$0x13380]  }
0x1aa: {  	[tilespmem:$0x13610] =	vst v3;
	v3 =	vld [tilespmem:$0x13580]  }
0x1ab: {  	[tilespmem:$0x13650] =	vst v4  }
0x1ac: {  	[tilespmem:$0x13620] =	vst v5  }
0x1ad: {  	s26 =	sadd.s32 $0x1, s26;
	[tilespmem:$0x13660] =	vst v1  }
0x1ae: {  	p0 =	sne.s32 s26, s12;
	[tilespmem:$0x13630] =	vst v2  }
.Ltmp2:
0x1af: {  	[tilespmem:$0x13670] =	vst v3;
	(pc) =	sbr.rel @p0 .LBB2_1-.Ltmp2, $4  }
0x1b0: {  	[hbm4b:s11+s2] =	stream.linear.scatter [tilespmem:s25], [sflag:$0x2], $0x80, $0x38;
	[tilespmem:$0x13680] =	vst v63  }
0x1b1: {  	_ =	swait.ge [sflag:s13], $0x80  }
0x1b2: {  	[sflag:s13] =	ssyncset.done $0x0  }
0x1b3: {  	[sflag:s13] =	ssyncadd.s32 $0xFFFFFF80  }
0x1b4: {  	_ =	sfence.sel $0x180000  }
0x1b5: {  	[bflag:$0x0] =	sbarrier.arrive $0xFFFF  }
0x1b6: {  	_ =	strace $0x9000004A  }
0x1b7: {  	[bflag:$0x2] =	sbarrier.arrive $0xFFFF  }
0x1b8: {  	p0 =	sne.s32 s1, $0x0;
	s0 =	rddreg [dreg:$0x1]  }
0x1b9: {  	s0 =	sadd.s32 @!p0 $0x100000, s0  }
0x1ba: {  	[sflag:s0] =	ssyncadd.tile.s32 @!p0 $0x1;
	_ =	shalt  }
.Lfunc_end2:
_tile_overlayer_lowered:
.L_overlay_start_2:
0x1bb: {  	(tag) =	ssettag $0x2  }
0x1bc: {  	s0 =	rddreg [dreg:$0x0];
	s2 =	stileid.u32  }
0x1bd: {  	s1 =	rddreg [dreg:$0x1];
	p0 =	sne.s32 s2, $0x0  }
0x1be: {  	s3 =	rddreg [dreg:$0x2];
	[bflag:$0x3] =	sbarrier.arrive $0xFFFF;
	s2 =	simm.s32 @!p0 $0x1C02  }
0x1bf: {  	[timem:s3], [sflag:s2] =	dma.local @!p0 [hbm:s0], s1  }
0x1c0: {  	s0 =	simm.s32 @!p0 $0x2  }
0x1c1: {  	_ =	swait.ge @!p0 [sflag:s0], s1  }
0x1c2: {  	s1 =	ssub.s32 @!p0 $0x0, s1;
	[sflag:s0] =	ssyncset.done @!p0 $0x0  }
0x1c3: {  	[sflag:s0] =	ssyncadd.s32 @!p0 s1  }
0x1c4: {  	[bflag:$0x3] =	sbarrier.arrive $0xFFFF  }
0x1c5: {  	_ =	shalt  }

// kernel: kernel.7.cloned.1.call-start
scs
__scs_entry_jumppad:
0x0: {  	(pc) =	sbr.rel $0x88, $3  }
0x1: {  	(tag) =	ssettag $0x0;
	lr =	simm.s32 $0x1  }
0x2: {  	[smem:$0x3F9D] =	sst lr;
	_ =	strace $0xD0000000  }
0x3: {  	_ = 	snop  }
0x4: {  	_ = 	snop  }
0x5: {  	_ = 	snop  }
0x6: {  	_ = 	snop  }
0x7: {  	_ = 	snop  }
__scs_overlays_trampoline_lowered:
0x8: {  	[smem:$0x3FAC] =	sst s0  }
0x9: {  	[smem:$0x3FAD] =	sst s1  }
0xa: {  	[smem:$0x3FAE] =	sst s2  }
0xb: {  	[smem:$0x3FAF] =	sst s3  }
0xc: {  	[smem:$0x3FB0] =	sst s4  }
0xd: {  	[smem:$0x3FB1] =	sst s5  }
0xe: {  	[smem:$0x3FB2] =	sst s6  }
0xf: {  	[smem:$0x3FB3] =	sst s7  }
0x10: {  	[smem:$0x3FB4] =	sst s8  }
0x11: {  	[smem:$0x3FB5] =	sst s9;
	s0 =	simm.s32 @!p0 $0x0  }
0x12: {  	s1 =	sld [smem:$0x3F9B];
	s0 =	simm.s32 @p0 $0x1  }
0x13: {  	[smem:$0x3FB6] =	sst s0;
	s0 =	simm.s32 @!p1 $0x0  }
0x14: {  	s2 =	sld [smem:$0x3F9A];
	s0 =	simm.s32 @p1 $0x1  }
0x15: {  	[smem:$0x3FB7] =	sst s0;
	s0 =	simm.s32 @!p2 $0x0  }
0x16: {  	s3 =	sld [smem:$0x3FDB];
	s0 =	simm.s32 @p2 $0x1  }
0x17: {  	s4 =	simm.s32 $0x1BF5;
	[smem:$0x3FB9] =	sst s0  }
0x18: {  	s0 =	sld [smem:$0x3F9C];
	_ =	swait.ge [sflag:s4], $0x0  }
0x19: {  	s7 =	sld [smem:$0x3F9D]  }
0x1a: {  	s8 =	sadd.s32 $0xFFFFE003, lr  }
0x1b: {  	s9 =	sadd.s32 $0xFFFFFEF7, lr;
	s5 =	simm.s32 $0xFFFFFFFF;
	p2 =	slt.u32 s8, $0xFFFFF086  }
0x1c: {  	p1 =	slt.u32 s9, $0xF7A;
	s5 =	simm.s32 @!p2 $0x0  }
0x1d: {  	s5 =	simm.s32 @p1 $0x1;
	p0 =	seq.s32 s7, s2  }
0x1e: {  	s7 =	smul.u32 @!p0 $0xF7A, s2;
	p2 =	seq.s32 @!p0 s5, $0x0  }
0x1f: {  	s9 =	smul.u32 $0xF7A, s1;
	s8 =	simm.s32 @!p0 $0x1BF5;
	p2 =	por !p2, p0  }
0x20: {  	[sflag:s8] =	ssyncset.s32 @!p0 $0xFFFFF086;
	s6 =	sadd.s32 @!p0 s3, s7;
	s7 =	simm.s32 @!p0 $0x108  }
0x21: {  	s3 =	sadd.s32 s3, s9;
	s6 =	sadd.s32 @!p0 $0x88, s6;
	s7 =	simm.s32 @p2 $0x1082  }
0x22: {  	[simem:s7], [sflag:s8] =	dma.local @!p0 [hbm:s6], $0xF7A  }
0x23: {  	s9 =	sor.u32 $0xD0000000, s2;
	s6 =	simm.s32 $0x108;
	_ =	swait.ge @!p0 [sflag:s8], $0x0  }
0x24: {  	s3 =	sadd.s32 $0x88, s3;
	s6 =	simm.s32 @!p1 $0x1082;
	[sflag:s4] =	ssyncset.s32 $0xFFFFF086  }
0x25: {  	[simem:s6], [sflag:s4] =	dma.local [hbm:s3], $0xF7A  }
0x26: {  	[smem:$0x3F9D] =	sst s1;
	(tag) =	ssettag s2;
	_ =	strace s9  }
0x27: {  	s1 =	sld [smem:$0x3FAD]  }
0x28: {  	s2 =	sld [smem:$0x3FAE]  }
0x29: {  	s4 =	sld [smem:$0x3FB0]  }
0x2a: {  	p0 =	seq.s32 s5, $0x0;
	s5 =	sld [smem:$0x3FB1]  }
0x2b: {  	s6 =	sld [smem:$0x3FB2]  }
0x2c: {  	s7 =	sld [smem:$0x3FB3]  }
0x2d: {  	s3 =	simm.s32 $0x108;
	s8 =	sld [smem:$0x3FB4]  }
0x2e: {  	s3 =	simm.s32 @!p0 $0x1082;
	s9 =	sld [smem:$0x3FB5]  }
0x2f: {  	lr =	sadd.s32 s0, s3;
	s0 =	sld [smem:$0x3FAC]  }
0x30: {  	s3 =	sld [smem:$0x3FAF]  }
0x31: {  	[smem:$0x3FB8] =	sst s10  }
0x32: {  	s10 =	sld [smem:$0x3FB6];
	_ =	sdelay $0x3  }
0x33: {  	p0 =	seq.s32 s10, $0x1;
	s10 =	sld [smem:$0x3FB8];
	_ =	sdelay $0x3  }
0x34: {  	[smem:$0x3FB8] =	sst s10  }
0x35: {  	s10 =	sld [smem:$0x3FB7];
	_ =	sdelay $0x3  }
0x36: {  	p1 =	seq.s32 s10, $0x1;
	s10 =	sld [smem:$0x3FB8];
	_ =	sdelay $0x3  }
0x37: {  	[smem:$0x3FB8] =	sst s10  }
0x38: {  	s10 =	sld [smem:$0x3FB9]  }
0x39: {  	_ = 	snop;
	(pc) =	sbr.ind lr, $3  }
0x3a: {  	_ = 	snop  }
0x3b: {  	_ = 	snop  }
0x3c: {  	p2 =	seq.s32 s10, $0x1;
	s10 =	sld [smem:$0x3FB8]  }
0x3d: {  	_ =	shalt  }
0x3e: {  	_ =	shalt  }
0x3f: {  	_ =	shalt  }
0x40: {  	_ =	shalt  }
0x41: {  	_ =	shalt  }
0x42: {  	_ =	shalt  }
0x43: {  	_ =	shalt  }
0x44: {  	_ =	shalt  }
0x45: {  	_ =	shalt  }
0x46: {  	_ =	shalt  }
0x47: {  	_ =	shalt  }
0x48: {  	_ =	shalt  }
0x49: {  	_ =	shalt  }
0x4a: {  	_ =	shalt  }
0x4b: {  	_ =	shalt  }
0x4c: {  	_ =	shalt  }
0x4d: {  	_ =	shalt  }
0x4e: {  	_ =	shalt  }
0x4f: {  	_ =	shalt  }
0x50: {  	_ =	shalt  }
0x51: {  	_ =	shalt  }
0x52: {  	_ =	shalt  }
0x53: {  	_ =	shalt  }
0x54: {  	_ =	shalt  }
0x55: {  	_ =	shalt  }
0x56: {  	_ =	shalt  }
0x57: {  	_ =	shalt  }
0x58: {  	_ =	shalt  }
0x59: {  	_ =	shalt  }
0x5a: {  	_ =	shalt  }
0x5b: {  	_ =	shalt  }
0x5c: {  	_ =	shalt  }
0x5d: {  	_ =	shalt  }
0x5e: {  	_ =	shalt  }
0x5f: {  	_ =	shalt  }
0x60: {  	_ =	shalt  }
0x61: {  	_ =	shalt  }
0x62: {  	_ =	shalt  }
0x63: {  	_ =	shalt  }
0x64: {  	_ =	shalt  }
0x65: {  	_ =	shalt  }
0x66: {  	_ =	shalt  }
0x67: {  	_ =	shalt  }
0x68: {  	_ =	shalt  }
0x69: {  	_ =	shalt  }
0x6a: {  	_ =	shalt  }
0x6b: {  	_ =	shalt  }
0x6c: {  	_ =	shalt  }
0x6d: {  	_ =	shalt  }
0x6e: {  	_ =	shalt  }
0x6f: {  	_ =	shalt  }
0x70: {  	_ =	shalt  }
0x71: {  	_ =	shalt  }
0x72: {  	_ =	shalt  }
0x73: {  	_ =	shalt  }
0x74: {  	_ =	shalt  }
0x75: {  	_ =	shalt  }
0x76: {  	_ =	shalt  }
0x77: {  	_ =	shalt  }
0x78: {  	_ =	shalt  }
0x79: {  	_ =	shalt  }
0x7a: {  	_ =	shalt  }
0x7b: {  	_ =	shalt  }
0x7c: {  	_ =	shalt  }
0x7d: {  	_ =	shalt  }
0x7e: {  	_ =	shalt  }
0x7f: {  	_ =	shalt  }
0x80: {  	_ =	shalt  }
0x81: {  	_ =	shalt  }
0x82: {  	_ =	shalt  }
0x83: {  	_ =	shalt  }
0x84: {  	_ =	shalt  }
0x85: {  	_ =	shalt  }
0x86: {  	_ =	shalt  }
0x87: {  	_ =	shalt  }
.Lfunc_end0:
.L_simem_size_0:
called_computation_lowered:
.L_overlay_start_0:
0x88: {  	s2 =	sld [smem:$0x3FD9]  }
0x89: {  	s3 =	sld [smem:$0x3FFE];
	_ =	sdelay $0x1  }
0x8a: {  	s1 =	srdreg.scid  }
0x8b: {  	s0 =	sand.u32 $0x1, s1  }
0x8c: {  	s17 =	sshll.u32 s0, $0xA;
	s2 =	sadd.s32 s3, s2  }
0x8d: {  	s2 =	sadd.s32 s2, s17  }
0x8e: {  	[smem:$0x3FC4] =	sst s2  }
0x8f: {  	_ = 	snop  }
0x90: {  	s2 =	sld [smem:$0x3FD0];
	(tm) =	ssettm $0x1  }
0x91: {  	s18 =	sld [smem:$0x3FFB];
	_ =	sdelay $0x3  }
0x92: {  	_ =	strace s18  }
0x93: {  	s3 =	sld [smem:$0x3FFC];
	_ =	sdelay $0x3  }
0x94: {  	_ =	strace s3  }
0x95: {  	s3 =	sld [smem:$0x3FFD];
	_ =	sdelay $0x3  }
0x96: {  	_ =	strace s3  }
0x97: {  	_ =	strace $0x8FFFFFFF  }
0x98: {  	s19 =	sld [smem:$0x3FDB];
	_ =	sdelay $0x1  }
0x99: {  	s4 =	simm.s32 $_scs_section_size  }
0x9a: {  	s5 =	simm.s32 $_size__tile_overlayer_lowered;
	s6 =	simm.s32 $_tile_overlayer_lowered  }
0x9b: {  	s22 =	simm.s32 $0x1BFF;
	s21 =	sshll.u32 s6, $0x1;
	s3 =	sadd.s32 s4, s19  }
0x9c: {  	s7 =	simm.s32 $0x0;
	s20 =	sshll.u32 s5, $0x1;
	s5 =	sadd.s32 s21, s3  }
0x9d: {  	[timem:s7], [sflag:s22] =	dma.local [hbm:s5], s20  }
0x9e: {  	_ =	swait.ge [sflag:s22], s20  }
0x9f: {  	s4 =	ssub.s32 $0x0, s20;
	[sflag:s22] =	ssyncset.done $0x0  }
0xa0: {  	[sflag:s22] =	ssyncadd.s32 s4;
	_ =	sdelay $0x1  }
0xa1: {  	s23 =	simm.s32 $0x1B8B  }
0xa2: {  	_ =	swait.ge [sflag:s23], $0x1  }
0xa3: {  	[sflag:s23] =	ssyncset.done $0x0  }
0xa4: {  	s25 =	simm.s32 $0x1B8E;
	s24 =	sld [smem:$0x3FFE];
	[sflag:s23] =	ssyncadd.s32 $0xFFFFFFFF  }
0xa5: {  	s26 =	simm.s32 $execute0_lowered;
	[smem:$0x3FD2] =	sst s25  }
0xa6: {  	s5 =	sshll.u32 s26, $0x1;
	_ =	strace $0x80000046;
	[dreg:$0x1] =	wrdreg $0xFFFFFFFF  }
0xa7: {  	s28 =	simm.s32 $_size_execute0_lowered;
	s3 =	sadd.s32 s3, s5;
	[dreg:$0x0] =	wrdreg $0x0  }
0xa8: {  	s5 =	sshll.u32 s28, $0x1;
	[dreg:$0x2] =	wrdreg s3  }
0xa9: {  	[dreg:$0x3] =	wrdreg s5  }
0xaa: {  	[dreg:$0x4] =	wrdreg $0xC0  }
0xab: {  	_ =	task [dreg:s7], $0x5FFFF  }
0xac: {  	[dreg:$0x1] =	wrdreg $0xFFFFFFFF  }
0xad: {  	[dreg:$0x0] =	wrdreg $0x60  }
0xae: {  	[dreg:$0x2] =	wrdreg s2  }
0xaf: {  	[dreg:$0x3] =	wrdreg s24  }
0xb0: {  	[dreg:$0x4] =	wrdreg $0x9  }
0xb1: {  	_ =	task.clear_ibuf [dreg:s7], $0x5FFFF;
	_ =	strace $0x90000046  }
0xb2: {  	s29 =	simm.s32 $0x9;
	_ =	strace $0x80000048  }
0xb3: {  	_ =	swait.ge [sflag:s29], $0x1  }
0xb4: {  	[sflag:s29] =	ssyncadd.s32 $0xFFFFFFFF  }
0xb5: {  	_ =	strace $0x90000048  }
0xb6: {  	_ =	sfence  }
0xb7: {  	s30 =	sld [smem:$0x0];
	_ =	sdelay $0x2  }
0xb8: {  	s31 =	sshll.u32 s1, $0xD;
	s1 =	sshrl.u32 s1, $0x2  }
0xb9: {  	s3 =	sand.u32 $0x4000, s31;
	s1 =	sadd.s32 s1, s30  }
0xba: {  	s0 =	sor.u32 s3, s0;
	s1 =	sshll.u32 s1, $0x11  }
0xbb: {  	s0 =	sor.u32 s1, s0  }
0xbc: {  	s0 =	sadd.s32 $0x8F2B, s0  }
0xbd: {  	[sflag:s0] =	ssyncadd.remote.s32 $0x1  }
0xbe: {  	_ =	sfence.sel $0xFFFF  }
0xbf: {  	[dreg:$0x0] =	wrdreg $0xFFFFFFFF;
	(pc) =	sbr.abs _section_cstart, $3  }
0xc0: {  	[dreg:$0x1] =	wrdreg $0xFFFFFFFF  }
0xc1: {  	_ =	task.clear_ibuf [dreg:s7], $0x2FFFF;
	_ =	strace $0x9FFFFFFF  }
0xc2: {  	(tm) =	ssettm $0x7FFFFFFF  }
0xc3: {  	_ =	shalt  }
tec
execute0_lowered:
.L_overlay_start_1:
0x0: {  	(tag) =	ssettag $0x1  }
0x1: {  	s1 =	rddreg [dreg:$0x0]  }
0x2: {  	s0 =	rddreg [dreg:$0x1]  }
0x3: {  	s3 =	simm.s32 $0x0;
	s4 =	srdreg.scid;
	s2 =	stileid.u32  }
0x4: {  	s13 =	simm.s32 $0x2;
	s14 =	simm.s32 $0x80;
	s15 =	simm.s32 $0x100  }
0x5: {  	s16 =	simm.s32 $0x180;
	s17 =	simm.s32 $0x200;
	s18 =	simm.s32 $0x4200  }
0x6: {  	s19 =	simm.s32 $0x8200;
	s20 =	simm.s32 $0xC200;
	s21 =	simm.s32 $0x10200  }
0x7: {  	s22 =	simm.s32 $0x1;
	s23 =	simm.s32 $0x11200;
	s24 =	simm.s32 $0x12200  }
0x8: {  	s25 =	simm.s32 $0x13600;
	s26 =	simm.s32 $0x0;
	[smem:$0x7FF] =	sst s3  }
0x9: {  	s6 =	sand.u32 $0x1, s4;
	s5 =	sshll.u32 s2, $0x1;
	s4 =	sadd.s32 $0x2C00, s0  }
0xa: {  	s10 =	sadd.s32 $0x2C30, s0;
	_ =	strace $0x80000047;
	s7 =	sor.u32 s6, s5  }
0xb: {  	s5 =	sadd.s32 $0x6C00, s0;
	s9 =	ssub.s32 $0x2, s6;
	s6 =	sadd.s32 $0x26C00, s0  }
0xc: {  	s8 =	sshll.u32 s7, $0x7;
	s31 =	sshrl.u32 s9, $0x1;
	s7 =	sshll.u32 s7, $0x8  }
0xd: {  	s11 =	sadd.s32 s8, s0;
	s12 =	ssub.s32 s9, s31;
	s8 =	sadd.s32 $0x2C10, s0  }
0xe: {  	v0 =	vimm.f32 $0.0e+00;
	s9 =	sadd.s32 $0x2C20, s0;
	s11 =	sadd.s32 $0x46C00, s11;
	s12 =	smax.u32 s12, $0x1  }
.LBB2_1:
0xf: {  	[tilespmem:$0x13200] =	vst v0  }
0x10: {  	[tilespmem:$0x13280] =	vst v0  }
0x11: {  	[tilespmem:$0x13300] =	vst v0  }
0x12: {  	[tilespmem:$0x13380] =	vst v0  }
0x13: {  	[tilespmem:$0x13400] =	vst v0  }
0x14: {  	[tilespmem:$0x13480] =	vst v0  }
0x15: {  	[tilespmem:$0x13500] =	vst v0  }
0x16: {  	[tilespmem:$0x13580] =	vst v0;
	s28 =	simm.s32 $0x0  }
.LBB2_2:
0x17: {  	s0 =	sshll.u32 s28, $0x5  }
0x18: {  	s0 =	sadd.s32 s7, s0  }
0x19: {  	s29 =	sshll.u32 s0, $0x1  }
0x1a: {  	s31 =	simm.s32 $0x0;
	s30 =	sadd.s32 s4, s29  }
0x1b: {  	[tilespmem:s31], [sflag:$0x2] =	stream.linear.gather [hbm4b:s30+s31], $0x80, $0x38;
	[tilespmem:$0x13680] =	vst v63  }
0x1c: {  	_ =	swait.ge [sflag:s13], $0x80  }
0x1d: {  	[sflag:s13] =	ssyncset.done $0x0  }
0x1e: {  	s30 =	sadd.s32 s29, s8;
	[sflag:s13] =	ssyncadd.s32 $0xFFFFFF80  }
0x1f: {  	[tilespmem:s14], [sflag:$0x2] =	stream.linear.gather [hbm4b:s30+s31], $0x80, $0x38;
	[tilespmem:$0x13680] =	vst v63  }
0x20: {  	_ =	swait.ge [sflag:s13], $0x80  }
0x21: {  	[sflag:s13] =	ssyncset.done $0x0  }
0x22: {  	s30 =	sadd.s32 s29, s9;
	[sflag:s13] =	ssyncadd.s32 $0xFFFFFF80  }
0x23: {  	[tilespmem:s15], [sflag:$0x2] =	stream.linear.gather [hbm4b:s30+s31], $0x80, $0x38;
	[tilespmem:$0x13680] =	vst v63  }
0x24: {  	_ =	swait.ge [sflag:s13], $0x80  }
0x25: {  	[sflag:s13] =	ssyncset.done $0x0  }
0x26: {  	s29 =	sadd.s32 s29, s10;
	[sflag:s13] =	ssyncadd.s32 $0xFFFFFF80  }
0x27: {  	[tilespmem:s16], [sflag:$0x2] =	stream.linear.gather [hbm4b:s29+s31], $0x80, $0x38;
	[tilespmem:$0x13680] =	vst v63  }
0x28: {  	_ =	swait.ge [sflag:s13], $0x80  }
0x29: {  	[sflag:s13] =	ssyncset.done $0x0  }
0x2a: {  	[sflag:s13] =	ssyncadd.s32 $0xFFFFFF80  }
0x2b: {  	[tilespmem:s17], [sflag:$0x1] =	stream.indirect.gather [hbm4b:s1+s14], $0x80, s31, s14, $0xb8;
	[tilespmem:$0x13680] =	vst v63  }
0x2c: {  	_ = 	snop  }
0x2d: {  	[tilespmem:s18], [sflag:$0x1] =	stream.indirect.gather [hbm4b:s1+s14], $0x80, s14, s14, $0xb8;
	[tilespmem:$0x13680] =	vst v63  }
0x2e: {  	_ = 	snop  }
0x2f: {  	[tilespmem:s19], [sflag:$0x1] =	stream.indirect.gather [hbm4b:s1+s14], $0x80, s15, s14, $0xb8;
	[tilespmem:$0x13680] =	vst v63  }
0x30: {  	s29 =	sshll.u32 s0, $0x4  }
0x31: {  	[tilespmem:s20], [sflag:$0x1] =	stream.indirect.gather [hbm4b:s1+s14], $0x80, s16, s14, $0xb8;
	[tilespmem:$0x13680] =	vst v63  }
0x32: {  	s0 =	sadd.s32 s1, s29  }
0x33: {  	[tilespmem:s21], [sflag:$0x2] =	stream.linear.gather [hbm4b:s0+s31], $0x1000, $0x38;
	[tilespmem:$0x13680] =	vst v63  }
0x34: {  	_ =	swait.ge [sflag:s13], $0x1000  }
0x35: {  	[sflag:s13] =	ssyncset.done $0x0  }
0x36: {  	[sflag:s13] =	ssyncadd.s32 $0xFFFFF000  }
0x37: {  	_ =	swait.ge [sflag:s22], $0x4000  }
0x38: {  	[sflag:s22] =	ssyncset.done $0x0  }
0x39: {  	[sflag:s22] =	ssyncadd.s32 $0xFFFFC000  }
0x3a: {  	_ =	swait.ge [sflag:s22], $0x4000  }
0x3b: {  	[sflag:s22] =	ssyncset.done $0x0  }
0x3c: {  	[sflag:s22] =	ssyncadd.s32 $0xFFFFC000  }
0x3d: {  	_ =	swait.ge [sflag:s22], $0x4000  }
0x3e: {  	[sflag:s22] =	ssyncset.done $0x0  }
0x3f: {  	[sflag:s22] =	ssyncadd.s32 $0xFFFFC000  }
0x40: {  	_ =	swait.ge [sflag:s22], $0x4000  }
0x41: {  	[sflag:s22] =	ssyncset.done $0x0  }
0x42: {  	s30 =	simm.s32 $0x600;
	[sflag:s22] =	ssyncadd.s32 $0xFFFFC000  }
0x43: {  	v1 =	vld [tilespmem:s30+$0xFFFFFC00]  }
0x44: {  	v2 =	vld [tilespmem:s30+$0xFFFFFC80]  }
0x45: {  	v3 =	vld [tilespmem:s30+$0xFFFFFD00]  }
0x46: {  	v4 =	vld [tilespmem:s30+$0xFFFFFD80]  }
0x47: {  	v8 =	vld [tilespmem:s30+$0xFFFFFE00]  }
0x48: {  	v10 =	vld [tilespmem:s30+$0xFFFFFE80]  }
0x49: {  	v11 =	vld [tilespmem:s30+$0x0];
	v5 =	vmul.f32 v1, v1;
	v6 =	vmul.f32 v2, v2  }
0x4a: {  	v52 =	vld [tilespmem:s30+$0x100];
	v7 =	vadd.f32 v2, v1  }
0x4b: {  	v5 =	vadd.f32 v6, v5;
	v6 =	vmul.f32 v3, v3  }
0x4c: {  	v53 =	vld [tilespmem:s30+$0x180];
	v9 =	vmax.f32 v1, v2;
	v7 =	vadd.f32 v3, v7  }
0x4d: {  	v1 =	vmin.f32 v1, v2;
	v5 =	vadd.f32 v6, v5;
	v6 =	vmul.f32 v4, v4  }
0x4e: {  	v2 =	vld [tilespmem:s30+$0xFFFFFF00];
	v12 =	vmul.f32 v8, v8;
	v13 =	vmul.f32 v10, v10;
	v7 =	vadd.f32 v4, v7  }
0x4f: {  	v57 =	vmul.f32 v11, v11;
	v59 =	vmul.f32 v52, v52;
	v5 =	vadd.f32 v6, v5  }
0x50: {  	v9 =	vmax.f32 v9, v3;
	v1 =	vmin.f32 v1, v3;
	v3 =	vld [tilespmem:s30+$0xFFFFFF80];
	v7 =	vadd.f32 v8, v7  }
0x51: {  	v60 =	vmul.f32 v53, v53;
	v1 =	vmin.f32 v1, v4;
	v5 =	vadd.f32 v12, v5  }
0x52: {  	v54 =	vld [tilespmem:s30+$0x200];
	v1 =	vmin.f32 v1, v8;
	v4 =	vmax.f32 v9, v4;
	v7 =	vadd.f32 v10, v7  }
0x53: {  	v1 =	vmin.f32 v1, v10;
	v14 =	vmul.f32 v2, v2;
	v6 =	vld [tilespmem:s30+$0x80];
	v5 =	vadd.f32 v13, v5  }
0x54: {  	v4 =	vmax.f32 v4, v8;
	v1 =	vmin.f32 v1, v2;
	v7 =	vadd.f32 v2, v7  }
0x55: {  	v4 =	vmax.f32 v4, v10;
	v56 =	vmul.f32 v3, v3;
	v5 =	vadd.f32 v14, v5  }
0x56: {  	v1 =	vmin.f32 v1, v3;
	v2 =	vmax.f32 v4, v2;
	v4 =	vadd.f32 v3, v7  }
0x57: {  	v61 =	vmul.f32 v54, v54;
	v1 =	vmin.f32 v1, v11;
	v5 =	vadd.f32 v56, v5  }
0x58: {  	v55 =	vld [tilespmem:s30+$0x280];
	v1 =	vmin.f32 v1, v6;
	v2 =	vmax.f32 v2, v3;
	v3 =	vadd.f32 v11, v4  }
0x59: {  	v58 =	vmul.f32 v6, v6;
	v7 =	vld [tilespmem:s30+$0x300];
	v2 =	vmax.f32 v2, v11;
	v5 =	vadd.f32 v57, v5  }
0x5a: {  	s0 =	simm.s32 $0x0;
	v1 =	vmin.f32 v1, v52;
	v2 =	vmax.f32 v2, v6;
	v4 =	vld [tilespmem:s30+$0x380];
	v3 =	vadd.f32 v6, v3  }
0x5b: {  	v1 =	vmin.f32 v1, v53;
	v2 =	vmax.f32 v2, v52;
	v6 =	vld [tilespmem:s0+$0x10240];
	v5 =	vadd.f32 v58, v5  }
0x5c: {  	v1 =	vmin.f32 v1, v54;
	v2 =	vmax.f32 v2, v53;
	v3 =	vadd.f32 v52, v3  }
0x5d: {  	v1 =	vmin.f32 v1, v55;
	v2 =	vmax.f32 v2, v54;
	v5 =	vadd.f32 v59, v5  }
0x5e: {  	v1 =	vmin.f32 v1, v7;
	v2 =	vmax.f32 v2, v55;
	v3 =	vadd.f32 v53, v3  }
0x5f: {  	v2 =	vmax.f32 v2, v7;
	v1 =	vmin.f32 v1, v4;
	v5 =	vadd.f32 v60, v5  }
0x60: {  	v2 =	vmax.f32 v2, v4;
	v1 =	vadd.f32 v6, v1;
	v3 =	vadd.f32 v54, v3  }
0x61: {  	v62 =	vmul.f32 v55, v55;
	v2 =	vadd.f32 v6, v2;
	v5 =	vadd.f32 v61, v5  }
0x62: {  	[tilespmem:s0+$0x12200] =	vst v1;
	v3 =	vadd.f32 v55, v3  }
0x63: {  	[tilespmem:s0+$0x11200] =	vst v2;
	v1 =	vadd.f32 v62, v5;
	v5 =	vmul.f32 v7, v7  }
0x64: {  	v2 =	vadd.f32 v7, v3;
	v3 =	vld [tilespmem:$0x13400]  }
0x65: {  	v7 =	vld [tilespmem:$0x13200];
	v1 =	vadd.f32 v5, v1;
	v5 =	vmul.f32 v4, v4  }
0x66: {  	v2 =	vadd.f32 v4, v2  }
0x67: {  	v4 =	vadd.f32 v6, v6;
	v1 =	vadd.f32 v5, v1;
	_ =	sdelay $0x1  }
0x68: {  	v5 =	vmul.f32 $1.600000000e+01, v6;
	v1 =	vadd.f32 v3, v1;
	v3 =	vmul.f32 v4, v2  }
0x69: {  	v2 =	vadd.f32 v7, v2  }
0x6a: {  	v1 =	vadd.f32 v1, v3;
	v3 =	vmul.f32 v5, v6  }
0x6b: {  	v2 =	vadd.f32 v2, v5  }
0x6c: {  	v1 =	vadd.f32 v1, v3  }
0x6d: {  	[tilespmem:$0x13200] =	vst v2  }
0x6e: {  	[tilespmem:$0x13400] =	vst v1  }
0x6f: {  	v1 =	vld [tilespmem:s30+$0xFFFFFC10]  }
0x70: {  	v2 =	vld [tilespmem:s30+$0xFFFFFC90];
	_ =	sdelay $0x1  }
0x71: {  	v3 =	vld [tilespmem:s30+$0xFFFFFD10]  }
0x72: {  	v4 =	vld [tilespmem:s30+$0xFFFFFD90]  }
0x73: {  	v63 =	vld [tilespmem:s30+$0xFFFFFE10]  }
0x74: {  	v5 =	vmul.f32 v1, v1;
	v6 =	vmul.f32 v2, v2  }
0x75: {  	v16 =	vld [tilespmem:s30+$0xFFFFFE90];
	v7 =	vadd.f32 v2, v1  }
0x76: {  	v18 =	vld [tilespmem:s30+$0x10];
	v5 =	vadd.f32 v6, v5;
	v6 =	vmul.f32 v3, v3  }
0x77: {  	v15 =	vmax.f32 v1, v2;
	v1 =	vmin.f32 v1, v2;
	v7 =	vadd.f32 v3, v7  }
0x78: {  	v2 =	vld [tilespmem:s30+$0xFFFFFF10];
	v17 =	vmul.f32 v63, v63;
	v5 =	vadd.f32 v6, v5;
	v6 =	vmul.f32 v4, v4  }
0x79: {  	v9 =	vmax.f32 v15, v3;
	v1 =	vmin.f32 v1, v3;
	v3 =	vadd.f32 v4, v7  }
0x7a: {  	v19 =	vmul.f32 v16, v16;
	v1 =	vmin.f32 v1, v4;
	v7 =	vld [tilespmem:s30+$0xFFFFFF90];
	v5 =	vadd.f32 v6, v5  }
0x7b: {  	v26 =	vmul.f32 v18, v18;
	v1 =	vmin.f32 v1, v63;
	v3 =	vadd.f32 v63, v3  }
0x7c: {  	v4 =	vmax.f32 v9, v4;
	v1 =	vmin.f32 v1, v16;
	v6 =	vld [tilespmem:s30+$0x90];
	v5 =	vadd.f32 v17, v5  }
0x7d: {  	v20 =	vld [tilespmem:s30+$0x110];
	v4 =	vmax.f32 v4, v63;
	v1 =	vmin.f32 v1, v2;
	v3 =	vadd.f32 v16, v3  }
0x7e: {  	v21 =	vld [tilespmem:s30+$0x190];
	v22 =	vmul.f32 v2, v2;
	v4 =	vmax.f32 v4, v16;
	v5 =	vadd.f32 v19, v5  }
0x7f: {  	v23 =	vld [tilespmem:s30+$0x210];
	v1 =	vmin.f32 v1, v7;
	v25 =	vmul.f32 v7, v7;
	v3 =	vadd.f32 v2, v3  }
0x80: {  	v24 =	vld [tilespmem:s30+$0x290];
	v1 =	vmin.f32 v1, v18;
	v2 =	vmax.f32 v4, v2;
	v5 =	vadd.f32 v22, v5  }
0x81: {  	v1 =	vmin.f32 v1, v6;
	v2 =	vmax.f32 v2, v7;
	v3 =	vadd.f32 v7, v3  }
0x82: {  	v4 =	vld [tilespmem:s30+$0x310];
	v1 =	vmin.f32 v1, v20;
	v2 =	vmax.f32 v2, v18;
	v5 =	vadd.f32 v25, v5  }
0x83: {  	v27 =	vmul.f32 v6, v6;
	v1 =	vmin.f32 v1, v21;
	v2 =	vmax.f32 v2, v6  }
0x84: {  	v7 =	vld [tilespmem:s30+$0x390];
	v3 =	vadd.f32 v18, v3;
	v1 =	vmin.f32 v1, v23;
	v5 =	vadd.f32 v26, v5  }
0x85: {  	v28 =	vmul.f32 v20, v20;
	v2 =	vmax.f32 v2, v20;
	v1 =	vmin.f32 v1, v24  }
0x86: {  	v2 =	vmax.f32 v2, v21;
	v3 =	vadd.f32 v6, v3;
	v6 =	vld [tilespmem:s0+$0x10250];
	v5 =	vadd.f32 v27, v5  }
0x87: {  	v29 =	vmul.f32 v21, v21;
	v1 =	vmin.f32 v1, v4;
	v2 =	vmax.f32 v2, v23  }
0x88: {  	v2 =	vmax.f32 v2, v24;
	v3 =	vadd.f32 v20, v3;
	v5 =	vadd.f32 v28, v5  }
0x89: {  	v30 =	vmul.f32 v23, v23;
	v1 =	vmin.f32 v1, v7;
	v2 =	vmax.f32 v2, v4  }
0x8a: {  	v2 =	vmax.f32 v2, v7;
	v3 =	vadd.f32 v21, v3;
	v5 =	vadd.f32 v29, v5  }
0x8b: {  	v1 =	vadd.f32 v6, v1;
	v2 =	vadd.f32 v6, v2  }
0x8c: {  	v31 =	vmul.f32 v24, v24;
	v3 =	vadd.f32 v23, v3;
	v5 =	vadd.f32 v30, v5  }
0x8d: {  	[tilespmem:s0+$0x12210] =	vst v1  }
0x8e: {  	[tilespmem:s0+$0x11210] =	vst v2;
	v1 =	vadd.f32 v24, v3;
	v3 =	vadd.f32 v31, v5;
	v5 =	vmul.f32 v4, v4  }
0x8f: {  	v2 =	vld [tilespmem:$0x13480]  }
0x90: {  	v1 =	vadd.f32 v4, v1;
	v4 =	vmul.f32 v7, v7;
	v3 =	vadd.f32 v5, v3;
	v5 =	vld [tilespmem:$0x13280]  }
0x91: {  	v32 =	vadd.f32 v6, v6  }
0x92: {  	v1 =	vadd.f32 v7, v1;
	v3 =	vadd.f32 v4, v3;
	_ =	sdelay $0x1  }
0x93: {  	v4 =	vmul.f32 $1.600000000e+01, v6;
	v2 =	vadd.f32 v2, v3;
	v3 =	vmul.f32 v32, v1  }
0x94: {  	v1 =	vadd.f32 v5, v1  }
0x95: {  	v2 =	vadd.f32 v2, v3;
	v3 =	vmul.f32 v4, v6  }
0x96: {  	v1 =	vadd.f32 v1, v4  }
0x97: {  	v2 =	vadd.f32 v2, v3  }
0x98: {  	[tilespmem:$0x13280] =	vst v1  }
0x99: {  	[tilespmem:$0x13480] =	vst v2  }
0x9a: {  	v1 =	vld [tilespmem:s30+$0xFFFFFC20]  }
0x9b: {  	v2 =	vld [tilespmem:s30+$0xFFFFFCA0];
	_ =	sdelay $0x1  }
0x9c: {  	v3 =	vld [tilespmem:s30+$0xFFFFFD20];
	_ =	sdelay $0x1  }
0x9d: {  	v4 =	vld [tilespmem:s30+$0xFFFFFDA0]  }
0x9e: {  	v7 =	vld [tilespmem:s30+$0xFFFFFE20];
	v5 =	vmul.f32 v1, v1;
	v6 =	vmul.f32 v2, v2  }
0x9f: {  	v36 =	vld [tilespmem:s30+$0xFFFFFF20];
	v33 =	vadd.f32 v2, v1  }
0xa0: {  	v38 =	vld [tilespmem:s30+$0xFFFFFFA0];
	v34 =	vmul.f32 v3, v3;
	v5 =	vadd.f32 v6, v5  }
0xa1: {  	v35 =	vmax.f32 v1, v2;
	v6 =	vld [tilespmem:s30+$0xFFFFFEA0];
	v8 =	vadd.f32 v3, v33  }
0xa2: {  	v41 =	vld [tilespmem:s30+$0x120];
	v1 =	vmin.f32 v1, v2;
	v2 =	vmul.f32 v4, v4;
	v5 =	vadd.f32 v34, v5  }
0xa3: {  	v10 =	vmax.f32 v35, v3;
	v1 =	vmin.f32 v1, v3;
	v3 =	vadd.f32 v4, v8  }
0xa4: {  	v39 =	vmul.f32 v7, v7;
	v42 =	vmul.f32 v36, v36;
	v2 =	vadd.f32 v2, v5  }
0xa5: {  	v45 =	vmul.f32 v38, v38;
	v37 =	vmax.f32 v10, v4;
	v3 =	vadd.f32 v7, v3  }
0xa6: {  	v1 =	vmin.f32 v1, v4;
	v4 =	vld [tilespmem:s30+$0x20];
	v40 =	vmul.f32 v6, v6;
	v2 =	vadd.f32 v39, v2  }
0xa7: {  	v49 =	vmul.f32 v41, v41;
	v5 =	vmax.f32 v37, v7;
	v3 =	vadd.f32 v6, v3  }
0xa8: {  	v1 =	vmin.f32 v1, v7;
	v7 =	vld [tilespmem:s30+$0xA0];
	v5 =	vmax.f32 v5, v6;
	v2 =	vadd.f32 v40, v2  }
0xa9: {  	v1 =	vmin.f32 v1, v6;
	v5 =	vmax.f32 v5, v36;
	v3 =	vadd.f32 v36, v3  }
0xaa: {  	v6 =	vld [tilespmem:s30+$0x1A0];
	v1 =	vmin.f32 v1, v36;
	v5 =	vmax.f32 v5, v38;
	v2 =	vadd.f32 v42, v2  }
0xab: {  	v1 =	vmin.f32 v1, v38;
	v47 =	vmul.f32 v4, v4;
	v3 =	vadd.f32 v38, v3  }
0xac: {  	v43 =	vld [tilespmem:s30+$0x220];
	v5 =	vmax.f32 v5, v4;
	v1 =	vmin.f32 v1, v4;
	v2 =	vadd.f32 v45, v2  }
0xad: {  	v44 =	vld [tilespmem:s30+$0x2A0];
	v5 =	vmax.f32 v5, v7;
	v48 =	vmul.f32 v7, v7;
	v3 =	vadd.f32 v4, v3  }
0xae: {  	v46 =	vld [tilespmem:s30+$0x320];
	v1 =	vmin.f32 v1, v7;
	v5 =	vmax.f32 v5, v41;
	v2 =	vadd.f32 v47, v2  }
0xaf: {  	v1 =	vmin.f32 v1, v41;
	v5 =	vmax.f32 v5, v6;
	v4 =	vld [tilespmem:s30+$0x3A0];
	v3 =	vadd.f32 v7, v3  }
0xb0: {  	v1 =	vmin.f32 v1, v6;
	v50 =	vmul.f32 v6, v6;
	v7 =	vld [tilespmem:s0+$0x10260];
	v2 =	vadd.f32 v48, v2  }
0xb1: {  	v5 =	vmax.f32 v5, v43;
	v1 =	vmin.f32 v1, v43;
	v3 =	vadd.f32 v41, v3  }
0xb2: {  	v5 =	vmax.f32 v5, v44;
	v1 =	vmin.f32 v1, v44;
	v2 =	vadd.f32 v49, v2  }
0xb3: {  	v5 =	vmax.f32 v5, v46;
	v1 =	vmin.f32 v1, v46;
	v3 =	vadd.f32 v6, v3  }
0xb4: {  	v5 =	vmax.f32 v5, v4;
	v6 =	vmul.f32 v43, v43;
	v2 =	vadd.f32 v50, v2  }
0xb5: {  	v1 =	vmin.f32 v1, v4;
	v5 =	vadd.f32 v7, v5;
	v3 =	vadd.f32 v43, v3  }
0xb6: {  	v1 =	vadd.f32 v7, v1;
	v2 =	vadd.f32 v6, v2;
	v6 =	vmul.f32 v44, v44  }
0xb7: {  	[tilespmem:s0+$0x11220] =	vst v5;
	v3 =	vadd.f32 v44, v3  }
0xb8: {  	[tilespmem:s0+$0x12220] =	vst v1;
	v1 =	vadd.f32 v6, v2;
	v2 =	vmul.f32 v46, v46  }
0xb9: {  	v5 =	vld [tilespmem:$0x13500];
	v3 =	vadd.f32 v46, v3  }
0xba: {  	v6 =	vld [tilespmem:$0x13300];
	v1 =	vadd.f32 v2, v1;
	v2 =	vmul.f32 v4, v4  }
0xbb: {  	v3 =	vadd.f32 v4, v3  }
0xbc: {  	v1 =	vadd.f32 v2, v1;
	v2 =	vadd.f32 v7, v7;
	_ =	sdelay $0x1  }
0xbd: {  	v4 =	vmul.f32 $1.600000000e+01, v7;
	v1 =	vadd.f32 v5, v1;
	v2 =	vmul.f32 v2, v3  }
0xbe: {  	v3 =	vadd.f32 v6, v3  }
0xbf: {  	v5 =	vmul.f32 v4, v7;
	v1 =	vadd.f32 v1, v2  }
0xc0: {  	v2 =	vadd.f32 v3, v4  }
0xc1: {  	v1 =	vadd.f32 v1, v5  }
0xc2: {  	[tilespmem:$0x13300] =	vst v2  }
0xc3: {  	[tilespmem:$0x13500] =	vst v1  }
0xc4: {  	v1 =	vld [tilespmem:s30+$0xFFFFFC30]  }
0xc5: {  	v2 =	vld [tilespmem:s30+$0xFFFFFCB0]  }
0xc6: {  	v3 =	vld [tilespmem:s30+$0xFFFFFD30]  }
0xc7: {  	v4 =	vld [tilespmem:s30+$0xFFFFFDB0]  }
0xc8: {  	v5 =	vld [tilespmem:s30+$0xFFFFFE30]  }
0xc9: {  	v51 =	vld [tilespmem:s30+$0xFFFFFEB0]  }
0xca: {  	v56 =	vld [tilespmem:s30+$0xB0];
	v6 =	vmul.f32 v1, v1;
	v7 =	vmul.f32 v2, v2  }
0xcb: {  	v57 =	vld [tilespmem:s30+$0x130];
	v52 =	vadd.f32 v2, v1  }
0xcc: {  	v60 =	vld [tilespmem:s30+$0x1B0];
	v53 =	vmax.f32 v1, v2;
	v6 =	vadd.f32 v7, v6;
	v7 =	vmul.f32 v3, v3  }
0xcd: {  	v16 =	vld [tilespmem:s30+$0x230];
	v1 =	vmin.f32 v1, v2;
	v2 =	vmax.f32 v53, v3;
	v9 =	vadd.f32 v3, v52  }
0xce: {  	v1 =	vmin.f32 v1, v3;
	v6 =	vadd.f32 v7, v6;
	v7 =	vmul.f32 v4, v4  }
0xcf: {  	v54 =	vld [tilespmem:s30+$0xFFFFFF30];
	v2 =	vmax.f32 v2, v4;
	v1 =	vmin.f32 v1, v4;
	v4 =	vadd.f32 v4, v9  }
0xd0: {  	v59 =	vmul.f32 v56, v56;
	v6 =	vadd.f32 v7, v6;
	v7 =	vmul.f32 v5, v5  }
0xd1: {  	v55 =	vld [tilespmem:s30+$0xFFFFFFB0];
	v15 =	vmul.f32 v57, v57;
	v62 =	vmul.f32 v60, v60;
	v4 =	vadd.f32 v5, v4  }
0xd2: {  	v63 =	vmul.f32 v16, v16;
	v6 =	vadd.f32 v7, v6;
	v7 =	vmul.f32 v51, v51  }
0xd3: {  	v3 =	vld [tilespmem:s30+$0x30];
	v2 =	vmax.f32 v2, v5;
	v1 =	vmin.f32 v1, v5;
	v4 =	vadd.f32 v51, v4  }
0xd4: {  	v2 =	vmax.f32 v2, v51;
	v6 =	vadd.f32 v7, v6;
	v7 =	vmul.f32 v54, v54  }
0xd5: {  	v1 =	vmin.f32 v1, v51;
	v2 =	vmax.f32 v2, v54;
	v4 =	vadd.f32 v54, v4  }
0xd6: {  	v1 =	vmin.f32 v1, v54;
	v5 =	vmul.f32 v55, v55;
	v6 =	vadd.f32 v7, v6  }
0xd7: {  	v2 =	vmax.f32 v2, v55;
	v1 =	vmin.f32 v1, v55;
	v4 =	vadd.f32 v55, v4  }
0xd8: {  	v58 =	vmul.f32 v3, v3;
	v2 =	vmax.f32 v2, v3;
	v7 =	vld [tilespmem:s30+$0x2B0];
	v5 =	vadd.f32 v5, v6  }
0xd9: {  	v61 =	vld [tilespmem:s30+$0x330];
	v1 =	vmin.f32 v1, v3;
	v2 =	vmax.f32 v2, v56;
	v3 =	vadd.f32 v3, v4  }
0xda: {  	v1 =	vmin.f32 v1, v56;
	v2 =	vmax.f32 v2, v57;
	v4 =	vld [tilespmem:s30+$0x3B0];
	v5 =	vadd.f32 v58, v5  }
0xdb: {  	v1 =	vmin.f32 v1, v57;
	v2 =	vmax.f32 v2, v60;
	v6 =	vld [tilespmem:s0+$0x10270];
	v3 =	vadd.f32 v56, v3  }
0xdc: {  	v1 =	vmin.f32 v1, v60;
	v2 =	vmax.f32 v2, v16;
	v5 =	vadd.f32 v59, v5  }
0xdd: {  	v1 =	vmin.f32 v1, v16;
	v2 =	vmax.f32 v2, v7;
	v3 =	vadd.f32 v57, v3  }
0xde: {  	v1 =	vmin.f32 v1, v7;
	v2 =	vmax.f32 v2, v61;
	v5 =	vadd.f32 v15, v5  }
0xdf: {  	v1 =	vmin.f32 v1, v61;
	v2 =	vmax.f32 v2, v4;
	v3 =	vadd.f32 v60, v3  }
0xe0: {  	v1 =	vmin.f32 v1, v4;
	v2 =	vadd.f32 v6, v2;
	v5 =	vadd.f32 v62, v5  }
0xe1: {  	v1 =	vadd.f32 v6, v1;
	v3 =	vadd.f32 v16, v3  }
0xe2: {  	[tilespmem:s0+$0x11230] =	vst v2;
	v2 =	vadd.f32 v63, v5;
	v5 =	vmul.f32 v7, v7  }
0xe3: {  	[tilespmem:s0+$0x12230] =	vst v1;
	v1 =	vadd.f32 v7, v3  }
0xe4: {  	v3 =	vld [tilespmem:$0x13380];
	v2 =	vadd.f32 v5, v2;
	v5 =	vmul.f32 v61, v61  }
0xe5: {  	v7 =	vld [tilespmem:$0x13580];
	v1 =	vadd.f32 v61, v1  }
0xe6: {  	v2 =	vadd.f32 v5, v2;
	v5 =	vmul.f32 v4, v4  }
0xe7: {  	v4 =	vadd.f32 v4, v1  }
0xe8: {  	v1 =	vadd.f32 v5, v2  }
0xe9: {  	v2 =	vadd.f32 v3, v4;
	v3 =	vmul.f32 $1.600000000e+01, v6;
	v5 =	vadd.f32 v6, v6  }
0xea: {  	v1 =	vadd.f32 v7, v1  }
0xeb: {  	s31 =	simm.s32 $0x200;
	v2 =	vadd.f32 v2, v3;
	v4 =	vmul.f32 v5, v4;
	v3 =	vmul.f32 v3, v6  }
.LBB2_3:
0xec: {  	p0 =	sne.s32 s31, $0x3E00  }
0xed: {  	s30 =	sadd.s32 $0x800, s30;
	s0 =	smov.u32 s31;
	s31 =	sadd.s32 $0x200, s31  }
0xee: {  	[tilespmem:$0x13380] =	vst v2;
	v1 =	vadd.f32 v1, v4;
	_ =	sdelay $0x1  }
0xef: {  	v1 =	vadd.f32 v1, v3;
	_ =	sdelay $0x1  }
0xf0: {  	[tilespmem:$0x13580] =	vst v1;
	_ =	sdelay $0x2  }
0xf1: {  	v1 =	vld [tilespmem:s30+$0xFFFFFC00]  }
0xf2: {  	v2 =	vld [tilespmem:s30+$0xFFFFFC80];
	_ =	sdelay $0x1  }
0xf3: {  	v3 =	vld [tilespmem:s30+$0xFFFFFD00];
	_ =	sdelay $0x1  }
0xf4: {  	v4 =	vld [tilespmem:s30+$0xFFFFFD80]  }
0xf5: {  	v5 =	vmul.f32 v1, v1;
	v6 =	vadd.f32 v2, v1;
	v7 =	vmul.f32 v2, v2;
	v8 =	vld [tilespmem:s30+$0xFFFFFE00]  }
0xf6: {  	v9 =	vmax.f32 v1, v2;
	v1 =	vmin.f32 v1, v2;
	v2 =	vld [tilespmem:s30+$0xFFFFFE80]  }
0xf7: {  	v5 =	vadd.f32 v7, v5;
	v6 =	vadd.f32 v3, v6;
	v7 =	vmul.f32 v3, v3;
	v10 =	vld [tilespmem:s30+$0xFFFFFF00]  }
0xf8: {  	v9 =	vmax.f32 v9, v3;
	v1 =	vmin.f32 v1, v3;
	v3 =	vld [tilespmem:s30+$0xFFFFFF80]  }
0xf9: {  	v5 =	vadd.f32 v7, v5;
	v1 =	vmin.f32 v1, v4;
	v6 =	vadd.f32 v4, v6;
	v7 =	vld [tilespmem:s30+$0x0]  }
0xfa: {  	v9 =	vmax.f32 v9, v4;
	v4 =	vmul.f32 v4, v4;
	v1 =	vmin.f32 v1, v8;
	v11 =	vld [tilespmem:s30+$0x80]  }
0xfb: {  	v12 =	vmul.f32 v8, v8;
	v6 =	vadd.f32 v8, v6;
	v1 =	vmin.f32 v1, v2;
	v13 =	vld [tilespmem:s30+$0x100]  }
0xfc: {  	v4 =	vadd.f32 v4, v5;
	v5 =	vmax.f32 v9, v8;
	v1 =	vmin.f32 v1, v10;
	v8 =	vld [tilespmem:s30+$0x180]  }
0xfd: {  	v9 =	vmul.f32 v2, v2;
	v6 =	vadd.f32 v2, v6;
	v1 =	vmin.f32 v1, v3;
	v14 =	vld [tilespmem:s30+$0x200]  }
0xfe: {  	v4 =	vadd.f32 v12, v4;
	v2 =	vmax.f32 v5, v2;
	v1 =	vmin.f32 v1, v7;
	v5 =	vld [tilespmem:s30+$0x280]  }
0xff: {  	v12 =	vmul.f32 v10, v10;
	v6 =	vadd.f32 v10, v6;
	v1 =	vmin.f32 v1, v11;
	v15 =	vld [tilespmem:s30+$0x300]  }
0x100: {  	s0 =	sshra.s32 s0, $0x2;
	v2 =	vmax.f32 v2, v10;
	v4 =	vadd.f32 v9, v4;
	v1 =	vmin.f32 v1, v13;
	v9 =	vld [tilespmem:s30+$0x380]  }
0x101: {  	v10 =	vmul.f32 v3, v3;
	v6 =	vadd.f32 v3, v6;
	v1 =	vmin.f32 v1, v8;
	v16 =	vld [tilespmem:s0+$0x10240]  }
0x102: {  	v2 =	vmax.f32 v2, v3;
	v4 =	vadd.f32 v12, v4;
	v1 =	vmin.f32 v1, v14  }
0x103: {  	v3 =	vadd.f32 v7, v6;
	v6 =	vmul.f32 v7, v7;
	v1 =	vmin.f32 v1, v5  }
0x104: {  	v2 =	vmax.f32 v2, v7;
	v4 =	vadd.f32 v10, v4;
	v1 =	vmin.f32 v1, v15  }
0x105: {  	v7 =	vmul.f32 v11, v11;
	v3 =	vadd.f32 v11, v3;
	v1 =	vmin.f32 v1, v9  }
0x106: {  	v2 =	vmax.f32 v2, v11;
	v4 =	vadd.f32 v6, v4;
	v1 =	vadd.f32 v16, v1  }
0x107: {  	v2 =	vmax.f32 v2, v13;
	v3 =	vadd.f32 v13, v3  }
0x108: {  	v2 =	vmax.f32 v2, v8;
	v6 =	vmul.f32 v13, v13;
	v4 =	vadd.f32 v7, v4  }
0x109: {  	v2 =	vmax.f32 v2, v14;
	v3 =	vadd.f32 v8, v3  }
0x10a: {  	v2 =	vmax.f32 v2, v5;
	v4 =	vadd.f32 v6, v4;
	v6 =	vmul.f32 v8, v8  }
0x10b: {  	v2 =	vmax.f32 v2, v15;
	v3 =	vadd.f32 v14, v3  }
0x10c: {  	v2 =	vmax.f32 v2, v9;
	v4 =	vadd.f32 v6, v4;
	v6 =	vmul.f32 v14, v14  }
0x10d: {  	v2 =	vadd.f32 v16, v2;
	v3 =	vadd.f32 v5, v3  }
0x10e: {  	v4 =	vadd.f32 v6, v4;
	v5 =	vmul.f32 v5, v5  }
0x10f: {  	v3 =	vadd.f32 v15, v3;
	[tilespmem:s0+$0x12200] =	vst v1  }
0x110: {  	v1 =	vadd.f32 v5, v4;
	v4 =	vmul.f32 v15, v15;
	[tilespmem:s0+$0x11200] =	vst v2  }
0x111: {  	v2 =	vadd.f32 v9, v3;
	v3 =	vld [tilespmem:$0x13400]  }
0x112: {  	v1 =	vadd.f32 v4, v1;
	v4 =	vmul.f32 v9, v9;
	v5 =	vld [tilespmem:$0x13200];
	_ =	sdelay $0x1  }
0x113: {  	v1 =	vadd.f32 v4, v1;
	v4 =	vadd.f32 v16, v16;
	_ =	sdelay $0x1  }
0x114: {  	v6 =	vmul.f32 $1.600000000e+01, v16;
	v1 =	vadd.f32 v3, v1;
	v3 =	vmul.f32 v4, v2  }
0x115: {  	v2 =	vadd.f32 v5, v2  }
0x116: {  	v1 =	vadd.f32 v1, v3;
	v3 =	vmul.f32 v6, v16  }
0x117: {  	v2 =	vadd.f32 v2, v6  }
0x118: {  	v1 =	vadd.f32 v1, v3  }
0x119: {  	[tilespmem:$0x13200] =	vst v2  }
0x11a: {  	[tilespmem:$0x13400] =	vst v1  }
0x11b: {  	v1 =	vld [tilespmem:s30+$0xFFFFFC10]  }
0x11c: {  	v2 =	vld [tilespmem:s30+$0xFFFFFC90];
	_ =	sdelay $0x1  }
0x11d: {  	v3 =	vld [tilespmem:s30+$0xFFFFFD10];
	_ =	sdelay $0x1  }
0x11e: {  	v4 =	vmul.f32 v1, v1;
	v5 =	vld [tilespmem:s30+$0xFFFFFD90]  }
0x11f: {  	v6 =	vmax.f32 v1, v2;
	v7 =	vadd.f32 v2, v1;
	v8 =	vmul.f32 v2, v2;
	v9 =	vld [tilespmem:s30+$0xFFFFFE10]  }
0x120: {  	v1 =	vmin.f32 v1, v2  }
0x121: {  	v2 =	vadd.f32 v8, v4;
	v4 =	vadd.f32 v3, v7;
	v7 =	vmul.f32 v3, v3;
	v8 =	vld [tilespmem:s30+$0xFFFFFE90]  }
0x122: {  	v6 =	vmax.f32 v6, v3;
	v1 =	vmin.f32 v1, v3;
	v3 =	vld [tilespmem:s30+$0xFFFFFF10]  }
0x123: {  	v2 =	vadd.f32 v7, v2;
	v4 =	vadd.f32 v5, v4;
	v7 =	vmul.f32 v5, v5;
	v10 =	vld [tilespmem:s30+$0xFFFFFF90]  }
0x124: {  	v6 =	vmax.f32 v6, v5;
	v1 =	vmin.f32 v1, v5;
	v5 =	vmul.f32 v9, v9;
	v11 =	vld [tilespmem:s30+$0x10]  }
0x125: {  	v1 =	vmin.f32 v1, v9;
	v2 =	vadd.f32 v7, v2;
	v4 =	vadd.f32 v9, v4;
	v7 =	vld [tilespmem:s30+$0x90]  }
0x126: {  	v6 =	vmax.f32 v6, v9;
	v1 =	vmin.f32 v1, v8;
	v9 =	vmul.f32 v8, v8;
	v12 =	vld [tilespmem:s30+$0x110]  }
0x127: {  	v2 =	vadd.f32 v5, v2;
	v4 =	vadd.f32 v8, v4;
	v1 =	vmin.f32 v1, v3;
	v5 =	vld [tilespmem:s30+$0x190]  }
0x128: {  	v6 =	vmax.f32 v6, v8;
	v8 =	vmul.f32 v3, v3;
	v1 =	vmin.f32 v1, v10;
	v13 =	vld [tilespmem:s30+$0x210]  }
0x129: {  	v2 =	vadd.f32 v9, v2;
	v4 =	vadd.f32 v3, v4;
	v1 =	vmin.f32 v1, v11;
	v9 =	vld [tilespmem:s30+$0x290]  }
0x12a: {  	v3 =	vmax.f32 v6, v3;
	v6 =	vmul.f32 v10, v10;
	v1 =	vmin.f32 v1, v7;
	v14 =	vld [tilespmem:s30+$0x310]  }
0x12b: {  	v2 =	vadd.f32 v8, v2;
	v4 =	vadd.f32 v10, v4;
	v1 =	vmin.f32 v1, v12;
	v8 =	vld [tilespmem:s30+$0x390]  }
0x12c: {  	v3 =	vmax.f32 v3, v10;
	v10 =	vmul.f32 v11, v11;
	v1 =	vmin.f32 v1, v5  }
0x12d: {  	v2 =	vadd.f32 v6, v2;
	v4 =	vadd.f32 v11, v4;
	v1 =	vmin.f32 v1, v13;
	v6 =	vld [tilespmem:s0+$0x10250]  }
0x12e: {  	v3 =	vmax.f32 v3, v11;
	v11 =	vmul.f32 v7, v7;
	v1 =	vmin.f32 v1, v9  }
0x12f: {  	v2 =	vadd.f32 v10, v2;
	v4 =	vadd.f32 v7, v4;
	v1 =	vmin.f32 v1, v14  }
0x130: {  	v3 =	vmax.f32 v3, v7;
	v7 =	vmul.f32 v12, v12;
	v1 =	vmin.f32 v1, v8  }
0x131: {  	v3 =	vmax.f32 v3, v12;
	v2 =	vadd.f32 v11, v2;
	v4 =	vadd.f32 v12, v4  }
0x132: {  	v3 =	vmax.f32 v3, v5;
	v10 =	vmul.f32 v5, v5;
	v1 =	vadd.f32 v6, v1  }
0x133: {  	v3 =	vmax.f32 v3, v13;
	v2 =	vadd.f32 v7, v2;
	v4 =	vadd.f32 v5, v4  }
0x134: {  	v3 =	vmax.f32 v3, v9;
	v5 =	vmul.f32 v13, v13;
	[tilespmem:s0+$0x12210] =	vst v1  }
0x135: {  	v3 =	vmax.f32 v3, v14;
	v1 =	vadd.f32 v10, v2;
	v2 =	vadd.f32 v13, v4  }
0x136: {  	v3 =	vmax.f32 v3, v8  }
0x137: {  	v3 =	vadd.f32 v6, v3;
	v4 =	vmul.f32 v9, v9;
	v1 =	vadd.f32 v5, v1  }
0x138: {  	v2 =	vadd.f32 v9, v2  }
0x139: {  	v1 =	vadd.f32 v4, v1;
	v4 =	vmul.f32 v14, v14;
	[tilespmem:s0+$0x11210] =	vst v3  }
0x13a: {  	v2 =	vadd.f32 v14, v2;
	v3 =	vld [tilespmem:$0x13480]  }
0x13b: {  	v1 =	vadd.f32 v4, v1;
	v4 =	vmul.f32 v8, v8;
	v5 =	vld [tilespmem:$0x13280]  }
0x13c: {  	v7 =	vadd.f32 v6, v6  }
0x13d: {  	v2 =	vadd.f32 v8, v2;
	v1 =	vadd.f32 v4, v1;
	_ =	sdelay $0x1  }
0x13e: {  	v4 =	vmul.f32 $1.600000000e+01, v6;
	v1 =	vadd.f32 v3, v1;
	v3 =	vmul.f32 v7, v2  }
0x13f: {  	v2 =	vadd.f32 v5, v2  }
0x140: {  	v1 =	vadd.f32 v1, v3;
	v3 =	vmul.f32 v4, v6  }
0x141: {  	v2 =	vadd.f32 v2, v4  }
0x142: {  	v1 =	vadd.f32 v1, v3  }
0x143: {  	[tilespmem:$0x13280] =	vst v2  }
0x144: {  	[tilespmem:$0x13480] =	vst v1  }
0x145: {  	v1 =	vld [tilespmem:s30+$0xFFFFFC20]  }
0x146: {  	v2 =	vld [tilespmem:s30+$0xFFFFFCA0]  }
0x147: {  	v3 =	vld [tilespmem:s30+$0xFFFFFD20]  }
0x148: {  	v4 =	vld [tilespmem:s30+$0xFFFFFDA0]  }
0x149: {  	v5 =	vld [tilespmem:s30+$0xFFFFFE20]  }
0x14a: {  	v6 =	vld [tilespmem:s30+$0xFFFFFEA0]  }
0x14b: {  	v7 =	vmul.f32 v1, v1;
	v8 =	vadd.f32 v2, v1;
	v9 =	vmul.f32 v2, v2;
	v10 =	vld [tilespmem:s30+$0xFFFFFF20]  }
0x14c: {  	v11 =	vmax.f32 v1, v2;
	v1 =	vmin.f32 v1, v2;
	v2 =	vmul.f32 v3, v3  }
0x14d: {  	v7 =	vadd.f32 v9, v7;
	v9 =	vmax.f32 v11, v3;
	v8 =	vadd.f32 v3, v8  }
0x14e: {  	v1 =	vmin.f32 v1, v3;
	v3 =	vmax.f32 v9, v4;
	v9 =	vmul.f32 v4, v4;
	v11 =	vld [tilespmem:s30+$0xFFFFFFA0]  }
0x14f: {  	v1 =	vmin.f32 v1, v4;
	v2 =	vadd.f32 v2, v7;
	v4 =	vadd.f32 v4, v8;
	v7 =	vld [tilespmem:s30+$0x20]  }
0x150: {  	v1 =	vmin.f32 v1, v5;
	v3 =	vmax.f32 v3, v5;
	v8 =	vmul.f32 v5, v5  }
0x151: {  	v3 =	vmax.f32 v3, v6;
	v2 =	vadd.f32 v9, v2;
	v4 =	vadd.f32 v5, v4;
	v5 =	vld [tilespmem:s30+$0xA0]  }
0x152: {  	v1 =	vmin.f32 v1, v6;
	v9 =	vmul.f32 v6, v6;
	v3 =	vmax.f32 v3, v10;
	v12 =	vld [tilespmem:s30+$0x120]  }
0x153: {  	v2 =	vadd.f32 v8, v2;
	v4 =	vadd.f32 v6, v4;
	v3 =	vmax.f32 v3, v11;
	v6 =	vld [tilespmem:s30+$0x1A0]  }
0x154: {  	v1 =	vmin.f32 v1, v10;
	v3 =	vmax.f32 v3, v7;
	v8 =	vld [tilespmem:s30+$0x220]  }
0x155: {  	v2 =	vadd.f32 v9, v2;
	v4 =	vadd.f32 v10, v4;
	v9 =	vmul.f32 v10, v10;
	v10 =	vld [tilespmem:s30+$0x2A0]  }
0x156: {  	v1 =	vmin.f32 v1, v11;
	v13 =	vmul.f32 v11, v11;
	v3 =	vmax.f32 v3, v5;
	v14 =	vld [tilespmem:s30+$0x320]  }
0x157: {  	v2 =	vadd.f32 v9, v2;
	v4 =	vadd.f32 v11, v4;
	v3 =	vmax.f32 v3, v12;
	v9 =	vld [tilespmem:s30+$0x3A0]  }
0x158: {  	v1 =	vmin.f32 v1, v7;
	v11 =	vmul.f32 v7, v7;
	v3 =	vmax.f32 v3, v6  }
0x159: {  	v2 =	vadd.f32 v13, v2;
	v4 =	vadd.f32 v7, v4;
	v3 =	vmax.f32 v3, v8;
	v7 =	vld [tilespmem:s0+$0x10260]  }
0x15a: {  	v1 =	vmin.f32 v1, v5;
	v13 =	vmul.f32 v5, v5;
	v3 =	vmax.f32 v3, v10  }
0x15b: {  	v2 =	vadd.f32 v11, v2;
	v4 =	vadd.f32 v5, v4;
	v3 =	vmax.f32 v3, v14  }
0x15c: {  	v1 =	vmin.f32 v1, v12;
	v5 =	vmul.f32 v12, v12;
	v3 =	vmax.f32 v3, v9  }
0x15d: {  	v1 =	vmin.f32 v1, v6;
	v2 =	vadd.f32 v13, v2;
	v4 =	vadd.f32 v12, v4  }
0x15e: {  	v1 =	vmin.f32 v1, v8;
	v11 =	vmul.f32 v6, v6;
	v3 =	vadd.f32 v7, v3  }
0x15f: {  	v1 =	vmin.f32 v1, v10;
	v2 =	vadd.f32 v5, v2;
	v4 =	vadd.f32 v6, v4  }
0x160: {  	v1 =	vmin.f32 v1, v14;
	v5 =	vmul.f32 v8, v8;
	[tilespmem:s0+$0x11220] =	vst v3  }
0x161: {  	v1 =	vmin.f32 v1, v9;
	v2 =	vadd.f32 v11, v2;
	v3 =	vadd.f32 v8, v4  }
0x162: {  	v1 =	vadd.f32 v7, v1  }
0x163: {  	v4 =	vmul.f32 v10, v10;
	v2 =	vadd.f32 v5, v2;
	v3 =	vadd.f32 v10, v3  }
0x164: {  	[tilespmem:s0+$0x12220] =	vst v1  }
0x165: {  	v1 =	vadd.f32 v4, v2;
	v2 =	vadd.f32 v14, v3;
	v3 =	vmul.f32 v14, v14;
	v4 =	vld [tilespmem:$0x13500]  }
0x166: {  	v5 =	vld [tilespmem:$0x13300]  }
0x167: {  	v1 =	vadd.f32 v3, v1;
	v2 =	vadd.f32 v9, v2;
	v3 =	vmul.f32 v9, v9;
	_ =	sdelay $0x1  }
0x168: {  	v1 =	vadd.f32 v3, v1;
	v3 =	vadd.f32 v7, v7  }
0x169: {  	v6 =	vmul.f32 $1.600000000e+01, v7  }
0x16a: {  	v5 =	vadd.f32 v5, v2;
	v1 =	vadd.f32 v4, v1;
	v2 =	vmul.f32 v3, v2  }
0x16b: {  	v3 =	vmul.f32 v6, v7  }
0x16c: {  	v4 =	vadd.f32 v5, v6;
	v1 =	vadd.f32 v1, v2;
	_ =	sdelay $0x1  }
0x16d: {  	[tilespmem:$0x13300] =	vst v4;
	v1 =	vadd.f32 v1, v3;
	_ =	sdelay $0x1  }
0x16e: {  	[tilespmem:$0x13500] =	vst v1  }
0x16f: {  	v1 =	vld [tilespmem:s30+$0xFFFFFC30]  }
0x170: {  	v2 =	vld [tilespmem:s30+$0xFFFFFCB0]  }
0x171: {  	v3 =	vld [tilespmem:s30+$0xFFFFFD30]  }
0x172: {  	v4 =	vld [tilespmem:s30+$0xFFFFFDB0]  }
0x173: {  	v5 =	vld [tilespmem:s30+$0xFFFFFE30]  }
0x174: {  	v6 =	vmul.f32 v1, v1;
	v7 =	vld [tilespmem:s30+$0xFFFFFEB0]  }
0x175: {  	v8 =	vmax.f32 v1, v2;
	v9 =	vadd.f32 v2, v1;
	v10 =	vmul.f32 v2, v2;
	v11 =	vld [tilespmem:s30+$0xFFFFFF30]  }
0x176: {  	v1 =	vmin.f32 v1, v2;
	v2 =	vmax.f32 v8, v3;
	v8 =	vld [tilespmem:s30+$0xFFFFFFB0]  }
0x177: {  	v1 =	vmin.f32 v1, v3;
	v6 =	vadd.f32 v10, v6;
	v10 =	vmul.f32 v3, v3;
	v12 =	vld [tilespmem:s30+$0x30]  }
0x178: {  	v3 =	vadd.f32 v3, v9;
	v2 =	vmax.f32 v2, v4;
	v1 =	vmin.f32 v1, v4;
	v9 =	vld [tilespmem:s30+$0xB0]  }
0x179: {  	v2 =	vmax.f32 v2, v5;
	v6 =	vadd.f32 v10, v6;
	v10 =	vmul.f32 v4, v4;
	v13 =	vld [tilespmem:s30+$0x130]  }
0x17a: {  	v1 =	vmin.f32 v1, v5;
	v3 =	vadd.f32 v4, v3;
	v2 =	vmax.f32 v2, v7;
	v4 =	vld [tilespmem:s30+$0x1B0]  }
0x17b: {  	v6 =	vadd.f32 v10, v6;
	v10 =	vmul.f32 v5, v5;
	v14 =	vmul.f32 v8, v8;
	v15 =	vld [tilespmem:s30+$0x230]  }
0x17c: {  	v1 =	vmin.f32 v1, v7;
	v3 =	vadd.f32 v5, v3;
	v5 =	vmul.f32 v12, v12;
	v16 =	vld [tilespmem:s30+$0x2B0]  }
0x17d: {  	v6 =	vadd.f32 v10, v6;
	v10 =	vmul.f32 v7, v7;
	v17 =	vmul.f32 v9, v9;
	v18 =	vld [tilespmem:s30+$0x330]  }
0x17e: {  	v2 =	vmax.f32 v2, v11;
	v3 =	vadd.f32 v7, v3;
	v7 =	vmul.f32 v13, v13;
	v19 =	vld [tilespmem:s30+$0x3B0]  }
0x17f: {  	v2 =	vmax.f32 v2, v8;
	v6 =	vadd.f32 v10, v6;
	v10 =	vmul.f32 v11, v11;
	v20 =	vld [tilespmem:s0+$0x10270]  }
0x180: {  	v1 =	vmin.f32 v1, v11;
	v2 =	vmax.f32 v2, v12;
	v3 =	vadd.f32 v11, v3  }
0x181: {  	v1 =	vmin.f32 v1, v8;
	v2 =	vmax.f32 v2, v9;
	v6 =	vadd.f32 v10, v6  }
0x182: {  	v1 =	vmin.f32 v1, v12;
	v2 =	vmax.f32 v2, v13;
	v3 =	vadd.f32 v8, v3  }
0x183: {  	v1 =	vmin.f32 v1, v9;
	v2 =	vmax.f32 v2, v4;
	v6 =	vadd.f32 v14, v6  }
0x184: {  	v1 =	vmin.f32 v1, v13;
	v2 =	vmax.f32 v2, v15;
	v3 =	vadd.f32 v12, v3  }
0x185: {  	v1 =	vmin.f32 v1, v4;
	v2 =	vmax.f32 v2, v16;
	v5 =	vadd.f32 v5, v6  }
0x186: {  	v1 =	vmin.f32 v1, v15;
	v2 =	vmax.f32 v2, v18;
	v3 =	vadd.f32 v9, v3  }
0x187: {  	v1 =	vmin.f32 v1, v16;
	v2 =	vmax.f32 v2, v19;
	v5 =	vadd.f32 v17, v5  }
0x188: {  	v1 =	vmin.f32 v1, v18;
	v6 =	vmul.f32 v4, v4;
	v3 =	vadd.f32 v13, v3  }
0x189: {  	v1 =	vmin.f32 v1, v19;
	v2 =	vadd.f32 v20, v2;
	v5 =	vadd.f32 v7, v5  }
0x18a: {  	v1 =	vadd.f32 v20, v1;
	v3 =	vadd.f32 v4, v3  }
0x18b: {  	v4 =	vadd.f32 v6, v5;
	v5 =	vmul.f32 v15, v15;
	[tilespmem:s0+$0x11230] =	vst v2  }
0x18c: {  	v2 =	vadd.f32 v15, v3;
	[tilespmem:s0+$0x12230] =	vst v1  }
0x18d: {  	v3 =	vmul.f32 v16, v16;
	v1 =	vadd.f32 v5, v4;
	v4 =	vld [tilespmem:$0x13580]  }
0x18e: {  	v2 =	vadd.f32 v16, v2;
	v5 =	vld [tilespmem:$0x13380]  }
0x18f: {  	v1 =	vadd.f32 v3, v1;
	v3 =	vmul.f32 v18, v18  }
0x190: {  	v2 =	vadd.f32 v18, v2  }
0x191: {  	v1 =	vadd.f32 v3, v1;
	v3 =	vmul.f32 v19, v19  }
.Ltmp0:
0x192: {  	v6 =	vadd.f32 v19, v2;
	(pc) =	sbr.rel @p0 .LBB2_3-.Ltmp0, $4  }
0x193: {  	v1 =	vadd.f32 v3, v1  }
0x194: {  	v2 =	vadd.f32 v5, v6;
	v3 =	vmul.f32 $1.600000000e+01, v20;
	v5 =	vadd.f32 v20, v20  }
0x195: {  	v1 =	vadd.f32 v4, v1  }
0x196: {  	v2 =	vadd.f32 v2, v3;
	v4 =	vmul.f32 v5, v6;
	v3 =	vmul.f32 v3, v20  }
0x197: {  	_ = 	snop  }
0x198: {  	v1 =	vadd.f32 v1, v4;
	_ =	sdelay $0x1  }
0x199: {  	v1 =	vadd.f32 v1, v3  }
0x19a: {  	[tilespmem:$0x13380] =	vst v2  }
0x19b: {  	s0 =	sadd.s32 s5, s29;
	[tilespmem:$0x13580] =	vst v1  }
0x19c: {  	[hbm4b:s0+s3] =	stream.linear.scatter [tilespmem:s23], [sflag:$0x2], $0x1000, $0x38;
	[tilespmem:$0x13680] =	vst v63  }
0x19d: {  	s28 =	sadd.s32 $0x1, s28;
	_ =	swait.ge [sflag:s13], $0x1000  }
0x19e: {  	p0 =	sne.s32 s28, $0x8;
	[sflag:s13] =	ssyncset.done $0x0  }
.Ltmp1:
0x19f: {  	s31 =	sadd.s32 s6, s29;
	[sflag:s13] =	ssyncadd.s32 $0xFFFFF000;
	(pc) =	sbr.rel @p0 .LBB2_2-.Ltmp1, $4  }
0x1a0: {  	[hbm4b:s31+s3] =	stream.linear.scatter [tilespmem:s24], [sflag:$0x2], $0x1000, $0x38;
	[tilespmem:$0x13680] =	vst v63  }
0x1a1: {  	_ =	swait.ge [sflag:s13], $0x1000  }
0x1a2: {  	[sflag:s13] =	ssyncset.done $0x0  }
0x1a3: {  	[sflag:s13] =	ssyncadd.s32 $0xFFFFF000  }
0x1a4: {  	v1 =	vld [tilespmem:$0x13200]  }
0x1a5: {  	v2 =	vld [tilespmem:$0x13400]  }
0x1a6: {  	v3 =	vld [tilespmem:$0x13280]  }
0x1a7: {  	v4 =	vld [tilespmem:$0x13480]  }
0x1a8: {  	v5 =	vld [tilespmem:$0x13300]  }
0x1a9: {  	[tilespmem:$0x13600] =	vst v1;
	v1 =	vld [tilespmem:$0x13500]  }
0x1aa: {  	[tilespmem:$0x13640] =	vst v2;
	v2 =	vld [tilespmem:$0x13380]  }
0x1ab: {  	[tilespmem:$0x13610] =	vst v3;
	v3 =	vld [tilespmem:$0x13580]  }
0x1ac: {  	[tilespmem:$0x13650] =	vst v4  }
0x1ad: {  	[tilespmem:$0x13620] =	vst v5  }
0x1ae: {  	s26 =	sadd.s32 $0x1, s26;
	[tilespmem:$0x13660] =	vst v1  }
0x1af: {  	p0 =	sne.s32 s26, s12;
	[tilespmem:$0x13630] =	vst v2  }
.Ltmp2:
0x1b0: {  	[tilespmem:$0x13670] =	vst v3;
	(pc) =	sbr.rel @p0 .LBB2_1-.Ltmp2, $4  }
0x1b1: {  	[hbm4b:s11+s3] =	stream.linear.scatter [tilespmem:s25], [sflag:$0x2], $0x80, $0x38;
	[tilespmem:$0x13680] =	vst v63  }
0x1b2: {  	_ =	swait.ge [sflag:s13], $0x80  }
0x1b3: {  	[sflag:s13] =	ssyncset.done $0x0  }
0x1b4: {  	[sflag:s13] =	ssyncadd.s32 $0xFFFFFF80  }
0x1b5: {  	_ =	sfence.sel $0x180000  }
0x1b6: {  	[bflag:$0x0] =	sbarrier.arrive $0xFFFF  }
0x1b7: {  	_ =	strace $0x90000047  }
0x1b8: {  	[bflag:$0x2] =	sbarrier.arrive $0xFFFF  }
0x1b9: {  	p0 =	sne.s32 s2, $0x0;
	s0 =	rddreg [dreg:$0x2]  }
0x1ba: {  	s0 =	sadd.s32 @!p0 $0x100000, s0  }
0x1bb: {  	[sflag:s0] =	ssyncadd.tile.s32 @!p0 $0x1;
	_ =	shalt  }
.Lfunc_end2:
_tile_overlayer_lowered:
.L_overlay_start_2:
0x1bc: {  	(tag) =	ssettag $0x2  }
0x1bd: {  	s0 =	rddreg [dreg:$0x0];
	s2 =	stileid.u32  }
0x1be: {  	s1 =	rddreg [dreg:$0x1];
	p0 =	sne.s32 s2, $0x0  }
0x1bf: {  	s3 =	rddreg [dreg:$0x2];
	[bflag:$0x3] =	sbarrier.arrive $0xFFFF;
	s2 =	simm.s32 @!p0 $0x1C02  }
0x1c0: {  	[timem:s3], [sflag:s2] =	dma.local @!p0 [hbm:s0], s1  }
0x1c1: {  	s0 =	simm.s32 @!p0 $0x2  }
0x1c2: {  	_ =	swait.ge @!p0 [sflag:s0], s1  }
0x1c3: {  	s1 =	ssub.s32 @!p0 $0x0, s1;
	[sflag:s0] =	ssyncset.done @!p0 $0x0  }
0x1c4: {  	[sflag:s0] =	ssyncadd.s32 @!p0 s1  }
0x1c5: {  	[bflag:$0x3] =	sbarrier.arrive $0xFFFF  }
0x1c6: {  	_ =	shalt  }

</sc_bundles>
